<compile_context>
chip_gen: v7x
topology: tpu7x:2x2x1
jax: 0.10.2.dev20260603
libtpu: 0.0.44.dev20260713+nightly
codegen_flags: <defaults>
</compile_context>

<pallas_src>
import functools

import jax
import jax.numpy as jnp
from jax import lax
from jax.experimental import pallas as pl
from jax.experimental.pallas import tpu as pltpu
from jax.experimental.pallas import tpu_sc as plsc

_NUM_ROUNDS = 2
_D = 128
_N = 10000
_E = 320000

_NC = 2
_NS = 16
_NW = _NC * _NS
_EPW = _E // _NW
_CH = 80
_NCHUNK = _EPW // _CH
_NPAD = 10240
_RPS = _NPAD // _NS

_NR = 3
_NI = 6
_PRO = 5


def _sc_segsum_h_body(h_hbm, src_hbm, dst_hbm, zrows_hbm, out_hbm, *s):
    rows = s[0:_NR]
    sis = s[_NR:_NR + _NI]
    dis = s[_NR + _NI:_NR + 2 * _NI]
    acc = s[_NR + 2 * _NI]
    semg = s[_NR + 2 * _NI + 1:_NR + 2 * _NI + 1 + _NR]
    sems = s[_NR + 2 * _NI + 1 + _NR:_NR + 2 * _NI + 1 + 2 * _NR]
    semi = s[_NR + 2 * _NI + 1 + 2 * _NR:]
    cid = lax.axis_index("c")
    sid = lax.axis_index("s")
    w = cid * _NS + sid
    base = w * _EPW

    pltpu.sync_copy(zrows_hbm, rows[0])

    @pl.loop(0, _RPS // _CH)
    def _(j):
        pltpu.sync_copy(rows[0], acc.at[pl.ds(sid * _RPS + j * _CH, _CH)])

    plsc.subcore_barrier()

    def idx_issue(c, b6):
        pltpu.async_copy(src_hbm.at[pl.ds(base + c * _CH, _CH)], sis[b6],
                         semi[b6])
        pltpu.async_copy(dst_hbm.at[pl.ds(base + c * _CH, _CH)], dis[b6],
                         semi[b6])

    def idx_wait(b6):
        pltpu.make_async_copy(src_hbm.at[pl.ds(0, _CH)], sis[b6],
                              semi[b6]).wait()
        pltpu.make_async_copy(dst_hbm.at[pl.ds(0, _CH)], dis[b6],
                              semi[b6]).wait()

    def g_issue(b6, b3):
        pltpu.async_copy(h_hbm.at[sis[b6]], rows[b3], semg[b3])

    def g_wait(b3):
        pltpu.make_async_copy(h_hbm.at[pl.ds(0, _CH)], rows[b3],
                              semg[b3]).wait()

    def s_issue(b3, b6):
        pltpu.async_copy(rows[b3], acc.at[dis[b6]], sems[b3], add=True)

    def s_wait(b3):
        pltpu.make_async_copy(rows[b3], acc.at[pl.ds(0, _CH)],
                              sems[b3]).wait()

    for k in range(_PRO):
        idx_issue(k, k % _NI)
        idx_wait(k % _NI)
        g_issue(k % _NI, k % _NR)
        g_wait(k % _NR)
        pltpu.sync_copy(rows[k % _NR], acc.at[dis[k % _NI]], add=True)

    for k in range(_PRO, _PRO + 4):
        idx_issue(k, k % _NI)
    for k in range(_PRO, _PRO + 2):
        idx_wait(k % _NI)
        g_issue(k % _NI, k % _NR)

    @pl.loop(0, (_NCHUNK - _PRO) // _NI)
    def _(c0):
        for j in range(_NI):
            b3 = (_PRO + j) % _NR
            b6 = (_PRO + j) % _NI
            c = _PRO + c0 * _NI + j
            g_wait(b3)
            s_issue(b3, b6)

            @pl.when(c + 4 < _NCHUNK)
            def _():
                idx_issue(c + 4, (b6 + 4) % _NI)

            @pl.when(c >= _PRO + 1)
            def _():
                s_wait((b3 + 2) % _NR)

            @pl.when(c + 2 < _NCHUNK)
            def _():
                idx_wait((b6 + 2) % _NI)
                g_issue((b6 + 2) % _NI, (b3 + 2) % _NR)

    s_wait((_NCHUNK - 1) % _NR)
    plsc.subcore_barrier()

    @pl.loop(0, _RPS // _CH)
    def _(j):
        pltpu.sync_copy(acc.at[pl.ds(sid * _RPS + j * _CH, _CH)], rows[0])
        pltpu.sync_copy(
            rows[0],
            out_hbm.at[pl.ds(cid * _NPAD + sid * _RPS + j * _CH, _CH)])


def _sc_segsum_he_body(he_hbm, dst_hbm, zrows_hbm, out_he_hbm, *s):
    rows = s[0:_NR]
    dis = s[_NR:_NR + _NI]
    acc = s[_NR + _NI]
    semg = s[_NR + _NI + 1:_NR + _NI + 1 + _NR]
    sems = s[_NR + _NI + 1 + _NR:_NR + _NI + 1 + 2 * _NR]
    semi = s[_NR + _NI + 1 + 2 * _NR:]
    cid = lax.axis_index("c")
    sid = lax.axis_index("s")
    w = cid * _NS + sid
    base = w * _EPW

    pltpu.sync_copy(zrows_hbm, rows[0])

    @pl.loop(0, _RPS // _CH)
    def _(j):
        pltpu.sync_copy(rows[0], acc.at[pl.ds(sid * _RPS + j * _CH, _CH)])

    plsc.subcore_barrier()

    def idx_issue(c, b6):
        pltpu.async_copy(dst_hbm.at[pl.ds(base + c * _CH, _CH)], dis[b6],
                         semi[b6])

    def idx_wait(b6):
        pltpu.make_async_copy(dst_hbm.at[pl.ds(0, _CH)], dis[b6],
                              semi[b6]).wait()

    def v_issue(c, b3):
        pltpu.async_copy(he_hbm.at[pl.ds(base + c * _CH, _CH)], rows[b3],
                         semg[b3])

    def v_wait(b3):
        pltpu.make_async_copy(he_hbm.at[pl.ds(0, _CH)], rows[b3],
                              semg[b3]).wait()

    def s_issue(b3, b6):
        pltpu.async_copy(rows[b3], acc.at[dis[b6]], sems[b3], add=True)

    def s_wait(b3):
        pltpu.make_async_copy(rows[b3], acc.at[pl.ds(0, _CH)],
                              sems[b3]).wait()

    for k in range(_PRO):
        idx_issue(k, k % _NI)
        idx_wait(k % _NI)
        v_issue(k, k % _NR)
        v_wait(k % _NR)
        pltpu.sync_copy(rows[k % _NR], acc.at[dis[k % _NI]], add=True)

    for k in range(_PRO, _PRO + 4):
        idx_issue(k, k % _NI)
    for k in range(_PRO, _PRO + 2):
        idx_wait(k % _NI)
        v_issue(k, k % _NR)

    @pl.loop(0, (_NCHUNK - _PRO) // _NI)
    def _(c0):
        for j in range(_NI):
            b3 = (_PRO + j) % _NR
            b6 = (_PRO + j) % _NI
            c = _PRO + c0 * _NI + j
            v_wait(b3)
            s_issue(b3, b6)

            @pl.when(c + 4 < _NCHUNK)
            def _():
                idx_issue(c + 4, (b6 + 4) % _NI)

            @pl.when(c >= _PRO + 1)
            def _():
                s_wait((b3 + 2) % _NR)

            @pl.when(c + 2 < _NCHUNK)
            def _():
                idx_wait((b6 + 2) % _NI)
                v_issue(c + 2, (b3 + 2) % _NR)

    s_wait((_NCHUNK - 1) % _NR)
    plsc.subcore_barrier()

    @pl.loop(0, _RPS // _CH)
    def _(j):
        pltpu.sync_copy(acc.at[pl.ds(sid * _RPS + j * _CH, _CH)], rows[0])
        pltpu.sync_copy(
            rows[0],
            out_he_hbm.at[pl.ds(cid * _NPAD + sid * _RPS + j * _CH, _CH)])


def _sc_deg_body(dst_hbm, zrows_hbm, ones_hbm, out_deg_hbm,
                 didx, vals, ones_v, dacc, sem):
    cid = lax.axis_index("c")
    sid = lax.axis_index("s")
    w = cid * _NS + sid
    pltpu.sync_copy(zrows_hbm, vals)

    @pl.loop(0, _RPS // _CH)
    def _(j):
        pltpu.sync_copy(vals, dacc.at[pl.ds(sid * _RPS + j * _CH, _CH)])

    pltpu.sync_copy(dst_hbm.at[w], didx)
    pltpu.sync_copy(ones_hbm, ones_v)
    plsc.subcore_barrier()

    @pl.loop(0, 5)
    def _(g):
        @pl.loop(0, _NCHUNK // 5)
        def _(i):
            pltpu.async_copy(ones_v, dacc.at[didx.at[g * (_NCHUNK // 5) + i]],
                             sem, add=True)

        @pl.loop(0, _NCHUNK // 5)
        def _(i):
            pltpu.make_async_copy(ones_v, dacc.at[pl.ds(0, _CH)], sem).wait()

    plsc.subcore_barrier()

    @pl.loop(0, _RPS // _CH)
    def _(j):
        pltpu.sync_copy(dacc.at[pl.ds(sid * _RPS + j * _CH, _CH)], vals)
        pltpu.sync_copy(
            vals, out_deg_hbm.at[pl.ds(cid * _NPAD + sid * _RPS + j * _CH, _CH)])


@functools.lru_cache(maxsize=None)
def _sc_kernels():
    mesh = plsc.VectorSubcoreMesh(core_axis_name="c", subcore_axis_name="s")
    segsum_h = pl.kernel(
        _sc_segsum_h_body,
        out_type=jax.ShapeDtypeStruct((_NC * _NPAD, _D), jnp.float32),
        mesh=mesh,
        scratch_types=(
            [pltpu.VMEM((_CH, _D), jnp.float32) for _ in range(_NR)]
            + [pltpu.VMEM((_CH,), jnp.int32) for _ in range(_NI)]
            + [pltpu.VMEM((_CH,), jnp.int32) for _ in range(_NI)]
            + [pltpu.VMEM_SHARED((_NPAD, _D), jnp.float32)]
            + [pltpu.SemaphoreType.DMA for _ in range(2 * _NR + _NI)]
        ),
    )
    segsum_he = pl.kernel(
        _sc_segsum_he_body,
        out_type=jax.ShapeDtypeStruct((_NC * _NPAD, _D), jnp.float32),
        mesh=mesh,
        scratch_types=(
            [pltpu.VMEM((_CH, _D), jnp.float32) for _ in range(_NR)]
            + [pltpu.VMEM((_CH,), jnp.int32) for _ in range(_NI)]
            + [pltpu.VMEM_SHARED((_NPAD, _D), jnp.float32)]
            + [pltpu.SemaphoreType.DMA for _ in range(2 * _NR + _NI)]
        ),
    )
    deg_hist = pl.kernel(
        _sc_deg_body,
        out_type=jax.ShapeDtypeStruct((_NC * _NPAD, _D), jnp.float32),
        mesh=mesh,
        scratch_types=[
            pltpu.VMEM((_NCHUNK, _CH), jnp.int32),
            pltpu.VMEM((_CH, _D), jnp.float32),
            pltpu.VMEM((_CH, _D), jnp.float32),
            pltpu.VMEM_SHARED((_NPAD, _D), jnp.float32),
            pltpu.SemaphoreType.DMA,
        ],
    )
    return segsum_h, segsum_he, deg_hist


_BN = 1024


def _bdot(x16, w16):
    return jnp.dot(x16, w16, preferred_element_type=jnp.float32)


def _lodot(x, w16):
    xh = x.astype(jnp.bfloat16)
    xl = (x - xh.astype(jnp.float32)).astype(jnp.bfloat16)
    return _bdot(xh, w16) + _bdot(xl, w16)


def _tc_update_body(h_ref, m0_ref, m1_ref, e0_ref, e1_ref, d0_ref, d1_ref,
                    w1t_ref, w2t_ref, w3t_ref, wiht_ref, whht_ref,
                    bmsg_ref, bih_ref, bhh_ref, out_ref):
    h = h_ref[...]
    h16 = h.astype(jnp.bfloat16)
    m = m0_ref[...] + m1_ref[...]
    hes = e0_ref[...] + e1_ref[...]
    deg = d0_ref[:, 0:1] + d1_ref[:, 0:1]
    w1t = w1t_ref[...].astype(jnp.bfloat16)
    w2t = w2t_ref[...].astype(jnp.bfloat16)
    w3t = w3t_ref[...].astype(jnp.bfloat16)
    wiht = wiht_ref[...].astype(jnp.bfloat16)
    whht = whht_ref[...].astype(jnp.bfloat16)
    a = (deg * (_bdot(h16, w1t) + bmsg_ref[0])
         + _lodot(m, w2t) + _lodot(hes, w3t))
    gi = _bdot(a.astype(jnp.bfloat16), wiht) + bih_ref[0]
    gh = _bdot(h16, whht) + bhh_ref[0]
    r = jax.nn.sigmoid(gi[:, :_D] + gh[:, :_D])
    z = jax.nn.sigmoid(gi[:, _D:2 * _D] + gh[:, _D:2 * _D])
    n = jnp.tanh(gi[:, 2 * _D:] + r * gh[:, 2 * _D:])
    out_ref[...] = (1.0 - z) * n + z * h


def _tc_update(h, m_acc, he_acc, deg_acc, w1t, w2t, w3t, wiht, whht,
               bmsg, bih, bhh):
    blk = lambda i: (i, 0)
    blk_hi = lambda i: (i + _NPAD // _BN, 0)
    full = lambda shape: pl.BlockSpec(shape, lambda i: (0, 0))
    return pl.pallas_call(
        _tc_update_body,
        grid=(_NPAD // _BN,),
        in_specs=[
            pl.BlockSpec((_BN, _D), blk),
            pl.BlockSpec((_BN, _D), blk),
            pl.BlockSpec((_BN, _D), blk_hi),
            pl.BlockSpec((_BN, _D), blk),
            pl.BlockSpec((_BN, _D), blk_hi),
            pl.BlockSpec((_BN, _D), blk),
            pl.BlockSpec((_BN, _D), blk_hi),
            full((_D, 2 * _D)), full((_D, 2 * _D)), full((_D, 2 * _D)),
            full((2 * _D, 3 * _D)), full((_D, 3 * _D)),
            full((1, 2 * _D)), full((1, 3 * _D)), full((1, 3 * _D)),
        ],
        out_specs=pl.BlockSpec((_BN, _D), blk),
        out_shape=jax.ShapeDtypeStruct((_NPAD, _D), jnp.float32),
    )(h, m_acc, m_acc, he_acc, he_acc, deg_acc, deg_acc,
      w1t, w2t, w3t, wiht, whht, bmsg, bih, bhh)


def kernel(hv, edge_index, he, W_msg, b_msg, W_ih, W_hh, b_ih, b_hh):
    src = edge_index[0]
    dst = edge_index[1]
    dst3 = dst.reshape(_NW, _NCHUNK, _CH)
    zrows = jnp.zeros((_CH, _D), jnp.float32)
    ones_v = jnp.ones((_CH, _D), jnp.float32)

    segsum_h, segsum_he, deg_hist = _sc_kernels()
    he_bf = he.astype(jnp.bfloat16).astype(jnp.float32)
    he_acc = segsum_he(he_bf, dst, zrows)
    deg_acc = deg_hist(dst3, zrows, ones_v)

    h = jnp.pad(hv, ((0, _NPAD - _N), (0, 0)))
    for t in range(_NUM_ROUNDS):
        h_bf = h.astype(jnp.bfloat16).astype(jnp.float32)
        m_acc = segsum_h(h_bf, src, dst, zrows)
        h = _tc_update(
            h, m_acc, he_acc, deg_acc,
            W_msg[t, :, :_D].T, W_msg[t, :, _D:2 * _D].T, W_msg[t, :, 2 * _D:].T,
            W_ih[t].T, W_hh[t].T,
            b_msg[t][None], b_ih[t][None], b_hh[t][None])
    return h[:_N]

# --- scband reference (transcript-rebuilt; emitter-appended) ---
"""Pipeline reference for scband-graph-prop-15083925143987 (READ-ONLY COPY).

The authoritative reference and input builder live on the scoring server;
editing this copy changes nothing except your own understanding.
"""

import jax, jax.numpy as jnp
import numpy as np

NUM_PROP_ROUNDS = 2
D = 128
N = 10000
E = 320000

def setup_inputs(seed: int = 0):
    key = jax.random.key(seed)
    ks = jax.random.split(key, 9)
    hv = jax.random.normal(ks[0], (N, D), dtype=jnp.float32)
    he = jax.random.normal(ks[1], (E, D), dtype=jnp.float32)
    edge_index = jax.random.randint(ks[2], (2, E), 0, N, dtype=jnp.int32)
    s_msg = 1.0 / np.sqrt(3 * D)
    W_msg = jax.random.uniform(ks[3], (NUM_PROP_ROUNDS, 2 * D, 3 * D), jnp.float32, -s_msg, s_msg)
    b_msg = jax.random.uniform(ks[4], (NUM_PROP_ROUNDS, 2 * D), jnp.float32, -s_msg, s_msg)
    s_gru = 1.0 / np.sqrt(D)
    W_ih = jax.random.uniform(ks[5], (NUM_PROP_ROUNDS, 3 * D, 2 * D), jnp.float32, -s_gru, s_gru)
    W_hh = jax.random.uniform(ks[6], (NUM_PROP_ROUNDS, 3 * D, D), jnp.float32, -s_gru, s_gru)
    b_ih = jax.random.uniform(ks[7], (NUM_PROP_ROUNDS, 3 * D), jnp.float32, -s_gru, s_gru)
    b_hh = jax.random.uniform(ks[8], (NUM_PROP_ROUNDS, 3 * D), jnp.float32, -s_gru, s_gru)
    return {"hv": hv, "edge_index": edge_index, "he": he, "W_msg": W_msg, "b_msg": b_msg, "W_ih": W_ih, "W_hh": W_hh, "b_ih": b_ih, "b_hh": b_hh}

def _gru_cell(x, h, W_ih_t, W_hh_t, b_ih_t, b_hh_t):
    gi = x @ W_ih_t.T + b_ih_t
    gh = h @ W_hh_t.T + b_hh_t
    i_r, i_z, i_n = jnp.split(gi, 3, axis=1)
    h_r, h_z, h_n = jnp.split(gh, 3, axis=1)
    r = jax.nn.sigmoid(i_r + h_r)
    z = jax.nn.sigmoid(i_z + h_z)
    n = jnp.tanh(i_n + r * h_n)
    return (1.0 - z) * n + z * h

def reference(hv, edge_index, he, W_msg, b_msg, W_ih, W_hh, b_ih, b_hh):
    src = edge_index[0]
    dst = edge_index[1]
    h = hv
    for t in range(NUM_PROP_ROUNDS):
        # per-edge message: concat([hv_dst (old), hv_src, he]) -> Linear -> sum over incoming edges
        feat = jnp.concatenate([jnp.take(h, dst, axis=0), jnp.take(h, src, axis=0), he], axis=1)
        act = feat @ W_msg[t].T + b_msg[t]
        a = jax.ops.segment_sum(act, dst, num_segments=N)
        h = _gru_cell(a, h, W_ih[t], W_hh[t], b_ih[t], b_hh[t])
    return h

if __name__ == "__main__":
    import jax
    _d = setup_inputs()
    print(jax.jit(kernel)(*tuple(_d.values())))

</pallas_src>

<mosaic_0001>
#map = affine_map<(d0, d1) -> (0, 0)>
#map1 = affine_map<(d0, d1) -> (0)>
module attributes {stable_mosaic.version = 14 : i64} {
  func.func @_sc_segsum_he_body(%arg0: i32, %arg1: i32, %arg2: memref<320000x128xf32, #tpu.memory_space<hbm>>, %arg3: memref<320000xi32, #tpu.memory_space<hbm>>, %arg4: memref<80x128xf32, #tpu.memory_space<hbm>>, %arg5: memref<20480x128xf32, #tpu.memory_space<hbm>>, %arg6: memref<80x128xf32, #tpu.memory_space<vmem>>, %arg7: memref<80x128xf32, #tpu.memory_space<vmem>>, %arg8: memref<80x128xf32, #tpu.memory_space<vmem>>, %arg9: memref<80xi32, #tpu.memory_space<vmem>>, %arg10: memref<80xi32, #tpu.memory_space<vmem>>, %arg11: memref<80xi32, #tpu.memory_space<vmem>>, %arg12: memref<80xi32, #tpu.memory_space<vmem>>, %arg13: memref<80xi32, #tpu.memory_space<vmem>>, %arg14: memref<80xi32, #tpu.memory_space<vmem>>, %arg15: memref<10240x128xf32, #tpu.memory_space<vmem_shared>>, %arg16: memref<!tpu.dma_semaphore, #tpu.memory_space<semaphore_mem>>, %arg17: memref<!tpu.dma_semaphore, #tpu.memory_space<semaphore_mem>>, %arg18: memref<!tpu.dma_semaphore, #tpu.memory_space<semaphore_mem>>, %arg19: memref<!tpu.dma_semaphore, #tpu.memory_space<semaphore_mem>>, %arg20: memref<!tpu.dma_semaphore, #tpu.memory_space<semaphore_mem>>, %arg21: memref<!tpu.dma_semaphore, #tpu.memory_space<semaphore_mem>>, %arg22: memref<!tpu.dma_semaphore, #tpu.memory_space<semaphore_mem>>, %arg23: memref<!tpu.dma_semaphore, #tpu.memory_space<semaphore_mem>>, %arg24: memref<!tpu.dma_semaphore, #tpu.memory_space<semaphore_mem>>, %arg25: memref<!tpu.dma_semaphore, #tpu.memory_space<semaphore_mem>>, %arg26: memref<!tpu.dma_semaphore, #tpu.memory_space<semaphore_mem>>, %arg27: memref<!tpu.dma_semaphore, #tpu.memory_space<semaphore_mem>>) attributes {dimension_semantics = [#tpu.dimension_semantics<core_parallel>, #tpu.dimension_semantics<subcore_parallel>], iteration_bounds = array<i64: 2, 16>, scalar_prefetch = 0 : i64, scratch_operands = 22 : i64, tpu.core_type = #tpu.core_type<sc_vector_subcore>, window_params = [{transform_indices = #map}, {transform_indices = #map1}, {transform_indices = #map}, {transform_indices = #map}]} {
    %mul3A = arith.constant 16 : i32
    %mul3A_0 = arith.muli %arg0, %mul3A : i32
    %add3A = arith.addi %mul3A_0, %arg1 : i32
    %mul3A_1 = arith.constant 10000 : i32
    %mul3A_2 = arith.muli %add3A, %mul3A_1 : i32
    "tpu.region"() ({
      %run_scoped3A = tpu.sem_alloc : memref<!tpu.dma_semaphore, #tpu.memory_space<semaphore_mem>>
      tpu.enqueue_dma source(%arg4 : memref<80x128xf32, #tpu.memory_space<hbm>>) target(%arg6 : memref<80x128xf32, #tpu.memory_space<vmem>>) target_semaphore(%run_scoped3A : memref<!tpu.dma_semaphore, #tpu.memory_space<semaphore_mem>>)
      tpu.wait_dma2 semaphore(%run_scoped3A : memref<!tpu.dma_semaphore, #tpu.memory_space<semaphore_mem>>) src(%arg4 : memref<80x128xf32, #tpu.memory_space<hbm>>) dst(%arg6 : memref<80x128xf32, #tpu.memory_space<vmem>>)
      tpu.yield
    }) : () -> ()
    %scan3A = arith.constant 0 : i32
    %scan3A_3 = arith.constant 8 : i32
    %scan3A_4 = arith.addi %scan3A, %scan3A_3 : i32
    %scan3A_5 = arith.constant 1 : i32
    scf.for %scan3A_158 = %scan3A to %scan3A_4 step %scan3A_5  : i32 {
      %mul3A_159 = arith.constant 1 : i32
      %mul3A_160 = arith.muli %scan3A_158, %mul3A_159 : i32
      %add3A_161 = arith.constant 0 : i32
      %add3A_162 = arith.addi %add3A_161, %mul3A_160 : i32
      %mul3A_163 = arith.constant 640 : i32
      %mul3A_164 = arith.muli %arg1, %mul3A_163 : i32
      %mul3A_165 = arith.constant 80 : i32
      %mul3A_166 = arith.muli %add3A_162, %mul3A_165 : i32
      %add3A_167 = arith.addi %mul3A_164, %mul3A_166 : i32
      "tpu.region"() ({
        %run_scoped3A = tpu.sem_alloc : memref<!tpu.dma_semaphore, #tpu.memory_space<semaphore_mem>>
        %dma_start3A_168 = arith.constant 0 : i32
        %dma_start3A_169 = tpu.memref_slice %arg15[%add3A_167, %dma_start3A_168] : memref<10240x128xf32, #tpu.memory_space<vmem_shared>> -> memref<80x128xf32, #tpu.memory_space<vmem_shared>>
        %dma_start3A_170 = arith.constant 0 : i32
        %dma_start3A_171 = tpu.memref_slice %arg15[%add3A_167, %dma_start3A_170] : memref<10240x128xf32, #tpu.memory_space<vmem_shared>> -> memref<80x128xf32, #tpu.memory_space<vmem_shared>>
        tpu.enqueue_dma source(%arg6 : memref<80x128xf32, #tpu.memory_space<vmem>>) target(%dma_start3A_171 : memref<80x128xf32, #tpu.memory_space<vmem_shared>>) target_semaphore(%run_scoped3A : memref<!tpu.dma_semaphore, #tpu.memory_space<semaphore_mem>>)
        %dma_wait3A_172 = arith.constant 0 : i32
        %dma_wait3A_173 = tpu.memref_slice %arg15[%add3A_167, %dma_wait3A_172] : memref<10240x128xf32, #tpu.memory_space<vmem_shared>> -> memref<80x128xf32, #tpu.memory_space<vmem_shared>>
        %dma_wait3A_174 = arith.constant 0 : i32
        %dma_wait3A_175 = tpu.memref_slice %arg15[%add3A_167, %dma_wait3A_174] : memref<10240x128xf32, #tpu.memory_space<vmem_shared>> -> memref<80x128xf32, #tpu.memory_space<vmem_shared>>
        tpu.wait_dma2 semaphore(%run_scoped3A : memref<!tpu.dma_semaphore, #tpu.memory_space<semaphore_mem>>) src(%arg6 : memref<80x128xf32, #tpu.memory_space<vmem>>) dst(%dma_wait3A_175 : memref<80x128xf32, #tpu.memory_space<vmem_shared>>)
        tpu.yield
      }) : () -> ()
    }
    %scan3A_6 = arith.constant 8 : i32
    %barrier3A = arith.constant 0 : index
    tpu.barrier barrier_id(%barrier3A)
    %add3A_7 = arith.constant 0 : i32
    %add3A_8 = arith.addi %mul3A_2, %add3A_7 : i32
    %dma_start3A = tpu.memref_slice %arg3[%add3A_8] : memref<320000xi32, #tpu.memory_space<hbm>> -> memref<80xi32, #tpu.memory_space<hbm>>
    %dma_start3A_9 = tpu.memref_slice %arg3[%add3A_8] : memref<320000xi32, #tpu.memory_space<hbm>> -> memref<80xi32, #tpu.memory_space<hbm>>
    tpu.enqueue_dma source(%dma_start3A_9 : memref<80xi32, #tpu.memory_space<hbm>>) target(%arg9 : memref<80xi32, #tpu.memory_space<vmem>>) target_semaphore(%arg22 : memref<!tpu.dma_semaphore, #tpu.memory_space<semaphore_mem>>)
    %dma_wait3A = arith.constant 0 : i32
    %dma_wait3A_10 = tpu.memref_slice %arg3[%dma_wait3A] : memref<320000xi32, #tpu.memory_space<hbm>> -> memref<80xi32, #tpu.memory_space<hbm>>
    %dma_wait3A_11 = arith.constant 0 : i32
    %dma_wait3A_12 = tpu.memref_slice %arg3[%dma_wait3A_11] : memref<320000xi32, #tpu.memory_space<hbm>> -> memref<80xi32, #tpu.memory_space<hbm>>
    tpu.wait_dma2 semaphore(%arg22 : memref<!tpu.dma_semaphore, #tpu.memory_space<semaphore_mem>>) src(%dma_wait3A_12 : memref<80xi32, #tpu.memory_space<hbm>>) dst(%arg9 : memref<80xi32, #tpu.memory_space<vmem>>)
    %add3A_13 = arith.constant 0 : i32
    %add3A_14 = arith.addi %mul3A_2, %add3A_13 : i32
    %dma_start3A_15 = arith.constant 0 : i32
    %dma_start3A_16 = tpu.memref_slice %arg2[%add3A_14, %dma_start3A_15] : memref<320000x128xf32, #tpu.memory_space<hbm>> -> memref<80x128xf32, #tpu.memory_space<hbm>>
    %dma_start3A_17 = arith.constant 0 : i32
    %dma_start3A_18 = tpu.memref_slice %arg2[%add3A_14, %dma_start3A_17] : memref<320000x128xf32, #tpu.memory_space<hbm>> -> memref<80x128xf32, #tpu.memory_space<hbm>>
    tpu.enqueue_dma source(%dma_start3A_18 : memref<80x128xf32, #tpu.memory_space<hbm>>) target(%arg6 : memref<80x128xf32, #tpu.memory_space<vmem>>) target_semaphore(%arg16 : memref<!tpu.dma_semaphore, #tpu.memory_space<semaphore_mem>>)
    %dma_wait3A_19 = arith.constant 0 : i32
    %dma_wait3A_20 = arith.constant 0 : i32
    %dma_wait3A_21 = tpu.memref_slice %arg2[%dma_wait3A_19, %dma_wait3A_20] : memref<320000x128xf32, #tpu.memory_space<hbm>> -> memref<80x128xf32, #tpu.memory_space<hbm>>
    %dma_wait3A_22 = arith.constant 0 : i32
    %dma_wait3A_23 = arith.constant 0 : i32
    %dma_wait3A_24 = tpu.memref_slice %arg2[%dma_wait3A_22, %dma_wait3A_23] : memref<320000x128xf32, #tpu.memory_space<hbm>> -> memref<80x128xf32, #tpu.memory_space<hbm>>
    tpu.wait_dma2 semaphore(%arg16 : memref<!tpu.dma_semaphore, #tpu.memory_space<semaphore_mem>>) src(%dma_wait3A_24 : memref<80x128xf32, #tpu.memory_space<hbm>>) dst(%arg6 : memref<80x128xf32, #tpu.memory_space<vmem>>)
    "tpu.region"() ({
      %run_scoped3A = tpu.sem_alloc : memref<!tpu.dma_semaphore, #tpu.memory_space<semaphore_mem>>
      %dma_start3A_158 = arith.constant 0 : i32
      %dma_start3A_159 = arith.constant 0 : i32
      %dma_start3A_160 = tpu.memref_slice %arg15[%dma_start3A_158, %dma_start3A_159] : memref<10240x128xf32, #tpu.memory_space<vmem_shared>> -> memref<10240x128xf32, #tpu.memory_space<vmem_shared>>
      tpu.enqueue_indirect_dma source(%arg6 : memref<80x128xf32, #tpu.memory_space<vmem>>) target(%dma_start3A_160 : memref<10240x128xf32, #tpu.memory_space<vmem_shared>>) offsets(%arg9 : memref<80xi32, #tpu.memory_space<vmem>>) semaphore(%run_scoped3A : memref<!tpu.dma_semaphore, #tpu.memory_space<semaphore_mem>>) {add = true}
      %dma_wait3A_161 = arith.constant 0 : i32
      %dma_wait3A_162 = arith.constant 0 : i32
      %dma_wait3A_163 = tpu.memref_slice %arg15[%dma_wait3A_161, %dma_wait3A_162] : memref<10240x128xf32, #tpu.memory_space<vmem_shared>> -> memref<10240x128xf32, #tpu.memory_space<vmem_shared>>
      tpu.wait_indirect_dma semaphore(%run_scoped3A : memref<!tpu.dma_semaphore, #tpu.memory_space<semaphore_mem>>) src(%arg6 : memref<80x128xf32, #tpu.memory_space<vmem>>) dst(%dma_wait3A_163 : memref<10240x128xf32, #tpu.memory_space<vmem_shared>>)
      tpu.yield
    }) : () -> ()
    %add3A_25 = arith.constant 80 : i32
    %add3A_26 = arith.addi %mul3A_2, %add3A_25 : i32
    %dma_start3A_27 = tpu.memref_slice %arg3[%add3A_26] : memref<320000xi32, #tpu.memory_space<hbm>> -> memref<80xi32, #tpu.memory_space<hbm>>
    %dma_start3A_28 = tpu.memref_slice %arg3[%add3A_26] : memref<320000xi32, #tpu.memory_space<hbm>> -> memref<80xi32, #tpu.memory_space<hbm>>
    tpu.enqueue_dma source(%dma_start3A_28 : memref<80xi32, #tpu.memory_space<hbm>>) target(%arg10 : memref<80xi32, #tpu.memory_space<vmem>>) target_semaphore(%arg23 : memref<!tpu.dma_semaphore, #tpu.memory_space<semaphore_mem>>)
    %dma_wait3A_29 = arith.constant 0 : i32
    %dma_wait3A_30 = tpu.memref_slice %arg3[%dma_wait3A_29] : memref<320000xi32, #tpu.memory_space<hbm>> -> memref<80xi32, #tpu.memory_space<hbm>>
    %dma_wait3A_31 = arith.constant 0 : i32
    %dma_wait3A_32 = tpu.memref_slice %arg3[%dma_wait3A_31] : memref<320000xi32, #tpu.memory_space<hbm>> -> memref<80xi32, #tpu.memory_space<hbm>>
    tpu.wait_dma2 semaphore(%arg23 : memref<!tpu.dma_semaphore, #tpu.memory_space<semaphore_mem>>) src(%dma_wait3A_32 : memref<80xi32, #tpu.memory_space<hbm>>) dst(%arg10 : memref<80xi32, #tpu.memory_space<vmem>>)
    %add3A_33 = arith.constant 80 : i32
    %add3A_34 = arith.addi %mul3A_2, %add3A_33 : i32
    %dma_start3A_35 = arith.constant 0 : i32
    %dma_start3A_36 = tpu.memref_slice %arg2[%add3A_34, %dma_start3A_35] : memref<320000x128xf32, #tpu.memory_space<hbm>> -> memref<80x128xf32, #tpu.memory_space<hbm>>
    %dma_start3A_37 = arith.constant 0 : i32
    %dma_start3A_38 = tpu.memref_slice %arg2[%add3A_34, %dma_start3A_37] : memref<320000x128xf32, #tpu.memory_space<hbm>> -> memref<80x128xf32, #tpu.memory_space<hbm>>
    tpu.enqueue_dma source(%dma_start3A_38 : memref<80x128xf32, #tpu.memory_space<hbm>>) target(%arg7 : memref<80x128xf32, #tpu.memory_space<vmem>>) target_semaphore(%arg17 : memref<!tpu.dma_semaphore, #tpu.memory_space<semaphore_mem>>)
    %dma_wait3A_39 = arith.constant 0 : i32
    %dma_wait3A_40 = arith.constant 0 : i32
    %dma_wait3A_41 = tpu.memref_slice %arg2[%dma_wait3A_39, %dma_wait3A_40] : memref<320000x128xf32, #tpu.memory_space<hbm>> -> memref<80x128xf32, #tpu.memory_space<hbm>>
    %dma_wait3A_42 = arith.constant 0 : i32
    %dma_wait3A_43 = arith.constant 0 : i32
    %dma_wait3A_44 = tpu.memref_slice %arg2[%dma_wait3A_42, %dma_wait3A_43] : memref<320000x128xf32, #tpu.memory_space<hbm>> -> memref<80x128xf32, #tpu.memory_space<hbm>>
    tpu.wait_dma2 semaphore(%arg17 : memref<!tpu.dma_semaphore, #tpu.memory_space<semaphore_mem>>) src(%dma_wait3A_44 : memref<80x128xf32, #tpu.memory_space<hbm>>) dst(%arg7 : memref<80x128xf32, #tpu.memory_space<vmem>>)
    "tpu.region"() ({
      %run_scoped3A = tpu.sem_alloc : memref<!tpu.dma_semaphore, #tpu.memory_space<semaphore_mem>>
      %dma_start3A_158 = arith.constant 0 : i32
      %dma_start3A_159 = arith.constant 0 : i32
      %dma_start3A_160 = tpu.memref_slice %arg15[%dma_start3A_158, %dma_start3A_159] : memref<10240x128xf32, #tpu.memory_space<vmem_shared>> -> memref<10240x128xf32, #tpu.memory_space<vmem_shared>>
      tpu.enqueue_indirect_dma source(%arg7 : memref<80x128xf32, #tpu.memory_space<vmem>>) target(%dma_start3A_160 : memref<10240x128xf32, #tpu.memory_space<vmem_shared>>) offsets(%arg10 : memref<80xi32, #tpu.memory_space<vmem>>) semaphore(%run_scoped3A : memref<!tpu.dma_semaphore, #tpu.memory_space<semaphore_mem>>) {add = true}
      %dma_wait3A_161 = arith.constant 0 : i32
      %dma_wait3A_162 = arith.constant 0 : i32
      %dma_wait3A_163 = tpu.memref_slice %arg15[%dma_wait3A_161, %dma_wait3A_162] : memref<10240x128xf32, #tpu.memory_space<vmem_shared>> -> memref<10240x128xf32, #tpu.memory_space<vmem_shared>>
      tpu.wait_indirect_dma semaphore(%run_scoped3A : memref<!tpu.dma_semaphore, #tpu.memory_space<semaphore_mem>>) src(%arg7 : memref<80x128xf32, #tpu.memory_space<vmem>>) dst(%dma_wait3A_163 : memref<10240x128xf32, #tpu.memory_space<vmem_shared>>)
      tpu.yield
    }) : () -> ()
    %add3A_45 = arith.constant 160 : i32
    %add3A_46 = arith.addi %mul3A_2, %add3A_45 : i32
    %dma_start3A_47 = tpu.memref_slice %arg3[%add3A_46] : memref<320000xi32, #tpu.memory_space<hbm>> -> memref<80xi32, #tpu.memory_space<hbm>>
    %dma_start3A_48 = tpu.memref_slice %arg3[%add3A_46] : memref<320000xi32, #tpu.memory_space<hbm>> -> memref<80xi32, #tpu.memory_space<hbm>>
    tpu.enqueue_dma source(%dma_start3A_48 : memref<80xi32, #tpu.memory_space<hbm>>) target(%arg11 : memref<80xi32, #tpu.memory_space<vmem>>) target_semaphore(%arg24 : memref<!tpu.dma_semaphore, #tpu.memory_space<semaphore_mem>>)
    %dma_wait3A_49 = arith.constant 0 : i32
    %dma_wait3A_50 = tpu.memref_slice %arg3[%dma_wait3A_49] : memref<320000xi32, #tpu.memory_space<hbm>> -> memref<80xi32, #tpu.memory_space<hbm>>
    %dma_wait3A_51 = arith.constant 0 : i32
    %dma_wait3A_52 = tpu.memref_slice %arg3[%dma_wait3A_51] : memref<320000xi32, #tpu.memory_space<hbm>> -> memref<80xi32, #tpu.memory_space<hbm>>
    tpu.wait_dma2 semaphore(%arg24 : memref<!tpu.dma_semaphore, #tpu.memory_space<semaphore_mem>>) src(%dma_wait3A_52 : memref<80xi32, #tpu.memory_space<hbm>>) dst(%arg11 : memref<80xi32, #tpu.memory_space<vmem>>)
    %add3A_53 = arith.constant 160 : i32
    %add3A_54 = arith.addi %mul3A_2, %add3A_53 : i32
    %dma_start3A_55 = arith.constant 0 : i32
    %dma_start3A_56 = tpu.memref_slice %arg2[%add3A_54, %dma_start3A_55] : memref<320000x128xf32, #tpu.memory_space<hbm>> -> memref<80x128xf32, #tpu.memory_space<hbm>>
    %dma_start3A_57 = arith.constant 0 : i32
    %dma_start3A_58 = tpu.memref_slice %arg2[%add3A_54, %dma_start3A_57] : memref<320000x128xf32, #tpu.memory_space<hbm>> -> memref<80x128xf32, #tpu.memory_space<hbm>>
    tpu.enqueue_dma source(%dma_start3A_58 : memref<80x128xf32, #tpu.memory_space<hbm>>) target(%arg8 : memref<80x128xf32, #tpu.memory_space<vmem>>) target_semaphore(%arg18 : memref<!tpu.dma_semaphore, #tpu.memory_space<semaphore_mem>>)
    %dma_wait3A_59 = arith.constant 0 : i32
    %dma_wait3A_60 = arith.constant 0 : i32
    %dma_wait3A_61 = tpu.memref_slice %arg2[%dma_wait3A_59, %dma_wait3A_60] : memref<320000x128xf32, #tpu.memory_space<hbm>> -> memref<80x128xf32, #tpu.memory_space<hbm>>
    %dma_wait3A_62 = arith.constant 0 : i32
    %dma_wait3A_63 = arith.constant 0 : i32
    %dma_wait3A_64 = tpu.memref_slice %arg2[%dma_wait3A_62, %dma_wait3A_63] : memref<320000x128xf32, #tpu.memory_space<hbm>> -> memref<80x128xf32, #tpu.memory_space<hbm>>
    tpu.wait_dma2 semaphore(%arg18 : memref<!tpu.dma_semaphore, #tpu.memory_space<semaphore_mem>>) src(%dma_wait3A_64 : memref<80x128xf32, #tpu.memory_space<hbm>>) dst(%arg8 : memref<80x128xf32, #tpu.memory_space<vmem>>)
    "tpu.region"() ({
      %run_scoped3A = tpu.sem_alloc : memref<!tpu.dma_semaphore, #tpu.memory_space<semaphore_mem>>
      %dma_start3A_158 = arith.constant 0 : i32
      %dma_start3A_159 = arith.constant 0 : i32
      %dma_start3A_160 = tpu.memref_slice %arg15[%dma_start3A_158, %dma_start3A_159] : memref<10240x128xf32, #tpu.memory_space<vmem_shared>> -> memref<10240x128xf32, #tpu.memory_space<vmem_shared>>
      tpu.enqueue_indirect_dma source(%arg8 : memref<80x128xf32, #tpu.memory_space<vmem>>) target(%dma_start3A_160 : memref<10240x128xf32, #tpu.memory_space<vmem_shared>>) offsets(%arg11 : memref<80xi32, #tpu.memory_space<vmem>>) semaphore(%run_scoped3A : memref<!tpu.dma_semaphore, #tpu.memory_space<semaphore_mem>>) {add = true}
      %dma_wait3A_161 = arith.constant 0 : i32
      %dma_wait3A_162 = arith.constant 0 : i32
      %dma_wait3A_163 = tpu.memref_slice %arg15[%dma_wait3A_161, %dma_wait3A_162] : memref<10240x128xf32, #tpu.memory_space<vmem_shared>> -> memref<10240x128xf32, #tpu.memory_space<vmem_shared>>
      tpu.wait_indirect_dma semaphore(%run_scoped3A : memref<!tpu.dma_semaphore, #tpu.memory_space<semaphore_mem>>) src(%arg8 : memref<80x128xf32, #tpu.memory_space<vmem>>) dst(%dma_wait3A_163 : memref<10240x128xf32, #tpu.memory_space<vmem_shared>>)
      tpu.yield
    }) : () -> ()
    %add3A_65 = arith.constant 240 : i32
    %add3A_66 = arith.addi %mul3A_2, %add3A_65 : i32
    %dma_start3A_67 = tpu.memref_slice %arg3[%add3A_66] : memref<320000xi32, #tpu.memory_space<hbm>> -> memref<80xi32, #tpu.memory_space<hbm>>
    %dma_start3A_68 = tpu.memref_slice %arg3[%add3A_66] : memref<320000xi32, #tpu.memory_space<hbm>> -> memref<80xi32, #tpu.memory_space<hbm>>
    tpu.enqueue_dma source(%dma_start3A_68 : memref<80xi32, #tpu.memory_space<hbm>>) target(%arg12 : memref<80xi32, #tpu.memory_space<vmem>>) target_semaphore(%arg25 : memref<!tpu.dma_semaphore, #tpu.memory_space<semaphore_mem>>)
    %dma_wait3A_69 = arith.constant 0 : i32
    %dma_wait3A_70 = tpu.memref_slice %arg3[%dma_wait3A_69] : memref<320000xi32, #tpu.memory_space<hbm>> -> memref<80xi32, #tpu.memory_space<hbm>>
    %dma_wait3A_71 = arith.constant 0 : i32
    %dma_wait3A_72 = tpu.memref_slice %arg3[%dma_wait3A_71] : memref<320000xi32, #tpu.memory_space<hbm>> -> memref<80xi32, #tpu.memory_space<hbm>>
    tpu.wait_dma2 semaphore(%arg25 : memref<!tpu.dma_semaphore, #tpu.memory_space<semaphore_mem>>) src(%dma_wait3A_72 : memref<80xi32, #tpu.memory_space<hbm>>) dst(%arg12 : memref<80xi32, #tpu.memory_space<vmem>>)
    %add3A_73 = arith.constant 240 : i32
    %add3A_74 = arith.addi %mul3A_2, %add3A_73 : i32
    %dma_start3A_75 = arith.constant 0 : i32
    %dma_start3A_76 = tpu.memref_slice %arg2[%add3A_74, %dma_start3A_75] : memref<320000x128xf32, #tpu.memory_space<hbm>> -> memref<80x128xf32, #tpu.memory_space<hbm>>
    %dma_start3A_77 = arith.constant 0 : i32
    %dma_start3A_78 = tpu.memref_slice %arg2[%add3A_74, %dma_start3A_77] : memref<320000x128xf32, #tpu.memory_space<hbm>> -> memref<80x128xf32, #tpu.memory_space<hbm>>
    tpu.enqueue_dma source(%dma_start3A_78 : memref<80x128xf32, #tpu.memory_space<hbm>>) target(%arg6 : memref<80x128xf32, #tpu.memory_space<vmem>>) target_semaphore(%arg16 : memref<!tpu.dma_semaphore, #tpu.memory_space<semaphore_mem>>)
    %dma_wait3A_79 = arith.constant 0 : i32
    %dma_wait3A_80 = arith.constant 0 : i32
    %dma_wait3A_81 = tpu.memref_slice %arg2[%dma_wait3A_79, %dma_wait3A_80] : memref<320000x128xf32, #tpu.memory_space<hbm>> -> memref<80x128xf32, #tpu.memory_space<hbm>>
    %dma_wait3A_82 = arith.constant 0 : i32
    %dma_wait3A_83 = arith.constant 0 : i32
    %dma_wait3A_84 = tpu.memref_slice %arg2[%dma_wait3A_82, %dma_wait3A_83] : memref<320000x128xf32, #tpu.memory_space<hbm>> -> memref<80x128xf32, #tpu.memory_space<hbm>>
    tpu.wait_dma2 semaphore(%arg16 : memref<!tpu.dma_semaphore, #tpu.memory_space<semaphore_mem>>) src(%dma_wait3A_84 : memref<80x128xf32, #tpu.memory_space<hbm>>) dst(%arg6 : memref<80x128xf32, #tpu.memory_space<vmem>>)
    "tpu.region"() ({
      %run_scoped3A = tpu.sem_alloc : memref<!tpu.dma_semaphore, #tpu.memory_space<semaphore_mem>>
      %dma_start3A_158 = arith.constant 0 : i32
      %dma_start3A_159 = arith.constant 0 : i32
      %dma_start3A_160 = tpu.memref_slice %arg15[%dma_start3A_158, %dma_start3A_159] : memref<10240x128xf32, #tpu.memory_space<vmem_shared>> -> memref<10240x128xf32, #tpu.memory_space<vmem_shared>>
      tpu.enqueue_indirect_dma source(%arg6 : memref<80x128xf32, #tpu.memory_space<vmem>>) target(%dma_start3A_160 : memref<10240x128xf32, #tpu.memory_space<vmem_shared>>) offsets(%arg12 : memref<80xi32, #tpu.memory_space<vmem>>) semaphore(%run_scoped3A : memref<!tpu.dma_semaphore, #tpu.memory_space<semaphore_mem>>) {add = true}
      %dma_wait3A_161 = arith.constant 0 : i32
      %dma_wait3A_162 = arith.constant 0 : i32
      %dma_wait3A_163 = tpu.memref_slice %arg15[%dma_wait3A_161, %dma_wait3A_162] : memref<10240x128xf32, #tpu.memory_space<vmem_shared>> -> memref<10240x128xf32, #tpu.memory_space<vmem_shared>>
      tpu.wait_indirect_dma semaphore(%run_scoped3A : memref<!tpu.dma_semaphore, #tpu.memory_space<semaphore_mem>>) src(%arg6 : memref<80x128xf32, #tpu.memory_space<vmem>>) dst(%dma_wait3A_163 : memref<10240x128xf32, #tpu.memory_space<vmem_shared>>)
      tpu.yield
    }) : () -> ()
    %add3A_85 = arith.constant 320 : i32
    %add3A_86 = arith.addi %mul3A_2, %add3A_85 : i32
    %dma_start3A_87 = tpu.memref_slice %arg3[%add3A_86] : memref<320000xi32, #tpu.memory_space<hbm>> -> memref<80xi32, #tpu.memory_space<hbm>>
    %dma_start3A_88 = tpu.memref_slice %arg3[%add3A_86] : memref<320000xi32, #tpu.memory_space<hbm>> -> memref<80xi32, #tpu.memory_space<hbm>>
    tpu.enqueue_dma source(%dma_start3A_88 : memref<80xi32, #tpu.memory_space<hbm>>) target(%arg13 : memref<80xi32, #tpu.memory_space<vmem>>) target_semaphore(%arg26 : memref<!tpu.dma_semaphore, #tpu.memory_space<semaphore_mem>>)
    %dma_wait3A_89 = arith.constant 0 : i32
    %dma_wait3A_90 = tpu.memref_slice %arg3[%dma_wait3A_89] : memref<320000xi32, #tpu.memory_space<hbm>> -> memref<80xi32, #tpu.memory_space<hbm>>
    %dma_wait3A_91 = arith.constant 0 : i32
    %dma_wait3A_92 = tpu.memref_slice %arg3[%dma_wait3A_91] : memref<320000xi32, #tpu.memory_space<hbm>> -> memref<80xi32, #tpu.memory_space<hbm>>
    tpu.wait_dma2 semaphore(%arg26 : memref<!tpu.dma_semaphore, #tpu.memory_space<semaphore_mem>>) src(%dma_wait3A_92 : memref<80xi32, #tpu.memory_space<hbm>>) dst(%arg13 : memref<80xi32, #tpu.memory_space<vmem>>)
    %add3A_93 = arith.constant 320 : i32
    %add3A_94 = arith.addi %mul3A_2, %add3A_93 : i32
    %dma_start3A_95 = arith.constant 0 : i32
    %dma_start3A_96 = tpu.memref_slice %arg2[%add3A_94, %dma_start3A_95] : memref<320000x128xf32, #tpu.memory_space<hbm>> -> memref<80x128xf32, #tpu.memory_space<hbm>>
    %dma_start3A_97 = arith.constant 0 : i32
    %dma_start3A_98 = tpu.memref_slice %arg2[%add3A_94, %dma_start3A_97] : memref<320000x128xf32, #tpu.memory_space<hbm>> -> memref<80x128xf32, #tpu.memory_space<hbm>>
    tpu.enqueue_dma source(%dma_start3A_98 : memref<80x128xf32, #tpu.memory_space<hbm>>) target(%arg7 : memref<80x128xf32, #tpu.memory_space<vmem>>) target_semaphore(%arg17 : memref<!tpu.dma_semaphore, #tpu.memory_space<semaphore_mem>>)
    %dma_wait3A_99 = arith.constant 0 : i32
    %dma_wait3A_100 = arith.constant 0 : i32
    %dma_wait3A_101 = tpu.memref_slice %arg2[%dma_wait3A_99, %dma_wait3A_100] : memref<320000x128xf32, #tpu.memory_space<hbm>> -> memref<80x128xf32, #tpu.memory_space<hbm>>
    %dma_wait3A_102 = arith.constant 0 : i32
    %dma_wait3A_103 = arith.constant 0 : i32
    %dma_wait3A_104 = tpu.memref_slice %arg2[%dma_wait3A_102, %dma_wait3A_103] : memref<320000x128xf32, #tpu.memory_space<hbm>> -> memref<80x128xf32, #tpu.memory_space<hbm>>
    tpu.wait_dma2 semaphore(%arg17 : memref<!tpu.dma_semaphore, #tpu.memory_space<semaphore_mem>>) src(%dma_wait3A_104 : memref<80x128xf32, #tpu.memory_space<hbm>>) dst(%arg7 : memref<80x128xf32, #tpu.memory_space<vmem>>)
    "tpu.region"() ({
      %run_scoped3A = tpu.sem_alloc : memref<!tpu.dma_semaphore, #tpu.memory_space<semaphore_mem>>
      %dma_start3A_158 = arith.constant 0 : i32
      %dma_start3A_159 = arith.constant 0 : i32
      %dma_start3A_160 = tpu.memref_slice %arg15[%dma_start3A_158, %dma_start3A_159] : memref<10240x128xf32, #tpu.memory_space<vmem_shared>> -> memref<10240x128xf32, #tpu.memory_space<vmem_shared>>
      tpu.enqueue_indirect_dma source(%arg7 : memref<80x128xf32, #tpu.memory_space<vmem>>) target(%dma_start3A_160 : memref<10240x128xf32, #tpu.memory_space<vmem_shared>>) offsets(%arg13 : memref<80xi32, #tpu.memory_space<vmem>>) semaphore(%run_scoped3A : memref<!tpu.dma_semaphore, #tpu.memory_space<semaphore_mem>>) {add = true}
      %dma_wait3A_161 = arith.constant 0 : i32
      %dma_wait3A_162 = arith.constant 0 : i32
      %dma_wait3A_163 = tpu.memref_slice %arg15[%dma_wait3A_161, %dma_wait3A_162] : memref<10240x128xf32, #tpu.memory_space<vmem_shared>> -> memref<10240x128xf32, #tpu.memory_space<vmem_shared>>
      tpu.wait_indirect_dma semaphore(%run_scoped3A : memref<!tpu.dma_semaphore, #tpu.memory_space<semaphore_mem>>) src(%arg7 : memref<80x128xf32, #tpu.memory_space<vmem>>) dst(%dma_wait3A_163 : memref<10240x128xf32, #tpu.memory_space<vmem_shared>>)
      tpu.yield
    }) : () -> ()
    %add3A_105 = arith.constant 400 : i32
    %add3A_106 = arith.addi %mul3A_2, %add3A_105 : i32
    %dma_start3A_107 = tpu.memref_slice %arg3[%add3A_106] : memref<320000xi32, #tpu.memory_space<hbm>> -> memref<80xi32, #tpu.memory_space<hbm>>
    %dma_start3A_108 = tpu.memref_slice %arg3[%add3A_106] : memref<320000xi32, #tpu.memory_space<hbm>> -> memref<80xi32, #tpu.memory_space<hbm>>
    tpu.enqueue_dma source(%dma_start3A_108 : memref<80xi32, #tpu.memory_space<hbm>>) target(%arg14 : memref<80xi32, #tpu.memory_space<vmem>>) target_semaphore(%arg27 : memref<!tpu.dma_semaphore, #tpu.memory_space<semaphore_mem>>)
    %add3A_109 = arith.constant 480 : i32
    %add3A_110 = arith.addi %mul3A_2, %add3A_109 : i32
    %dma_start3A_111 = tpu.memref_slice %arg3[%add3A_110] : memref<320000xi32, #tpu.memory_space<hbm>> -> memref<80xi32, #tpu.memory_space<hbm>>
    %dma_start3A_112 = tpu.memref_slice %arg3[%add3A_110] : memref<320000xi32, #tpu.memory_space<hbm>> -> memref<80xi32, #tpu.memory_space<hbm>>
    tpu.enqueue_dma source(%dma_start3A_112 : memref<80xi32, #tpu.memory_space<hbm>>) target(%arg9 : memref<80xi32, #tpu.memory_space<vmem>>) target_semaphore(%arg22 : memref<!tpu.dma_semaphore, #tpu.memory_space<semaphore_mem>>)
    %add3A_113 = arith.constant 560 : i32
    %add3A_114 = arith.addi %mul3A_2, %add3A_113 : i32
    %dma_start3A_115 = tpu.memref_slice %arg3[%add3A_114] : memref<320000xi32, #tpu.memory_space<hbm>> -> memref<80xi32, #tpu.memory_space<hbm>>
    %dma_start3A_116 = tpu.memref_slice %arg3[%add3A_114] : memref<320000xi32, #tpu.memory_space<hbm>> -> memref<80xi32, #tpu.memory_space<hbm>>
    tpu.enqueue_dma source(%dma_start3A_116 : memref<80xi32, #tpu.memory_space<hbm>>) target(%arg10 : memref<80xi32, #tpu.memory_space<vmem>>) target_semaphore(%arg23 : memref<!tpu.dma_semaphore, #tpu.memory_space<semaphore_mem>>)
    %add3A_117 = arith.constant 640 : i32
    %add3A_118 = arith.addi %mul3A_2, %add3A_117 : i32
    %dma_start3A_119 = tpu.memref_slice %arg3[%add3A_118] : memref<320000xi32, #tpu.memory_space<hbm>> -> memref<80xi32, #tpu.memory_space<hbm>>
    %dma_start3A_120 = tpu.memref_slice %arg3[%add3A_118] : memref<320000xi32, #tpu.memory_space<hbm>> -> memref<80xi32, #tpu.memory_space<hbm>>
    tpu.enqueue_dma source(%dma_start3A_120 : memref<80xi32, #tpu.memory_space<hbm>>) target(%arg11 : memref<80xi32, #tpu.memory_space<vmem>>) target_semaphore(%arg24 : memref<!tpu.dma_semaphore, #tpu.memory_space<semaphore_mem>>)
    %dma_wait3A_121 = arith.constant 0 : i32
    %dma_wait3A_122 = tpu.memref_slice %arg3[%dma_wait3A_121] : memref<320000xi32, #tpu.memory_space<hbm>> -> memref<80xi32, #tpu.memory_space<hbm>>
    %dma_wait3A_123 = arith.constant 0 : i32
    %dma_wait3A_124 = tpu.memref_slice %arg3[%dma_wait3A_123] : memref<320000xi32, #tpu.memory_space<hbm>> -> memref<80xi32, #tpu.memory_space<hbm>>
    tpu.wait_dma2 semaphore(%arg27 : memref<!tpu.dma_semaphore, #tpu.memory_space<semaphore_mem>>) src(%dma_wait3A_124 : memref<80xi32, #tpu.memory_space<hbm>>) dst(%arg14 : memref<80xi32, #tpu.memory_space<vmem>>)
    %add3A_125 = arith.constant 400 : i32
    %add3A_126 = arith.addi %mul3A_2, %add3A_125 : i32
    %dma_start3A_127 = arith.constant 0 : i32
    %dma_start3A_128 = tpu.memref_slice %arg2[%add3A_126, %dma_start3A_127] : memref<320000x128xf32, #tpu.memory_space<hbm>> -> memref<80x128xf32, #tpu.memory_space<hbm>>
    %dma_start3A_129 = arith.constant 0 : i32
    %dma_start3A_130 = tpu.memref_slice %arg2[%add3A_126, %dma_start3A_129] : memref<320000x128xf32, #tpu.memory_space<hbm>> -> memref<80x128xf32, #tpu.memory_space<hbm>>
    tpu.enqueue_dma source(%dma_start3A_130 : memref<80x128xf32, #tpu.memory_space<hbm>>) target(%arg8 : memref<80x128xf32, #tpu.memory_space<vmem>>) target_semaphore(%arg18 : memref<!tpu.dma_semaphore, #tpu.memory_space<semaphore_mem>>)
    %dma_wait3A_131 = arith.constant 0 : i32
    %dma_wait3A_132 = tpu.memref_slice %arg3[%dma_wait3A_131] : memref<320000xi32, #tpu.memory_space<hbm>> -> memref<80xi32, #tpu.memory_space<hbm>>
    %dma_wait3A_133 = arith.constant 0 : i32
    %dma_wait3A_134 = tpu.memref_slice %arg3[%dma_wait3A_133] : memref<320000xi32, #tpu.memory_space<hbm>> -> memref<80xi32, #tpu.memory_space<hbm>>
    tpu.wait_dma2 semaphore(%arg22 : memref<!tpu.dma_semaphore, #tpu.memory_space<semaphore_mem>>) src(%dma_wait3A_134 : memref<80xi32, #tpu.memory_space<hbm>>) dst(%arg9 : memref<80xi32, #tpu.memory_space<vmem>>)
    %add3A_135 = arith.constant 480 : i32
    %add3A_136 = arith.addi %mul3A_2, %add3A_135 : i32
    %dma_start3A_137 = arith.constant 0 : i32
    %dma_start3A_138 = tpu.memref_slice %arg2[%add3A_136, %dma_start3A_137] : memref<320000x128xf32, #tpu.memory_space<hbm>> -> memref<80x128xf32, #tpu.memory_space<hbm>>
    %dma_start3A_139 = arith.constant 0 : i32
    %dma_start3A_140 = tpu.memref_slice %arg2[%add3A_136, %dma_start3A_139] : memref<320000x128xf32, #tpu.memory_space<hbm>> -> memref<80x128xf32, #tpu.memory_space<hbm>>
    tpu.enqueue_dma source(%dma_start3A_140 : memref<80x128xf32, #tpu.memory_space<hbm>>) target(%arg6 : memref<80x128xf32, #tpu.memory_space<vmem>>) target_semaphore(%arg16 : memref<!tpu.dma_semaphore, #tpu.memory_space<semaphore_mem>>)
    %scan3A_141 = arith.constant 0 : i32
    %scan3A_142 = arith.constant 20 : i32
    %scan3A_143 = arith.addi %scan3A_141, %scan3A_142 : i32
    %scan3A_144 = arith.constant 1 : i32
    scf.for %scan3A_158 = %scan3A_141 to %scan3A_143 step %scan3A_144  : i32 {
      %mul3A_159 = arith.constant 1 : i32
      %mul3A_160 = arith.muli %scan3A_158, %mul3A_159 : i32
      %add3A_161 = arith.constant 0 : i32
      %add3A_162 = arith.addi %add3A_161, %mul3A_160 : i32
      %mul3A_163 = arith.constant 6 : i32
      %mul3A_164 = arith.muli %add3A_162, %mul3A_163 : i32
      %add3A_165 = arith.constant 5 : i32
      %add3A_166 = arith.addi %add3A_165, %mul3A_164 : i32
      %add3A_167 = arith.constant 0 : i32
      %add3A_168 = arith.addi %add3A_166, %add3A_167 : i32
      %dma_wait3A_169 = arith.constant 0 : i32
      %dma_wait3A_170 = arith.constant 0 : i32
      %dma_wait3A_171 = tpu.memref_slice %arg2[%dma_wait3A_169, %dma_wait3A_170] : memref<320000x128xf32, #tpu.memory_space<hbm>> -> memref<80x128xf32, #tpu.memory_space<hbm>>
      %dma_wait3A_172 = arith.constant 0 : i32
      %dma_wait3A_173 = arith.constant 0 : i32
      %dma_wait3A_174 = tpu.memref_slice %arg2[%dma_wait3A_172, %dma_wait3A_173] : memref<320000x128xf32, #tpu.memory_space<hbm>> -> memref<80x128xf32, #tpu.memory_space<hbm>>
      tpu.wait_dma2 semaphore(%arg18 : memref<!tpu.dma_semaphore, #tpu.memory_space<semaphore_mem>>) src(%dma_wait3A_174 : memref<80x128xf32, #tpu.memory_space<hbm>>) dst(%arg8 : memref<80x128xf32, #tpu.memory_space<vmem>>)
      %dma_start3A_175 = arith.constant 0 : i32
      %dma_start3A_176 = arith.constant 0 : i32
      %dma_start3A_177 = tpu.memref_slice %arg15[%dma_start3A_175, %dma_start3A_176] : memref<10240x128xf32, #tpu.memory_space<vmem_shared>> -> memref<10240x128xf32, #tpu.memory_space<vmem_shared>>
      tpu.enqueue_indirect_dma source(%arg8 : memref<80x128xf32, #tpu.memory_space<vmem>>) target(%dma_start3A_177 : memref<10240x128xf32, #tpu.memory_space<vmem_shared>>) offsets(%arg14 : memref<80xi32, #tpu.memory_space<vmem>>) semaphore(%arg21 : memref<!tpu.dma_semaphore, #tpu.memory_space<semaphore_mem>>) {add = true}
      %add3A_178 = arith.constant 4 : i32
      %add3A_179 = arith.addi %add3A_168, %add3A_178 : i32
      %lt3A = arith.constant 125 : i32
      %lt3A_180 = arith.cmpi slt, %add3A_179, %lt3A : i32
      %convert_element_type3A = arith.extui %lt3A_180 : i1 to i32
      %cond3A = arith.constant 0 : i32
      %cond3A_181 = arith.cmpi ne, %convert_element_type3A, %cond3A : i32
      scf.if %cond3A_181 {
        %add3A_363 = arith.constant 4 : i32
        %add3A_364 = arith.addi %add3A_168, %add3A_363 : i32
        %mul3A_365 = arith.constant 80 : i32
        %mul3A_366 = arith.muli %add3A_364, %mul3A_365 : i32
        %add3A_367 = arith.addi %mul3A_2, %mul3A_366 : i32
        %dma_start3A_368 = tpu.memref_slice %arg3[%add3A_367] : memref<320000xi32, #tpu.memory_space<hbm>> -> memref<80xi32, #tpu.memory_space<hbm>>
        %dma_start3A_369 = tpu.memref_slice %arg3[%add3A_367] : memref<320000xi32, #tpu.memory_space<hbm>> -> memref<80xi32, #tpu.memory_space<hbm>>
        tpu.enqueue_dma source(%dma_start3A_369 : memref<80xi32, #tpu.memory_space<hbm>>) target(%arg12 : memref<80xi32, #tpu.memory_space<vmem>>) target_semaphore(%arg25 : memref<!tpu.dma_semaphore, #tpu.memory_space<semaphore_mem>>)
      } else {
      }
      %ge3A = arith.constant 6 : i32
      %ge3A_182 = arith.cmpi sge, %add3A_168, %ge3A : i32
      %convert_element_type3A_183 = arith.extui %ge3A_182 : i1 to i32
      %cond3A_184 = arith.constant 0 : i32
      %cond3A_185 = arith.cmpi ne, %convert_element_type3A_183, %cond3A_184 : i32
      scf.if %cond3A_185 {
        %dma_wait3A_363 = arith.constant 0 : i32
        %dma_wait3A_364 = arith.constant 0 : i32
        %dma_wait3A_365 = tpu.memref_slice %arg15[%dma_wait3A_363, %dma_wait3A_364] : memref<10240x128xf32, #tpu.memory_space<vmem_shared>> -> memref<80x128xf32, #tpu.memory_space<vmem_shared>>
        %dma_wait3A_366 = arith.constant 0 : i32
        %dma_wait3A_367 = arith.constant 0 : i32
        %dma_wait3A_368 = tpu.memref_slice %arg15[%dma_wait3A_366, %dma_wait3A_367] : memref<10240x128xf32, #tpu.memory_space<vmem_shared>> -> memref<80x128xf32, #tpu.memory_space<vmem_shared>>
        tpu.wait_dma2 semaphore(%arg20 : memref<!tpu.dma_semaphore, #tpu.memory_space<semaphore_mem>>) src(%arg7 : memref<80x128xf32, #tpu.memory_space<vmem>>) dst(%dma_wait3A_368 : memref<80x128xf32, #tpu.memory_space<vmem_shared>>)
      } else {
      }
      %add3A_186 = arith.constant 2 : i32
      %add3A_187 = arith.addi %add3A_168, %add3A_186 : i32
      %lt3A_188 = arith.constant 125 : i32
      %lt3A_189 = arith.cmpi slt, %add3A_187, %lt3A_188 : i32
      %convert_element_type3A_190 = arith.extui %lt3A_189 : i1 to i32
      %cond3A_191 = arith.constant 0 : i32
      %cond3A_192 = arith.cmpi ne, %convert_element_type3A_190, %cond3A_191 : i32
      scf.if %cond3A_192 {
        %dma_wait3A_363 = arith.constant 0 : i32
        %dma_wait3A_364 = tpu.memref_slice %arg3[%dma_wait3A_363] : memref<320000xi32, #tpu.memory_space<hbm>> -> memref<80xi32, #tpu.memory_space<hbm>>
        %dma_wait3A_365 = arith.constant 0 : i32
        %dma_wait3A_366 = tpu.memref_slice %arg3[%dma_wait3A_365] : memref<320000xi32, #tpu.memory_space<hbm>> -> memref<80xi32, #tpu.memory_space<hbm>>
        tpu.wait_dma2 semaphore(%arg23 : memref<!tpu.dma_semaphore, #tpu.memory_space<semaphore_mem>>) src(%dma_wait3A_366 : memref<80xi32, #tpu.memory_space<hbm>>) dst(%arg10 : memref<80xi32, #tpu.memory_space<vmem>>)
        %add3A_367 = arith.constant 2 : i32
        %add3A_368 = arith.addi %add3A_168, %add3A_367 : i32
        %mul3A_369 = arith.constant 80 : i32
        %mul3A_370 = arith.muli %add3A_368, %mul3A_369 : i32
        %add3A_371 = arith.addi %mul3A_2, %mul3A_370 : i32
        %dma_start3A_372 = arith.constant 0 : i32
        %dma_start3A_373 = tpu.memref_slice %arg2[%add3A_371, %dma_start3A_372] : memref<320000x128xf32, #tpu.memory_space<hbm>> -> memref<80x128xf32, #tpu.memory_space<hbm>>
        %dma_start3A_374 = arith.constant 0 : i32
        %dma_start3A_375 = tpu.memref_slice %arg2[%add3A_371, %dma_start3A_374] : memref<320000x128xf32, #tpu.memory_space<hbm>> -> memref<80x128xf32, #tpu.memory_space<hbm>>
        tpu.enqueue_dma source(%dma_start3A_375 : memref<80x128xf32, #tpu.memory_space<hbm>>) target(%arg7 : memref<80x128xf32, #tpu.memory_space<vmem>>) target_semaphore(%arg17 : memref<!tpu.dma_semaphore, #tpu.memory_space<semaphore_mem>>)
      } else {
      }
      %mul3A_193 = arith.constant 6 : i32
      %mul3A_194 = arith.muli %add3A_162, %mul3A_193 : i32
      %add3A_195 = arith.constant 5 : i32
      %add3A_196 = arith.addi %add3A_195, %mul3A_194 : i32
      %add3A_197 = arith.constant 1 : i32
      %add3A_198 = arith.addi %add3A_196, %add3A_197 : i32
      %dma_wait3A_199 = arith.constant 0 : i32
      %dma_wait3A_200 = arith.constant 0 : i32
      %dma_wait3A_201 = tpu.memref_slice %arg2[%dma_wait3A_199, %dma_wait3A_200] : memref<320000x128xf32, #tpu.memory_space<hbm>> -> memref<80x128xf32, #tpu.memory_space<hbm>>
      %dma_wait3A_202 = arith.constant 0 : i32
      %dma_wait3A_203 = arith.constant 0 : i32
      %dma_wait3A_204 = tpu.memref_slice %arg2[%dma_wait3A_202, %dma_wait3A_203] : memref<320000x128xf32, #tpu.memory_space<hbm>> -> memref<80x128xf32, #tpu.memory_space<hbm>>
      tpu.wait_dma2 semaphore(%arg16 : memref<!tpu.dma_semaphore, #tpu.memory_space<semaphore_mem>>) src(%dma_wait3A_204 : memref<80x128xf32, #tpu.memory_space<hbm>>) dst(%arg6 : memref<80x128xf32, #tpu.memory_space<vmem>>)
      %dma_start3A_205 = arith.constant 0 : i32
      %dma_start3A_206 = arith.constant 0 : i32
      %dma_start3A_207 = tpu.memref_slice %arg15[%dma_start3A_205, %dma_start3A_206] : memref<10240x128xf32, #tpu.memory_space<vmem_shared>> -> memref<10240x128xf32, #tpu.memory_space<vmem_shared>>
      tpu.enqueue_indirect_dma source(%arg6 : memref<80x128xf32, #tpu.memory_space<vmem>>) target(%dma_start3A_207 : memref<10240x128xf32, #tpu.memory_space<vmem_shared>>) offsets(%arg9 : memref<80xi32, #tpu.memory_space<vmem>>) semaphore(%arg19 : memref<!tpu.dma_semaphore, #tpu.memory_space<semaphore_mem>>) {add = true}
      %add3A_208 = arith.constant 4 : i32
      %add3A_209 = arith.addi %add3A_198, %add3A_208 : i32
      %lt3A_210 = arith.constant 125 : i32
      %lt3A_211 = arith.cmpi slt, %add3A_209, %lt3A_210 : i32
      %convert_element_type3A_212 = arith.extui %lt3A_211 : i1 to i32
      %cond3A_213 = arith.constant 0 : i32
      %cond3A_214 = arith.cmpi ne, %convert_element_type3A_212, %cond3A_213 : i32
      scf.if %cond3A_214 {
        %add3A_363 = arith.constant 4 : i32
        %add3A_364 = arith.addi %add3A_198, %add3A_363 : i32
        %mul3A_365 = arith.constant 80 : i32
        %mul3A_366 = arith.muli %add3A_364, %mul3A_365 : i32
        %add3A_367 = arith.addi %mul3A_2, %mul3A_366 : i32
        %dma_start3A_368 = tpu.memref_slice %arg3[%add3A_367] : memref<320000xi32, #tpu.memory_space<hbm>> -> memref<80xi32, #tpu.memory_space<hbm>>
        %dma_start3A_369 = tpu.memref_slice %arg3[%add3A_367] : memref<320000xi32, #tpu.memory_space<hbm>> -> memref<80xi32, #tpu.memory_space<hbm>>
        tpu.enqueue_dma source(%dma_start3A_369 : memref<80xi32, #tpu.memory_space<hbm>>) target(%arg13 : memref<80xi32, #tpu.memory_space<vmem>>) target_semaphore(%arg26 : memref<!tpu.dma_semaphore, #tpu.memory_space<semaphore_mem>>)
      } else {
      }
      %ge3A_215 = arith.constant 6 : i32
      %ge3A_216 = arith.cmpi sge, %add3A_198, %ge3A_215 : i32
      %convert_element_type3A_217 = arith.extui %ge3A_216 : i1 to i32
      %cond3A_218 = arith.constant 0 : i32
      %cond3A_219 = arith.cmpi ne, %convert_element_type3A_217, %cond3A_218 : i32
      scf.if %cond3A_219 {
        %dma_wait3A_363 = arith.constant 0 : i32
        %dma_wait3A_364 = arith.constant 0 : i32
        %dma_wait3A_365 = tpu.memref_slice %arg15[%dma_wait3A_363, %dma_wait3A_364] : memref<10240x128xf32, #tpu.memory_space<vmem_shared>> -> memref<80x128xf32, #tpu.memory_space<vmem_shared>>
        %dma_wait3A_366 = arith.constant 0 : i32
        %dma_wait3A_367 = arith.constant 0 : i32
        %dma_wait3A_368 = tpu.memref_slice %arg15[%dma_wait3A_366, %dma_wait3A_367] : memref<10240x128xf32, #tpu.memory_space<vmem_shared>> -> memref<80x128xf32, #tpu.memory_space<vmem_shared>>
        tpu.wait_dma2 semaphore(%arg21 : memref<!tpu.dma_semaphore, #tpu.memory_space<semaphore_mem>>) src(%arg8 : memref<80x128xf32, #tpu.memory_space<vmem>>) dst(%dma_wait3A_368 : memref<80x128xf32, #tpu.memory_space<vmem_shared>>)
      } else {
      }
      %add3A_220 = arith.constant 2 : i32
      %add3A_221 = arith.addi %add3A_198, %add3A_220 : i32
      %lt3A_222 = arith.constant 125 : i32
      %lt3A_223 = arith.cmpi slt, %add3A_221, %lt3A_222 : i32
      %convert_element_type3A_224 = arith.extui %lt3A_223 : i1 to i32
      %cond3A_225 = arith.constant 0 : i32
      %cond3A_226 = arith.cmpi ne, %convert_element_type3A_224, %cond3A_225 : i32
      scf.if %cond3A_226 {
        %dma_wait3A_363 = arith.constant 0 : i32
        %dma_wait3A_364 = tpu.memref_slice %arg3[%dma_wait3A_363] : memref<320000xi32, #tpu.memory_space<hbm>> -> memref<80xi32, #tpu.memory_space<hbm>>
        %dma_wait3A_365 = arith.constant 0 : i32
        %dma_wait3A_366 = tpu.memref_slice %arg3[%dma_wait3A_365] : memref<320000xi32, #tpu.memory_space<hbm>> -> memref<80xi32, #tpu.memory_space<hbm>>
        tpu.wait_dma2 semaphore(%arg24 : memref<!tpu.dma_semaphore, #tpu.memory_space<semaphore_mem>>) src(%dma_wait3A_366 : memref<80xi32, #tpu.memory_space<hbm>>) dst(%arg11 : memref<80xi32, #tpu.memory_space<vmem>>)
        %add3A_367 = arith.constant 2 : i32
        %add3A_368 = arith.addi %add3A_198, %add3A_367 : i32
        %mul3A_369 = arith.constant 80 : i32
        %mul3A_370 = arith.muli %add3A_368, %mul3A_369 : i32
        %add3A_371 = arith.addi %mul3A_2, %mul3A_370 : i32
        %dma_start3A_372 = arith.constant 0 : i32
        %dma_start3A_373 = tpu.memref_slice %arg2[%add3A_371, %dma_start3A_372] : memref<320000x128xf32, #tpu.memory_space<hbm>> -> memref<80x128xf32, #tpu.memory_space<hbm>>
        %dma_start3A_374 = arith.constant 0 : i32
        %dma_start3A_375 = tpu.memref_slice %arg2[%add3A_371, %dma_start3A_374] : memref<320000x128xf32, #tpu.memory_space<hbm>> -> memref<80x128xf32, #tpu.memory_space<hbm>>
        tpu.enqueue_dma source(%dma_start3A_375 : memref<80x128xf32, #tpu.memory_space<hbm>>) target(%arg8 : memref<80x128xf32, #tpu.memory_space<vmem>>) target_semaphore(%arg18 : memref<!tpu.dma_semaphore, #tpu.memory_space<semaphore_mem>>)
      } else {
      }
      %mul3A_227 = arith.constant 6 : i32
      %mul3A_228 = arith.muli %add3A_162, %mul3A_227 : i32
      %add3A_229 = arith.constant 5 : i32
      %add3A_230 = arith.addi %add3A_229, %mul3A_228 : i32
      %add3A_231 = arith.constant 2 : i32
      %add3A_232 = arith.addi %add3A_230, %add3A_231 : i32
      %dma_wait3A_233 = arith.constant 0 : i32
      %dma_wait3A_234 = arith.constant 0 : i32
      %dma_wait3A_235 = tpu.memref_slice %arg2[%dma_wait3A_233, %dma_wait3A_234] : memref<320000x128xf32, #tpu.memory_space<hbm>> -> memref<80x128xf32, #tpu.memory_space<hbm>>
      %dma_wait3A_236 = arith.constant 0 : i32
      %dma_wait3A_237 = arith.constant 0 : i32
      %dma_wait3A_238 = tpu.memref_slice %arg2[%dma_wait3A_236, %dma_wait3A_237] : memref<320000x128xf32, #tpu.memory_space<hbm>> -> memref<80x128xf32, #tpu.memory_space<hbm>>
      tpu.wait_dma2 semaphore(%arg17 : memref<!tpu.dma_semaphore, #tpu.memory_space<semaphore_mem>>) src(%dma_wait3A_238 : memref<80x128xf32, #tpu.memory_space<hbm>>) dst(%arg7 : memref<80x128xf32, #tpu.memory_space<vmem>>)
      %dma_start3A_239 = arith.constant 0 : i32
      %dma_start3A_240 = arith.constant 0 : i32
      %dma_start3A_241 = tpu.memref_slice %arg15[%dma_start3A_239, %dma_start3A_240] : memref<10240x128xf32, #tpu.memory_space<vmem_shared>> -> memref<10240x128xf32, #tpu.memory_space<vmem_shared>>
      tpu.enqueue_indirect_dma source(%arg7 : memref<80x128xf32, #tpu.memory_space<vmem>>) target(%dma_start3A_241 : memref<10240x128xf32, #tpu.memory_space<vmem_shared>>) offsets(%arg10 : memref<80xi32, #tpu.memory_space<vmem>>) semaphore(%arg20 : memref<!tpu.dma_semaphore, #tpu.memory_space<semaphore_mem>>) {add = true}
      %add3A_242 = arith.constant 4 : i32
      %add3A_243 = arith.addi %add3A_232, %add3A_242 : i32
      %lt3A_244 = arith.constant 125 : i32
      %lt3A_245 = arith.cmpi slt, %add3A_243, %lt3A_244 : i32
      %convert_element_type3A_246 = arith.extui %lt3A_245 : i1 to i32
      %cond3A_247 = arith.constant 0 : i32
      %cond3A_248 = arith.cmpi ne, %convert_element_type3A_246, %cond3A_247 : i32
      scf.if %cond3A_248 {
        %add3A_363 = arith.constant 4 : i32
        %add3A_364 = arith.addi %add3A_232, %add3A_363 : i32
        %mul3A_365 = arith.constant 80 : i32
        %mul3A_366 = arith.muli %add3A_364, %mul3A_365 : i32
        %add3A_367 = arith.addi %mul3A_2, %mul3A_366 : i32
        %dma_start3A_368 = tpu.memref_slice %arg3[%add3A_367] : memref<320000xi32, #tpu.memory_space<hbm>> -> memref<80xi32, #tpu.memory_space<hbm>>
        %dma_start3A_369 = tpu.memref_slice %arg3[%add3A_367] : memref<320000xi32, #tpu.memory_space<hbm>> -> memref<80xi32, #tpu.memory_space<hbm>>
        tpu.enqueue_dma source(%dma_start3A_369 : memref<80xi32, #tpu.memory_space<hbm>>) target(%arg14 : memref<80xi32, #tpu.memory_space<vmem>>) target_semaphore(%arg27 : memref<!tpu.dma_semaphore, #tpu.memory_space<semaphore_mem>>)
      } else {
      }
      %ge3A_249 = arith.constant 6 : i32
      %ge3A_250 = arith.cmpi sge, %add3A_232, %ge3A_249 : i32
      %convert_element_type3A_251 = arith.extui %ge3A_250 : i1 to i32
      %cond3A_252 = arith.constant 0 : i32
      %cond3A_253 = arith.cmpi ne, %convert_element_type3A_251, %cond3A_252 : i32
      scf.if %cond3A_253 {
        %dma_wait3A_363 = arith.constant 0 : i32
        %dma_wait3A_364 = arith.constant 0 : i32
        %dma_wait3A_365 = tpu.memref_slice %arg15[%dma_wait3A_363, %dma_wait3A_364] : memref<10240x128xf32, #tpu.memory_space<vmem_shared>> -> memref<80x128xf32, #tpu.memory_space<vmem_shared>>
        %dma_wait3A_366 = arith.constant 0 : i32
        %dma_wait3A_367 = arith.constant 0 : i32
        %dma_wait3A_368 = tpu.memref_slice %arg15[%dma_wait3A_366, %dma_wait3A_367] : memref<10240x128xf32, #tpu.memory_space<vmem_shared>> -> memref<80x128xf32, #tpu.memory_space<vmem_shared>>
        tpu.wait_dma2 semaphore(%arg19 : memref<!tpu.dma_semaphore, #tpu.memory_space<semaphore_mem>>) src(%arg6 : memref<80x128xf32, #tpu.memory_space<vmem>>) dst(%dma_wait3A_368 : memref<80x128xf32, #tpu.memory_space<vmem_shared>>)
      } else {
      }
      %add3A_254 = arith.constant 2 : i32
      %add3A_255 = arith.addi %add3A_232, %add3A_254 : i32
      %lt3A_256 = arith.constant 125 : i32
      %lt3A_257 = arith.cmpi slt, %add3A_255, %lt3A_256 : i32
      %convert_element_type3A_258 = arith.extui %lt3A_257 : i1 to i32
      %cond3A_259 = arith.constant 0 : i32
      %cond3A_260 = arith.cmpi ne, %convert_element_type3A_258, %cond3A_259 : i32
      scf.if %cond3A_260 {
        %dma_wait3A_363 = arith.constant 0 : i32
        %dma_wait3A_364 = tpu.memref_slice %arg3[%dma_wait3A_363] : memref<320000xi32, #tpu.memory_space<hbm>> -> memref<80xi32, #tpu.memory_space<hbm>>
        %dma_wait3A_365 = arith.constant 0 : i32
        %dma_wait3A_366 = tpu.memref_slice %arg3[%dma_wait3A_365] : memref<320000xi32, #tpu.memory_space<hbm>> -> memref<80xi32, #tpu.memory_space<hbm>>
        tpu.wait_dma2 semaphore(%arg25 : memref<!tpu.dma_semaphore, #tpu.memory_space<semaphore_mem>>) src(%dma_wait3A_366 : memref<80xi32, #tpu.memory_space<hbm>>) dst(%arg12 : memref<80xi32, #tpu.memory_space<vmem>>)
        %add3A_367 = arith.constant 2 : i32
        %add3A_368 = arith.addi %add3A_232, %add3A_367 : i32
        %mul3A_369 = arith.constant 80 : i32
        %mul3A_370 = arith.muli %add3A_368, %mul3A_369 : i32
        %add3A_371 = arith.addi %mul3A_2, %mul3A_370 : i32
        %dma_start3A_372 = arith.constant 0 : i32
        %dma_start3A_373 = tpu.memref_slice %arg2[%add3A_371, %dma_start3A_372] : memref<320000x128xf32, #tpu.memory_space<hbm>> -> memref<80x128xf32, #tpu.memory_space<hbm>>
        %dma_start3A_374 = arith.constant 0 : i32
        %dma_start3A_375 = tpu.memref_slice %arg2[%add3A_371, %dma_start3A_374] : memref<320000x128xf32, #tpu.memory_space<hbm>> -> memref<80x128xf32, #tpu.memory_space<hbm>>
        tpu.enqueue_dma source(%dma_start3A_375 : memref<80x128xf32, #tpu.memory_space<hbm>>) target(%arg6 : memref<80x128xf32, #tpu.memory_space<vmem>>) target_semaphore(%arg16 : memref<!tpu.dma_semaphore, #tpu.memory_space<semaphore_mem>>)
      } else {
      }
      %mul3A_261 = arith.constant 6 : i32
      %mul3A_262 = arith.muli %add3A_162, %mul3A_261 : i32
      %add3A_263 = arith.constant 5 : i32
      %add3A_264 = arith.addi %add3A_263, %mul3A_262 : i32
      %add3A_265 = arith.constant 3 : i32
      %add3A_266 = arith.addi %add3A_264, %add3A_265 : i32
      %dma_wait3A_267 = arith.constant 0 : i32
      %dma_wait3A_268 = arith.constant 0 : i32
      %dma_wait3A_269 = tpu.memref_slice %arg2[%dma_wait3A_267, %dma_wait3A_268] : memref<320000x128xf32, #tpu.memory_space<hbm>> -> memref<80x128xf32, #tpu.memory_space<hbm>>
      %dma_wait3A_270 = arith.constant 0 : i32
      %dma_wait3A_271 = arith.constant 0 : i32
      %dma_wait3A_272 = tpu.memref_slice %arg2[%dma_wait3A_270, %dma_wait3A_271] : memref<320000x128xf32, #tpu.memory_space<hbm>> -> memref<80x128xf32, #tpu.memory_space<hbm>>
      tpu.wait_dma2 semaphore(%arg18 : memref<!tpu.dma_semaphore, #tpu.memory_space<semaphore_mem>>) src(%dma_wait3A_272 : memref<80x128xf32, #tpu.memory_space<hbm>>) dst(%arg8 : memref<80x128xf32, #tpu.memory_space<vmem>>)
      %dma_start3A_273 = arith.constant 0 : i32
      %dma_start3A_274 = arith.constant 0 : i32
      %dma_start3A_275 = tpu.memref_slice %arg15[%dma_start3A_273, %dma_start3A_274] : memref<10240x128xf32, #tpu.memory_space<vmem_shared>> -> memref<10240x128xf32, #tpu.memory_space<vmem_shared>>
      tpu.enqueue_indirect_dma source(%arg8 : memref<80x128xf32, #tpu.memory_space<vmem>>) target(%dma_start3A_275 : memref<10240x128xf32, #tpu.memory_space<vmem_shared>>) offsets(%arg11 : memref<80xi32, #tpu.memory_space<vmem>>) semaphore(%arg21 : memref<!tpu.dma_semaphore, #tpu.memory_space<semaphore_mem>>) {add = true}
      %add3A_276 = arith.constant 4 : i32
      %add3A_277 = arith.addi %add3A_266, %add3A_276 : i32
      %lt3A_278 = arith.constant 125 : i32
      %lt3A_279 = arith.cmpi slt, %add3A_277, %lt3A_278 : i32
      %convert_element_type3A_280 = arith.extui %lt3A_279 : i1 to i32
      %cond3A_281 = arith.constant 0 : i32
      %cond3A_282 = arith.cmpi ne, %convert_element_type3A_280, %cond3A_281 : i32
      scf.if %cond3A_282 {
        %add3A_363 = arith.constant 4 : i32
        %add3A_364 = arith.addi %add3A_266, %add3A_363 : i32
        %mul3A_365 = arith.constant 80 : i32
        %mul3A_366 = arith.muli %add3A_364, %mul3A_365 : i32
        %add3A_367 = arith.addi %mul3A_2, %mul3A_366 : i32
        %dma_start3A_368 = tpu.memref_slice %arg3[%add3A_367] : memref<320000xi32, #tpu.memory_space<hbm>> -> memref<80xi32, #tpu.memory_space<hbm>>
        %dma_start3A_369 = tpu.memref_slice %arg3[%add3A_367] : memref<320000xi32, #tpu.memory_space<hbm>> -> memref<80xi32, #tpu.memory_space<hbm>>
        tpu.enqueue_dma source(%dma_start3A_369 : memref<80xi32, #tpu.memory_space<hbm>>) target(%arg9 : memref<80xi32, #tpu.memory_space<vmem>>) target_semaphore(%arg22 : memref<!tpu.dma_semaphore, #tpu.memory_space<semaphore_mem>>)
      } else {
      }
      %ge3A_283 = arith.constant 6 : i32
      %ge3A_284 = arith.cmpi sge, %add3A_266, %ge3A_283 : i32
      %convert_element_type3A_285 = arith.extui %ge3A_284 : i1 to i32
      %cond3A_286 = arith.constant 0 : i32
      %cond3A_287 = arith.cmpi ne, %convert_element_type3A_285, %cond3A_286 : i32
      scf.if %cond3A_287 {
        %dma_wait3A_363 = arith.constant 0 : i32
        %dma_wait3A_364 = arith.constant 0 : i32
        %dma_wait3A_365 = tpu.memref_slice %arg15[%dma_wait3A_363, %dma_wait3A_364] : memref<10240x128xf32, #tpu.memory_space<vmem_shared>> -> memref<80x128xf32, #tpu.memory_space<vmem_shared>>
        %dma_wait3A_366 = arith.constant 0 : i32
        %dma_wait3A_367 = arith.constant 0 : i32
        %dma_wait3A_368 = tpu.memref_slice %arg15[%dma_wait3A_366, %dma_wait3A_367] : memref<10240x128xf32, #tpu.memory_space<vmem_shared>> -> memref<80x128xf32, #tpu.memory_space<vmem_shared>>
        tpu.wait_dma2 semaphore(%arg20 : memref<!tpu.dma_semaphore, #tpu.memory_space<semaphore_mem>>) src(%arg7 : memref<80x128xf32, #tpu.memory_space<vmem>>) dst(%dma_wait3A_368 : memref<80x128xf32, #tpu.memory_space<vmem_shared>>)
      } else {
      }
      %add3A_288 = arith.constant 2 : i32
      %add3A_289 = arith.addi %add3A_266, %add3A_288 : i32
      %lt3A_290 = arith.constant 125 : i32
      %lt3A_291 = arith.cmpi slt, %add3A_289, %lt3A_290 : i32
      %convert_element_type3A_292 = arith.extui %lt3A_291 : i1 to i32
      %cond3A_293 = arith.constant 0 : i32
      %cond3A_294 = arith.cmpi ne, %convert_element_type3A_292, %cond3A_293 : i32
      scf.if %cond3A_294 {
        %dma_wait3A_363 = arith.constant 0 : i32
        %dma_wait3A_364 = tpu.memref_slice %arg3[%dma_wait3A_363] : memref<320000xi32, #tpu.memory_space<hbm>> -> memref<80xi32, #tpu.memory_space<hbm>>
        %dma_wait3A_365 = arith.constant 0 : i32
        %dma_wait3A_366 = tpu.memref_slice %arg3[%dma_wait3A_365] : memref<320000xi32, #tpu.memory_space<hbm>> -> memref<80xi32, #tpu.memory_space<hbm>>
        tpu.wait_dma2 semaphore(%arg26 : memref<!tpu.dma_semaphore, #tpu.memory_space<semaphore_mem>>) src(%dma_wait3A_366 : memref<80xi32, #tpu.memory_space<hbm>>) dst(%arg13 : memref<80xi32, #tpu.memory_space<vmem>>)
        %add3A_367 = arith.constant 2 : i32
        %add3A_368 = arith.addi %add3A_266, %add3A_367 : i32
        %mul3A_369 = arith.constant 80 : i32
        %mul3A_370 = arith.muli %add3A_368, %mul3A_369 : i32
        %add3A_371 = arith.addi %mul3A_2, %mul3A_370 : i32
        %dma_start3A_372 = arith.constant 0 : i32
        %dma_start3A_373 = tpu.memref_slice %arg2[%add3A_371, %dma_start3A_372] : memref<320000x128xf32, #tpu.memory_space<hbm>> -> memref<80x128xf32, #tpu.memory_space<hbm>>
        %dma_start3A_374 = arith.constant 0 : i32
        %dma_start3A_375 = tpu.memref_slice %arg2[%add3A_371, %dma_start3A_374] : memref<320000x128xf32, #tpu.memory_space<hbm>> -> memref<80x128xf32, #tpu.memory_space<hbm>>
        tpu.enqueue_dma source(%dma_start3A_375 : memref<80x128xf32, #tpu.memory_space<hbm>>) target(%arg7 : memref<80x128xf32, #tpu.memory_space<vmem>>) target_semaphore(%arg17 : memref<!tpu.dma_semaphore, #tpu.memory_space<semaphore_mem>>)
      } else {
      }
      %mul3A_295 = arith.constant 6 : i32
      %mul3A_296 = arith.muli %add3A_162, %mul3A_295 : i32
      %add3A_297 = arith.constant 5 : i32
      %add3A_298 = arith.addi %add3A_297, %mul3A_296 : i32
      %add3A_299 = arith.constant 4 : i32
      %add3A_300 = arith.addi %add3A_298, %add3A_299 : i32
      %dma_wait3A_301 = arith.constant 0 : i32
      %dma_wait3A_302 = arith.constant 0 : i32
      %dma_wait3A_303 = tpu.memref_slice %arg2[%dma_wait3A_301, %dma_wait3A_302] : memref<320000x128xf32, #tpu.memory_space<hbm>> -> memref<80x128xf32, #tpu.memory_space<hbm>>
      %dma_wait3A_304 = arith.constant 0 : i32
      %dma_wait3A_305 = arith.constant 0 : i32
      %dma_wait3A_306 = tpu.memref_slice %arg2[%dma_wait3A_304, %dma_wait3A_305] : memref<320000x128xf32, #tpu.memory_space<hbm>> -> memref<80x128xf32, #tpu.memory_space<hbm>>
      tpu.wait_dma2 semaphore(%arg16 : memref<!tpu.dma_semaphore, #tpu.memory_space<semaphore_mem>>) src(%dma_wait3A_306 : memref<80x128xf32, #tpu.memory_space<hbm>>) dst(%arg6 : memref<80x128xf32, #tpu.memory_space<vmem>>)
      %dma_start3A_307 = arith.constant 0 : i32
      %dma_start3A_308 = arith.constant 0 : i32
      %dma_start3A_309 = tpu.memref_slice %arg15[%dma_start3A_307, %dma_start3A_308] : memref<10240x128xf32, #tpu.memory_space<vmem_shared>> -> memref<10240x128xf32, #tpu.memory_space<vmem_shared>>
      tpu.enqueue_indirect_dma source(%arg6 : memref<80x128xf32, #tpu.memory_space<vmem>>) target(%dma_start3A_309 : memref<10240x128xf32, #tpu.memory_space<vmem_shared>>) offsets(%arg12 : memref<80xi32, #tpu.memory_space<vmem>>) semaphore(%arg19 : memref<!tpu.dma_semaphore, #tpu.memory_space<semaphore_mem>>) {add = true}
      %add3A_310 = arith.constant 4 : i32
      %add3A_311 = arith.addi %add3A_300, %add3A_310 : i32
      %lt3A_312 = arith.constant 125 : i32
      %lt3A_313 = arith.cmpi slt, %add3A_311, %lt3A_312 : i32
      %convert_element_type3A_314 = arith.extui %lt3A_313 : i1 to i32
      %cond3A_315 = arith.constant 0 : i32
      %cond3A_316 = arith.cmpi ne, %convert_element_type3A_314, %cond3A_315 : i32
      scf.if %cond3A_316 {
        %add3A_363 = arith.constant 4 : i32
        %add3A_364 = arith.addi %add3A_300, %add3A_363 : i32
        %mul3A_365 = arith.constant 80 : i32
        %mul3A_366 = arith.muli %add3A_364, %mul3A_365 : i32
        %add3A_367 = arith.addi %mul3A_2, %mul3A_366 : i32
        %dma_start3A_368 = tpu.memref_slice %arg3[%add3A_367] : memref<320000xi32, #tpu.memory_space<hbm>> -> memref<80xi32, #tpu.memory_space<hbm>>
        %dma_start3A_369 = tpu.memref_slice %arg3[%add3A_367] : memref<320000xi32, #tpu.memory_space<hbm>> -> memref<80xi32, #tpu.memory_space<hbm>>
        tpu.enqueue_dma source(%dma_start3A_369 : memref<80xi32, #tpu.memory_space<hbm>>) target(%arg10 : memref<80xi32, #tpu.memory_space<vmem>>) target_semaphore(%arg23 : memref<!tpu.dma_semaphore, #tpu.memory_space<semaphore_mem>>)
      } else {
      }
      %ge3A_317 = arith.constant 6 : i32
      %ge3A_318 = arith.cmpi sge, %add3A_300, %ge3A_317 : i32
      %convert_element_type3A_319 = arith.extui %ge3A_318 : i1 to i32
      %cond3A_320 = arith.constant 0 : i32
      %cond3A_321 = arith.cmpi ne, %convert_element_type3A_319, %cond3A_320 : i32
      scf.if %cond3A_321 {
        %dma_wait3A_363 = arith.constant 0 : i32
        %dma_wait3A_364 = arith.constant 0 : i32
        %dma_wait3A_365 = tpu.memref_slice %arg15[%dma_wait3A_363, %dma_wait3A_364] : memref<10240x128xf32, #tpu.memory_space<vmem_shared>> -> memref<80x128xf32, #tpu.memory_space<vmem_shared>>
        %dma_wait3A_366 = arith.constant 0 : i32
        %dma_wait3A_367 = arith.constant 0 : i32
        %dma_wait3A_368 = tpu.memref_slice %arg15[%dma_wait3A_366, %dma_wait3A_367] : memref<10240x128xf32, #tpu.memory_space<vmem_shared>> -> memref<80x128xf32, #tpu.memory_space<vmem_shared>>
        tpu.wait_dma2 semaphore(%arg21 : memref<!tpu.dma_semaphore, #tpu.memory_space<semaphore_mem>>) src(%arg8 : memref<80x128xf32, #tpu.memory_space<vmem>>) dst(%dma_wait3A_368 : memref<80x128xf32, #tpu.memory_space<vmem_shared>>)
      } else {
      }
      %add3A_322 = arith.constant 2 : i32
      %add3A_323 = arith.addi %add3A_300, %add3A_322 : i32
      %lt3A_324 = arith.constant 125 : i32
      %lt3A_325 = arith.cmpi slt, %add3A_323, %lt3A_324 : i32
      %convert_element_type3A_326 = arith.extui %lt3A_325 : i1 to i32
      %cond3A_327 = arith.constant 0 : i32
      %cond3A_328 = arith.cmpi ne, %convert_element_type3A_326, %cond3A_327 : i32
      scf.if %cond3A_328 {
        %dma_wait3A_363 = arith.constant 0 : i32
        %dma_wait3A_364 = tpu.memref_slice %arg3[%dma_wait3A_363] : memref<320000xi32, #tpu.memory_space<hbm>> -> memref<80xi32, #tpu.memory_space<hbm>>
        %dma_wait3A_365 = arith.constant 0 : i32
        %dma_wait3A_366 = tpu.memref_slice %arg3[%dma_wait3A_365] : memref<320000xi32, #tpu.memory_space<hbm>> -> memref<80xi32, #tpu.memory_space<hbm>>
        tpu.wait_dma2 semaphore(%arg27 : memref<!tpu.dma_semaphore, #tpu.memory_space<semaphore_mem>>) src(%dma_wait3A_366 : memref<80xi32, #tpu.memory_space<hbm>>) dst(%arg14 : memref<80xi32, #tpu.memory_space<vmem>>)
        %add3A_367 = arith.constant 2 : i32
        %add3A_368 = arith.addi %add3A_300, %add3A_367 : i32
        %mul3A_369 = arith.constant 80 : i32
        %mul3A_370 = arith.muli %add3A_368, %mul3A_369 : i32
        %add3A_371 = arith.addi %mul3A_2, %mul3A_370 : i32
        %dma_start3A_372 = arith.constant 0 : i32
        %dma_start3A_373 = tpu.memref_slice %arg2[%add3A_371, %dma_start3A_372] : memref<320000x128xf32, #tpu.memory_space<hbm>> -> memref<80x128xf32, #tpu.memory_space<hbm>>
        %dma_start3A_374 = arith.constant 0 : i32
        %dma_start3A_375 = tpu.memref_slice %arg2[%add3A_371, %dma_start3A_374] : memref<320000x128xf32, #tpu.memory_space<hbm>> -> memref<80x128xf32, #tpu.memory_space<hbm>>
        tpu.enqueue_dma source(%dma_start3A_375 : memref<80x128xf32, #tpu.memory_space<hbm>>) target(%arg8 : memref<80x128xf32, #tpu.memory_space<vmem>>) target_semaphore(%arg18 : memref<!tpu.dma_semaphore, #tpu.memory_space<semaphore_mem>>)
      } else {
      }
      %mul3A_329 = arith.constant 6 : i32
      %mul3A_330 = arith.muli %add3A_162, %mul3A_329 : i32
      %add3A_331 = arith.constant 5 : i32
      %add3A_332 = arith.addi %add3A_331, %mul3A_330 : i32
      %add3A_333 = arith.constant 5 : i32
      %add3A_334 = arith.addi %add3A_332, %add3A_333 : i32
      %dma_wait3A_335 = arith.constant 0 : i32
      %dma_wait3A_336 = arith.constant 0 : i32
      %dma_wait3A_337 = tpu.memref_slice %arg2[%dma_wait3A_335, %dma_wait3A_336] : memref<320000x128xf32, #tpu.memory_space<hbm>> -> memref<80x128xf32, #tpu.memory_space<hbm>>
      %dma_wait3A_338 = arith.constant 0 : i32
      %dma_wait3A_339 = arith.constant 0 : i32
      %dma_wait3A_340 = tpu.memref_slice %arg2[%dma_wait3A_338, %dma_wait3A_339] : memref<320000x128xf32, #tpu.memory_space<hbm>> -> memref<80x128xf32, #tpu.memory_space<hbm>>
      tpu.wait_dma2 semaphore(%arg17 : memref<!tpu.dma_semaphore, #tpu.memory_space<semaphore_mem>>) src(%dma_wait3A_340 : memref<80x128xf32, #tpu.memory_space<hbm>>) dst(%arg7 : memref<80x128xf32, #tpu.memory_space<vmem>>)
      %dma_start3A_341 = arith.constant 0 : i32
      %dma_start3A_342 = arith.constant 0 : i32
      %dma_start3A_343 = tpu.memref_slice %arg15[%dma_start3A_341, %dma_start3A_342] : memref<10240x128xf32, #tpu.memory_space<vmem_shared>> -> memref<10240x128xf32, #tpu.memory_space<vmem_shared>>
      tpu.enqueue_indirect_dma source(%arg7 : memref<80x128xf32, #tpu.memory_space<vmem>>) target(%dma_start3A_343 : memref<10240x128xf32, #tpu.memory_space<vmem_shared>>) offsets(%arg13 : memref<80xi32, #tpu.memory_space<vmem>>) semaphore(%arg20 : memref<!tpu.dma_semaphore, #tpu.memory_space<semaphore_mem>>) {add = true}
      %add3A_344 = arith.constant 4 : i32
      %add3A_345 = arith.addi %add3A_334, %add3A_344 : i32
      %lt3A_346 = arith.constant 125 : i32
      %lt3A_347 = arith.cmpi slt, %add3A_345, %lt3A_346 : i32
      %convert_element_type3A_348 = arith.extui %lt3A_347 : i1 to i32
      %cond3A_349 = arith.constant 0 : i32
      %cond3A_350 = arith.cmpi ne, %convert_element_type3A_348, %cond3A_349 : i32
      scf.if %cond3A_350 {
        %add3A_363 = arith.constant 4 : i32
        %add3A_364 = arith.addi %add3A_334, %add3A_363 : i32
        %mul3A_365 = arith.constant 80 : i32
        %mul3A_366 = arith.muli %add3A_364, %mul3A_365 : i32
        %add3A_367 = arith.addi %mul3A_2, %mul3A_366 : i32
        %dma_start3A_368 = tpu.memref_slice %arg3[%add3A_367] : memref<320000xi32, #tpu.memory_space<hbm>> -> memref<80xi32, #tpu.memory_space<hbm>>
        %dma_start3A_369 = tpu.memref_slice %arg3[%add3A_367] : memref<320000xi32, #tpu.memory_space<hbm>> -> memref<80xi32, #tpu.memory_space<hbm>>
        tpu.enqueue_dma source(%dma_start3A_369 : memref<80xi32, #tpu.memory_space<hbm>>) target(%arg11 : memref<80xi32, #tpu.memory_space<vmem>>) target_semaphore(%arg24 : memref<!tpu.dma_semaphore, #tpu.memory_space<semaphore_mem>>)
      } else {
      }
      %ge3A_351 = arith.constant 6 : i32
      %ge3A_352 = arith.cmpi sge, %add3A_334, %ge3A_351 : i32
      %convert_element_type3A_353 = arith.extui %ge3A_352 : i1 to i32
      %cond3A_354 = arith.constant 0 : i32
      %cond3A_355 = arith.cmpi ne, %convert_element_type3A_353, %cond3A_354 : i32
      scf.if %cond3A_355 {
        %dma_wait3A_363 = arith.constant 0 : i32
        %dma_wait3A_364 = arith.constant 0 : i32
        %dma_wait3A_365 = tpu.memref_slice %arg15[%dma_wait3A_363, %dma_wait3A_364] : memref<10240x128xf32, #tpu.memory_space<vmem_shared>> -> memref<80x128xf32, #tpu.memory_space<vmem_shared>>
        %dma_wait3A_366 = arith.constant 0 : i32
        %dma_wait3A_367 = arith.constant 0 : i32
        %dma_wait3A_368 = tpu.memref_slice %arg15[%dma_wait3A_366, %dma_wait3A_367] : memref<10240x128xf32, #tpu.memory_space<vmem_shared>> -> memref<80x128xf32, #tpu.memory_space<vmem_shared>>
        tpu.wait_dma2 semaphore(%arg19 : memref<!tpu.dma_semaphore, #tpu.memory_space<semaphore_mem>>) src(%arg6 : memref<80x128xf32, #tpu.memory_space<vmem>>) dst(%dma_wait3A_368 : memref<80x128xf32, #tpu.memory_space<vmem_shared>>)
      } else {
      }
      %add3A_356 = arith.constant 2 : i32
      %add3A_357 = arith.addi %add3A_334, %add3A_356 : i32
      %lt3A_358 = arith.constant 125 : i32
      %lt3A_359 = arith.cmpi slt, %add3A_357, %lt3A_358 : i32
      %convert_element_type3A_360 = arith.extui %lt3A_359 : i1 to i32
      %cond3A_361 = arith.constant 0 : i32
      %cond3A_362 = arith.cmpi ne, %convert_element_type3A_360, %cond3A_361 : i32
      scf.if %cond3A_362 {
        %dma_wait3A_363 = arith.constant 0 : i32
        %dma_wait3A_364 = tpu.memref_slice %arg3[%dma_wait3A_363] : memref<320000xi32, #tpu.memory_space<hbm>> -> memref<80xi32, #tpu.memory_space<hbm>>
        %dma_wait3A_365 = arith.constant 0 : i32
        %dma_wait3A_366 = tpu.memref_slice %arg3[%dma_wait3A_365] : memref<320000xi32, #tpu.memory_space<hbm>> -> memref<80xi32, #tpu.memory_space<hbm>>
        tpu.wait_dma2 semaphore(%arg22 : memref<!tpu.dma_semaphore, #tpu.memory_space<semaphore_mem>>) src(%dma_wait3A_366 : memref<80xi32, #tpu.memory_space<hbm>>) dst(%arg9 : memref<80xi32, #tpu.memory_space<vmem>>)
        %add3A_367 = arith.constant 2 : i32
        %add3A_368 = arith.addi %add3A_334, %add3A_367 : i32
        %mul3A_369 = arith.constant 80 : i32
        %mul3A_370 = arith.muli %add3A_368, %mul3A_369 : i32
        %add3A_371 = arith.addi %mul3A_2, %mul3A_370 : i32
        %dma_start3A_372 = arith.constant 0 : i32
        %dma_start3A_373 = tpu.memref_slice %arg2[%add3A_371, %dma_start3A_372] : memref<320000x128xf32, #tpu.memory_space<hbm>> -> memref<80x128xf32, #tpu.memory_space<hbm>>
        %dma_start3A_374 = arith.constant 0 : i32
        %dma_start3A_375 = tpu.memref_slice %arg2[%add3A_371, %dma_start3A_374] : memref<320000x128xf32, #tpu.memory_space<hbm>> -> memref<80x128xf32, #tpu.memory_space<hbm>>
        tpu.enqueue_dma source(%dma_start3A_375 : memref<80x128xf32, #tpu.memory_space<hbm>>) target(%arg6 : memref<80x128xf32, #tpu.memory_space<vmem>>) target_semaphore(%arg16 : memref<!tpu.dma_semaphore, #tpu.memory_space<semaphore_mem>>)
      } else {
      }
    }
    %scan3A_145 = arith.constant 20 : i32
    %dma_wait3A_146 = arith.constant 0 : i32
    %dma_wait3A_147 = arith.constant 0 : i32
    %dma_wait3A_148 = tpu.memref_slice %arg15[%dma_wait3A_146, %dma_wait3A_147] : memref<10240x128xf32, #tpu.memory_space<vmem_shared>> -> memref<80x128xf32, #tpu.memory_space<vmem_shared>>
    %dma_wait3A_149 = arith.constant 0 : i32
    %dma_wait3A_150 = arith.constant 0 : i32
    %dma_wait3A_151 = tpu.memref_slice %arg15[%dma_wait3A_149, %dma_wait3A_150] : memref<10240x128xf32, #tpu.memory_space<vmem_shared>> -> memref<80x128xf32, #tpu.memory_space<vmem_shared>>
    tpu.wait_dma2 semaphore(%arg20 : memref<!tpu.dma_semaphore, #tpu.memory_space<semaphore_mem>>) src(%arg7 : memref<80x128xf32, #tpu.memory_space<vmem>>) dst(%dma_wait3A_151 : memref<80x128xf32, #tpu.memory_space<vmem_shared>>)
    %barrier3A_152 = arith.constant 0 : index
    tpu.barrier barrier_id(%barrier3A_152)
    %scan3A_153 = arith.constant 0 : i32
    %scan3A_154 = arith.constant 8 : i32
    %scan3A_155 = arith.addi %scan3A_153, %scan3A_154 : i32
    %scan3A_156 = arith.constant 1 : i32
    scf.for %scan3A_158 = %scan3A_153 to %scan3A_155 step %scan3A_156  : i32 {
      %mul3A_159 = arith.constant 1 : i32
      %mul3A_160 = arith.muli %scan3A_158, %mul3A_159 : i32
      %add3A_161 = arith.constant 0 : i32
      %add3A_162 = arith.addi %add3A_161, %mul3A_160 : i32
      %mul3A_163 = arith.constant 640 : i32
      %mul3A_164 = arith.muli %arg1, %mul3A_163 : i32
      %mul3A_165 = arith.constant 80 : i32
      %mul3A_166 = arith.muli %add3A_162, %mul3A_165 : i32
      %add3A_167 = arith.addi %mul3A_164, %mul3A_166 : i32
      "tpu.region"() ({
        %run_scoped3A = tpu.sem_alloc : memref<!tpu.dma_semaphore, #tpu.memory_space<semaphore_mem>>
        %dma_start3A_176 = arith.constant 0 : i32
        %dma_start3A_177 = tpu.memref_slice %arg15[%add3A_167, %dma_start3A_176] : memref<10240x128xf32, #tpu.memory_space<vmem_shared>> -> memref<80x128xf32, #tpu.memory_space<vmem_shared>>
        %dma_start3A_178 = arith.constant 0 : i32
        %dma_start3A_179 = tpu.memref_slice %arg15[%add3A_167, %dma_start3A_178] : memref<10240x128xf32, #tpu.memory_space<vmem_shared>> -> memref<80x128xf32, #tpu.memory_space<vmem_shared>>
        tpu.enqueue_dma source(%dma_start3A_179 : memref<80x128xf32, #tpu.memory_space<vmem_shared>>) target(%arg6 : memref<80x128xf32, #tpu.memory_space<vmem>>) target_semaphore(%run_scoped3A : memref<!tpu.dma_semaphore, #tpu.memory_space<semaphore_mem>>)
        %dma_wait3A_180 = arith.constant 0 : i32
        %dma_wait3A_181 = tpu.memref_slice %arg15[%add3A_167, %dma_wait3A_180] : memref<10240x128xf32, #tpu.memory_space<vmem_shared>> -> memref<80x128xf32, #tpu.memory_space<vmem_shared>>
        %dma_wait3A_182 = arith.constant 0 : i32
        %dma_wait3A_183 = tpu.memref_slice %arg15[%add3A_167, %dma_wait3A_182] : memref<10240x128xf32, #tpu.memory_space<vmem_shared>> -> memref<80x128xf32, #tpu.memory_space<vmem_shared>>
        tpu.wait_dma2 semaphore(%run_scoped3A : memref<!tpu.dma_semaphore, #tpu.memory_space<semaphore_mem>>) src(%dma_wait3A_183 : memref<80x128xf32, #tpu.memory_space<vmem_shared>>) dst(%arg6 : memref<80x128xf32, #tpu.memory_space<vmem>>)
        tpu.yield
      }) : () -> ()
      %mul3A_168 = arith.constant 10240 : i32
      %mul3A_169 = arith.muli %arg0, %mul3A_168 : i32
      %mul3A_170 = arith.constant 640 : i32
      %mul3A_171 = arith.muli %arg1, %mul3A_170 : i32
      %add3A_172 = arith.addi %mul3A_169, %mul3A_171 : i32
      %mul3A_173 = arith.constant 80 : i32
      %mul3A_174 = arith.muli %add3A_162, %mul3A_173 : i32
      %add3A_175 = arith.addi %add3A_172, %mul3A_174 : i32
      "tpu.region"() ({
        %run_scoped3A = tpu.sem_alloc : memref<!tpu.dma_semaphore, #tpu.memory_space<semaphore_mem>>
        %dma_start3A_176 = arith.constant 0 : i32
        %dma_start3A_177 = tpu.memref_slice %arg5[%add3A_175, %dma_start3A_176] : memref<20480x128xf32, #tpu.memory_space<hbm>> -> memref<80x128xf32, #tpu.memory_space<hbm>>
        %dma_start3A_178 = arith.constant 0 : i32
        %dma_start3A_179 = tpu.memref_slice %arg5[%add3A_175, %dma_start3A_178] : memref<20480x128xf32, #tpu.memory_space<hbm>> -> memref<80x128xf32, #tpu.memory_space<hbm>>
        tpu.enqueue_dma source(%arg6 : memref<80x128xf32, #tpu.memory_space<vmem>>) target(%dma_start3A_179 : memref<80x128xf32, #tpu.memory_space<hbm>>) target_semaphore(%run_scoped3A : memref<!tpu.dma_semaphore, #tpu.memory_space<semaphore_mem>>)
        %dma_wait3A_180 = arith.constant 0 : i32
        %dma_wait3A_181 = tpu.memref_slice %arg5[%add3A_175, %dma_wait3A_180] : memref<20480x128xf32, #tpu.memory_space<hbm>> -> memref<80x128xf32, #tpu.memory_space<hbm>>
        %dma_wait3A_182 = arith.constant 0 : i32
        %dma_wait3A_183 = tpu.memref_slice %arg5[%add3A_175, %dma_wait3A_182] : memref<20480x128xf32, #tpu.memory_space<hbm>> -> memref<80x128xf32, #tpu.memory_space<hbm>>
        tpu.wait_dma2 semaphore(%run_scoped3A : memref<!tpu.dma_semaphore, #tpu.memory_space<semaphore_mem>>) src(%arg6 : memref<80x128xf32, #tpu.memory_space<vmem>>) dst(%dma_wait3A_183 : memref<80x128xf32, #tpu.memory_space<hbm>>)
        tpu.yield
      }) : () -> ()
    }
    %scan3A_157 = arith.constant 8 : i32
    return
  }
}

#map = affine_map<(d0, d1) -> (0, 0)>
#map1 = affine_map<(d0, d1) -> (0)>
module attributes {stable_mosaic.version = 14 : i64} {
  func.func @_sc_segsum_h_body(%arg0: i32, %arg1: i32, %arg2: memref<10240x128xf32, #tpu.memory_space<hbm>>, %arg3: memref<320000xi32, #tpu.memory_space<hbm>>, %arg4: memref<320000xi32, #tpu.memory_space<hbm>>, %arg5: memref<80x128xf32, #tpu.memory_space<hbm>>, %arg6: memref<20480x128xf32, #tpu.memory_space<hbm>>, %arg7: memref<80x128xf32, #tpu.memory_space<vmem>>, %arg8: memref<80x128xf32, #tpu.memory_space<vmem>>, %arg9: memref<80x128xf32, #tpu.memory_space<vmem>>, %arg10: memref<80xi32, #tpu.memory_space<vmem>>, %arg11: memref<80xi32, #tpu.memory_space<vmem>>, %arg12: memref<80xi32, #tpu.memory_space<vmem>>, %arg13: memref<80xi32, #tpu.memory_space<vmem>>, %arg14: memref<80xi32, #tpu.memory_space<vmem>>, %arg15: memref<80xi32, #tpu.memory_space<vmem>>, %arg16: memref<80xi32, #tpu.memory_space<vmem>>, %arg17: memref<80xi32, #tpu.memory_space<vmem>>, %arg18: memref<80xi32, #tpu.memory_space<vmem>>, %arg19: memref<80xi32, #tpu.memory_space<vmem>>, %arg20: memref<80xi32, #tpu.memory_space<vmem>>, %arg21: memref<80xi32, #tpu.memory_space<vmem>>, %arg22: memref<10240x128xf32, #tpu.memory_space<vmem_shared>>, %arg23: memref<!tpu.dma_semaphore, #tpu.memory_space<semaphore_mem>>, %arg24: memref<!tpu.dma_semaphore, #tpu.memory_space<semaphore_mem>>, %arg25: memref<!tpu.dma_semaphore, #tpu.memory_space<semaphore_mem>>, %arg26: memref<!tpu.dma_semaphore, #tpu.memory_space<semaphore_mem>>, %arg27: memref<!tpu.dma_semaphore, #tpu.memory_space<semaphore_mem>>, %arg28: memref<!tpu.dma_semaphore, #tpu.memory_space<semaphore_mem>>, %arg29: memref<!tpu.dma_semaphore, #tpu.memory_space<semaphore_mem>>, %arg30: memref<!tpu.dma_semaphore, #tpu.memory_space<semaphore_mem>>, %arg31: memref<!tpu.dma_semaphore, #tpu.memory_space<semaphore_mem>>, %arg32: memref<!tpu.dma_semaphore, #tpu.memory_space<semaphore_mem>>, %arg33: memref<!tpu.dma_semaphore, #tpu.memory_space<semaphore_mem>>, %arg34: memref<!tpu.dma_semaphore, #tpu.memory_space<semaphore_mem>>) attributes {dimension_semantics = [#tpu.dimension_semantics<core_parallel>, #tpu.dimension_semantics<subcore_parallel>], iteration_bounds = array<i64: 2, 16>, scalar_prefetch = 0 : i64, scratch_operands = 28 : i64, tpu.core_type = #tpu.core_type<sc_vector_subcore>, window_params = [{transform_indices = #map}, {transform_indices = #map1}, {transform_indices = #map1}, {transform_indices = #map}, {transform_indices = #map}]} {
    %mul3A = arith.constant 16 : i32
    %mul3A_0 = arith.muli %arg0, %mul3A : i32
    %add3A = arith.addi %mul3A_0, %arg1 : i32
    %mul3A_1 = arith.constant 10000 : i32
    %mul3A_2 = arith.muli %add3A, %mul3A_1 : i32
    "tpu.region"() ({
      %run_scoped3A = tpu.sem_alloc : memref<!tpu.dma_semaphore, #tpu.memory_space<semaphore_mem>>
      tpu.enqueue_dma source(%arg5 : memref<80x128xf32, #tpu.memory_space<hbm>>) target(%arg7 : memref<80x128xf32, #tpu.memory_space<vmem>>) target_semaphore(%run_scoped3A : memref<!tpu.dma_semaphore, #tpu.memory_space<semaphore_mem>>)
      tpu.wait_dma2 semaphore(%run_scoped3A : memref<!tpu.dma_semaphore, #tpu.memory_space<semaphore_mem>>) src(%arg5 : memref<80x128xf32, #tpu.memory_space<hbm>>) dst(%arg7 : memref<80x128xf32, #tpu.memory_space<vmem>>)
      tpu.yield
    }) : () -> ()
    %scan3A = arith.constant 0 : i32
    %scan3A_3 = arith.constant 8 : i32
    %scan3A_4 = arith.addi %scan3A, %scan3A_3 : i32
    %scan3A_5 = arith.constant 1 : i32
    scf.for %scan3A_201 = %scan3A to %scan3A_4 step %scan3A_5  : i32 {
      %mul3A_202 = arith.constant 1 : i32
      %mul3A_203 = arith.muli %scan3A_201, %mul3A_202 : i32
      %add3A_204 = arith.constant 0 : i32
      %add3A_205 = arith.addi %add3A_204, %mul3A_203 : i32
      %mul3A_206 = arith.constant 640 : i32
      %mul3A_207 = arith.muli %arg1, %mul3A_206 : i32
      %mul3A_208 = arith.constant 80 : i32
      %mul3A_209 = arith.muli %add3A_205, %mul3A_208 : i32
      %add3A_210 = arith.addi %mul3A_207, %mul3A_209 : i32
      "tpu.region"() ({
        %run_scoped3A = tpu.sem_alloc : memref<!tpu.dma_semaphore, #tpu.memory_space<semaphore_mem>>
        %dma_start3A_211 = arith.constant 0 : i32
        %dma_start3A_212 = tpu.memref_slice %arg22[%add3A_210, %dma_start3A_211] : memref<10240x128xf32, #tpu.memory_space<vmem_shared>> -> memref<80x128xf32, #tpu.memory_space<vmem_shared>>
        %dma_start3A_213 = arith.constant 0 : i32
        %dma_start3A_214 = tpu.memref_slice %arg22[%add3A_210, %dma_start3A_213] : memref<10240x128xf32, #tpu.memory_space<vmem_shared>> -> memref<80x128xf32, #tpu.memory_space<vmem_shared>>
        tpu.enqueue_dma source(%arg7 : memref<80x128xf32, #tpu.memory_space<vmem>>) target(%dma_start3A_214 : memref<80x128xf32, #tpu.memory_space<vmem_shared>>) target_semaphore(%run_scoped3A : memref<!tpu.dma_semaphore, #tpu.memory_space<semaphore_mem>>)
        %dma_wait3A_215 = arith.constant 0 : i32
        %dma_wait3A_216 = tpu.memref_slice %arg22[%add3A_210, %dma_wait3A_215] : memref<10240x128xf32, #tpu.memory_space<vmem_shared>> -> memref<80x128xf32, #tpu.memory_space<vmem_shared>>
        %dma_wait3A_217 = arith.constant 0 : i32
        %dma_wait3A_218 = tpu.memref_slice %arg22[%add3A_210, %dma_wait3A_217] : memref<10240x128xf32, #tpu.memory_space<vmem_shared>> -> memref<80x128xf32, #tpu.memory_space<vmem_shared>>
        tpu.wait_dma2 semaphore(%run_scoped3A : memref<!tpu.dma_semaphore, #tpu.memory_space<semaphore_mem>>) src(%arg7 : memref<80x128xf32, #tpu.memory_space<vmem>>) dst(%dma_wait3A_218 : memref<80x128xf32, #tpu.memory_space<vmem_shared>>)
        tpu.yield
      }) : () -> ()
    }
    %scan3A_6 = arith.constant 8 : i32
    %barrier3A = arith.constant 0 : index
    tpu.barrier barrier_id(%barrier3A)
    %add3A_7 = arith.constant 0 : i32
    %add3A_8 = arith.addi %mul3A_2, %add3A_7 : i32
    %dma_start3A = tpu.memref_slice %arg3[%add3A_8] : memref<320000xi32, #tpu.memory_space<hbm>> -> memref<80xi32, #tpu.memory_space<hbm>>
    %dma_start3A_9 = tpu.memref_slice %arg3[%add3A_8] : memref<320000xi32, #tpu.memory_space<hbm>> -> memref<80xi32, #tpu.memory_space<hbm>>
    tpu.enqueue_dma source(%dma_start3A_9 : memref<80xi32, #tpu.memory_space<hbm>>) target(%arg10 : memref<80xi32, #tpu.memory_space<vmem>>) target_semaphore(%arg29 : memref<!tpu.dma_semaphore, #tpu.memory_space<semaphore_mem>>)
    %add3A_10 = arith.constant 0 : i32
    %add3A_11 = arith.addi %mul3A_2, %add3A_10 : i32
    %dma_start3A_12 = tpu.memref_slice %arg4[%add3A_11] : memref<320000xi32, #tpu.memory_space<hbm>> -> memref<80xi32, #tpu.memory_space<hbm>>
    %dma_start3A_13 = tpu.memref_slice %arg4[%add3A_11] : memref<320000xi32, #tpu.memory_space<hbm>> -> memref<80xi32, #tpu.memory_space<hbm>>
    tpu.enqueue_dma source(%dma_start3A_13 : memref<80xi32, #tpu.memory_space<hbm>>) target(%arg16 : memref<80xi32, #tpu.memory_space<vmem>>) target_semaphore(%arg29 : memref<!tpu.dma_semaphore, #tpu.memory_space<semaphore_mem>>)
    %dma_wait3A = arith.constant 0 : i32
    %dma_wait3A_14 = tpu.memref_slice %arg3[%dma_wait3A] : memref<320000xi32, #tpu.memory_space<hbm>> -> memref<80xi32, #tpu.memory_space<hbm>>
    %dma_wait3A_15 = arith.constant 0 : i32
    %dma_wait3A_16 = tpu.memref_slice %arg3[%dma_wait3A_15] : memref<320000xi32, #tpu.memory_space<hbm>> -> memref<80xi32, #tpu.memory_space<hbm>>
    tpu.wait_dma2 semaphore(%arg29 : memref<!tpu.dma_semaphore, #tpu.memory_space<semaphore_mem>>) src(%dma_wait3A_16 : memref<80xi32, #tpu.memory_space<hbm>>) dst(%arg10 : memref<80xi32, #tpu.memory_space<vmem>>)
    %dma_wait3A_17 = arith.constant 0 : i32
    %dma_wait3A_18 = tpu.memref_slice %arg4[%dma_wait3A_17] : memref<320000xi32, #tpu.memory_space<hbm>> -> memref<80xi32, #tpu.memory_space<hbm>>
    %dma_wait3A_19 = arith.constant 0 : i32
    %dma_wait3A_20 = tpu.memref_slice %arg4[%dma_wait3A_19] : memref<320000xi32, #tpu.memory_space<hbm>> -> memref<80xi32, #tpu.memory_space<hbm>>
    tpu.wait_dma2 semaphore(%arg29 : memref<!tpu.dma_semaphore, #tpu.memory_space<semaphore_mem>>) src(%dma_wait3A_20 : memref<80xi32, #tpu.memory_space<hbm>>) dst(%arg16 : memref<80xi32, #tpu.memory_space<vmem>>)
    %dma_start3A_21 = arith.constant 0 : i32
    %dma_start3A_22 = arith.constant 0 : i32
    %dma_start3A_23 = tpu.memref_slice %arg2[%dma_start3A_21, %dma_start3A_22] : memref<10240x128xf32, #tpu.memory_space<hbm>> -> memref<10240x128xf32, #tpu.memory_space<hbm>>
    tpu.enqueue_indirect_dma source(%dma_start3A_23 : memref<10240x128xf32, #tpu.memory_space<hbm>>) target(%arg7 : memref<80x128xf32, #tpu.memory_space<vmem>>) offsets(%arg10 : memref<80xi32, #tpu.memory_space<vmem>>) semaphore(%arg23 : memref<!tpu.dma_semaphore, #tpu.memory_space<semaphore_mem>>)
    %dma_wait3A_24 = arith.constant 0 : i32
    %dma_wait3A_25 = arith.constant 0 : i32
    %dma_wait3A_26 = tpu.memref_slice %arg2[%dma_wait3A_24, %dma_wait3A_25] : memref<10240x128xf32, #tpu.memory_space<hbm>> -> memref<80x128xf32, #tpu.memory_space<hbm>>
    %dma_wait3A_27 = arith.constant 0 : i32
    %dma_wait3A_28 = arith.constant 0 : i32
    %dma_wait3A_29 = tpu.memref_slice %arg2[%dma_wait3A_27, %dma_wait3A_28] : memref<10240x128xf32, #tpu.memory_space<hbm>> -> memref<80x128xf32, #tpu.memory_space<hbm>>
    tpu.wait_dma2 semaphore(%arg23 : memref<!tpu.dma_semaphore, #tpu.memory_space<semaphore_mem>>) src(%dma_wait3A_29 : memref<80x128xf32, #tpu.memory_space<hbm>>) dst(%arg7 : memref<80x128xf32, #tpu.memory_space<vmem>>)
    "tpu.region"() ({
      %run_scoped3A = tpu.sem_alloc : memref<!tpu.dma_semaphore, #tpu.memory_space<semaphore_mem>>
      %dma_start3A_201 = arith.constant 0 : i32
      %dma_start3A_202 = arith.constant 0 : i32
      %dma_start3A_203 = tpu.memref_slice %arg22[%dma_start3A_201, %dma_start3A_202] : memref<10240x128xf32, #tpu.memory_space<vmem_shared>> -> memref<10240x128xf32, #tpu.memory_space<vmem_shared>>
      tpu.enqueue_indirect_dma source(%arg7 : memref<80x128xf32, #tpu.memory_space<vmem>>) target(%dma_start3A_203 : memref<10240x128xf32, #tpu.memory_space<vmem_shared>>) offsets(%arg16 : memref<80xi32, #tpu.memory_space<vmem>>) semaphore(%run_scoped3A : memref<!tpu.dma_semaphore, #tpu.memory_space<semaphore_mem>>) {add = true}
      %dma_wait3A_204 = arith.constant 0 : i32
      %dma_wait3A_205 = arith.constant 0 : i32
      %dma_wait3A_206 = tpu.memref_slice %arg22[%dma_wait3A_204, %dma_wait3A_205] : memref<10240x128xf32, #tpu.memory_space<vmem_shared>> -> memref<10240x128xf32, #tpu.memory_space<vmem_shared>>
      tpu.wait_indirect_dma semaphore(%run_scoped3A : memref<!tpu.dma_semaphore, #tpu.memory_space<semaphore_mem>>) src(%arg7 : memref<80x128xf32, #tpu.memory_space<vmem>>) dst(%dma_wait3A_206 : memref<10240x128xf32, #tpu.memory_space<vmem_shared>>)
      tpu.yield
    }) : () -> ()
    %add3A_30 = arith.constant 80 : i32
    %add3A_31 = arith.addi %mul3A_2, %add3A_30 : i32
    %dma_start3A_32 = tpu.memref_slice %arg3[%add3A_31] : memref<320000xi32, #tpu.memory_space<hbm>> -> memref<80xi32, #tpu.memory_space<hbm>>
    %dma_start3A_33 = tpu.memref_slice %arg3[%add3A_31] : memref<320000xi32, #tpu.memory_space<hbm>> -> memref<80xi32, #tpu.memory_space<hbm>>
    tpu.enqueue_dma source(%dma_start3A_33 : memref<80xi32, #tpu.memory_space<hbm>>) target(%arg11 : memref<80xi32, #tpu.memory_space<vmem>>) target_semaphore(%arg30 : memref<!tpu.dma_semaphore, #tpu.memory_space<semaphore_mem>>)
    %add3A_34 = arith.constant 80 : i32
    %add3A_35 = arith.addi %mul3A_2, %add3A_34 : i32
    %dma_start3A_36 = tpu.memref_slice %arg4[%add3A_35] : memref<320000xi32, #tpu.memory_space<hbm>> -> memref<80xi32, #tpu.memory_space<hbm>>
    %dma_start3A_37 = tpu.memref_slice %arg4[%add3A_35] : memref<320000xi32, #tpu.memory_space<hbm>> -> memref<80xi32, #tpu.memory_space<hbm>>
    tpu.enqueue_dma source(%dma_start3A_37 : memref<80xi32, #tpu.memory_space<hbm>>) target(%arg17 : memref<80xi32, #tpu.memory_space<vmem>>) target_semaphore(%arg30 : memref<!tpu.dma_semaphore, #tpu.memory_space<semaphore_mem>>)
    %dma_wait3A_38 = arith.constant 0 : i32
    %dma_wait3A_39 = tpu.memref_slice %arg3[%dma_wait3A_38] : memref<320000xi32, #tpu.memory_space<hbm>> -> memref<80xi32, #tpu.memory_space<hbm>>
    %dma_wait3A_40 = arith.constant 0 : i32
    %dma_wait3A_41 = tpu.memref_slice %arg3[%dma_wait3A_40] : memref<320000xi32, #tpu.memory_space<hbm>> -> memref<80xi32, #tpu.memory_space<hbm>>
    tpu.wait_dma2 semaphore(%arg30 : memref<!tpu.dma_semaphore, #tpu.memory_space<semaphore_mem>>) src(%dma_wait3A_41 : memref<80xi32, #tpu.memory_space<hbm>>) dst(%arg11 : memref<80xi32, #tpu.memory_space<vmem>>)
    %dma_wait3A_42 = arith.constant 0 : i32
    %dma_wait3A_43 = tpu.memref_slice %arg4[%dma_wait3A_42] : memref<320000xi32, #tpu.memory_space<hbm>> -> memref<80xi32, #tpu.memory_space<hbm>>
    %dma_wait3A_44 = arith.constant 0 : i32
    %dma_wait3A_45 = tpu.memref_slice %arg4[%dma_wait3A_44] : memref<320000xi32, #tpu.memory_space<hbm>> -> memref<80xi32, #tpu.memory_space<hbm>>
    tpu.wait_dma2 semaphore(%arg30 : memref<!tpu.dma_semaphore, #tpu.memory_space<semaphore_mem>>) src(%dma_wait3A_45 : memref<80xi32, #tpu.memory_space<hbm>>) dst(%arg17 : memref<80xi32, #tpu.memory_space<vmem>>)
    %dma_start3A_46 = arith.constant 0 : i32
    %dma_start3A_47 = arith.constant 0 : i32
    %dma_start3A_48 = tpu.memref_slice %arg2[%dma_start3A_46, %dma_start3A_47] : memref<10240x128xf32, #tpu.memory_space<hbm>> -> memref<10240x128xf32, #tpu.memory_space<hbm>>
    tpu.enqueue_indirect_dma source(%dma_start3A_48 : memref<10240x128xf32, #tpu.memory_space<hbm>>) target(%arg8 : memref<80x128xf32, #tpu.memory_space<vmem>>) offsets(%arg11 : memref<80xi32, #tpu.memory_space<vmem>>) semaphore(%arg24 : memref<!tpu.dma_semaphore, #tpu.memory_space<semaphore_mem>>)
    %dma_wait3A_49 = arith.constant 0 : i32
    %dma_wait3A_50 = arith.constant 0 : i32
    %dma_wait3A_51 = tpu.memref_slice %arg2[%dma_wait3A_49, %dma_wait3A_50] : memref<10240x128xf32, #tpu.memory_space<hbm>> -> memref<80x128xf32, #tpu.memory_space<hbm>>
    %dma_wait3A_52 = arith.constant 0 : i32
    %dma_wait3A_53 = arith.constant 0 : i32
    %dma_wait3A_54 = tpu.memref_slice %arg2[%dma_wait3A_52, %dma_wait3A_53] : memref<10240x128xf32, #tpu.memory_space<hbm>> -> memref<80x128xf32, #tpu.memory_space<hbm>>
    tpu.wait_dma2 semaphore(%arg24 : memref<!tpu.dma_semaphore, #tpu.memory_space<semaphore_mem>>) src(%dma_wait3A_54 : memref<80x128xf32, #tpu.memory_space<hbm>>) dst(%arg8 : memref<80x128xf32, #tpu.memory_space<vmem>>)
    "tpu.region"() ({
      %run_scoped3A = tpu.sem_alloc : memref<!tpu.dma_semaphore, #tpu.memory_space<semaphore_mem>>
      %dma_start3A_201 = arith.constant 0 : i32
      %dma_start3A_202 = arith.constant 0 : i32
      %dma_start3A_203 = tpu.memref_slice %arg22[%dma_start3A_201, %dma_start3A_202] : memref<10240x128xf32, #tpu.memory_space<vmem_shared>> -> memref<10240x128xf32, #tpu.memory_space<vmem_shared>>
      tpu.enqueue_indirect_dma source(%arg8 : memref<80x128xf32, #tpu.memory_space<vmem>>) target(%dma_start3A_203 : memref<10240x128xf32, #tpu.memory_space<vmem_shared>>) offsets(%arg17 : memref<80xi32, #tpu.memory_space<vmem>>) semaphore(%run_scoped3A : memref<!tpu.dma_semaphore, #tpu.memory_space<semaphore_mem>>) {add = true}
      %dma_wait3A_204 = arith.constant 0 : i32
      %dma_wait3A_205 = arith.constant 0 : i32
      %dma_wait3A_206 = tpu.memref_slice %arg22[%dma_wait3A_204, %dma_wait3A_205] : memref<10240x128xf32, #tpu.memory_space<vmem_shared>> -> memref<10240x128xf32, #tpu.memory_space<vmem_shared>>
      tpu.wait_indirect_dma semaphore(%run_scoped3A : memref<!tpu.dma_semaphore, #tpu.memory_space<semaphore_mem>>) src(%arg8 : memref<80x128xf32, #tpu.memory_space<vmem>>) dst(%dma_wait3A_206 : memref<10240x128xf32, #tpu.memory_space<vmem_shared>>)
      tpu.yield
    }) : () -> ()
    %add3A_55 = arith.constant 160 : i32
    %add3A_56 = arith.addi %mul3A_2, %add3A_55 : i32
    %dma_start3A_57 = tpu.memref_slice %arg3[%add3A_56] : memref<320000xi32, #tpu.memory_space<hbm>> -> memref<80xi32, #tpu.memory_space<hbm>>
    %dma_start3A_58 = tpu.memref_slice %arg3[%add3A_56] : memref<320000xi32, #tpu.memory_space<hbm>> -> memref<80xi32, #tpu.memory_space<hbm>>
    tpu.enqueue_dma source(%dma_start3A_58 : memref<80xi32, #tpu.memory_space<hbm>>) target(%arg12 : memref<80xi32, #tpu.memory_space<vmem>>) target_semaphore(%arg31 : memref<!tpu.dma_semaphore, #tpu.memory_space<semaphore_mem>>)
    %add3A_59 = arith.constant 160 : i32
    %add3A_60 = arith.addi %mul3A_2, %add3A_59 : i32
    %dma_start3A_61 = tpu.memref_slice %arg4[%add3A_60] : memref<320000xi32, #tpu.memory_space<hbm>> -> memref<80xi32, #tpu.memory_space<hbm>>
    %dma_start3A_62 = tpu.memref_slice %arg4[%add3A_60] : memref<320000xi32, #tpu.memory_space<hbm>> -> memref<80xi32, #tpu.memory_space<hbm>>
    tpu.enqueue_dma source(%dma_start3A_62 : memref<80xi32, #tpu.memory_space<hbm>>) target(%arg18 : memref<80xi32, #tpu.memory_space<vmem>>) target_semaphore(%arg31 : memref<!tpu.dma_semaphore, #tpu.memory_space<semaphore_mem>>)
    %dma_wait3A_63 = arith.constant 0 : i32
    %dma_wait3A_64 = tpu.memref_slice %arg3[%dma_wait3A_63] : memref<320000xi32, #tpu.memory_space<hbm>> -> memref<80xi32, #tpu.memory_space<hbm>>
    %dma_wait3A_65 = arith.constant 0 : i32
    %dma_wait3A_66 = tpu.memref_slice %arg3[%dma_wait3A_65] : memref<320000xi32, #tpu.memory_space<hbm>> -> memref<80xi32, #tpu.memory_space<hbm>>
    tpu.wait_dma2 semaphore(%arg31 : memref<!tpu.dma_semaphore, #tpu.memory_space<semaphore_mem>>) src(%dma_wait3A_66 : memref<80xi32, #tpu.memory_space<hbm>>) dst(%arg12 : memref<80xi32, #tpu.memory_space<vmem>>)
    %dma_wait3A_67 = arith.constant 0 : i32
    %dma_wait3A_68 = tpu.memref_slice %arg4[%dma_wait3A_67] : memref<320000xi32, #tpu.memory_space<hbm>> -> memref<80xi32, #tpu.memory_space<hbm>>
    %dma_wait3A_69 = arith.constant 0 : i32
    %dma_wait3A_70 = tpu.memref_slice %arg4[%dma_wait3A_69] : memref<320000xi32, #tpu.memory_space<hbm>> -> memref<80xi32, #tpu.memory_space<hbm>>
    tpu.wait_dma2 semaphore(%arg31 : memref<!tpu.dma_semaphore, #tpu.memory_space<semaphore_mem>>) src(%dma_wait3A_70 : memref<80xi32, #tpu.memory_space<hbm>>) dst(%arg18 : memref<80xi32, #tpu.memory_space<vmem>>)
    %dma_start3A_71 = arith.constant 0 : i32
    %dma_start3A_72 = arith.constant 0 : i32
    %dma_start3A_73 = tpu.memref_slice %arg2[%dma_start3A_71, %dma_start3A_72] : memref<10240x128xf32, #tpu.memory_space<hbm>> -> memref<10240x128xf32, #tpu.memory_space<hbm>>
    tpu.enqueue_indirect_dma source(%dma_start3A_73 : memref<10240x128xf32, #tpu.memory_space<hbm>>) target(%arg9 : memref<80x128xf32, #tpu.memory_space<vmem>>) offsets(%arg12 : memref<80xi32, #tpu.memory_space<vmem>>) semaphore(%arg25 : memref<!tpu.dma_semaphore, #tpu.memory_space<semaphore_mem>>)
    %dma_wait3A_74 = arith.constant 0 : i32
    %dma_wait3A_75 = arith.constant 0 : i32
    %dma_wait3A_76 = tpu.memref_slice %arg2[%dma_wait3A_74, %dma_wait3A_75] : memref<10240x128xf32, #tpu.memory_space<hbm>> -> memref<80x128xf32, #tpu.memory_space<hbm>>
    %dma_wait3A_77 = arith.constant 0 : i32
    %dma_wait3A_78 = arith.constant 0 : i32
    %dma_wait3A_79 = tpu.memref_slice %arg2[%dma_wait3A_77, %dma_wait3A_78] : memref<10240x128xf32, #tpu.memory_space<hbm>> -> memref<80x128xf32, #tpu.memory_space<hbm>>
    tpu.wait_dma2 semaphore(%arg25 : memref<!tpu.dma_semaphore, #tpu.memory_space<semaphore_mem>>) src(%dma_wait3A_79 : memref<80x128xf32, #tpu.memory_space<hbm>>) dst(%arg9 : memref<80x128xf32, #tpu.memory_space<vmem>>)
    "tpu.region"() ({
      %run_scoped3A = tpu.sem_alloc : memref<!tpu.dma_semaphore, #tpu.memory_space<semaphore_mem>>
      %dma_start3A_201 = arith.constant 0 : i32
      %dma_start3A_202 = arith.constant 0 : i32
      %dma_start3A_203 = tpu.memref_slice %arg22[%dma_start3A_201, %dma_start3A_202] : memref<10240x128xf32, #tpu.memory_space<vmem_shared>> -> memref<10240x128xf32, #tpu.memory_space<vmem_shared>>
      tpu.enqueue_indirect_dma source(%arg9 : memref<80x128xf32, #tpu.memory_space<vmem>>) target(%dma_start3A_203 : memref<10240x128xf32, #tpu.memory_space<vmem_shared>>) offsets(%arg18 : memref<80xi32, #tpu.memory_space<vmem>>) semaphore(%run_scoped3A : memref<!tpu.dma_semaphore, #tpu.memory_space<semaphore_mem>>) {add = true}
      %dma_wait3A_204 = arith.constant 0 : i32
      %dma_wait3A_205 = arith.constant 0 : i32
      %dma_wait3A_206 = tpu.memref_slice %arg22[%dma_wait3A_204, %dma_wait3A_205] : memref<10240x128xf32, #tpu.memory_space<vmem_shared>> -> memref<10240x128xf32, #tpu.memory_space<vmem_shared>>
      tpu.wait_indirect_dma semaphore(%run_scoped3A : memref<!tpu.dma_semaphore, #tpu.memory_space<semaphore_mem>>) src(%arg9 : memref<80x128xf32, #tpu.memory_space<vmem>>) dst(%dma_wait3A_206 : memref<10240x128xf32, #tpu.memory_space<vmem_shared>>)
      tpu.yield
    }) : () -> ()
    %add3A_80 = arith.constant 240 : i32
    %add3A_81 = arith.addi %mul3A_2, %add3A_80 : i32
    %dma_start3A_82 = tpu.memref_slice %arg3[%add3A_81] : memref<320000xi32, #tpu.memory_space<hbm>> -> memref<80xi32, #tpu.memory_space<hbm>>
    %dma_start3A_83 = tpu.memref_slice %arg3[%add3A_81] : memref<320000xi32, #tpu.memory_space<hbm>> -> memref<80xi32, #tpu.memory_space<hbm>>
    tpu.enqueue_dma source(%dma_start3A_83 : memref<80xi32, #tpu.memory_space<hbm>>) target(%arg13 : memref<80xi32, #tpu.memory_space<vmem>>) target_semaphore(%arg32 : memref<!tpu.dma_semaphore, #tpu.memory_space<semaphore_mem>>)
    %add3A_84 = arith.constant 240 : i32
    %add3A_85 = arith.addi %mul3A_2, %add3A_84 : i32
    %dma_start3A_86 = tpu.memref_slice %arg4[%add3A_85] : memref<320000xi32, #tpu.memory_space<hbm>> -> memref<80xi32, #tpu.memory_space<hbm>>
    %dma_start3A_87 = tpu.memref_slice %arg4[%add3A_85] : memref<320000xi32, #tpu.memory_space<hbm>> -> memref<80xi32, #tpu.memory_space<hbm>>
    tpu.enqueue_dma source(%dma_start3A_87 : memref<80xi32, #tpu.memory_space<hbm>>) target(%arg19 : memref<80xi32, #tpu.memory_space<vmem>>) target_semaphore(%arg32 : memref<!tpu.dma_semaphore, #tpu.memory_space<semaphore_mem>>)
    %dma_wait3A_88 = arith.constant 0 : i32
    %dma_wait3A_89 = tpu.memref_slice %arg3[%dma_wait3A_88] : memref<320000xi32, #tpu.memory_space<hbm>> -> memref<80xi32, #tpu.memory_space<hbm>>
    %dma_wait3A_90 = arith.constant 0 : i32
    %dma_wait3A_91 = tpu.memref_slice %arg3[%dma_wait3A_90] : memref<320000xi32, #tpu.memory_space<hbm>> -> memref<80xi32, #tpu.memory_space<hbm>>
    tpu.wait_dma2 semaphore(%arg32 : memref<!tpu.dma_semaphore, #tpu.memory_space<semaphore_mem>>) src(%dma_wait3A_91 : memref<80xi32, #tpu.memory_space<hbm>>) dst(%arg13 : memref<80xi32, #tpu.memory_space<vmem>>)
    %dma_wait3A_92 = arith.constant 0 : i32
    %dma_wait3A_93 = tpu.memref_slice %arg4[%dma_wait3A_92] : memref<320000xi32, #tpu.memory_space<hbm>> -> memref<80xi32, #tpu.memory_space<hbm>>
    %dma_wait3A_94 = arith.constant 0 : i32
    %dma_wait3A_95 = tpu.memref_slice %arg4[%dma_wait3A_94] : memref<320000xi32, #tpu.memory_space<hbm>> -> memref<80xi32, #tpu.memory_space<hbm>>
    tpu.wait_dma2 semaphore(%arg32 : memref<!tpu.dma_semaphore, #tpu.memory_space<semaphore_mem>>) src(%dma_wait3A_95 : memref<80xi32, #tpu.memory_space<hbm>>) dst(%arg19 : memref<80xi32, #tpu.memory_space<vmem>>)
    %dma_start3A_96 = arith.constant 0 : i32
    %dma_start3A_97 = arith.constant 0 : i32
    %dma_start3A_98 = tpu.memref_slice %arg2[%dma_start3A_96, %dma_start3A_97] : memref<10240x128xf32, #tpu.memory_space<hbm>> -> memref<10240x128xf32, #tpu.memory_space<hbm>>
    tpu.enqueue_indirect_dma source(%dma_start3A_98 : memref<10240x128xf32, #tpu.memory_space<hbm>>) target(%arg7 : memref<80x128xf32, #tpu.memory_space<vmem>>) offsets(%arg13 : memref<80xi32, #tpu.memory_space<vmem>>) semaphore(%arg23 : memref<!tpu.dma_semaphore, #tpu.memory_space<semaphore_mem>>)
    %dma_wait3A_99 = arith.constant 0 : i32
    %dma_wait3A_100 = arith.constant 0 : i32
    %dma_wait3A_101 = tpu.memref_slice %arg2[%dma_wait3A_99, %dma_wait3A_100] : memref<10240x128xf32, #tpu.memory_space<hbm>> -> memref<80x128xf32, #tpu.memory_space<hbm>>
    %dma_wait3A_102 = arith.constant 0 : i32
    %dma_wait3A_103 = arith.constant 0 : i32
    %dma_wait3A_104 = tpu.memref_slice %arg2[%dma_wait3A_102, %dma_wait3A_103] : memref<10240x128xf32, #tpu.memory_space<hbm>> -> memref<80x128xf32, #tpu.memory_space<hbm>>
    tpu.wait_dma2 semaphore(%arg23 : memref<!tpu.dma_semaphore, #tpu.memory_space<semaphore_mem>>) src(%dma_wait3A_104 : memref<80x128xf32, #tpu.memory_space<hbm>>) dst(%arg7 : memref<80x128xf32, #tpu.memory_space<vmem>>)
    "tpu.region"() ({
      %run_scoped3A = tpu.sem_alloc : memref<!tpu.dma_semaphore, #tpu.memory_space<semaphore_mem>>
      %dma_start3A_201 = arith.constant 0 : i32
      %dma_start3A_202 = arith.constant 0 : i32
      %dma_start3A_203 = tpu.memref_slice %arg22[%dma_start3A_201, %dma_start3A_202] : memref<10240x128xf32, #tpu.memory_space<vmem_shared>> -> memref<10240x128xf32, #tpu.memory_space<vmem_shared>>
      tpu.enqueue_indirect_dma source(%arg7 : memref<80x128xf32, #tpu.memory_space<vmem>>) target(%dma_start3A_203 : memref<10240x128xf32, #tpu.memory_space<vmem_shared>>) offsets(%arg19 : memref<80xi32, #tpu.memory_space<vmem>>) semaphore(%run_scoped3A : memref<!tpu.dma_semaphore, #tpu.memory_space<semaphore_mem>>) {add = true}
      %dma_wait3A_204 = arith.constant 0 : i32
      %dma_wait3A_205 = arith.constant 0 : i32
      %dma_wait3A_206 = tpu.memref_slice %arg22[%dma_wait3A_204, %dma_wait3A_205] : memref<10240x128xf32, #tpu.memory_space<vmem_shared>> -> memref<10240x128xf32, #tpu.memory_space<vmem_shared>>
      tpu.wait_indirect_dma semaphore(%run_scoped3A : memref<!tpu.dma_semaphore, #tpu.memory_space<semaphore_mem>>) src(%arg7 : memref<80x128xf32, #tpu.memory_space<vmem>>) dst(%dma_wait3A_206 : memref<10240x128xf32, #tpu.memory_space<vmem_shared>>)
      tpu.yield
    }) : () -> ()
    %add3A_105 = arith.constant 320 : i32
    %add3A_106 = arith.addi %mul3A_2, %add3A_105 : i32
    %dma_start3A_107 = tpu.memref_slice %arg3[%add3A_106] : memref<320000xi32, #tpu.memory_space<hbm>> -> memref<80xi32, #tpu.memory_space<hbm>>
    %dma_start3A_108 = tpu.memref_slice %arg3[%add3A_106] : memref<320000xi32, #tpu.memory_space<hbm>> -> memref<80xi32, #tpu.memory_space<hbm>>
    tpu.enqueue_dma source(%dma_start3A_108 : memref<80xi32, #tpu.memory_space<hbm>>) target(%arg14 : memref<80xi32, #tpu.memory_space<vmem>>) target_semaphore(%arg33 : memref<!tpu.dma_semaphore, #tpu.memory_space<semaphore_mem>>)
    %add3A_109 = arith.constant 320 : i32
    %add3A_110 = arith.addi %mul3A_2, %add3A_109 : i32
    %dma_start3A_111 = tpu.memref_slice %arg4[%add3A_110] : memref<320000xi32, #tpu.memory_space<hbm>> -> memref<80xi32, #tpu.memory_space<hbm>>
    %dma_start3A_112 = tpu.memref_slice %arg4[%add3A_110] : memref<320000xi32, #tpu.memory_space<hbm>> -> memref<80xi32, #tpu.memory_space<hbm>>
    tpu.enqueue_dma source(%dma_start3A_112 : memref<80xi32, #tpu.memory_space<hbm>>) target(%arg20 : memref<80xi32, #tpu.memory_space<vmem>>) target_semaphore(%arg33 : memref<!tpu.dma_semaphore, #tpu.memory_space<semaphore_mem>>)
    %dma_wait3A_113 = arith.constant 0 : i32
    %dma_wait3A_114 = tpu.memref_slice %arg3[%dma_wait3A_113] : memref<320000xi32, #tpu.memory_space<hbm>> -> memref<80xi32, #tpu.memory_space<hbm>>
    %dma_wait3A_115 = arith.constant 0 : i32
    %dma_wait3A_116 = tpu.memref_slice %arg3[%dma_wait3A_115] : memref<320000xi32, #tpu.memory_space<hbm>> -> memref<80xi32, #tpu.memory_space<hbm>>
    tpu.wait_dma2 semaphore(%arg33 : memref<!tpu.dma_semaphore, #tpu.memory_space<semaphore_mem>>) src(%dma_wait3A_116 : memref<80xi32, #tpu.memory_space<hbm>>) dst(%arg14 : memref<80xi32, #tpu.memory_space<vmem>>)
    %dma_wait3A_117 = arith.constant 0 : i32
    %dma_wait3A_118 = tpu.memref_slice %arg4[%dma_wait3A_117] : memref<320000xi32, #tpu.memory_space<hbm>> -> memref<80xi32, #tpu.memory_space<hbm>>
    %dma_wait3A_119 = arith.constant 0 : i32
    %dma_wait3A_120 = tpu.memref_slice %arg4[%dma_wait3A_119] : memref<320000xi32, #tpu.memory_space<hbm>> -> memref<80xi32, #tpu.memory_space<hbm>>
    tpu.wait_dma2 semaphore(%arg33 : memref<!tpu.dma_semaphore, #tpu.memory_space<semaphore_mem>>) src(%dma_wait3A_120 : memref<80xi32, #tpu.memory_space<hbm>>) dst(%arg20 : memref<80xi32, #tpu.memory_space<vmem>>)
    %dma_start3A_121 = arith.constant 0 : i32
    %dma_start3A_122 = arith.constant 0 : i32
    %dma_start3A_123 = tpu.memref_slice %arg2[%dma_start3A_121, %dma_start3A_122] : memref<10240x128xf32, #tpu.memory_space<hbm>> -> memref<10240x128xf32, #tpu.memory_space<hbm>>
    tpu.enqueue_indirect_dma source(%dma_start3A_123 : memref<10240x128xf32, #tpu.memory_space<hbm>>) target(%arg8 : memref<80x128xf32, #tpu.memory_space<vmem>>) offsets(%arg14 : memref<80xi32, #tpu.memory_space<vmem>>) semaphore(%arg24 : memref<!tpu.dma_semaphore, #tpu.memory_space<semaphore_mem>>)
    %dma_wait3A_124 = arith.constant 0 : i32
    %dma_wait3A_125 = arith.constant 0 : i32
    %dma_wait3A_126 = tpu.memref_slice %arg2[%dma_wait3A_124, %dma_wait3A_125] : memref<10240x128xf32, #tpu.memory_space<hbm>> -> memref<80x128xf32, #tpu.memory_space<hbm>>
    %dma_wait3A_127 = arith.constant 0 : i32
    %dma_wait3A_128 = arith.constant 0 : i32
    %dma_wait3A_129 = tpu.memref_slice %arg2[%dma_wait3A_127, %dma_wait3A_128] : memref<10240x128xf32, #tpu.memory_space<hbm>> -> memref<80x128xf32, #tpu.memory_space<hbm>>
    tpu.wait_dma2 semaphore(%arg24 : memref<!tpu.dma_semaphore, #tpu.memory_space<semaphore_mem>>) src(%dma_wait3A_129 : memref<80x128xf32, #tpu.memory_space<hbm>>) dst(%arg8 : memref<80x128xf32, #tpu.memory_space<vmem>>)
    "tpu.region"() ({
      %run_scoped3A = tpu.sem_alloc : memref<!tpu.dma_semaphore, #tpu.memory_space<semaphore_mem>>
      %dma_start3A_201 = arith.constant 0 : i32
      %dma_start3A_202 = arith.constant 0 : i32
      %dma_start3A_203 = tpu.memref_slice %arg22[%dma_start3A_201, %dma_start3A_202] : memref<10240x128xf32, #tpu.memory_space<vmem_shared>> -> memref<10240x128xf32, #tpu.memory_space<vmem_shared>>
      tpu.enqueue_indirect_dma source(%arg8 : memref<80x128xf32, #tpu.memory_space<vmem>>) target(%dma_start3A_203 : memref<10240x128xf32, #tpu.memory_space<vmem_shared>>) offsets(%arg20 : memref<80xi32, #tpu.memory_space<vmem>>) semaphore(%run_scoped3A : memref<!tpu.dma_semaphore, #tpu.memory_space<semaphore_mem>>) {add = true}
      %dma_wait3A_204 = arith.constant 0 : i32
      %dma_wait3A_205 = arith.constant 0 : i32
      %dma_wait3A_206 = tpu.memref_slice %arg22[%dma_wait3A_204, %dma_wait3A_205] : memref<10240x128xf32, #tpu.memory_space<vmem_shared>> -> memref<10240x128xf32, #tpu.memory_space<vmem_shared>>
      tpu.wait_indirect_dma semaphore(%run_scoped3A : memref<!tpu.dma_semaphore, #tpu.memory_space<semaphore_mem>>) src(%arg8 : memref<80x128xf32, #tpu.memory_space<vmem>>) dst(%dma_wait3A_206 : memref<10240x128xf32, #tpu.memory_space<vmem_shared>>)
      tpu.yield
    }) : () -> ()
    %add3A_130 = arith.constant 400 : i32
    %add3A_131 = arith.addi %mul3A_2, %add3A_130 : i32
    %dma_start3A_132 = tpu.memref_slice %arg3[%add3A_131] : memref<320000xi32, #tpu.memory_space<hbm>> -> memref<80xi32, #tpu.memory_space<hbm>>
    %dma_start3A_133 = tpu.memref_slice %arg3[%add3A_131] : memref<320000xi32, #tpu.memory_space<hbm>> -> memref<80xi32, #tpu.memory_space<hbm>>
    tpu.enqueue_dma source(%dma_start3A_133 : memref<80xi32, #tpu.memory_space<hbm>>) target(%arg15 : memref<80xi32, #tpu.memory_space<vmem>>) target_semaphore(%arg34 : memref<!tpu.dma_semaphore, #tpu.memory_space<semaphore_mem>>)
    %add3A_134 = arith.constant 400 : i32
    %add3A_135 = arith.addi %mul3A_2, %add3A_134 : i32
    %dma_start3A_136 = tpu.memref_slice %arg4[%add3A_135] : memref<320000xi32, #tpu.memory_space<hbm>> -> memref<80xi32, #tpu.memory_space<hbm>>
    %dma_start3A_137 = tpu.memref_slice %arg4[%add3A_135] : memref<320000xi32, #tpu.memory_space<hbm>> -> memref<80xi32, #tpu.memory_space<hbm>>
    tpu.enqueue_dma source(%dma_start3A_137 : memref<80xi32, #tpu.memory_space<hbm>>) target(%arg21 : memref<80xi32, #tpu.memory_space<vmem>>) target_semaphore(%arg34 : memref<!tpu.dma_semaphore, #tpu.memory_space<semaphore_mem>>)
    %add3A_138 = arith.constant 480 : i32
    %add3A_139 = arith.addi %mul3A_2, %add3A_138 : i32
    %dma_start3A_140 = tpu.memref_slice %arg3[%add3A_139] : memref<320000xi32, #tpu.memory_space<hbm>> -> memref<80xi32, #tpu.memory_space<hbm>>
    %dma_start3A_141 = tpu.memref_slice %arg3[%add3A_139] : memref<320000xi32, #tpu.memory_space<hbm>> -> memref<80xi32, #tpu.memory_space<hbm>>
    tpu.enqueue_dma source(%dma_start3A_141 : memref<80xi32, #tpu.memory_space<hbm>>) target(%arg10 : memref<80xi32, #tpu.memory_space<vmem>>) target_semaphore(%arg29 : memref<!tpu.dma_semaphore, #tpu.memory_space<semaphore_mem>>)
    %add3A_142 = arith.constant 480 : i32
    %add3A_143 = arith.addi %mul3A_2, %add3A_142 : i32
    %dma_start3A_144 = tpu.memref_slice %arg4[%add3A_143] : memref<320000xi32, #tpu.memory_space<hbm>> -> memref<80xi32, #tpu.memory_space<hbm>>
    %dma_start3A_145 = tpu.memref_slice %arg4[%add3A_143] : memref<320000xi32, #tpu.memory_space<hbm>> -> memref<80xi32, #tpu.memory_space<hbm>>
    tpu.enqueue_dma source(%dma_start3A_145 : memref<80xi32, #tpu.memory_space<hbm>>) target(%arg16 : memref<80xi32, #tpu.memory_space<vmem>>) target_semaphore(%arg29 : memref<!tpu.dma_semaphore, #tpu.memory_space<semaphore_mem>>)
    %add3A_146 = arith.constant 560 : i32
    %add3A_147 = arith.addi %mul3A_2, %add3A_146 : i32
    %dma_start3A_148 = tpu.memref_slice %arg3[%add3A_147] : memref<320000xi32, #tpu.memory_space<hbm>> -> memref<80xi32, #tpu.memory_space<hbm>>
    %dma_start3A_149 = tpu.memref_slice %arg3[%add3A_147] : memref<320000xi32, #tpu.memory_space<hbm>> -> memref<80xi32, #tpu.memory_space<hbm>>
    tpu.enqueue_dma source(%dma_start3A_149 : memref<80xi32, #tpu.memory_space<hbm>>) target(%arg11 : memref<80xi32, #tpu.memory_space<vmem>>) target_semaphore(%arg30 : memref<!tpu.dma_semaphore, #tpu.memory_space<semaphore_mem>>)
    %add3A_150 = arith.constant 560 : i32
    %add3A_151 = arith.addi %mul3A_2, %add3A_150 : i32
    %dma_start3A_152 = tpu.memref_slice %arg4[%add3A_151] : memref<320000xi32, #tpu.memory_space<hbm>> -> memref<80xi32, #tpu.memory_space<hbm>>
    %dma_start3A_153 = tpu.memref_slice %arg4[%add3A_151] : memref<320000xi32, #tpu.memory_space<hbm>> -> memref<80xi32, #tpu.memory_space<hbm>>
    tpu.enqueue_dma source(%dma_start3A_153 : memref<80xi32, #tpu.memory_space<hbm>>) target(%arg17 : memref<80xi32, #tpu.memory_space<vmem>>) target_semaphore(%arg30 : memref<!tpu.dma_semaphore, #tpu.memory_space<semaphore_mem>>)
    %add3A_154 = arith.constant 640 : i32
    %add3A_155 = arith.addi %mul3A_2, %add3A_154 : i32
    %dma_start3A_156 = tpu.memref_slice %arg3[%add3A_155] : memref<320000xi32, #tpu.memory_space<hbm>> -> memref<80xi32, #tpu.memory_space<hbm>>
    %dma_start3A_157 = tpu.memref_slice %arg3[%add3A_155] : memref<320000xi32, #tpu.memory_space<hbm>> -> memref<80xi32, #tpu.memory_space<hbm>>
    tpu.enqueue_dma source(%dma_start3A_157 : memref<80xi32, #tpu.memory_space<hbm>>) target(%arg12 : memref<80xi32, #tpu.memory_space<vmem>>) target_semaphore(%arg31 : memref<!tpu.dma_semaphore, #tpu.memory_space<semaphore_mem>>)
    %add3A_158 = arith.constant 640 : i32
    %add3A_159 = arith.addi %mul3A_2, %add3A_158 : i32
    %dma_start3A_160 = tpu.memref_slice %arg4[%add3A_159] : memref<320000xi32, #tpu.memory_space<hbm>> -> memref<80xi32, #tpu.memory_space<hbm>>
    %dma_start3A_161 = tpu.memref_slice %arg4[%add3A_159] : memref<320000xi32, #tpu.memory_space<hbm>> -> memref<80xi32, #tpu.memory_space<hbm>>
    tpu.enqueue_dma source(%dma_start3A_161 : memref<80xi32, #tpu.memory_space<hbm>>) target(%arg18 : memref<80xi32, #tpu.memory_space<vmem>>) target_semaphore(%arg31 : memref<!tpu.dma_semaphore, #tpu.memory_space<semaphore_mem>>)
    %dma_wait3A_162 = arith.constant 0 : i32
    %dma_wait3A_163 = tpu.memref_slice %arg3[%dma_wait3A_162] : memref<320000xi32, #tpu.memory_space<hbm>> -> memref<80xi32, #tpu.memory_space<hbm>>
    %dma_wait3A_164 = arith.constant 0 : i32
    %dma_wait3A_165 = tpu.memref_slice %arg3[%dma_wait3A_164] : memref<320000xi32, #tpu.memory_space<hbm>> -> memref<80xi32, #tpu.memory_space<hbm>>
    tpu.wait_dma2 semaphore(%arg34 : memref<!tpu.dma_semaphore, #tpu.memory_space<semaphore_mem>>) src(%dma_wait3A_165 : memref<80xi32, #tpu.memory_space<hbm>>) dst(%arg15 : memref<80xi32, #tpu.memory_space<vmem>>)
    %dma_wait3A_166 = arith.constant 0 : i32
    %dma_wait3A_167 = tpu.memref_slice %arg4[%dma_wait3A_166] : memref<320000xi32, #tpu.memory_space<hbm>> -> memref<80xi32, #tpu.memory_space<hbm>>
    %dma_wait3A_168 = arith.constant 0 : i32
    %dma_wait3A_169 = tpu.memref_slice %arg4[%dma_wait3A_168] : memref<320000xi32, #tpu.memory_space<hbm>> -> memref<80xi32, #tpu.memory_space<hbm>>
    tpu.wait_dma2 semaphore(%arg34 : memref<!tpu.dma_semaphore, #tpu.memory_space<semaphore_mem>>) src(%dma_wait3A_169 : memref<80xi32, #tpu.memory_space<hbm>>) dst(%arg21 : memref<80xi32, #tpu.memory_space<vmem>>)
    %dma_start3A_170 = arith.constant 0 : i32
    %dma_start3A_171 = arith.constant 0 : i32
    %dma_start3A_172 = tpu.memref_slice %arg2[%dma_start3A_170, %dma_start3A_171] : memref<10240x128xf32, #tpu.memory_space<hbm>> -> memref<10240x128xf32, #tpu.memory_space<hbm>>
    tpu.enqueue_indirect_dma source(%dma_start3A_172 : memref<10240x128xf32, #tpu.memory_space<hbm>>) target(%arg9 : memref<80x128xf32, #tpu.memory_space<vmem>>) offsets(%arg15 : memref<80xi32, #tpu.memory_space<vmem>>) semaphore(%arg25 : memref<!tpu.dma_semaphore, #tpu.memory_space<semaphore_mem>>)
    %dma_wait3A_173 = arith.constant 0 : i32
    %dma_wait3A_174 = tpu.memref_slice %arg3[%dma_wait3A_173] : memref<320000xi32, #tpu.memory_space<hbm>> -> memref<80xi32, #tpu.memory_space<hbm>>
    %dma_wait3A_175 = arith.constant 0 : i32
    %dma_wait3A_176 = tpu.memref_slice %arg3[%dma_wait3A_175] : memref<320000xi32, #tpu.memory_space<hbm>> -> memref<80xi32, #tpu.memory_space<hbm>>
    tpu.wait_dma2 semaphore(%arg29 : memref<!tpu.dma_semaphore, #tpu.memory_space<semaphore_mem>>) src(%dma_wait3A_176 : memref<80xi32, #tpu.memory_space<hbm>>) dst(%arg10 : memref<80xi32, #tpu.memory_space<vmem>>)
    %dma_wait3A_177 = arith.constant 0 : i32
    %dma_wait3A_178 = tpu.memref_slice %arg4[%dma_wait3A_177] : memref<320000xi32, #tpu.memory_space<hbm>> -> memref<80xi32, #tpu.memory_space<hbm>>
    %dma_wait3A_179 = arith.constant 0 : i32
    %dma_wait3A_180 = tpu.memref_slice %arg4[%dma_wait3A_179] : memref<320000xi32, #tpu.memory_space<hbm>> -> memref<80xi32, #tpu.memory_space<hbm>>
    tpu.wait_dma2 semaphore(%arg29 : memref<!tpu.dma_semaphore, #tpu.memory_space<semaphore_mem>>) src(%dma_wait3A_180 : memref<80xi32, #tpu.memory_space<hbm>>) dst(%arg16 : memref<80xi32, #tpu.memory_space<vmem>>)
    %dma_start3A_181 = arith.constant 0 : i32
    %dma_start3A_182 = arith.constant 0 : i32
    %dma_start3A_183 = tpu.memref_slice %arg2[%dma_start3A_181, %dma_start3A_182] : memref<10240x128xf32, #tpu.memory_space<hbm>> -> memref<10240x128xf32, #tpu.memory_space<hbm>>
    tpu.enqueue_indirect_dma source(%dma_start3A_183 : memref<10240x128xf32, #tpu.memory_space<hbm>>) target(%arg7 : memref<80x128xf32, #tpu.memory_space<vmem>>) offsets(%arg10 : memref<80xi32, #tpu.memory_space<vmem>>) semaphore(%arg23 : memref<!tpu.dma_semaphore, #tpu.memory_space<semaphore_mem>>)
    %scan3A_184 = arith.constant 0 : i32
    %scan3A_185 = arith.constant 20 : i32
    %scan3A_186 = arith.addi %scan3A_184, %scan3A_185 : i32
    %scan3A_187 = arith.constant 1 : i32
    scf.for %scan3A_201 = %scan3A_184 to %scan3A_186 step %scan3A_187  : i32 {
      %mul3A_202 = arith.constant 1 : i32
      %mul3A_203 = arith.muli %scan3A_201, %mul3A_202 : i32
      %add3A_204 = arith.constant 0 : i32
      %add3A_205 = arith.addi %add3A_204, %mul3A_203 : i32
      %mul3A_206 = arith.constant 6 : i32
      %mul3A_207 = arith.muli %add3A_205, %mul3A_206 : i32
      %add3A_208 = arith.constant 5 : i32
      %add3A_209 = arith.addi %add3A_208, %mul3A_207 : i32
      %add3A_210 = arith.constant 0 : i32
      %add3A_211 = arith.addi %add3A_209, %add3A_210 : i32
      %dma_wait3A_212 = arith.constant 0 : i32
      %dma_wait3A_213 = arith.constant 0 : i32
      %dma_wait3A_214 = tpu.memref_slice %arg2[%dma_wait3A_212, %dma_wait3A_213] : memref<10240x128xf32, #tpu.memory_space<hbm>> -> memref<80x128xf32, #tpu.memory_space<hbm>>
      %dma_wait3A_215 = arith.constant 0 : i32
      %dma_wait3A_216 = arith.constant 0 : i32
      %dma_wait3A_217 = tpu.memref_slice %arg2[%dma_wait3A_215, %dma_wait3A_216] : memref<10240x128xf32, #tpu.memory_space<hbm>> -> memref<80x128xf32, #tpu.memory_space<hbm>>
      tpu.wait_dma2 semaphore(%arg25 : memref<!tpu.dma_semaphore, #tpu.memory_space<semaphore_mem>>) src(%dma_wait3A_217 : memref<80x128xf32, #tpu.memory_space<hbm>>) dst(%arg9 : memref<80x128xf32, #tpu.memory_space<vmem>>)
      %dma_start3A_218 = arith.constant 0 : i32
      %dma_start3A_219 = arith.constant 0 : i32
      %dma_start3A_220 = tpu.memref_slice %arg22[%dma_start3A_218, %dma_start3A_219] : memref<10240x128xf32, #tpu.memory_space<vmem_shared>> -> memref<10240x128xf32, #tpu.memory_space<vmem_shared>>
      tpu.enqueue_indirect_dma source(%arg9 : memref<80x128xf32, #tpu.memory_space<vmem>>) target(%dma_start3A_220 : memref<10240x128xf32, #tpu.memory_space<vmem_shared>>) offsets(%arg21 : memref<80xi32, #tpu.memory_space<vmem>>) semaphore(%arg28 : memref<!tpu.dma_semaphore, #tpu.memory_space<semaphore_mem>>) {add = true}
      %add3A_221 = arith.constant 4 : i32
      %add3A_222 = arith.addi %add3A_211, %add3A_221 : i32
      %lt3A = arith.constant 125 : i32
      %lt3A_223 = arith.cmpi slt, %add3A_222, %lt3A : i32
      %convert_element_type3A = arith.extui %lt3A_223 : i1 to i32
      %cond3A = arith.constant 0 : i32
      %cond3A_224 = arith.cmpi ne, %convert_element_type3A, %cond3A : i32
      scf.if %cond3A_224 {
        %add3A_406 = arith.constant 4 : i32
        %add3A_407 = arith.addi %add3A_211, %add3A_406 : i32
        %mul3A_408 = arith.constant 80 : i32
        %mul3A_409 = arith.muli %add3A_407, %mul3A_408 : i32
        %add3A_410 = arith.addi %mul3A_2, %mul3A_409 : i32
        %dma_start3A_411 = tpu.memref_slice %arg3[%add3A_410] : memref<320000xi32, #tpu.memory_space<hbm>> -> memref<80xi32, #tpu.memory_space<hbm>>
        %dma_start3A_412 = tpu.memref_slice %arg3[%add3A_410] : memref<320000xi32, #tpu.memory_space<hbm>> -> memref<80xi32, #tpu.memory_space<hbm>>
        tpu.enqueue_dma source(%dma_start3A_412 : memref<80xi32, #tpu.memory_space<hbm>>) target(%arg13 : memref<80xi32, #tpu.memory_space<vmem>>) target_semaphore(%arg32 : memref<!tpu.dma_semaphore, #tpu.memory_space<semaphore_mem>>)
        %mul3A_413 = arith.constant 80 : i32
        %mul3A_414 = arith.muli %add3A_407, %mul3A_413 : i32
        %add3A_415 = arith.addi %mul3A_2, %mul3A_414 : i32
        %dma_start3A_416 = tpu.memref_slice %arg4[%add3A_415] : memref<320000xi32, #tpu.memory_space<hbm>> -> memref<80xi32, #tpu.memory_space<hbm>>
        %dma_start3A_417 = tpu.memref_slice %arg4[%add3A_415] : memref<320000xi32, #tpu.memory_space<hbm>> -> memref<80xi32, #tpu.memory_space<hbm>>
        tpu.enqueue_dma source(%dma_start3A_417 : memref<80xi32, #tpu.memory_space<hbm>>) target(%arg19 : memref<80xi32, #tpu.memory_space<vmem>>) target_semaphore(%arg32 : memref<!tpu.dma_semaphore, #tpu.memory_space<semaphore_mem>>)
      } else {
      }
      %ge3A = arith.constant 6 : i32
      %ge3A_225 = arith.cmpi sge, %add3A_211, %ge3A : i32
      %convert_element_type3A_226 = arith.extui %ge3A_225 : i1 to i32
      %cond3A_227 = arith.constant 0 : i32
      %cond3A_228 = arith.cmpi ne, %convert_element_type3A_226, %cond3A_227 : i32
      scf.if %cond3A_228 {
        %dma_wait3A_406 = arith.constant 0 : i32
        %dma_wait3A_407 = arith.constant 0 : i32
        %dma_wait3A_408 = tpu.memref_slice %arg22[%dma_wait3A_406, %dma_wait3A_407] : memref<10240x128xf32, #tpu.memory_space<vmem_shared>> -> memref<80x128xf32, #tpu.memory_space<vmem_shared>>
        %dma_wait3A_409 = arith.constant 0 : i32
        %dma_wait3A_410 = arith.constant 0 : i32
        %dma_wait3A_411 = tpu.memref_slice %arg22[%dma_wait3A_409, %dma_wait3A_410] : memref<10240x128xf32, #tpu.memory_space<vmem_shared>> -> memref<80x128xf32, #tpu.memory_space<vmem_shared>>
        tpu.wait_dma2 semaphore(%arg27 : memref<!tpu.dma_semaphore, #tpu.memory_space<semaphore_mem>>) src(%arg8 : memref<80x128xf32, #tpu.memory_space<vmem>>) dst(%dma_wait3A_411 : memref<80x128xf32, #tpu.memory_space<vmem_shared>>)
      } else {
      }
      %add3A_229 = arith.constant 2 : i32
      %add3A_230 = arith.addi %add3A_211, %add3A_229 : i32
      %lt3A_231 = arith.constant 125 : i32
      %lt3A_232 = arith.cmpi slt, %add3A_230, %lt3A_231 : i32
      %convert_element_type3A_233 = arith.extui %lt3A_232 : i1 to i32
      %cond3A_234 = arith.constant 0 : i32
      %cond3A_235 = arith.cmpi ne, %convert_element_type3A_233, %cond3A_234 : i32
      scf.if %cond3A_235 {
        %dma_wait3A_406 = arith.constant 0 : i32
        %dma_wait3A_407 = tpu.memref_slice %arg3[%dma_wait3A_406] : memref<320000xi32, #tpu.memory_space<hbm>> -> memref<80xi32, #tpu.memory_space<hbm>>
        %dma_wait3A_408 = arith.constant 0 : i32
        %dma_wait3A_409 = tpu.memref_slice %arg3[%dma_wait3A_408] : memref<320000xi32, #tpu.memory_space<hbm>> -> memref<80xi32, #tpu.memory_space<hbm>>
        tpu.wait_dma2 semaphore(%arg30 : memref<!tpu.dma_semaphore, #tpu.memory_space<semaphore_mem>>) src(%dma_wait3A_409 : memref<80xi32, #tpu.memory_space<hbm>>) dst(%arg11 : memref<80xi32, #tpu.memory_space<vmem>>)
        %dma_wait3A_410 = arith.constant 0 : i32
        %dma_wait3A_411 = tpu.memref_slice %arg4[%dma_wait3A_410] : memref<320000xi32, #tpu.memory_space<hbm>> -> memref<80xi32, #tpu.memory_space<hbm>>
        %dma_wait3A_412 = arith.constant 0 : i32
        %dma_wait3A_413 = tpu.memref_slice %arg4[%dma_wait3A_412] : memref<320000xi32, #tpu.memory_space<hbm>> -> memref<80xi32, #tpu.memory_space<hbm>>
        tpu.wait_dma2 semaphore(%arg30 : memref<!tpu.dma_semaphore, #tpu.memory_space<semaphore_mem>>) src(%dma_wait3A_413 : memref<80xi32, #tpu.memory_space<hbm>>) dst(%arg17 : memref<80xi32, #tpu.memory_space<vmem>>)
        %dma_start3A_414 = arith.constant 0 : i32
        %dma_start3A_415 = arith.constant 0 : i32
        %dma_start3A_416 = tpu.memref_slice %arg2[%dma_start3A_414, %dma_start3A_415] : memref<10240x128xf32, #tpu.memory_space<hbm>> -> memref<10240x128xf32, #tpu.memory_space<hbm>>
        tpu.enqueue_indirect_dma source(%dma_start3A_416 : memref<10240x128xf32, #tpu.memory_space<hbm>>) target(%arg8 : memref<80x128xf32, #tpu.memory_space<vmem>>) offsets(%arg11 : memref<80xi32, #tpu.memory_space<vmem>>) semaphore(%arg24 : memref<!tpu.dma_semaphore, #tpu.memory_space<semaphore_mem>>)
      } else {
      }
      %mul3A_236 = arith.constant 6 : i32
      %mul3A_237 = arith.muli %add3A_205, %mul3A_236 : i32
      %add3A_238 = arith.constant 5 : i32
      %add3A_239 = arith.addi %add3A_238, %mul3A_237 : i32
      %add3A_240 = arith.constant 1 : i32
      %add3A_241 = arith.addi %add3A_239, %add3A_240 : i32
      %dma_wait3A_242 = arith.constant 0 : i32
      %dma_wait3A_243 = arith.constant 0 : i32
      %dma_wait3A_244 = tpu.memref_slice %arg2[%dma_wait3A_242, %dma_wait3A_243] : memref<10240x128xf32, #tpu.memory_space<hbm>> -> memref<80x128xf32, #tpu.memory_space<hbm>>
      %dma_wait3A_245 = arith.constant 0 : i32
      %dma_wait3A_246 = arith.constant 0 : i32
      %dma_wait3A_247 = tpu.memref_slice %arg2[%dma_wait3A_245, %dma_wait3A_246] : memref<10240x128xf32, #tpu.memory_space<hbm>> -> memref<80x128xf32, #tpu.memory_space<hbm>>
      tpu.wait_dma2 semaphore(%arg23 : memref<!tpu.dma_semaphore, #tpu.memory_space<semaphore_mem>>) src(%dma_wait3A_247 : memref<80x128xf32, #tpu.memory_space<hbm>>) dst(%arg7 : memref<80x128xf32, #tpu.memory_space<vmem>>)
      %dma_start3A_248 = arith.constant 0 : i32
      %dma_start3A_249 = arith.constant 0 : i32
      %dma_start3A_250 = tpu.memref_slice %arg22[%dma_start3A_248, %dma_start3A_249] : memref<10240x128xf32, #tpu.memory_space<vmem_shared>> -> memref<10240x128xf32, #tpu.memory_space<vmem_shared>>
      tpu.enqueue_indirect_dma source(%arg7 : memref<80x128xf32, #tpu.memory_space<vmem>>) target(%dma_start3A_250 : memref<10240x128xf32, #tpu.memory_space<vmem_shared>>) offsets(%arg16 : memref<80xi32, #tpu.memory_space<vmem>>) semaphore(%arg26 : memref<!tpu.dma_semaphore, #tpu.memory_space<semaphore_mem>>) {add = true}
      %add3A_251 = arith.constant 4 : i32
      %add3A_252 = arith.addi %add3A_241, %add3A_251 : i32
      %lt3A_253 = arith.constant 125 : i32
      %lt3A_254 = arith.cmpi slt, %add3A_252, %lt3A_253 : i32
      %convert_element_type3A_255 = arith.extui %lt3A_254 : i1 to i32
      %cond3A_256 = arith.constant 0 : i32
      %cond3A_257 = arith.cmpi ne, %convert_element_type3A_255, %cond3A_256 : i32
      scf.if %cond3A_257 {
        %add3A_406 = arith.constant 4 : i32
        %add3A_407 = arith.addi %add3A_241, %add3A_406 : i32
        %mul3A_408 = arith.constant 80 : i32
        %mul3A_409 = arith.muli %add3A_407, %mul3A_408 : i32
        %add3A_410 = arith.addi %mul3A_2, %mul3A_409 : i32
        %dma_start3A_411 = tpu.memref_slice %arg3[%add3A_410] : memref<320000xi32, #tpu.memory_space<hbm>> -> memref<80xi32, #tpu.memory_space<hbm>>
        %dma_start3A_412 = tpu.memref_slice %arg3[%add3A_410] : memref<320000xi32, #tpu.memory_space<hbm>> -> memref<80xi32, #tpu.memory_space<hbm>>
        tpu.enqueue_dma source(%dma_start3A_412 : memref<80xi32, #tpu.memory_space<hbm>>) target(%arg14 : memref<80xi32, #tpu.memory_space<vmem>>) target_semaphore(%arg33 : memref<!tpu.dma_semaphore, #tpu.memory_space<semaphore_mem>>)
        %mul3A_413 = arith.constant 80 : i32
        %mul3A_414 = arith.muli %add3A_407, %mul3A_413 : i32
        %add3A_415 = arith.addi %mul3A_2, %mul3A_414 : i32
        %dma_start3A_416 = tpu.memref_slice %arg4[%add3A_415] : memref<320000xi32, #tpu.memory_space<hbm>> -> memref<80xi32, #tpu.memory_space<hbm>>
        %dma_start3A_417 = tpu.memref_slice %arg4[%add3A_415] : memref<320000xi32, #tpu.memory_space<hbm>> -> memref<80xi32, #tpu.memory_space<hbm>>
        tpu.enqueue_dma source(%dma_start3A_417 : memref<80xi32, #tpu.memory_space<hbm>>) target(%arg20 : memref<80xi32, #tpu.memory_space<vmem>>) target_semaphore(%arg33 : memref<!tpu.dma_semaphore, #tpu.memory_space<semaphore_mem>>)
      } else {
      }
      %ge3A_258 = arith.constant 6 : i32
      %ge3A_259 = arith.cmpi sge, %add3A_241, %ge3A_258 : i32
      %convert_element_type3A_260 = arith.extui %ge3A_259 : i1 to i32
      %cond3A_261 = arith.constant 0 : i32
      %cond3A_262 = arith.cmpi ne, %convert_element_type3A_260, %cond3A_261 : i32
      scf.if %cond3A_262 {
        %dma_wait3A_406 = arith.constant 0 : i32
        %dma_wait3A_407 = arith.constant 0 : i32
        %dma_wait3A_408 = tpu.memref_slice %arg22[%dma_wait3A_406, %dma_wait3A_407] : memref<10240x128xf32, #tpu.memory_space<vmem_shared>> -> memref<80x128xf32, #tpu.memory_space<vmem_shared>>
        %dma_wait3A_409 = arith.constant 0 : i32
        %dma_wait3A_410 = arith.constant 0 : i32
        %dma_wait3A_411 = tpu.memref_slice %arg22[%dma_wait3A_409, %dma_wait3A_410] : memref<10240x128xf32, #tpu.memory_space<vmem_shared>> -> memref<80x128xf32, #tpu.memory_space<vmem_shared>>
        tpu.wait_dma2 semaphore(%arg28 : memref<!tpu.dma_semaphore, #tpu.memory_space<semaphore_mem>>) src(%arg9 : memref<80x128xf32, #tpu.memory_space<vmem>>) dst(%dma_wait3A_411 : memref<80x128xf32, #tpu.memory_space<vmem_shared>>)
      } else {
      }
      %add3A_263 = arith.constant 2 : i32
      %add3A_264 = arith.addi %add3A_241, %add3A_263 : i32
      %lt3A_265 = arith.constant 125 : i32
      %lt3A_266 = arith.cmpi slt, %add3A_264, %lt3A_265 : i32
      %convert_element_type3A_267 = arith.extui %lt3A_266 : i1 to i32
      %cond3A_268 = arith.constant 0 : i32
      %cond3A_269 = arith.cmpi ne, %convert_element_type3A_267, %cond3A_268 : i32
      scf.if %cond3A_269 {
        %dma_wait3A_406 = arith.constant 0 : i32
        %dma_wait3A_407 = tpu.memref_slice %arg3[%dma_wait3A_406] : memref<320000xi32, #tpu.memory_space<hbm>> -> memref<80xi32, #tpu.memory_space<hbm>>
        %dma_wait3A_408 = arith.constant 0 : i32
        %dma_wait3A_409 = tpu.memref_slice %arg3[%dma_wait3A_408] : memref<320000xi32, #tpu.memory_space<hbm>> -> memref<80xi32, #tpu.memory_space<hbm>>
        tpu.wait_dma2 semaphore(%arg31 : memref<!tpu.dma_semaphore, #tpu.memory_space<semaphore_mem>>) src(%dma_wait3A_409 : memref<80xi32, #tpu.memory_space<hbm>>) dst(%arg12 : memref<80xi32, #tpu.memory_space<vmem>>)
        %dma_wait3A_410 = arith.constant 0 : i32
        %dma_wait3A_411 = tpu.memref_slice %arg4[%dma_wait3A_410] : memref<320000xi32, #tpu.memory_space<hbm>> -> memref<80xi32, #tpu.memory_space<hbm>>
        %dma_wait3A_412 = arith.constant 0 : i32
        %dma_wait3A_413 = tpu.memref_slice %arg4[%dma_wait3A_412] : memref<320000xi32, #tpu.memory_space<hbm>> -> memref<80xi32, #tpu.memory_space<hbm>>
        tpu.wait_dma2 semaphore(%arg31 : memref<!tpu.dma_semaphore, #tpu.memory_space<semaphore_mem>>) src(%dma_wait3A_413 : memref<80xi32, #tpu.memory_space<hbm>>) dst(%arg18 : memref<80xi32, #tpu.memory_space<vmem>>)
        %dma_start3A_414 = arith.constant 0 : i32
        %dma_start3A_415 = arith.constant 0 : i32
        %dma_start3A_416 = tpu.memref_slice %arg2[%dma_start3A_414, %dma_start3A_415] : memref<10240x128xf32, #tpu.memory_space<hbm>> -> memref<10240x128xf32, #tpu.memory_space<hbm>>
        tpu.enqueue_indirect_dma source(%dma_start3A_416 : memref<10240x128xf32, #tpu.memory_space<hbm>>) target(%arg9 : memref<80x128xf32, #tpu.memory_space<vmem>>) offsets(%arg12 : memref<80xi32, #tpu.memory_space<vmem>>) semaphore(%arg25 : memref<!tpu.dma_semaphore, #tpu.memory_space<semaphore_mem>>)
      } else {
      }
      %mul3A_270 = arith.constant 6 : i32
      %mul3A_271 = arith.muli %add3A_205, %mul3A_270 : i32
      %add3A_272 = arith.constant 5 : i32
      %add3A_273 = arith.addi %add3A_272, %mul3A_271 : i32
      %add3A_274 = arith.constant 2 : i32
      %add3A_275 = arith.addi %add3A_273, %add3A_274 : i32
      %dma_wait3A_276 = arith.constant 0 : i32
      %dma_wait3A_277 = arith.constant 0 : i32
      %dma_wait3A_278 = tpu.memref_slice %arg2[%dma_wait3A_276, %dma_wait3A_277] : memref<10240x128xf32, #tpu.memory_space<hbm>> -> memref<80x128xf32, #tpu.memory_space<hbm>>
      %dma_wait3A_279 = arith.constant 0 : i32
      %dma_wait3A_280 = arith.constant 0 : i32
      %dma_wait3A_281 = tpu.memref_slice %arg2[%dma_wait3A_279, %dma_wait3A_280] : memref<10240x128xf32, #tpu.memory_space<hbm>> -> memref<80x128xf32, #tpu.memory_space<hbm>>
      tpu.wait_dma2 semaphore(%arg24 : memref<!tpu.dma_semaphore, #tpu.memory_space<semaphore_mem>>) src(%dma_wait3A_281 : memref<80x128xf32, #tpu.memory_space<hbm>>) dst(%arg8 : memref<80x128xf32, #tpu.memory_space<vmem>>)
      %dma_start3A_282 = arith.constant 0 : i32
      %dma_start3A_283 = arith.constant 0 : i32
      %dma_start3A_284 = tpu.memref_slice %arg22[%dma_start3A_282, %dma_start3A_283] : memref<10240x128xf32, #tpu.memory_space<vmem_shared>> -> memref<10240x128xf32, #tpu.memory_space<vmem_shared>>
      tpu.enqueue_indirect_dma source(%arg8 : memref<80x128xf32, #tpu.memory_space<vmem>>) target(%dma_start3A_284 : memref<10240x128xf32, #tpu.memory_space<vmem_shared>>) offsets(%arg17 : memref<80xi32, #tpu.memory_space<vmem>>) semaphore(%arg27 : memref<!tpu.dma_semaphore, #tpu.memory_space<semaphore_mem>>) {add = true}
      %add3A_285 = arith.constant 4 : i32
      %add3A_286 = arith.addi %add3A_275, %add3A_285 : i32
      %lt3A_287 = arith.constant 125 : i32
      %lt3A_288 = arith.cmpi slt, %add3A_286, %lt3A_287 : i32
      %convert_element_type3A_289 = arith.extui %lt3A_288 : i1 to i32
      %cond3A_290 = arith.constant 0 : i32
      %cond3A_291 = arith.cmpi ne, %convert_element_type3A_289, %cond3A_290 : i32
      scf.if %cond3A_291 {
        %add3A_406 = arith.constant 4 : i32
        %add3A_407 = arith.addi %add3A_275, %add3A_406 : i32
        %mul3A_408 = arith.constant 80 : i32
        %mul3A_409 = arith.muli %add3A_407, %mul3A_408 : i32
        %add3A_410 = arith.addi %mul3A_2, %mul3A_409 : i32
        %dma_start3A_411 = tpu.memref_slice %arg3[%add3A_410] : memref<320000xi32, #tpu.memory_space<hbm>> -> memref<80xi32, #tpu.memory_space<hbm>>
        %dma_start3A_412 = tpu.memref_slice %arg3[%add3A_410] : memref<320000xi32, #tpu.memory_space<hbm>> -> memref<80xi32, #tpu.memory_space<hbm>>
        tpu.enqueue_dma source(%dma_start3A_412 : memref<80xi32, #tpu.memory_space<hbm>>) target(%arg15 : memref<80xi32, #tpu.memory_space<vmem>>) target_semaphore(%arg34 : memref<!tpu.dma_semaphore, #tpu.memory_space<semaphore_mem>>)
        %mul3A_413 = arith.constant 80 : i32
        %mul3A_414 = arith.muli %add3A_407, %mul3A_413 : i32
        %add3A_415 = arith.addi %mul3A_2, %mul3A_414 : i32
        %dma_start3A_416 = tpu.memref_slice %arg4[%add3A_415] : memref<320000xi32, #tpu.memory_space<hbm>> -> memref<80xi32, #tpu.memory_space<hbm>>
        %dma_start3A_417 = tpu.memref_slice %arg4[%add3A_415] : memref<320000xi32, #tpu.memory_space<hbm>> -> memref<80xi32, #tpu.memory_space<hbm>>
        tpu.enqueue_dma source(%dma_start3A_417 : memref<80xi32, #tpu.memory_space<hbm>>) target(%arg21 : memref<80xi32, #tpu.memory_space<vmem>>) target_semaphore(%arg34 : memref<!tpu.dma_semaphore, #tpu.memory_space<semaphore_mem>>)
      } else {
      }
      %ge3A_292 = arith.constant 6 : i32
      %ge3A_293 = arith.cmpi sge, %add3A_275, %ge3A_292 : i32
      %convert_element_type3A_294 = arith.extui %ge3A_293 : i1 to i32
      %cond3A_295 = arith.constant 0 : i32
      %cond3A_296 = arith.cmpi ne, %convert_element_type3A_294, %cond3A_295 : i32
      scf.if %cond3A_296 {
        %dma_wait3A_406 = arith.constant 0 : i32
        %dma_wait3A_407 = arith.constant 0 : i32
        %dma_wait3A_408 = tpu.memref_slice %arg22[%dma_wait3A_406, %dma_wait3A_407] : memref<10240x128xf32, #tpu.memory_space<vmem_shared>> -> memref<80x128xf32, #tpu.memory_space<vmem_shared>>
        %dma_wait3A_409 = arith.constant 0 : i32
        %dma_wait3A_410 = arith.constant 0 : i32
        %dma_wait3A_411 = tpu.memref_slice %arg22[%dma_wait3A_409, %dma_wait3A_410] : memref<10240x128xf32, #tpu.memory_space<vmem_shared>> -> memref<80x128xf32, #tpu.memory_space<vmem_shared>>
        tpu.wait_dma2 semaphore(%arg26 : memref<!tpu.dma_semaphore, #tpu.memory_space<semaphore_mem>>) src(%arg7 : memref<80x128xf32, #tpu.memory_space<vmem>>) dst(%dma_wait3A_411 : memref<80x128xf32, #tpu.memory_space<vmem_shared>>)
      } else {
      }
      %add3A_297 = arith.constant 2 : i32
      %add3A_298 = arith.addi %add3A_275, %add3A_297 : i32
      %lt3A_299 = arith.constant 125 : i32
      %lt3A_300 = arith.cmpi slt, %add3A_298, %lt3A_299 : i32
      %convert_element_type3A_301 = arith.extui %lt3A_300 : i1 to i32
      %cond3A_302 = arith.constant 0 : i32
      %cond3A_303 = arith.cmpi ne, %convert_element_type3A_301, %cond3A_302 : i32
      scf.if %cond3A_303 {
        %dma_wait3A_406 = arith.constant 0 : i32
        %dma_wait3A_407 = tpu.memref_slice %arg3[%dma_wait3A_406] : memref<320000xi32, #tpu.memory_space<hbm>> -> memref<80xi32, #tpu.memory_space<hbm>>
        %dma_wait3A_408 = arith.constant 0 : i32
        %dma_wait3A_409 = tpu.memref_slice %arg3[%dma_wait3A_408] : memref<320000xi32, #tpu.memory_space<hbm>> -> memref<80xi32, #tpu.memory_space<hbm>>
        tpu.wait_dma2 semaphore(%arg32 : memref<!tpu.dma_semaphore, #tpu.memory_space<semaphore_mem>>) src(%dma_wait3A_409 : memref<80xi32, #tpu.memory_space<hbm>>) dst(%arg13 : memref<80xi32, #tpu.memory_space<vmem>>)
        %dma_wait3A_410 = arith.constant 0 : i32
        %dma_wait3A_411 = tpu.memref_slice %arg4[%dma_wait3A_410] : memref<320000xi32, #tpu.memory_space<hbm>> -> memref<80xi32, #tpu.memory_space<hbm>>
        %dma_wait3A_412 = arith.constant 0 : i32
        %dma_wait3A_413 = tpu.memref_slice %arg4[%dma_wait3A_412] : memref<320000xi32, #tpu.memory_space<hbm>> -> memref<80xi32, #tpu.memory_space<hbm>>
        tpu.wait_dma2 semaphore(%arg32 : memref<!tpu.dma_semaphore, #tpu.memory_space<semaphore_mem>>) src(%dma_wait3A_413 : memref<80xi32, #tpu.memory_space<hbm>>) dst(%arg19 : memref<80xi32, #tpu.memory_space<vmem>>)
        %dma_start3A_414 = arith.constant 0 : i32
        %dma_start3A_415 = arith.constant 0 : i32
        %dma_start3A_416 = tpu.memref_slice %arg2[%dma_start3A_414, %dma_start3A_415] : memref<10240x128xf32, #tpu.memory_space<hbm>> -> memref<10240x128xf32, #tpu.memory_space<hbm>>
        tpu.enqueue_indirect_dma source(%dma_start3A_416 : memref<10240x128xf32, #tpu.memory_space<hbm>>) target(%arg7 : memref<80x128xf32, #tpu.memory_space<vmem>>) offsets(%arg13 : memref<80xi32, #tpu.memory_space<vmem>>) semaphore(%arg23 : memref<!tpu.dma_semaphore, #tpu.memory_space<semaphore_mem>>)
      } else {
      }
      %mul3A_304 = arith.constant 6 : i32
      %mul3A_305 = arith.muli %add3A_205, %mul3A_304 : i32
      %add3A_306 = arith.constant 5 : i32
      %add3A_307 = arith.addi %add3A_306, %mul3A_305 : i32
      %add3A_308 = arith.constant 3 : i32
      %add3A_309 = arith.addi %add3A_307, %add3A_308 : i32
      %dma_wait3A_310 = arith.constant 0 : i32
      %dma_wait3A_311 = arith.constant 0 : i32
      %dma_wait3A_312 = tpu.memref_slice %arg2[%dma_wait3A_310, %dma_wait3A_311] : memref<10240x128xf32, #tpu.memory_space<hbm>> -> memref<80x128xf32, #tpu.memory_space<hbm>>
      %dma_wait3A_313 = arith.constant 0 : i32
      %dma_wait3A_314 = arith.constant 0 : i32
      %dma_wait3A_315 = tpu.memref_slice %arg2[%dma_wait3A_313, %dma_wait3A_314] : memref<10240x128xf32, #tpu.memory_space<hbm>> -> memref<80x128xf32, #tpu.memory_space<hbm>>
      tpu.wait_dma2 semaphore(%arg25 : memref<!tpu.dma_semaphore, #tpu.memory_space<semaphore_mem>>) src(%dma_wait3A_315 : memref<80x128xf32, #tpu.memory_space<hbm>>) dst(%arg9 : memref<80x128xf32, #tpu.memory_space<vmem>>)
      %dma_start3A_316 = arith.constant 0 : i32
      %dma_start3A_317 = arith.constant 0 : i32
      %dma_start3A_318 = tpu.memref_slice %arg22[%dma_start3A_316, %dma_start3A_317] : memref<10240x128xf32, #tpu.memory_space<vmem_shared>> -> memref<10240x128xf32, #tpu.memory_space<vmem_shared>>
      tpu.enqueue_indirect_dma source(%arg9 : memref<80x128xf32, #tpu.memory_space<vmem>>) target(%dma_start3A_318 : memref<10240x128xf32, #tpu.memory_space<vmem_shared>>) offsets(%arg18 : memref<80xi32, #tpu.memory_space<vmem>>) semaphore(%arg28 : memref<!tpu.dma_semaphore, #tpu.memory_space<semaphore_mem>>) {add = true}
      %add3A_319 = arith.constant 4 : i32
      %add3A_320 = arith.addi %add3A_309, %add3A_319 : i32
      %lt3A_321 = arith.constant 125 : i32
      %lt3A_322 = arith.cmpi slt, %add3A_320, %lt3A_321 : i32
      %convert_element_type3A_323 = arith.extui %lt3A_322 : i1 to i32
      %cond3A_324 = arith.constant 0 : i32
      %cond3A_325 = arith.cmpi ne, %convert_element_type3A_323, %cond3A_324 : i32
      scf.if %cond3A_325 {
        %add3A_406 = arith.constant 4 : i32
        %add3A_407 = arith.addi %add3A_309, %add3A_406 : i32
        %mul3A_408 = arith.constant 80 : i32
        %mul3A_409 = arith.muli %add3A_407, %mul3A_408 : i32
        %add3A_410 = arith.addi %mul3A_2, %mul3A_409 : i32
        %dma_start3A_411 = tpu.memref_slice %arg3[%add3A_410] : memref<320000xi32, #tpu.memory_space<hbm>> -> memref<80xi32, #tpu.memory_space<hbm>>
        %dma_start3A_412 = tpu.memref_slice %arg3[%add3A_410] : memref<320000xi32, #tpu.memory_space<hbm>> -> memref<80xi32, #tpu.memory_space<hbm>>
        tpu.enqueue_dma source(%dma_start3A_412 : memref<80xi32, #tpu.memory_space<hbm>>) target(%arg10 : memref<80xi32, #tpu.memory_space<vmem>>) target_semaphore(%arg29 : memref<!tpu.dma_semaphore, #tpu.memory_space<semaphore_mem>>)
        %mul3A_413 = arith.constant 80 : i32
        %mul3A_414 = arith.muli %add3A_407, %mul3A_413 : i32
        %add3A_415 = arith.addi %mul3A_2, %mul3A_414 : i32
        %dma_start3A_416 = tpu.memref_slice %arg4[%add3A_415] : memref<320000xi32, #tpu.memory_space<hbm>> -> memref<80xi32, #tpu.memory_space<hbm>>
        %dma_start3A_417 = tpu.memref_slice %arg4[%add3A_415] : memref<320000xi32, #tpu.memory_space<hbm>> -> memref<80xi32, #tpu.memory_space<hbm>>
        tpu.enqueue_dma source(%dma_start3A_417 : memref<80xi32, #tpu.memory_space<hbm>>) target(%arg16 : memref<80xi32, #tpu.memory_space<vmem>>) target_semaphore(%arg29 : memref<!tpu.dma_semaphore, #tpu.memory_space<semaphore_mem>>)
      } else {
      }
      %ge3A_326 = arith.constant 6 : i32
      %ge3A_327 = arith.cmpi sge, %add3A_309, %ge3A_326 : i32
      %convert_element_type3A_328 = arith.extui %ge3A_327 : i1 to i32
      %cond3A_329 = arith.constant 0 : i32
      %cond3A_330 = arith.cmpi ne, %convert_element_type3A_328, %cond3A_329 : i32
      scf.if %cond3A_330 {
        %dma_wait3A_406 = arith.constant 0 : i32
        %dma_wait3A_407 = arith.constant 0 : i32
        %dma_wait3A_408 = tpu.memref_slice %arg22[%dma_wait3A_406, %dma_wait3A_407] : memref<10240x128xf32, #tpu.memory_space<vmem_shared>> -> memref<80x128xf32, #tpu.memory_space<vmem_shared>>
        %dma_wait3A_409 = arith.constant 0 : i32
        %dma_wait3A_410 = arith.constant 0 : i32
        %dma_wait3A_411 = tpu.memref_slice %arg22[%dma_wait3A_409, %dma_wait3A_410] : memref<10240x128xf32, #tpu.memory_space<vmem_shared>> -> memref<80x128xf32, #tpu.memory_space<vmem_shared>>
        tpu.wait_dma2 semaphore(%arg27 : memref<!tpu.dma_semaphore, #tpu.memory_space<semaphore_mem>>) src(%arg8 : memref<80x128xf32, #tpu.memory_space<vmem>>) dst(%dma_wait3A_411 : memref<80x128xf32, #tpu.memory_space<vmem_shared>>)
      } else {
      }
      %add3A_331 = arith.constant 2 : i32
      %add3A_332 = arith.addi %add3A_309, %add3A_331 : i32
      %lt3A_333 = arith.constant 125 : i32
      %lt3A_334 = arith.cmpi slt, %add3A_332, %lt3A_333 : i32
      %convert_element_type3A_335 = arith.extui %lt3A_334 : i1 to i32
      %cond3A_336 = arith.constant 0 : i32
      %cond3A_337 = arith.cmpi ne, %convert_element_type3A_335, %cond3A_336 : i32
      scf.if %cond3A_337 {
        %dma_wait3A_406 = arith.constant 0 : i32
        %dma_wait3A_407 = tpu.memref_slice %arg3[%dma_wait3A_406] : memref<320000xi32, #tpu.memory_space<hbm>> -> memref<80xi32, #tpu.memory_space<hbm>>
        %dma_wait3A_408 = arith.constant 0 : i32
        %dma_wait3A_409 = tpu.memref_slice %arg3[%dma_wait3A_408] : memref<320000xi32, #tpu.memory_space<hbm>> -> memref<80xi32, #tpu.memory_space<hbm>>
        tpu.wait_dma2 semaphore(%arg33 : memref<!tpu.dma_semaphore, #tpu.memory_space<semaphore_mem>>) src(%dma_wait3A_409 : memref<80xi32, #tpu.memory_space<hbm>>) dst(%arg14 : memref<80xi32, #tpu.memory_space<vmem>>)
        %dma_wait3A_410 = arith.constant 0 : i32
        %dma_wait3A_411 = tpu.memref_slice %arg4[%dma_wait3A_410] : memref<320000xi32, #tpu.memory_space<hbm>> -> memref<80xi32, #tpu.memory_space<hbm>>
        %dma_wait3A_412 = arith.constant 0 : i32
        %dma_wait3A_413 = tpu.memref_slice %arg4[%dma_wait3A_412] : memref<320000xi32, #tpu.memory_space<hbm>> -> memref<80xi32, #tpu.memory_space<hbm>>
        tpu.wait_dma2 semaphore(%arg33 : memref<!tpu.dma_semaphore, #tpu.memory_space<semaphore_mem>>) src(%dma_wait3A_413 : memref<80xi32, #tpu.memory_space<hbm>>) dst(%arg20 : memref<80xi32, #tpu.memory_space<vmem>>)
        %dma_start3A_414 = arith.constant 0 : i32
        %dma_start3A_415 = arith.constant 0 : i32
        %dma_start3A_416 = tpu.memref_slice %arg2[%dma_start3A_414, %dma_start3A_415] : memref<10240x128xf32, #tpu.memory_space<hbm>> -> memref<10240x128xf32, #tpu.memory_space<hbm>>
        tpu.enqueue_indirect_dma source(%dma_start3A_416 : memref<10240x128xf32, #tpu.memory_space<hbm>>) target(%arg8 : memref<80x128xf32, #tpu.memory_space<vmem>>) offsets(%arg14 : memref<80xi32, #tpu.memory_space<vmem>>) semaphore(%arg24 : memref<!tpu.dma_semaphore, #tpu.memory_space<semaphore_mem>>)
      } else {
      }
      %mul3A_338 = arith.constant 6 : i32
      %mul3A_339 = arith.muli %add3A_205, %mul3A_338 : i32
      %add3A_340 = arith.constant 5 : i32
      %add3A_341 = arith.addi %add3A_340, %mul3A_339 : i32
      %add3A_342 = arith.constant 4 : i32
      %add3A_343 = arith.addi %add3A_341, %add3A_342 : i32
      %dma_wait3A_344 = arith.constant 0 : i32
      %dma_wait3A_345 = arith.constant 0 : i32
      %dma_wait3A_346 = tpu.memref_slice %arg2[%dma_wait3A_344, %dma_wait3A_345] : memref<10240x128xf32, #tpu.memory_space<hbm>> -> memref<80x128xf32, #tpu.memory_space<hbm>>
      %dma_wait3A_347 = arith.constant 0 : i32
      %dma_wait3A_348 = arith.constant 0 : i32
      %dma_wait3A_349 = tpu.memref_slice %arg2[%dma_wait3A_347, %dma_wait3A_348] : memref<10240x128xf32, #tpu.memory_space<hbm>> -> memref<80x128xf32, #tpu.memory_space<hbm>>
      tpu.wait_dma2 semaphore(%arg23 : memref<!tpu.dma_semaphore, #tpu.memory_space<semaphore_mem>>) src(%dma_wait3A_349 : memref<80x128xf32, #tpu.memory_space<hbm>>) dst(%arg7 : memref<80x128xf32, #tpu.memory_space<vmem>>)
      %dma_start3A_350 = arith.constant 0 : i32
      %dma_start3A_351 = arith.constant 0 : i32
      %dma_start3A_352 = tpu.memref_slice %arg22[%dma_start3A_350, %dma_start3A_351] : memref<10240x128xf32, #tpu.memory_space<vmem_shared>> -> memref<10240x128xf32, #tpu.memory_space<vmem_shared>>
      tpu.enqueue_indirect_dma source(%arg7 : memref<80x128xf32, #tpu.memory_space<vmem>>) target(%dma_start3A_352 : memref<10240x128xf32, #tpu.memory_space<vmem_shared>>) offsets(%arg19 : memref<80xi32, #tpu.memory_space<vmem>>) semaphore(%arg26 : memref<!tpu.dma_semaphore, #tpu.memory_space<semaphore_mem>>) {add = true}
      %add3A_353 = arith.constant 4 : i32
      %add3A_354 = arith.addi %add3A_343, %add3A_353 : i32
      %lt3A_355 = arith.constant 125 : i32
      %lt3A_356 = arith.cmpi slt, %add3A_354, %lt3A_355 : i32
      %convert_element_type3A_357 = arith.extui %lt3A_356 : i1 to i32
      %cond3A_358 = arith.constant 0 : i32
      %cond3A_359 = arith.cmpi ne, %convert_element_type3A_357, %cond3A_358 : i32
      scf.if %cond3A_359 {
        %add3A_406 = arith.constant 4 : i32
        %add3A_407 = arith.addi %add3A_343, %add3A_406 : i32
        %mul3A_408 = arith.constant 80 : i32
        %mul3A_409 = arith.muli %add3A_407, %mul3A_408 : i32
        %add3A_410 = arith.addi %mul3A_2, %mul3A_409 : i32
        %dma_start3A_411 = tpu.memref_slice %arg3[%add3A_410] : memref<320000xi32, #tpu.memory_space<hbm>> -> memref<80xi32, #tpu.memory_space<hbm>>
        %dma_start3A_412 = tpu.memref_slice %arg3[%add3A_410] : memref<320000xi32, #tpu.memory_space<hbm>> -> memref<80xi32, #tpu.memory_space<hbm>>
        tpu.enqueue_dma source(%dma_start3A_412 : memref<80xi32, #tpu.memory_space<hbm>>) target(%arg11 : memref<80xi32, #tpu.memory_space<vmem>>) target_semaphore(%arg30 : memref<!tpu.dma_semaphore, #tpu.memory_space<semaphore_mem>>)
        %mul3A_413 = arith.constant 80 : i32
        %mul3A_414 = arith.muli %add3A_407, %mul3A_413 : i32
        %add3A_415 = arith.addi %mul3A_2, %mul3A_414 : i32
        %dma_start3A_416 = tpu.memref_slice %arg4[%add3A_415] : memref<320000xi32, #tpu.memory_space<hbm>> -> memref<80xi32, #tpu.memory_space<hbm>>
        %dma_start3A_417 = tpu.memref_slice %arg4[%add3A_415] : memref<320000xi32, #tpu.memory_space<hbm>> -> memref<80xi32, #tpu.memory_space<hbm>>
        tpu.enqueue_dma source(%dma_start3A_417 : memref<80xi32, #tpu.memory_space<hbm>>) target(%arg17 : memref<80xi32, #tpu.memory_space<vmem>>) target_semaphore(%arg30 : memref<!tpu.dma_semaphore, #tpu.memory_space<semaphore_mem>>)
      } else {
      }
      %ge3A_360 = arith.constant 6 : i32
      %ge3A_361 = arith.cmpi sge, %add3A_343, %ge3A_360 : i32
      %convert_element_type3A_362 = arith.extui %ge3A_361 : i1 to i32
      %cond3A_363 = arith.constant 0 : i32
      %cond3A_364 = arith.cmpi ne, %convert_element_type3A_362, %cond3A_363 : i32
      scf.if %cond3A_364 {
        %dma_wait3A_406 = arith.constant 0 : i32
        %dma_wait3A_407 = arith.constant 0 : i32
        %dma_wait3A_408 = tpu.memref_slice %arg22[%dma_wait3A_406, %dma_wait3A_407] : memref<10240x128xf32, #tpu.memory_space<vmem_shared>> -> memref<80x128xf32, #tpu.memory_space<vmem_shared>>
        %dma_wait3A_409 = arith.constant 0 : i32
        %dma_wait3A_410 = arith.constant 0 : i32
        %dma_wait3A_411 = tpu.memref_slice %arg22[%dma_wait3A_409, %dma_wait3A_410] : memref<10240x128xf32, #tpu.memory_space<vmem_shared>> -> memref<80x128xf32, #tpu.memory_space<vmem_shared>>
        tpu.wait_dma2 semaphore(%arg28 : memref<!tpu.dma_semaphore, #tpu.memory_space<semaphore_mem>>) src(%arg9 : memref<80x128xf32, #tpu.memory_space<vmem>>) dst(%dma_wait3A_411 : memref<80x128xf32, #tpu.memory_space<vmem_shared>>)
      } else {
      }
      %add3A_365 = arith.constant 2 : i32
      %add3A_366 = arith.addi %add3A_343, %add3A_365 : i32
      %lt3A_367 = arith.constant 125 : i32
      %lt3A_368 = arith.cmpi slt, %add3A_366, %lt3A_367 : i32
      %convert_element_type3A_369 = arith.extui %lt3A_368 : i1 to i32
      %cond3A_370 = arith.constant 0 : i32
      %cond3A_371 = arith.cmpi ne, %convert_element_type3A_369, %cond3A_370 : i32
      scf.if %cond3A_371 {
        %dma_wait3A_406 = arith.constant 0 : i32
        %dma_wait3A_407 = tpu.memref_slice %arg3[%dma_wait3A_406] : memref<320000xi32, #tpu.memory_space<hbm>> -> memref<80xi32, #tpu.memory_space<hbm>>
        %dma_wait3A_408 = arith.constant 0 : i32
        %dma_wait3A_409 = tpu.memref_slice %arg3[%dma_wait3A_408] : memref<320000xi32, #tpu.memory_space<hbm>> -> memref<80xi32, #tpu.memory_space<hbm>>
        tpu.wait_dma2 semaphore(%arg34 : memref<!tpu.dma_semaphore, #tpu.memory_space<semaphore_mem>>) src(%dma_wait3A_409 : memref<80xi32, #tpu.memory_space<hbm>>) dst(%arg15 : memref<80xi32, #tpu.memory_space<vmem>>)
        %dma_wait3A_410 = arith.constant 0 : i32
        %dma_wait3A_411 = tpu.memref_slice %arg4[%dma_wait3A_410] : memref<320000xi32, #tpu.memory_space<hbm>> -> memref<80xi32, #tpu.memory_space<hbm>>
        %dma_wait3A_412 = arith.constant 0 : i32
        %dma_wait3A_413 = tpu.memref_slice %arg4[%dma_wait3A_412] : memref<320000xi32, #tpu.memory_space<hbm>> -> memref<80xi32, #tpu.memory_space<hbm>>
        tpu.wait_dma2 semaphore(%arg34 : memref<!tpu.dma_semaphore, #tpu.memory_space<semaphore_mem>>) src(%dma_wait3A_413 : memref<80xi32, #tpu.memory_space<hbm>>) dst(%arg21 : memref<80xi32, #tpu.memory_space<vmem>>)
        %dma_start3A_414 = arith.constant 0 : i32
        %dma_start3A_415 = arith.constant 0 : i32
        %dma_start3A_416 = tpu.memref_slice %arg2[%dma_start3A_414, %dma_start3A_415] : memref<10240x128xf32, #tpu.memory_space<hbm>> -> memref<10240x128xf32, #tpu.memory_space<hbm>>
        tpu.enqueue_indirect_dma source(%dma_start3A_416 : memref<10240x128xf32, #tpu.memory_space<hbm>>) target(%arg9 : memref<80x128xf32, #tpu.memory_space<vmem>>) offsets(%arg15 : memref<80xi32, #tpu.memory_space<vmem>>) semaphore(%arg25 : memref<!tpu.dma_semaphore, #tpu.memory_space<semaphore_mem>>)
      } else {
      }
      %mul3A_372 = arith.constant 6 : i32
      %mul3A_373 = arith.muli %add3A_205, %mul3A_372 : i32
      %add3A_374 = arith.constant 5 : i32
      %add3A_375 = arith.addi %add3A_374, %mul3A_373 : i32
      %add3A_376 = arith.constant 5 : i32
      %add3A_377 = arith.addi %add3A_375, %add3A_376 : i32
      %dma_wait3A_378 = arith.constant 0 : i32
      %dma_wait3A_379 = arith.constant 0 : i32
      %dma_wait3A_380 = tpu.memref_slice %arg2[%dma_wait3A_378, %dma_wait3A_379] : memref<10240x128xf32, #tpu.memory_space<hbm>> -> memref<80x128xf32, #tpu.memory_space<hbm>>
      %dma_wait3A_381 = arith.constant 0 : i32
      %dma_wait3A_382 = arith.constant 0 : i32
      %dma_wait3A_383 = tpu.memref_slice %arg2[%dma_wait3A_381, %dma_wait3A_382] : memref<10240x128xf32, #tpu.memory_space<hbm>> -> memref<80x128xf32, #tpu.memory_space<hbm>>
      tpu.wait_dma2 semaphore(%arg24 : memref<!tpu.dma_semaphore, #tpu.memory_space<semaphore_mem>>) src(%dma_wait3A_383 : memref<80x128xf32, #tpu.memory_space<hbm>>) dst(%arg8 : memref<80x128xf32, #tpu.memory_space<vmem>>)
      %dma_start3A_384 = arith.constant 0 : i32
      %dma_start3A_385 = arith.constant 0 : i32
      %dma_start3A_386 = tpu.memref_slice %arg22[%dma_start3A_384, %dma_start3A_385] : memref<10240x128xf32, #tpu.memory_space<vmem_shared>> -> memref<10240x128xf32, #tpu.memory_space<vmem_shared>>
      tpu.enqueue_indirect_dma source(%arg8 : memref<80x128xf32, #tpu.memory_space<vmem>>) target(%dma_start3A_386 : memref<10240x128xf32, #tpu.memory_space<vmem_shared>>) offsets(%arg20 : memref<80xi32, #tpu.memory_space<vmem>>) semaphore(%arg27 : memref<!tpu.dma_semaphore, #tpu.memory_space<semaphore_mem>>) {add = true}
      %add3A_387 = arith.constant 4 : i32
      %add3A_388 = arith.addi %add3A_377, %add3A_387 : i32
      %lt3A_389 = arith.constant 125 : i32
      %lt3A_390 = arith.cmpi slt, %add3A_388, %lt3A_389 : i32
      %convert_element_type3A_391 = arith.extui %lt3A_390 : i1 to i32
      %cond3A_392 = arith.constant 0 : i32
      %cond3A_393 = arith.cmpi ne, %convert_element_type3A_391, %cond3A_392 : i32
      scf.if %cond3A_393 {
        %add3A_406 = arith.constant 4 : i32
        %add3A_407 = arith.addi %add3A_377, %add3A_406 : i32
        %mul3A_408 = arith.constant 80 : i32
        %mul3A_409 = arith.muli %add3A_407, %mul3A_408 : i32
        %add3A_410 = arith.addi %mul3A_2, %mul3A_409 : i32
        %dma_start3A_411 = tpu.memref_slice %arg3[%add3A_410] : memref<320000xi32, #tpu.memory_space<hbm>> -> memref<80xi32, #tpu.memory_space<hbm>>
        %dma_start3A_412 = tpu.memref_slice %arg3[%add3A_410] : memref<320000xi32, #tpu.memory_space<hbm>> -> memref<80xi32, #tpu.memory_space<hbm>>
        tpu.enqueue_dma source(%dma_start3A_412 : memref<80xi32, #tpu.memory_space<hbm>>) target(%arg12 : memref<80xi32, #tpu.memory_space<vmem>>) target_semaphore(%arg31 : memref<!tpu.dma_semaphore, #tpu.memory_space<semaphore_mem>>)
        %mul3A_413 = arith.constant 80 : i32
        %mul3A_414 = arith.muli %add3A_407, %mul3A_413 : i32
        %add3A_415 = arith.addi %mul3A_2, %mul3A_414 : i32
        %dma_start3A_416 = tpu.memref_slice %arg4[%add3A_415] : memref<320000xi32, #tpu.memory_space<hbm>> -> memref<80xi32, #tpu.memory_space<hbm>>
        %dma_start3A_417 = tpu.memref_slice %arg4[%add3A_415] : memref<320000xi32, #tpu.memory_space<hbm>> -> memref<80xi32, #tpu.memory_space<hbm>>
        tpu.enqueue_dma source(%dma_start3A_417 : memref<80xi32, #tpu.memory_space<hbm>>) target(%arg18 : memref<80xi32, #tpu.memory_space<vmem>>) target_semaphore(%arg31 : memref<!tpu.dma_semaphore, #tpu.memory_space<semaphore_mem>>)
      } else {
      }
      %ge3A_394 = arith.constant 6 : i32
      %ge3A_395 = arith.cmpi sge, %add3A_377, %ge3A_394 : i32
      %convert_element_type3A_396 = arith.extui %ge3A_395 : i1 to i32
      %cond3A_397 = arith.constant 0 : i32
      %cond3A_398 = arith.cmpi ne, %convert_element_type3A_396, %cond3A_397 : i32
      scf.if %cond3A_398 {
        %dma_wait3A_406 = arith.constant 0 : i32
        %dma_wait3A_407 = arith.constant 0 : i32
        %dma_wait3A_408 = tpu.memref_slice %arg22[%dma_wait3A_406, %dma_wait3A_407] : memref<10240x128xf32, #tpu.memory_space<vmem_shared>> -> memref<80x128xf32, #tpu.memory_space<vmem_shared>>
        %dma_wait3A_409 = arith.constant 0 : i32
        %dma_wait3A_410 = arith.constant 0 : i32
        %dma_wait3A_411 = tpu.memref_slice %arg22[%dma_wait3A_409, %dma_wait3A_410] : memref<10240x128xf32, #tpu.memory_space<vmem_shared>> -> memref<80x128xf32, #tpu.memory_space<vmem_shared>>
        tpu.wait_dma2 semaphore(%arg26 : memref<!tpu.dma_semaphore, #tpu.memory_space<semaphore_mem>>) src(%arg7 : memref<80x128xf32, #tpu.memory_space<vmem>>) dst(%dma_wait3A_411 : memref<80x128xf32, #tpu.memory_space<vmem_shared>>)
      } else {
      }
      %add3A_399 = arith.constant 2 : i32
      %add3A_400 = arith.addi %add3A_377, %add3A_399 : i32
      %lt3A_401 = arith.constant 125 : i32
      %lt3A_402 = arith.cmpi slt, %add3A_400, %lt3A_401 : i32
      %convert_element_type3A_403 = arith.extui %lt3A_402 : i1 to i32
      %cond3A_404 = arith.constant 0 : i32
      %cond3A_405 = arith.cmpi ne, %convert_element_type3A_403, %cond3A_404 : i32
      scf.if %cond3A_405 {
        %dma_wait3A_406 = arith.constant 0 : i32
        %dma_wait3A_407 = tpu.memref_slice %arg3[%dma_wait3A_406] : memref<320000xi32, #tpu.memory_space<hbm>> -> memref<80xi32, #tpu.memory_space<hbm>>
        %dma_wait3A_408 = arith.constant 0 : i32
        %dma_wait3A_409 = tpu.memref_slice %arg3[%dma_wait3A_408] : memref<320000xi32, #tpu.memory_space<hbm>> -> memref<80xi32, #tpu.memory_space<hbm>>
        tpu.wait_dma2 semaphore(%arg29 : memref<!tpu.dma_semaphore, #tpu.memory_space<semaphore_mem>>) src(%dma_wait3A_409 : memref<80xi32, #tpu.memory_space<hbm>>) dst(%arg10 : memref<80xi32, #tpu.memory_space<vmem>>)
        %dma_wait3A_410 = arith.constant 0 : i32
        %dma_wait3A_411 = tpu.memref_slice %arg4[%dma_wait3A_410] : memref<320000xi32, #tpu.memory_space<hbm>> -> memref<80xi32, #tpu.memory_space<hbm>>
        %dma_wait3A_412 = arith.constant 0 : i32
        %dma_wait3A_413 = tpu.memref_slice %arg4[%dma_wait3A_412] : memref<320000xi32, #tpu.memory_space<hbm>> -> memref<80xi32, #tpu.memory_space<hbm>>
        tpu.wait_dma2 semaphore(%arg29 : memref<!tpu.dma_semaphore, #tpu.memory_space<semaphore_mem>>) src(%dma_wait3A_413 : memref<80xi32, #tpu.memory_space<hbm>>) dst(%arg16 : memref<80xi32, #tpu.memory_space<vmem>>)
        %dma_start3A_414 = arith.constant 0 : i32
        %dma_start3A_415 = arith.constant 0 : i32
        %dma_start3A_416 = tpu.memref_slice %arg2[%dma_start3A_414, %dma_start3A_415] : memref<10240x128xf32, #tpu.memory_space<hbm>> -> memref<10240x128xf32, #tpu.memory_space<hbm>>
        tpu.enqueue_indirect_dma source(%dma_start3A_416 : memref<10240x128xf32, #tpu.memory_space<hbm>>) target(%arg7 : memref<80x128xf32, #tpu.memory_space<vmem>>) offsets(%arg10 : memref<80xi32, #tpu.memory_space<vmem>>) semaphore(%arg23 : memref<!tpu.dma_semaphore, #tpu.memory_space<semaphore_mem>>)
      } else {
      }
    }
    %scan3A_188 = arith.constant 20 : i32
    %dma_wait3A_189 = arith.constant 0 : i32
    %dma_wait3A_190 = arith.constant 0 : i32
    %dma_wait3A_191 = tpu.memref_slice %arg22[%dma_wait3A_189, %dma_wait3A_190] : memref<10240x128xf32, #tpu.memory_space<vmem_shared>> -> memref<80x128xf32, #tpu.memory_space<vmem_shared>>
    %dma_wait3A_192 = arith.constant 0 : i32
    %dma_wait3A_193 = arith.constant 0 : i32
    %dma_wait3A_194 = tpu.memref_slice %arg22[%dma_wait3A_192, %dma_wait3A_193] : memref<10240x128xf32, #tpu.memory_space<vmem_shared>> -> memref<80x128xf32, #tpu.memory_space<vmem_shared>>
    tpu.wait_dma2 semaphore(%arg27 : memref<!tpu.dma_semaphore, #tpu.memory_space<semaphore_mem>>) src(%arg8 : memref<80x128xf32, #tpu.memory_space<vmem>>) dst(%dma_wait3A_194 : memref<80x128xf32, #tpu.memory_space<vmem_shared>>)
    %barrier3A_195 = arith.constant 0 : index
    tpu.barrier barrier_id(%barrier3A_195)
    %scan3A_196 = arith.constant 0 : i32
    %scan3A_197 = arith.constant 8 : i32
    %scan3A_198 = arith.addi %scan3A_196, %scan3A_197 : i32
    %scan3A_199 = arith.constant 1 : i32
    scf.for %scan3A_201 = %scan3A_196 to %scan3A_198 step %scan3A_199  : i32 {
      %mul3A_202 = arith.constant 1 : i32
      %mul3A_203 = arith.muli %scan3A_201, %mul3A_202 : i32
      %add3A_204 = arith.constant 0 : i32
      %add3A_205 = arith.addi %add3A_204, %mul3A_203 : i32
      %mul3A_206 = arith.constant 640 : i32
      %mul3A_207 = arith.muli %arg1, %mul3A_206 : i32
      %mul3A_208 = arith.constant 80 : i32
      %mul3A_209 = arith.muli %add3A_205, %mul3A_208 : i32
      %add3A_210 = arith.addi %mul3A_207, %mul3A_209 : i32
      "tpu.region"() ({
        %run_scoped3A = tpu.sem_alloc : memref<!tpu.dma_semaphore, #tpu.memory_space<semaphore_mem>>
        %dma_start3A_219 = arith.constant 0 : i32
        %dma_start3A_220 = tpu.memref_slice %arg22[%add3A_210, %dma_start3A_219] : memref<10240x128xf32, #tpu.memory_space<vmem_shared>> -> memref<80x128xf32, #tpu.memory_space<vmem_shared>>
        %dma_start3A_221 = arith.constant 0 : i32
        %dma_start3A_222 = tpu.memref_slice %arg22[%add3A_210, %dma_start3A_221] : memref<10240x128xf32, #tpu.memory_space<vmem_shared>> -> memref<80x128xf32, #tpu.memory_space<vmem_shared>>
        tpu.enqueue_dma source(%dma_start3A_222 : memref<80x128xf32, #tpu.memory_space<vmem_shared>>) target(%arg7 : memref<80x128xf32, #tpu.memory_space<vmem>>) target_semaphore(%run_scoped3A : memref<!tpu.dma_semaphore, #tpu.memory_space<semaphore_mem>>)
        %dma_wait3A_223 = arith.constant 0 : i32
        %dma_wait3A_224 = tpu.memref_slice %arg22[%add3A_210, %dma_wait3A_223] : memref<10240x128xf32, #tpu.memory_space<vmem_shared>> -> memref<80x128xf32, #tpu.memory_space<vmem_shared>>
        %dma_wait3A_225 = arith.constant 0 : i32
        %dma_wait3A_226 = tpu.memref_slice %arg22[%add3A_210, %dma_wait3A_225] : memref<10240x128xf32, #tpu.memory_space<vmem_shared>> -> memref<80x128xf32, #tpu.memory_space<vmem_shared>>
        tpu.wait_dma2 semaphore(%run_scoped3A : memref<!tpu.dma_semaphore, #tpu.memory_space<semaphore_mem>>) src(%dma_wait3A_226 : memref<80x128xf32, #tpu.memory_space<vmem_shared>>) dst(%arg7 : memref<80x128xf32, #tpu.memory_space<vmem>>)
        tpu.yield
      }) : () -> ()
      %mul3A_211 = arith.constant 10240 : i32
      %mul3A_212 = arith.muli %arg0, %mul3A_211 : i32
      %mul3A_213 = arith.constant 640 : i32
      %mul3A_214 = arith.muli %arg1, %mul3A_213 : i32
      %add3A_215 = arith.addi %mul3A_212, %mul3A_214 : i32
      %mul3A_216 = arith.constant 80 : i32
      %mul3A_217 = arith.muli %add3A_205, %mul3A_216 : i32
      %add3A_218 = arith.addi %add3A_215, %mul3A_217 : i32
      "tpu.region"() ({
        %run_scoped3A = tpu.sem_alloc : memref<!tpu.dma_semaphore, #tpu.memory_space<semaphore_mem>>
        %dma_start3A_219 = arith.constant 0 : i32
        %dma_start3A_220 = tpu.memref_slice %arg6[%add3A_218, %dma_start3A_219] : memref<20480x128xf32, #tpu.memory_space<hbm>> -> memref<80x128xf32, #tpu.memory_space<hbm>>
        %dma_start3A_221 = arith.constant 0 : i32
        %dma_start3A_222 = tpu.memref_slice %arg6[%add3A_218, %dma_start3A_221] : memref<20480x128xf32, #tpu.memory_space<hbm>> -> memref<80x128xf32, #tpu.memory_space<hbm>>
        tpu.enqueue_dma source(%arg7 : memref<80x128xf32, #tpu.memory_space<vmem>>) target(%dma_start3A_222 : memref<80x128xf32, #tpu.memory_space<hbm>>) target_semaphore(%run_scoped3A : memref<!tpu.dma_semaphore, #tpu.memory_space<semaphore_mem>>)
        %dma_wait3A_223 = arith.constant 0 : i32
        %dma_wait3A_224 = tpu.memref_slice %arg6[%add3A_218, %dma_wait3A_223] : memref<20480x128xf32, #tpu.memory_space<hbm>> -> memref<80x128xf32, #tpu.memory_space<hbm>>
        %dma_wait3A_225 = arith.constant 0 : i32
        %dma_wait3A_226 = tpu.memref_slice %arg6[%add3A_218, %dma_wait3A_225] : memref<20480x128xf32, #tpu.memory_space<hbm>> -> memref<80x128xf32, #tpu.memory_space<hbm>>
        tpu.wait_dma2 semaphore(%run_scoped3A : memref<!tpu.dma_semaphore, #tpu.memory_space<semaphore_mem>>) src(%arg7 : memref<80x128xf32, #tpu.memory_space<vmem>>) dst(%dma_wait3A_226 : memref<80x128xf32, #tpu.memory_space<hbm>>)
        tpu.yield
      }) : () -> ()
    }
    %scan3A_200 = arith.constant 8 : i32
    return
  }
}

#map = affine_map<(d0, d1) -> (0, 0, 0)>
#map1 = affine_map<(d0, d1) -> (0, 0)>
module attributes {stable_mosaic.version = 14 : i64} {
  func.func @_sc_deg_body(%arg0: i32, %arg1: i32, %arg2: memref<32x125x80xi32, #tpu.memory_space<hbm>>, %arg3: memref<80x128xf32, #tpu.memory_space<hbm>>, %arg4: memref<80x128xf32, #tpu.memory_space<hbm>>, %arg5: memref<20480x128xf32, #tpu.memory_space<hbm>>, %arg6: memref<125x80xi32, #tpu.memory_space<vmem>>, %arg7: memref<80x128xf32, #tpu.memory_space<vmem>>, %arg8: memref<80x128xf32, #tpu.memory_space<vmem>>, %arg9: memref<10240x128xf32, #tpu.memory_space<vmem_shared>>, %arg10: memref<!tpu.dma_semaphore, #tpu.memory_space<semaphore_mem>>) attributes {dimension_semantics = [#tpu.dimension_semantics<core_parallel>, #tpu.dimension_semantics<subcore_parallel>], iteration_bounds = array<i64: 2, 16>, scalar_prefetch = 0 : i64, scratch_operands = 5 : i64, tpu.core_type = #tpu.core_type<sc_vector_subcore>, window_params = [{transform_indices = #map}, {transform_indices = #map1}, {transform_indices = #map1}, {transform_indices = #map1}]} {
    %mul3A = arith.constant 16 : i32
    %mul3A_0 = arith.muli %arg0, %mul3A : i32
    %add3A = arith.addi %mul3A_0, %arg1 : i32
    "tpu.region"() ({
      %run_scoped3A = tpu.sem_alloc : memref<!tpu.dma_semaphore, #tpu.memory_space<semaphore_mem>>
      tpu.enqueue_dma source(%arg3 : memref<80x128xf32, #tpu.memory_space<hbm>>) target(%arg7 : memref<80x128xf32, #tpu.memory_space<vmem>>) target_semaphore(%run_scoped3A : memref<!tpu.dma_semaphore, #tpu.memory_space<semaphore_mem>>)
      tpu.wait_dma2 semaphore(%run_scoped3A : memref<!tpu.dma_semaphore, #tpu.memory_space<semaphore_mem>>) src(%arg3 : memref<80x128xf32, #tpu.memory_space<hbm>>) dst(%arg7 : memref<80x128xf32, #tpu.memory_space<vmem>>)
      tpu.yield
    }) : () -> ()
    %scan3A = arith.constant 0 : i32
    %scan3A_1 = arith.constant 8 : i32
    %scan3A_2 = arith.addi %scan3A, %scan3A_1 : i32
    %scan3A_3 = arith.constant 1 : i32
    scf.for %scan3A_16 = %scan3A to %scan3A_2 step %scan3A_3  : i32 {
      %mul3A_17 = arith.constant 1 : i32
      %mul3A_18 = arith.muli %scan3A_16, %mul3A_17 : i32
      %add3A_19 = arith.constant 0 : i32
      %add3A_20 = arith.addi %add3A_19, %mul3A_18 : i32
      %mul3A_21 = arith.constant 640 : i32
      %mul3A_22 = arith.muli %arg1, %mul3A_21 : i32
      %mul3A_23 = arith.constant 80 : i32
      %mul3A_24 = arith.muli %add3A_20, %mul3A_23 : i32
      %add3A_25 = arith.addi %mul3A_22, %mul3A_24 : i32
      "tpu.region"() ({
        %run_scoped3A = tpu.sem_alloc : memref<!tpu.dma_semaphore, #tpu.memory_space<semaphore_mem>>
        %dma_start3A = arith.constant 0 : i32
        %dma_start3A_26 = tpu.memref_slice %arg9[%add3A_25, %dma_start3A] : memref<10240x128xf32, #tpu.memory_space<vmem_shared>> -> memref<80x128xf32, #tpu.memory_space<vmem_shared>>
        %dma_start3A_27 = arith.constant 0 : i32
        %dma_start3A_28 = tpu.memref_slice %arg9[%add3A_25, %dma_start3A_27] : memref<10240x128xf32, #tpu.memory_space<vmem_shared>> -> memref<80x128xf32, #tpu.memory_space<vmem_shared>>
        tpu.enqueue_dma source(%arg7 : memref<80x128xf32, #tpu.memory_space<vmem>>) target(%dma_start3A_28 : memref<80x128xf32, #tpu.memory_space<vmem_shared>>) target_semaphore(%run_scoped3A : memref<!tpu.dma_semaphore, #tpu.memory_space<semaphore_mem>>)
        %dma_wait3A = arith.constant 0 : i32
        %dma_wait3A_29 = tpu.memref_slice %arg9[%add3A_25, %dma_wait3A] : memref<10240x128xf32, #tpu.memory_space<vmem_shared>> -> memref<80x128xf32, #tpu.memory_space<vmem_shared>>
        %dma_wait3A_30 = arith.constant 0 : i32
        %dma_wait3A_31 = tpu.memref_slice %arg9[%add3A_25, %dma_wait3A_30] : memref<10240x128xf32, #tpu.memory_space<vmem_shared>> -> memref<80x128xf32, #tpu.memory_space<vmem_shared>>
        tpu.wait_dma2 semaphore(%run_scoped3A : memref<!tpu.dma_semaphore, #tpu.memory_space<semaphore_mem>>) src(%arg7 : memref<80x128xf32, #tpu.memory_space<vmem>>) dst(%dma_wait3A_31 : memref<80x128xf32, #tpu.memory_space<vmem_shared>>)
        tpu.yield
      }) : () -> ()
    }
    %scan3A_4 = arith.constant 8 : i32
    "tpu.region"() ({
      %run_scoped3A = tpu.sem_alloc : memref<!tpu.dma_semaphore, #tpu.memory_space<semaphore_mem>>
      %dma_start3A = arith.constant 0 : i32
      %dma_start3A_16 = arith.constant 0 : i32
      %dma_start3A_17 = tpu.memref_slice %arg2[%add3A, %dma_start3A, %dma_start3A_16] : memref<32x125x80xi32, #tpu.memory_space<hbm>> -> memref<1x125x80xi32, #tpu.memory_space<hbm>>
      %dma_start3A_18 = tpu.memref_squeeze %dma_start3A_17 : memref<1x125x80xi32, #tpu.memory_space<hbm>> -> memref<125x80xi32, #tpu.memory_space<hbm>>
      %dma_start3A_19 = arith.constant 0 : i32
      %dma_start3A_20 = arith.constant 0 : i32
      %dma_start3A_21 = tpu.memref_slice %arg2[%add3A, %dma_start3A_19, %dma_start3A_20] : memref<32x125x80xi32, #tpu.memory_space<hbm>> -> memref<1x125x80xi32, #tpu.memory_space<hbm>>
      %dma_start3A_22 = tpu.memref_squeeze %dma_start3A_21 : memref<1x125x80xi32, #tpu.memory_space<hbm>> -> memref<125x80xi32, #tpu.memory_space<hbm>>
      tpu.enqueue_dma source(%dma_start3A_22 : memref<125x80xi32, #tpu.memory_space<hbm>>) target(%arg6 : memref<125x80xi32, #tpu.memory_space<vmem>>) target_semaphore(%run_scoped3A : memref<!tpu.dma_semaphore, #tpu.memory_space<semaphore_mem>>)
      %dma_wait3A = arith.constant 0 : i32
      %dma_wait3A_23 = arith.constant 0 : i32
      %dma_wait3A_24 = tpu.memref_slice %arg2[%add3A, %dma_wait3A, %dma_wait3A_23] : memref<32x125x80xi32, #tpu.memory_space<hbm>> -> memref<1x125x80xi32, #tpu.memory_space<hbm>>
      %dma_wait3A_25 = tpu.memref_squeeze %dma_wait3A_24 : memref<1x125x80xi32, #tpu.memory_space<hbm>> -> memref<125x80xi32, #tpu.memory_space<hbm>>
      %dma_wait3A_26 = arith.constant 0 : i32
      %dma_wait3A_27 = arith.constant 0 : i32
      %dma_wait3A_28 = tpu.memref_slice %arg2[%add3A, %dma_wait3A_26, %dma_wait3A_27] : memref<32x125x80xi32, #tpu.memory_space<hbm>> -> memref<1x125x80xi32, #tpu.memory_space<hbm>>
      %dma_wait3A_29 = tpu.memref_squeeze %dma_wait3A_28 : memref<1x125x80xi32, #tpu.memory_space<hbm>> -> memref<125x80xi32, #tpu.memory_space<hbm>>
      tpu.wait_dma2 semaphore(%run_scoped3A : memref<!tpu.dma_semaphore, #tpu.memory_space<semaphore_mem>>) src(%dma_wait3A_29 : memref<125x80xi32, #tpu.memory_space<hbm>>) dst(%arg6 : memref<125x80xi32, #tpu.memory_space<vmem>>)
      tpu.yield
    }) : () -> ()
    "tpu.region"() ({
      %run_scoped3A = tpu.sem_alloc : memref<!tpu.dma_semaphore, #tpu.memory_space<semaphore_mem>>
      tpu.enqueue_dma source(%arg4 : memref<80x128xf32, #tpu.memory_space<hbm>>) target(%arg8 : memref<80x128xf32, #tpu.memory_space<vmem>>) target_semaphore(%run_scoped3A : memref<!tpu.dma_semaphore, #tpu.memory_space<semaphore_mem>>)
      tpu.wait_dma2 semaphore(%run_scoped3A : memref<!tpu.dma_semaphore, #tpu.memory_space<semaphore_mem>>) src(%arg4 : memref<80x128xf32, #tpu.memory_space<hbm>>) dst(%arg8 : memref<80x128xf32, #tpu.memory_space<vmem>>)
      tpu.yield
    }) : () -> ()
    %barrier3A = arith.constant 0 : index
    tpu.barrier barrier_id(%barrier3A)
    %scan3A_5 = arith.constant 0 : i32
    %scan3A_6 = arith.constant 5 : i32
    %scan3A_7 = arith.addi %scan3A_5, %scan3A_6 : i32
    %scan3A_8 = arith.constant 1 : i32
    scf.for %scan3A_16 = %scan3A_5 to %scan3A_7 step %scan3A_8  : i32 {
      %mul3A_17 = arith.constant 1 : i32
      %mul3A_18 = arith.muli %scan3A_16, %mul3A_17 : i32
      %add3A_19 = arith.constant 0 : i32
      %add3A_20 = arith.addi %add3A_19, %mul3A_18 : i32
      %scan3A_21 = arith.constant 0 : i32
      %scan3A_22 = arith.constant 25 : i32
      %scan3A_23 = arith.addi %scan3A_21, %scan3A_22 : i32
      %scan3A_24 = arith.constant 1 : i32
      scf.for %scan3A_31 = %scan3A_21 to %scan3A_23 step %scan3A_24  : i32 {
        %mul3A_32 = arith.constant 1 : i32
        %mul3A_33 = arith.muli %scan3A_31, %mul3A_32 : i32
        %add3A_34 = arith.constant 0 : i32
        %add3A_35 = arith.addi %add3A_34, %mul3A_33 : i32
        %mul3A_36 = arith.constant 25 : i32
        %mul3A_37 = arith.muli %add3A_20, %mul3A_36 : i32
        %add3A_38 = arith.addi %mul3A_37, %add3A_35 : i32
        %dma_start3A = arith.constant 0 : i32
        %dma_start3A_39 = tpu.memref_slice %arg6[%add3A_38, %dma_start3A] : memref<125x80xi32, #tpu.memory_space<vmem>> -> memref<1x80xi32, #tpu.memory_space<vmem>>
        %dma_start3A_40 = tpu.memref_squeeze %dma_start3A_39 : memref<1x80xi32, #tpu.memory_space<vmem>> -> memref<80xi32, #tpu.memory_space<vmem>>
        %dma_start3A_41 = arith.constant 0 : i32
        %dma_start3A_42 = arith.constant 0 : i32
        %dma_start3A_43 = tpu.memref_slice %arg9[%dma_start3A_41, %dma_start3A_42] : memref<10240x128xf32, #tpu.memory_space<vmem_shared>> -> memref<10240x128xf32, #tpu.memory_space<vmem_shared>>
        tpu.enqueue_indirect_dma source(%arg8 : memref<80x128xf32, #tpu.memory_space<vmem>>) target(%dma_start3A_43 : memref<10240x128xf32, #tpu.memory_space<vmem_shared>>) offsets(%dma_start3A_40 : memref<80xi32, #tpu.memory_space<vmem>>) semaphore(%arg10 : memref<!tpu.dma_semaphore, #tpu.memory_space<semaphore_mem>>) {add = true}
      }
      %scan3A_25 = arith.constant 25 : i32
      %scan3A_26 = arith.constant 0 : i32
      %scan3A_27 = arith.constant 25 : i32
      %scan3A_28 = arith.addi %scan3A_26, %scan3A_27 : i32
      %scan3A_29 = arith.constant 1 : i32
      scf.for %scan3A_31 = %scan3A_26 to %scan3A_28 step %scan3A_29  : i32 {
        %mul3A_32 = arith.constant 1 : i32
        %mul3A_33 = arith.muli %scan3A_31, %mul3A_32 : i32
        %add3A_34 = arith.constant 0 : i32
        %add3A_35 = arith.addi %add3A_34, %mul3A_33 : i32
        %dma_wait3A = arith.constant 0 : i32
        %dma_wait3A_36 = arith.constant 0 : i32
        %dma_wait3A_37 = tpu.memref_slice %arg9[%dma_wait3A, %dma_wait3A_36] : memref<10240x128xf32, #tpu.memory_space<vmem_shared>> -> memref<80x128xf32, #tpu.memory_space<vmem_shared>>
        %dma_wait3A_38 = arith.constant 0 : i32
        %dma_wait3A_39 = arith.constant 0 : i32
        %dma_wait3A_40 = tpu.memref_slice %arg9[%dma_wait3A_38, %dma_wait3A_39] : memref<10240x128xf32, #tpu.memory_space<vmem_shared>> -> memref<80x128xf32, #tpu.memory_space<vmem_shared>>
        tpu.wait_dma2 semaphore(%arg10 : memref<!tpu.dma_semaphore, #tpu.memory_space<semaphore_mem>>) src(%arg8 : memref<80x128xf32, #tpu.memory_space<vmem>>) dst(%dma_wait3A_40 : memref<80x128xf32, #tpu.memory_space<vmem_shared>>)
      }
      %scan3A_30 = arith.constant 25 : i32
    }
    %scan3A_9 = arith.constant 5 : i32
    %barrier3A_10 = arith.constant 0 : index
    tpu.barrier barrier_id(%barrier3A_10)
    %scan3A_11 = arith.constant 0 : i32
    %scan3A_12 = arith.constant 8 : i32
    %scan3A_13 = arith.addi %scan3A_11, %scan3A_12 : i32
    %scan3A_14 = arith.constant 1 : i32
    scf.for %scan3A_16 = %scan3A_11 to %scan3A_13 step %scan3A_14  : i32 {
      %mul3A_17 = arith.constant 1 : i32
      %mul3A_18 = arith.muli %scan3A_16, %mul3A_17 : i32
      %add3A_19 = arith.constant 0 : i32
      %add3A_20 = arith.addi %add3A_19, %mul3A_18 : i32
      %mul3A_21 = arith.constant 640 : i32
      %mul3A_22 = arith.muli %arg1, %mul3A_21 : i32
      %mul3A_23 = arith.constant 80 : i32
      %mul3A_24 = arith.muli %add3A_20, %mul3A_23 : i32
      %add3A_25 = arith.addi %mul3A_22, %mul3A_24 : i32
      "tpu.region"() ({
        %run_scoped3A = tpu.sem_alloc : memref<!tpu.dma_semaphore, #tpu.memory_space<semaphore_mem>>
        %dma_start3A = arith.constant 0 : i32
        %dma_start3A_34 = tpu.memref_slice %arg9[%add3A_25, %dma_start3A] : memref<10240x128xf32, #tpu.memory_space<vmem_shared>> -> memref<80x128xf32, #tpu.memory_space<vmem_shared>>
        %dma_start3A_35 = arith.constant 0 : i32
        %dma_start3A_36 = tpu.memref_slice %arg9[%add3A_25, %dma_start3A_35] : memref<10240x128xf32, #tpu.memory_space<vmem_shared>> -> memref<80x128xf32, #tpu.memory_space<vmem_shared>>
        tpu.enqueue_dma source(%dma_start3A_36 : memref<80x128xf32, #tpu.memory_space<vmem_shared>>) target(%arg7 : memref<80x128xf32, #tpu.memory_space<vmem>>) target_semaphore(%run_scoped3A : memref<!tpu.dma_semaphore, #tpu.memory_space<semaphore_mem>>)
        %dma_wait3A = arith.constant 0 : i32
        %dma_wait3A_37 = tpu.memref_slice %arg9[%add3A_25, %dma_wait3A] : memref<10240x128xf32, #tpu.memory_space<vmem_shared>> -> memref<80x128xf32, #tpu.memory_space<vmem_shared>>
        %dma_wait3A_38 = arith.constant 0 : i32
        %dma_wait3A_39 = tpu.memref_slice %arg9[%add3A_25, %dma_wait3A_38] : memref<10240x128xf32, #tpu.memory_space<vmem_shared>> -> memref<80x128xf32, #tpu.memory_space<vmem_shared>>
        tpu.wait_dma2 semaphore(%run_scoped3A : memref<!tpu.dma_semaphore, #tpu.memory_space<semaphore_mem>>) src(%dma_wait3A_39 : memref<80x128xf32, #tpu.memory_space<vmem_shared>>) dst(%arg7 : memref<80x128xf32, #tpu.memory_space<vmem>>)
        tpu.yield
      }) : () -> ()
      %mul3A_26 = arith.constant 10240 : i32
      %mul3A_27 = arith.muli %arg0, %mul3A_26 : i32
      %mul3A_28 = arith.constant 640 : i32
      %mul3A_29 = arith.muli %arg1, %mul3A_28 : i32
      %add3A_30 = arith.addi %mul3A_27, %mul3A_29 : i32
      %mul3A_31 = arith.constant 80 : i32
      %mul3A_32 = arith.muli %add3A_20, %mul3A_31 : i32
      %add3A_33 = arith.addi %add3A_30, %mul3A_32 : i32
      "tpu.region"() ({
        %run_scoped3A = tpu.sem_alloc : memref<!tpu.dma_semaphore, #tpu.memory_space<semaphore_mem>>
        %dma_start3A = arith.constant 0 : i32
        %dma_start3A_34 = tpu.memref_slice %arg5[%add3A_33, %dma_start3A] : memref<20480x128xf32, #tpu.memory_space<hbm>> -> memref<80x128xf32, #tpu.memory_space<hbm>>
        %dma_start3A_35 = arith.constant 0 : i32
        %dma_start3A_36 = tpu.memref_slice %arg5[%add3A_33, %dma_start3A_35] : memref<20480x128xf32, #tpu.memory_space<hbm>> -> memref<80x128xf32, #tpu.memory_space<hbm>>
        tpu.enqueue_dma source(%arg7 : memref<80x128xf32, #tpu.memory_space<vmem>>) target(%dma_start3A_36 : memref<80x128xf32, #tpu.memory_space<hbm>>) target_semaphore(%run_scoped3A : memref<!tpu.dma_semaphore, #tpu.memory_space<semaphore_mem>>)
        %dma_wait3A = arith.constant 0 : i32
        %dma_wait3A_37 = tpu.memref_slice %arg5[%add3A_33, %dma_wait3A] : memref<20480x128xf32, #tpu.memory_space<hbm>> -> memref<80x128xf32, #tpu.memory_space<hbm>>
        %dma_wait3A_38 = arith.constant 0 : i32
        %dma_wait3A_39 = tpu.memref_slice %arg5[%add3A_33, %dma_wait3A_38] : memref<20480x128xf32, #tpu.memory_space<hbm>> -> memref<80x128xf32, #tpu.memory_space<hbm>>
        tpu.wait_dma2 semaphore(%run_scoped3A : memref<!tpu.dma_semaphore, #tpu.memory_space<semaphore_mem>>) src(%arg7 : memref<80x128xf32, #tpu.memory_space<vmem>>) dst(%dma_wait3A_39 : memref<80x128xf32, #tpu.memory_space<hbm>>)
        tpu.yield
      }) : () -> ()
    }
    %scan3A_15 = arith.constant 8 : i32
    return
  }
}

#map = affine_map<(d0, d1) -> (0, 0)>
#map1 = affine_map<(d0, d1) -> (0)>
module attributes {stable_mosaic.version = 14 : i64} {
  func.func @_sc_segsum_h_body(%arg0: i32, %arg1: i32, %arg2: memref<10240x128xf32, #tpu.memory_space<hbm>>, %arg3: memref<320000xi32, #tpu.memory_space<hbm>>, %arg4: memref<320000xi32, #tpu.memory_space<hbm>>, %arg5: memref<80x128xf32, #tpu.memory_space<hbm>>, %arg6: memref<20480x128xf32, #tpu.memory_space<hbm>>, %arg7: memref<80x128xf32, #tpu.memory_space<vmem>>, %arg8: memref<80x128xf32, #tpu.memory_space<vmem>>, %arg9: memref<80x128xf32, #tpu.memory_space<vmem>>, %arg10: memref<80xi32, #tpu.memory_space<vmem>>, %arg11: memref<80xi32, #tpu.memory_space<vmem>>, %arg12: memref<80xi32, #tpu.memory_space<vmem>>, %arg13: memref<80xi32, #tpu.memory_space<vmem>>, %arg14: memref<80xi32, #tpu.memory_space<vmem>>, %arg15: memref<80xi32, #tpu.memory_space<vmem>>, %arg16: memref<80xi32, #tpu.memory_space<vmem>>, %arg17: memref<80xi32, #tpu.memory_space<vmem>>, %arg18: memref<80xi32, #tpu.memory_space<vmem>>, %arg19: memref<80xi32, #tpu.memory_space<vmem>>, %arg20: memref<80xi32, #tpu.memory_space<vmem>>, %arg21: memref<80xi32, #tpu.memory_space<vmem>>, %arg22: memref<10240x128xf32, #tpu.memory_space<vmem_shared>>, %arg23: memref<!tpu.dma_semaphore, #tpu.memory_space<semaphore_mem>>, %arg24: memref<!tpu.dma_semaphore, #tpu.memory_space<semaphore_mem>>, %arg25: memref<!tpu.dma_semaphore, #tpu.memory_space<semaphore_mem>>, %arg26: memref<!tpu.dma_semaphore, #tpu.memory_space<semaphore_mem>>, %arg27: memref<!tpu.dma_semaphore, #tpu.memory_space<semaphore_mem>>, %arg28: memref<!tpu.dma_semaphore, #tpu.memory_space<semaphore_mem>>, %arg29: memref<!tpu.dma_semaphore, #tpu.memory_space<semaphore_mem>>, %arg30: memref<!tpu.dma_semaphore, #tpu.memory_space<semaphore_mem>>, %arg31: memref<!tpu.dma_semaphore, #tpu.memory_space<semaphore_mem>>, %arg32: memref<!tpu.dma_semaphore, #tpu.memory_space<semaphore_mem>>, %arg33: memref<!tpu.dma_semaphore, #tpu.memory_space<semaphore_mem>>, %arg34: memref<!tpu.dma_semaphore, #tpu.memory_space<semaphore_mem>>) attributes {dimension_semantics = [#tpu.dimension_semantics<core_parallel>, #tpu.dimension_semantics<subcore_parallel>], iteration_bounds = array<i64: 2, 16>, scalar_prefetch = 0 : i64, scratch_operands = 28 : i64, tpu.core_type = #tpu.core_type<sc_vector_subcore>, window_params = [{transform_indices = #map}, {transform_indices = #map1}, {transform_indices = #map1}, {transform_indices = #map}, {transform_indices = #map}]} {
    %mul3A = arith.constant 16 : i32
    %mul3A_0 = arith.muli %arg0, %mul3A : i32
    %add3A = arith.addi %mul3A_0, %arg1 : i32
    %mul3A_1 = arith.constant 10000 : i32
    %mul3A_2 = arith.muli %add3A, %mul3A_1 : i32
    "tpu.region"() ({
      %run_scoped3A = tpu.sem_alloc : memref<!tpu.dma_semaphore, #tpu.memory_space<semaphore_mem>>
      tpu.enqueue_dma source(%arg5 : memref<80x128xf32, #tpu.memory_space<hbm>>) target(%arg7 : memref<80x128xf32, #tpu.memory_space<vmem>>) target_semaphore(%run_scoped3A : memref<!tpu.dma_semaphore, #tpu.memory_space<semaphore_mem>>)
      tpu.wait_dma2 semaphore(%run_scoped3A : memref<!tpu.dma_semaphore, #tpu.memory_space<semaphore_mem>>) src(%arg5 : memref<80x128xf32, #tpu.memory_space<hbm>>) dst(%arg7 : memref<80x128xf32, #tpu.memory_space<vmem>>)
      tpu.yield
    }) : () -> ()
    %scan3A = arith.constant 0 : i32
    %scan3A_3 = arith.constant 8 : i32
    %scan3A_4 = arith.addi %scan3A, %scan3A_3 : i32
    %scan3A_5 = arith.constant 1 : i32
    scf.for %scan3A_201 = %scan3A to %scan3A_4 step %scan3A_5  : i32 {
      %mul3A_202 = arith.constant 1 : i32
      %mul3A_203 = arith.muli %scan3A_201, %mul3A_202 : i32
      %add3A_204 = arith.constant 0 : i32
      %add3A_205 = arith.addi %add3A_204, %mul3A_203 : i32
      %mul3A_206 = arith.constant 640 : i32
      %mul3A_207 = arith.muli %arg1, %mul3A_206 : i32
      %mul3A_208 = arith.constant 80 : i32
      %mul3A_209 = arith.muli %add3A_205, %mul3A_208 : i32
      %add3A_210 = arith.addi %mul3A_207, %mul3A_209 : i32
      "tpu.region"() ({
        %run_scoped3A = tpu.sem_alloc : memref<!tpu.dma_semaphore, #tpu.memory_space<semaphore_mem>>
        %dma_start3A_211 = arith.constant 0 : i32
        %dma_start3A_212 = tpu.memref_slice %arg22[%add3A_210, %dma_start3A_211] : memref<10240x128xf32, #tpu.memory_space<vmem_shared>> -> memref<80x128xf32, #tpu.memory_space<vmem_shared>>
        %dma_start3A_213 = arith.constant 0 : i32
        %dma_start3A_214 = tpu.memref_slice %arg22[%add3A_210, %dma_start3A_213] : memref<10240x128xf32, #tpu.memory_space<vmem_shared>> -> memref<80x128xf32, #tpu.memory_space<vmem_shared>>
        tpu.enqueue_dma source(%arg7 : memref<80x128xf32, #tpu.memory_space<vmem>>) target(%dma_start3A_214 : memref<80x128xf32, #tpu.memory_space<vmem_shared>>) target_semaphore(%run_scoped3A : memref<!tpu.dma_semaphore, #tpu.memory_space<semaphore_mem>>)
        %dma_wait3A_215 = arith.constant 0 : i32
        %dma_wait3A_216 = tpu.memref_slice %arg22[%add3A_210, %dma_wait3A_215] : memref<10240x128xf32, #tpu.memory_space<vmem_shared>> -> memref<80x128xf32, #tpu.memory_space<vmem_shared>>
        %dma_wait3A_217 = arith.constant 0 : i32
        %dma_wait3A_218 = tpu.memref_slice %arg22[%add3A_210, %dma_wait3A_217] : memref<10240x128xf32, #tpu.memory_space<vmem_shared>> -> memref<80x128xf32, #tpu.memory_space<vmem_shared>>
        tpu.wait_dma2 semaphore(%run_scoped3A : memref<!tpu.dma_semaphore, #tpu.memory_space<semaphore_mem>>) src(%arg7 : memref<80x128xf32, #tpu.memory_space<vmem>>) dst(%dma_wait3A_218 : memref<80x128xf32, #tpu.memory_space<vmem_shared>>)
        tpu.yield
      }) : () -> ()
    }
    %scan3A_6 = arith.constant 8 : i32
    %barrier3A = arith.constant 0 : index
    tpu.barrier barrier_id(%barrier3A)
    %add3A_7 = arith.constant 0 : i32
    %add3A_8 = arith.addi %mul3A_2, %add3A_7 : i32
    %dma_start3A = tpu.memref_slice %arg3[%add3A_8] : memref<320000xi32, #tpu.memory_space<hbm>> -> memref<80xi32, #tpu.memory_space<hbm>>
    %dma_start3A_9 = tpu.memref_slice %arg3[%add3A_8] : memref<320000xi32, #tpu.memory_space<hbm>> -> memref<80xi32, #tpu.memory_space<hbm>>
    tpu.enqueue_dma source(%dma_start3A_9 : memref<80xi32, #tpu.memory_space<hbm>>) target(%arg10 : memref<80xi32, #tpu.memory_space<vmem>>) target_semaphore(%arg29 : memref<!tpu.dma_semaphore, #tpu.memory_space<semaphore_mem>>)
    %add3A_10 = arith.constant 0 : i32
    %add3A_11 = arith.addi %mul3A_2, %add3A_10 : i32
    %dma_start3A_12 = tpu.memref_slice %arg4[%add3A_11] : memref<320000xi32, #tpu.memory_space<hbm>> -> memref<80xi32, #tpu.memory_space<hbm>>
    %dma_start3A_13 = tpu.memref_slice %arg4[%add3A_11] : memref<320000xi32, #tpu.memory_space<hbm>> -> memref<80xi32, #tpu.memory_space<hbm>>
    tpu.enqueue_dma source(%dma_start3A_13 : memref<80xi32, #tpu.memory_space<hbm>>) target(%arg16 : memref<80xi32, #tpu.memory_space<vmem>>) target_semaphore(%arg29 : memref<!tpu.dma_semaphore, #tpu.memory_space<semaphore_mem>>)
    %dma_wait3A = arith.constant 0 : i32
    %dma_wait3A_14 = tpu.memref_slice %arg3[%dma_wait3A] : memref<320000xi32, #tpu.memory_space<hbm>> -> memref<80xi32, #tpu.memory_space<hbm>>
    %dma_wait3A_15 = arith.constant 0 : i32
    %dma_wait3A_16 = tpu.memref_slice %arg3[%dma_wait3A_15] : memref<320000xi32, #tpu.memory_space<hbm>> -> memref<80xi32, #tpu.memory_space<hbm>>
    tpu.wait_dma2 semaphore(%arg29 : memref<!tpu.dma_semaphore, #tpu.memory_space<semaphore_mem>>) src(%dma_wait3A_16 : memref<80xi32, #tpu.memory_space<hbm>>) dst(%arg10 : memref<80xi32, #tpu.memory_space<vmem>>)
    %dma_wait3A_17 = arith.constant 0 : i32
    %dma_wait3A_18 = tpu.memref_slice %arg4[%dma_wait3A_17] : memref<320000xi32, #tpu.memory_space<hbm>> -> memref<80xi32, #tpu.memory_space<hbm>>
    %dma_wait3A_19 = arith.constant 0 : i32
    %dma_wait3A_20 = tpu.memref_slice %arg4[%dma_wait3A_19] : memref<320000xi32, #tpu.memory_space<hbm>> -> memref<80xi32, #tpu.memory_space<hbm>>
    tpu.wait_dma2 semaphore(%arg29 : memref<!tpu.dma_semaphore, #tpu.memory_space<semaphore_mem>>) src(%dma_wait3A_20 : memref<80xi32, #tpu.memory_space<hbm>>) dst(%arg16 : memref<80xi32, #tpu.memory_space<vmem>>)
    %dma_start3A_21 = arith.constant 0 : i32
    %dma_start3A_22 = arith.constant 0 : i32
    %dma_start3A_23 = tpu.memref_slice %arg2[%dma_start3A_21, %dma_start3A_22] : memref<10240x128xf32, #tpu.memory_space<hbm>> -> memref<10240x128xf32, #tpu.memory_space<hbm>>
    tpu.enqueue_indirect_dma source(%dma_start3A_23 : memref<10240x128xf32, #tpu.memory_space<hbm>>) target(%arg7 : memref<80x128xf32, #tpu.memory_space<vmem>>) offsets(%arg10 : memref<80xi32, #tpu.memory_space<vmem>>) semaphore(%arg23 : memref<!tpu.dma_semaphore, #tpu.memory_space<semaphore_mem>>)
    %dma_wait3A_24 = arith.constant 0 : i32
    %dma_wait3A_25 = arith.constant 0 : i32
    %dma_wait3A_26 = tpu.memref_slice %arg2[%dma_wait3A_24, %dma_wait3A_25] : memref<10240x128xf32, #tpu.memory_space<hbm>> -> memref<80x128xf32, #tpu.memory_space<hbm>>
    %dma_wait3A_27 = arith.constant 0 : i32
    %dma_wait3A_28 = arith.constant 0 : i32
    %dma_wait3A_29 = tpu.memref_slice %arg2[%dma_wait3A_27, %dma_wait3A_28] : memref<10240x128xf32, #tpu.memory_space<hbm>> -> memref<80x128xf32, #tpu.memory_space<hbm>>
    tpu.wait_dma2 semaphore(%arg23 : memref<!tpu.dma_semaphore, #tpu.memory_space<semaphore_mem>>) src(%dma_wait3A_29 : memref<80x128xf32, #tpu.memory_space<hbm>>) dst(%arg7 : memref<80x128xf32, #tpu.memory_space<vmem>>)
    "tpu.region"() ({
      %run_scoped3A = tpu.sem_alloc : memref<!tpu.dma_semaphore, #tpu.memory_space<semaphore_mem>>
      %dma_start3A_201 = arith.constant 0 : i32
      %dma_start3A_202 = arith.constant 0 : i32
      %dma_start3A_203 = tpu.memref_slice %arg22[%dma_start3A_201, %dma_start3A_202] : memref<10240x128xf32, #tpu.memory_space<vmem_shared>> -> memref<10240x128xf32, #tpu.memory_space<vmem_shared>>
      tpu.enqueue_indirect_dma source(%arg7 : memref<80x128xf32, #tpu.memory_space<vmem>>) target(%dma_start3A_203 : memref<10240x128xf32, #tpu.memory_space<vmem_shared>>) offsets(%arg16 : memref<80xi32, #tpu.memory_space<vmem>>) semaphore(%run_scoped3A : memref<!tpu.dma_semaphore, #tpu.memory_space<semaphore_mem>>) {add = true}
      %dma_wait3A_204 = arith.constant 0 : i32
      %dma_wait3A_205 = arith.constant 0 : i32
      %dma_wait3A_206 = tpu.memref_slice %arg22[%dma_wait3A_204, %dma_wait3A_205] : memref<10240x128xf32, #tpu.memory_space<vmem_shared>> -> memref<10240x128xf32, #tpu.memory_space<vmem_shared>>
      tpu.wait_indirect_dma semaphore(%run_scoped3A : memref<!tpu.dma_semaphore, #tpu.memory_space<semaphore_mem>>) src(%arg7 : memref<80x128xf32, #tpu.memory_space<vmem>>) dst(%dma_wait3A_206 : memref<10240x128xf32, #tpu.memory_space<vmem_shared>>)
      tpu.yield
    }) : () -> ()
    %add3A_30 = arith.constant 80 : i32
    %add3A_31 = arith.addi %mul3A_2, %add3A_30 : i32
    %dma_start3A_32 = tpu.memref_slice %arg3[%add3A_31] : memref<320000xi32, #tpu.memory_space<hbm>> -> memref<80xi32, #tpu.memory_space<hbm>>
    %dma_start3A_33 = tpu.memref_slice %arg3[%add3A_31] : memref<320000xi32, #tpu.memory_space<hbm>> -> memref<80xi32, #tpu.memory_space<hbm>>
    tpu.enqueue_dma source(%dma_start3A_33 : memref<80xi32, #tpu.memory_space<hbm>>) target(%arg11 : memref<80xi32, #tpu.memory_space<vmem>>) target_semaphore(%arg30 : memref<!tpu.dma_semaphore, #tpu.memory_space<semaphore_mem>>)
    %add3A_34 = arith.constant 80 : i32
    %add3A_35 = arith.addi %mul3A_2, %add3A_34 : i32
    %dma_start3A_36 = tpu.memref_slice %arg4[%add3A_35] : memref<320000xi32, #tpu.memory_space<hbm>> -> memref<80xi32, #tpu.memory_space<hbm>>
    %dma_start3A_37 = tpu.memref_slice %arg4[%add3A_35] : memref<320000xi32, #tpu.memory_space<hbm>> -> memref<80xi32, #tpu.memory_space<hbm>>
    tpu.enqueue_dma source(%dma_start3A_37 : memref<80xi32, #tpu.memory_space<hbm>>) target(%arg17 : memref<80xi32, #tpu.memory_space<vmem>>) target_semaphore(%arg30 : memref<!tpu.dma_semaphore, #tpu.memory_space<semaphore_mem>>)
    %dma_wait3A_38 = arith.constant 0 : i32
    %dma_wait3A_39 = tpu.memref_slice %arg3[%dma_wait3A_38] : memref<320000xi32, #tpu.memory_space<hbm>> -> memref<80xi32, #tpu.memory_space<hbm>>
    %dma_wait3A_40 = arith.constant 0 : i32
    %dma_wait3A_41 = tpu.memref_slice %arg3[%dma_wait3A_40] : memref<320000xi32, #tpu.memory_space<hbm>> -> memref<80xi32, #tpu.memory_space<hbm>>
    tpu.wait_dma2 semaphore(%arg30 : memref<!tpu.dma_semaphore, #tpu.memory_space<semaphore_mem>>) src(%dma_wait3A_41 : memref<80xi32, #tpu.memory_space<hbm>>) dst(%arg11 : memref<80xi32, #tpu.memory_space<vmem>>)
    %dma_wait3A_42 = arith.constant 0 : i32
    %dma_wait3A_43 = tpu.memref_slice %arg4[%dma_wait3A_42] : memref<320000xi32, #tpu.memory_space<hbm>> -> memref<80xi32, #tpu.memory_space<hbm>>
    %dma_wait3A_44 = arith.constant 0 : i32
    %dma_wait3A_45 = tpu.memref_slice %arg4[%dma_wait3A_44] : memref<320000xi32, #tpu.memory_space<hbm>> -> memref<80xi32, #tpu.memory_space<hbm>>
    tpu.wait_dma2 semaphore(%arg30 : memref<!tpu.dma_semaphore, #tpu.memory_space<semaphore_mem>>) src(%dma_wait3A_45 : memref<80xi32, #tpu.memory_space<hbm>>) dst(%arg17 : memref<80xi32, #tpu.memory_space<vmem>>)
    %dma_start3A_46 = arith.constant 0 : i32
    %dma_start3A_47 = arith.constant 0 : i32
    %dma_start3A_48 = tpu.memref_slice %arg2[%dma_start3A_46, %dma_start3A_47] : memref<10240x128xf32, #tpu.memory_space<hbm>> -> memref<10240x128xf32, #tpu.memory_space<hbm>>
    tpu.enqueue_indirect_dma source(%dma_start3A_48 : memref<10240x128xf32, #tpu.memory_space<hbm>>) target(%arg8 : memref<80x128xf32, #tpu.memory_space<vmem>>) offsets(%arg11 : memref<80xi32, #tpu.memory_space<vmem>>) semaphore(%arg24 : memref<!tpu.dma_semaphore, #tpu.memory_space<semaphore_mem>>)
    %dma_wait3A_49 = arith.constant 0 : i32
    %dma_wait3A_50 = arith.constant 0 : i32
    %dma_wait3A_51 = tpu.memref_slice %arg2[%dma_wait3A_49, %dma_wait3A_50] : memref<10240x128xf32, #tpu.memory_space<hbm>> -> memref<80x128xf32, #tpu.memory_space<hbm>>
    %dma_wait3A_52 = arith.constant 0 : i32
    %dma_wait3A_53 = arith.constant 0 : i32
    %dma_wait3A_54 = tpu.memref_slice %arg2[%dma_wait3A_52, %dma_wait3A_53] : memref<10240x128xf32, #tpu.memory_space<hbm>> -> memref<80x128xf32, #tpu.memory_space<hbm>>
    tpu.wait_dma2 semaphore(%arg24 : memref<!tpu.dma_semaphore, #tpu.memory_space<semaphore_mem>>) src(%dma_wait3A_54 : memref<80x128xf32, #tpu.memory_space<hbm>>) dst(%arg8 : memref<80x128xf32, #tpu.memory_space<vmem>>)
    "tpu.region"() ({
      %run_scoped3A = tpu.sem_alloc : memref<!tpu.dma_semaphore, #tpu.memory_space<semaphore_mem>>
      %dma_start3A_201 = arith.constant 0 : i32
      %dma_start3A_202 = arith.constant 0 : i32
      %dma_start3A_203 = tpu.memref_slice %arg22[%dma_start3A_201, %dma_start3A_202] : memref<10240x128xf32, #tpu.memory_space<vmem_shared>> -> memref<10240x128xf32, #tpu.memory_space<vmem_shared>>
      tpu.enqueue_indirect_dma source(%arg8 : memref<80x128xf32, #tpu.memory_space<vmem>>) target(%dma_start3A_203 : memref<10240x128xf32, #tpu.memory_space<vmem_shared>>) offsets(%arg17 : memref<80xi32, #tpu.memory_space<vmem>>) semaphore(%run_scoped3A : memref<!tpu.dma_semaphore, #tpu.memory_space<semaphore_mem>>) {add = true}
      %dma_wait3A_204 = arith.constant 0 : i32
      %dma_wait3A_205 = arith.constant 0 : i32
      %dma_wait3A_206 = tpu.memref_slice %arg22[%dma_wait3A_204, %dma_wait3A_205] : memref<10240x128xf32, #tpu.memory_space<vmem_shared>> -> memref<10240x128xf32, #tpu.memory_space<vmem_shared>>
      tpu.wait_indirect_dma semaphore(%run_scoped3A : memref<!tpu.dma_semaphore, #tpu.memory_space<semaphore_mem>>) src(%arg8 : memref<80x128xf32, #tpu.memory_space<vmem>>) dst(%dma_wait3A_206 : memref<10240x128xf32, #tpu.memory_space<vmem_shared>>)
      tpu.yield
    }) : () -> ()
    %add3A_55 = arith.constant 160 : i32
    %add3A_56 = arith.addi %mul3A_2, %add3A_55 : i32
    %dma_start3A_57 = tpu.memref_slice %arg3[%add3A_56] : memref<320000xi32, #tpu.memory_space<hbm>> -> memref<80xi32, #tpu.memory_space<hbm>>
    %dma_start3A_58 = tpu.memref_slice %arg3[%add3A_56] : memref<320000xi32, #tpu.memory_space<hbm>> -> memref<80xi32, #tpu.memory_space<hbm>>
    tpu.enqueue_dma source(%dma_start3A_58 : memref<80xi32, #tpu.memory_space<hbm>>) target(%arg12 : memref<80xi32, #tpu.memory_space<vmem>>) target_semaphore(%arg31 : memref<!tpu.dma_semaphore, #tpu.memory_space<semaphore_mem>>)
    %add3A_59 = arith.constant 160 : i32
    %add3A_60 = arith.addi %mul3A_2, %add3A_59 : i32
    %dma_start3A_61 = tpu.memref_slice %arg4[%add3A_60] : memref<320000xi32, #tpu.memory_space<hbm>> -> memref<80xi32, #tpu.memory_space<hbm>>
    %dma_start3A_62 = tpu.memref_slice %arg4[%add3A_60] : memref<320000xi32, #tpu.memory_space<hbm>> -> memref<80xi32, #tpu.memory_space<hbm>>
    tpu.enqueue_dma source(%dma_start3A_62 : memref<80xi32, #tpu.memory_space<hbm>>) target(%arg18 : memref<80xi32, #tpu.memory_space<vmem>>) target_semaphore(%arg31 : memref<!tpu.dma_semaphore, #tpu.memory_space<semaphore_mem>>)
    %dma_wait3A_63 = arith.constant 0 : i32
    %dma_wait3A_64 = tpu.memref_slice %arg3[%dma_wait3A_63] : memref<320000xi32, #tpu.memory_space<hbm>> -> memref<80xi32, #tpu.memory_space<hbm>>
    %dma_wait3A_65 = arith.constant 0 : i32
    %dma_wait3A_66 = tpu.memref_slice %arg3[%dma_wait3A_65] : memref<320000xi32, #tpu.memory_space<hbm>> -> memref<80xi32, #tpu.memory_space<hbm>>
    tpu.wait_dma2 semaphore(%arg31 : memref<!tpu.dma_semaphore, #tpu.memory_space<semaphore_mem>>) src(%dma_wait3A_66 : memref<80xi32, #tpu.memory_space<hbm>>) dst(%arg12 : memref<80xi32, #tpu.memory_space<vmem>>)
    %dma_wait3A_67 = arith.constant 0 : i32
    %dma_wait3A_68 = tpu.memref_slice %arg4[%dma_wait3A_67] : memref<320000xi32, #tpu.memory_space<hbm>> -> memref<80xi32, #tpu.memory_space<hbm>>
    %dma_wait3A_69 = arith.constant 0 : i32
    %dma_wait3A_70 = tpu.memref_slice %arg4[%dma_wait3A_69] : memref<320000xi32, #tpu.memory_space<hbm>> -> memref<80xi32, #tpu.memory_space<hbm>>
    tpu.wait_dma2 semaphore(%arg31 : memref<!tpu.dma_semaphore, #tpu.memory_space<semaphore_mem>>) src(%dma_wait3A_70 : memref<80xi32, #tpu.memory_space<hbm>>) dst(%arg18 : memref<80xi32, #tpu.memory_space<vmem>>)
    %dma_start3A_71 = arith.constant 0 : i32
    %dma_start3A_72 = arith.constant 0 : i32
    %dma_start3A_73 = tpu.memref_slice %arg2[%dma_start3A_71, %dma_start3A_72] : memref<10240x128xf32, #tpu.memory_space<hbm>> -> memref<10240x128xf32, #tpu.memory_space<hbm>>
    tpu.enqueue_indirect_dma source(%dma_start3A_73 : memref<10240x128xf32, #tpu.memory_space<hbm>>) target(%arg9 : memref<80x128xf32, #tpu.memory_space<vmem>>) offsets(%arg12 : memref<80xi32, #tpu.memory_space<vmem>>) semaphore(%arg25 : memref<!tpu.dma_semaphore, #tpu.memory_space<semaphore_mem>>)
    %dma_wait3A_74 = arith.constant 0 : i32
    %dma_wait3A_75 = arith.constant 0 : i32
    %dma_wait3A_76 = tpu.memref_slice %arg2[%dma_wait3A_74, %dma_wait3A_75] : memref<10240x128xf32, #tpu.memory_space<hbm>> -> memref<80x128xf32, #tpu.memory_space<hbm>>
    %dma_wait3A_77 = arith.constant 0 : i32
    %dma_wait3A_78 = arith.constant 0 : i32
    %dma_wait3A_79 = tpu.memref_slice %arg2[%dma_wait3A_77, %dma_wait3A_78] : memref<10240x128xf32, #tpu.memory_space<hbm>> -> memref<80x128xf32, #tpu.memory_space<hbm>>
    tpu.wait_dma2 semaphore(%arg25 : memref<!tpu.dma_semaphore, #tpu.memory_space<semaphore_mem>>) src(%dma_wait3A_79 : memref<80x128xf32, #tpu.memory_space<hbm>>) dst(%arg9 : memref<80x128xf32, #tpu.memory_space<vmem>>)
    "tpu.region"() ({
      %run_scoped3A = tpu.sem_alloc : memref<!tpu.dma_semaphore, #tpu.memory_space<semaphore_mem>>
      %dma_start3A_201 = arith.constant 0 : i32
      %dma_start3A_202 = arith.constant 0 : i32
      %dma_start3A_203 = tpu.memref_slice %arg22[%dma_start3A_201, %dma_start3A_202] : memref<10240x128xf32, #tpu.memory_space<vmem_shared>> -> memref<10240x128xf32, #tpu.memory_space<vmem_shared>>
      tpu.enqueue_indirect_dma source(%arg9 : memref<80x128xf32, #tpu.memory_space<vmem>>) target(%dma_start3A_203 : memref<10240x128xf32, #tpu.memory_space<vmem_shared>>) offsets(%arg18 : memref<80xi32, #tpu.memory_space<vmem>>) semaphore(%run_scoped3A : memref<!tpu.dma_semaphore, #tpu.memory_space<semaphore_mem>>) {add = true}
      %dma_wait3A_204 = arith.constant 0 : i32
      %dma_wait3A_205 = arith.constant 0 : i32
      %dma_wait3A_206 = tpu.memref_slice %arg22[%dma_wait3A_204, %dma_wait3A_205] : memref<10240x128xf32, #tpu.memory_space<vmem_shared>> -> memref<10240x128xf32, #tpu.memory_space<vmem_shared>>
      tpu.wait_indirect_dma semaphore(%run_scoped3A : memref<!tpu.dma_semaphore, #tpu.memory_space<semaphore_mem>>) src(%arg9 : memref<80x128xf32, #tpu.memory_space<vmem>>) dst(%dma_wait3A_206 : memref<10240x128xf32, #tpu.memory_space<vmem_shared>>)
      tpu.yield
    }) : () -> ()
    %add3A_80 = arith.constant 240 : i32
    %add3A_81 = arith.addi %mul3A_2, %add3A_80 : i32
    %dma_start3A_82 = tpu.memref_slice %arg3[%add3A_81] : memref<320000xi32, #tpu.memory_space<hbm>> -> memref<80xi32, #tpu.memory_space<hbm>>
    %dma_start3A_83 = tpu.memref_slice %arg3[%add3A_81] : memref<320000xi32, #tpu.memory_space<hbm>> -> memref<80xi32, #tpu.memory_space<hbm>>
    tpu.enqueue_dma source(%dma_start3A_83 : memref<80xi32, #tpu.memory_space<hbm>>) target(%arg13 : memref<80xi32, #tpu.memory_space<vmem>>) target_semaphore(%arg32 : memref<!tpu.dma_semaphore, #tpu.memory_space<semaphore_mem>>)
    %add3A_84 = arith.constant 240 : i32
    %add3A_85 = arith.addi %mul3A_2, %add3A_84 : i32
    %dma_start3A_86 = tpu.memref_slice %arg4[%add3A_85] : memref<320000xi32, #tpu.memory_space<hbm>> -> memref<80xi32, #tpu.memory_space<hbm>>
    %dma_start3A_87 = tpu.memref_slice %arg4[%add3A_85] : memref<320000xi32, #tpu.memory_space<hbm>> -> memref<80xi32, #tpu.memory_space<hbm>>
    tpu.enqueue_dma source(%dma_start3A_87 : memref<80xi32, #tpu.memory_space<hbm>>) target(%arg19 : memref<80xi32, #tpu.memory_space<vmem>>) target_semaphore(%arg32 : memref<!tpu.dma_semaphore, #tpu.memory_space<semaphore_mem>>)
    %dma_wait3A_88 = arith.constant 0 : i32
    %dma_wait3A_89 = tpu.memref_slice %arg3[%dma_wait3A_88] : memref<320000xi32, #tpu.memory_space<hbm>> -> memref<80xi32, #tpu.memory_space<hbm>>
    %dma_wait3A_90 = arith.constant 0 : i32
    %dma_wait3A_91 = tpu.memref_slice %arg3[%dma_wait3A_90] : memref<320000xi32, #tpu.memory_space<hbm>> -> memref<80xi32, #tpu.memory_space<hbm>>
    tpu.wait_dma2 semaphore(%arg32 : memref<!tpu.dma_semaphore, #tpu.memory_space<semaphore_mem>>) src(%dma_wait3A_91 : memref<80xi32, #tpu.memory_space<hbm>>) dst(%arg13 : memref<80xi32, #tpu.memory_space<vmem>>)
    %dma_wait3A_92 = arith.constant 0 : i32
    %dma_wait3A_93 = tpu.memref_slice %arg4[%dma_wait3A_92] : memref<320000xi32, #tpu.memory_space<hbm>> -> memref<80xi32, #tpu.memory_space<hbm>>
    %dma_wait3A_94 = arith.constant 0 : i32
    %dma_wait3A_95 = tpu.memref_slice %arg4[%dma_wait3A_94] : memref<320000xi32, #tpu.memory_space<hbm>> -> memref<80xi32, #tpu.memory_space<hbm>>
    tpu.wait_dma2 semaphore(%arg32 : memref<!tpu.dma_semaphore, #tpu.memory_space<semaphore_mem>>) src(%dma_wait3A_95 : memref<80xi32, #tpu.memory_space<hbm>>) dst(%arg19 : memref<80xi32, #tpu.memory_space<vmem>>)
    %dma_start3A_96 = arith.constant 0 : i32
    %dma_start3A_97 = arith.constant 0 : i32
    %dma_start3A_98 = tpu.memref_slice %arg2[%dma_start3A_96, %dma_start3A_97] : memref<10240x128xf32, #tpu.memory_space<hbm>> -> memref<10240x128xf32, #tpu.memory_space<hbm>>
    tpu.enqueue_indirect_dma source(%dma_start3A_98 : memref<10240x128xf32, #tpu.memory_space<hbm>>) target(%arg7 : memref<80x128xf32, #tpu.memory_space<vmem>>) offsets(%arg13 : memref<80xi32, #tpu.memory_space<vmem>>) semaphore(%arg23 : memref<!tpu.dma_semaphore, #tpu.memory_space<semaphore_mem>>)
    %dma_wait3A_99 = arith.constant 0 : i32
    %dma_wait3A_100 = arith.constant 0 : i32
    %dma_wait3A_101 = tpu.memref_slice %arg2[%dma_wait3A_99, %dma_wait3A_100] : memref<10240x128xf32, #tpu.memory_space<hbm>> -> memref<80x128xf32, #tpu.memory_space<hbm>>
    %dma_wait3A_102 = arith.constant 0 : i32
    %dma_wait3A_103 = arith.constant 0 : i32
    %dma_wait3A_104 = tpu.memref_slice %arg2[%dma_wait3A_102, %dma_wait3A_103] : memref<10240x128xf32, #tpu.memory_space<hbm>> -> memref<80x128xf32, #tpu.memory_space<hbm>>
    tpu.wait_dma2 semaphore(%arg23 : memref<!tpu.dma_semaphore, #tpu.memory_space<semaphore_mem>>) src(%dma_wait3A_104 : memref<80x128xf32, #tpu.memory_space<hbm>>) dst(%arg7 : memref<80x128xf32, #tpu.memory_space<vmem>>)
    "tpu.region"() ({
      %run_scoped3A = tpu.sem_alloc : memref<!tpu.dma_semaphore, #tpu.memory_space<semaphore_mem>>
      %dma_start3A_201 = arith.constant 0 : i32
      %dma_start3A_202 = arith.constant 0 : i32
      %dma_start3A_203 = tpu.memref_slice %arg22[%dma_start3A_201, %dma_start3A_202] : memref<10240x128xf32, #tpu.memory_space<vmem_shared>> -> memref<10240x128xf32, #tpu.memory_space<vmem_shared>>
      tpu.enqueue_indirect_dma source(%arg7 : memref<80x128xf32, #tpu.memory_space<vmem>>) target(%dma_start3A_203 : memref<10240x128xf32, #tpu.memory_space<vmem_shared>>) offsets(%arg19 : memref<80xi32, #tpu.memory_space<vmem>>) semaphore(%run_scoped3A : memref<!tpu.dma_semaphore, #tpu.memory_space<semaphore_mem>>) {add = true}
      %dma_wait3A_204 = arith.constant 0 : i32
      %dma_wait3A_205 = arith.constant 0 : i32
      %dma_wait3A_206 = tpu.memref_slice %arg22[%dma_wait3A_204, %dma_wait3A_205] : memref<10240x128xf32, #tpu.memory_space<vmem_shared>> -> memref<10240x128xf32, #tpu.memory_space<vmem_shared>>
      tpu.wait_indirect_dma semaphore(%run_scoped3A : memref<!tpu.dma_semaphore, #tpu.memory_space<semaphore_mem>>) src(%arg7 : memref<80x128xf32, #tpu.memory_space<vmem>>) dst(%dma_wait3A_206 : memref<10240x128xf32, #tpu.memory_space<vmem_shared>>)
      tpu.yield
    }) : () -> ()
    %add3A_105 = arith.constant 320 : i32
    %add3A_106 = arith.addi %mul3A_2, %add3A_105 : i32
    %dma_start3A_107 = tpu.memref_slice %arg3[%add3A_106] : memref<320000xi32, #tpu.memory_space<hbm>> -> memref<80xi32, #tpu.memory_space<hbm>>
    %dma_start3A_108 = tpu.memref_slice %arg3[%add3A_106] : memref<320000xi32, #tpu.memory_space<hbm>> -> memref<80xi32, #tpu.memory_space<hbm>>
    tpu.enqueue_dma source(%dma_start3A_108 : memref<80xi32, #tpu.memory_space<hbm>>) target(%arg14 : memref<80xi32, #tpu.memory_space<vmem>>) target_semaphore(%arg33 : memref<!tpu.dma_semaphore, #tpu.memory_space<semaphore_mem>>)
    %add3A_109 = arith.constant 320 : i32
    %add3A_110 = arith.addi %mul3A_2, %add3A_109 : i32
    %dma_start3A_111 = tpu.memref_slice %arg4[%add3A_110] : memref<320000xi32, #tpu.memory_space<hbm>> -> memref<80xi32, #tpu.memory_space<hbm>>
    %dma_start3A_112 = tpu.memref_slice %arg4[%add3A_110] : memref<320000xi32, #tpu.memory_space<hbm>> -> memref<80xi32, #tpu.memory_space<hbm>>
    tpu.enqueue_dma source(%dma_start3A_112 : memref<80xi32, #tpu.memory_space<hbm>>) target(%arg20 : memref<80xi32, #tpu.memory_space<vmem>>) target_semaphore(%arg33 : memref<!tpu.dma_semaphore, #tpu.memory_space<semaphore_mem>>)
    %dma_wait3A_113 = arith.constant 0 : i32
    %dma_wait3A_114 = tpu.memref_slice %arg3[%dma_wait3A_113] : memref<320000xi32, #tpu.memory_space<hbm>> -> memref<80xi32, #tpu.memory_space<hbm>>
    %dma_wait3A_115 = arith.constant 0 : i32
    %dma_wait3A_116 = tpu.memref_slice %arg3[%dma_wait3A_115] : memref<320000xi32, #tpu.memory_space<hbm>> -> memref<80xi32, #tpu.memory_space<hbm>>
    tpu.wait_dma2 semaphore(%arg33 : memref<!tpu.dma_semaphore, #tpu.memory_space<semaphore_mem>>) src(%dma_wait3A_116 : memref<80xi32, #tpu.memory_space<hbm>>) dst(%arg14 : memref<80xi32, #tpu.memory_space<vmem>>)
    %dma_wait3A_117 = arith.constant 0 : i32
    %dma_wait3A_118 = tpu.memref_slice %arg4[%dma_wait3A_117] : memref<320000xi32, #tpu.memory_space<hbm>> -> memref<80xi32, #tpu.memory_space<hbm>>
    %dma_wait3A_119 = arith.constant 0 : i32
    %dma_wait3A_120 = tpu.memref_slice %arg4[%dma_wait3A_119] : memref<320000xi32, #tpu.memory_space<hbm>> -> memref<80xi32, #tpu.memory_space<hbm>>
    tpu.wait_dma2 semaphore(%arg33 : memref<!tpu.dma_semaphore, #tpu.memory_space<semaphore_mem>>) src(%dma_wait3A_120 : memref<80xi32, #tpu.memory_space<hbm>>) dst(%arg20 : memref<80xi32, #tpu.memory_space<vmem>>)
    %dma_start3A_121 = arith.constant 0 : i32
    %dma_start3A_122 = arith.constant 0 : i32
    %dma_start3A_123 = tpu.memref_slice %arg2[%dma_start3A_121, %dma_start3A_122] : memref<10240x128xf32, #tpu.memory_space<hbm>> -> memref<10240x128xf32, #tpu.memory_space<hbm>>
    tpu.enqueue_indirect_dma source(%dma_start3A_123 : memref<10240x128xf32, #tpu.memory_space<hbm>>) target(%arg8 : memref<80x128xf32, #tpu.memory_space<vmem>>) offsets(%arg14 : memref<80xi32, #tpu.memory_space<vmem>>) semaphore(%arg24 : memref<!tpu.dma_semaphore, #tpu.memory_space<semaphore_mem>>)
    %dma_wait3A_124 = arith.constant 0 : i32
    %dma_wait3A_125 = arith.constant 0 : i32
    %dma_wait3A_126 = tpu.memref_slice %arg2[%dma_wait3A_124, %dma_wait3A_125] : memref<10240x128xf32, #tpu.memory_space<hbm>> -> memref<80x128xf32, #tpu.memory_space<hbm>>
    %dma_wait3A_127 = arith.constant 0 : i32
    %dma_wait3A_128 = arith.constant 0 : i32
    %dma_wait3A_129 = tpu.memref_slice %arg2[%dma_wait3A_127, %dma_wait3A_128] : memref<10240x128xf32, #tpu.memory_space<hbm>> -> memref<80x128xf32, #tpu.memory_space<hbm>>
    tpu.wait_dma2 semaphore(%arg24 : memref<!tpu.dma_semaphore, #tpu.memory_space<semaphore_mem>>) src(%dma_wait3A_129 : memref<80x128xf32, #tpu.memory_space<hbm>>) dst(%arg8 : memref<80x128xf32, #tpu.memory_space<vmem>>)
    "tpu.region"() ({
      %run_scoped3A = tpu.sem_alloc : memref<!tpu.dma_semaphore, #tpu.memory_space<semaphore_mem>>
      %dma_start3A_201 = arith.constant 0 : i32
      %dma_start3A_202 = arith.constant 0 : i32
      %dma_start3A_203 = tpu.memref_slice %arg22[%dma_start3A_201, %dma_start3A_202] : memref<10240x128xf32, #tpu.memory_space<vmem_shared>> -> memref<10240x128xf32, #tpu.memory_space<vmem_shared>>
      tpu.enqueue_indirect_dma source(%arg8 : memref<80x128xf32, #tpu.memory_space<vmem>>) target(%dma_start3A_203 : memref<10240x128xf32, #tpu.memory_space<vmem_shared>>) offsets(%arg20 : memref<80xi32, #tpu.memory_space<vmem>>) semaphore(%run_scoped3A : memref<!tpu.dma_semaphore, #tpu.memory_space<semaphore_mem>>) {add = true}
      %dma_wait3A_204 = arith.constant 0 : i32
      %dma_wait3A_205 = arith.constant 0 : i32
      %dma_wait3A_206 = tpu.memref_slice %arg22[%dma_wait3A_204, %dma_wait3A_205] : memref<10240x128xf32, #tpu.memory_space<vmem_shared>> -> memref<10240x128xf32, #tpu.memory_space<vmem_shared>>
      tpu.wait_indirect_dma semaphore(%run_scoped3A : memref<!tpu.dma_semaphore, #tpu.memory_space<semaphore_mem>>) src(%arg8 : memref<80x128xf32, #tpu.memory_space<vmem>>) dst(%dma_wait3A_206 : memref<10240x128xf32, #tpu.memory_space<vmem_shared>>)
      tpu.yield
    }) : () -> ()
    %add3A_130 = arith.constant 400 : i32
    %add3A_131 = arith.addi %mul3A_2, %add3A_130 : i32
    %dma_start3A_132 = tpu.memref_slice %arg3[%add3A_131] : memref<320000xi32, #tpu.memory_space<hbm>> -> memref<80xi32, #tpu.memory_space<hbm>>
    %dma_start3A_133 = tpu.memref_slice %arg3[%add3A_131] : memref<320000xi32, #tpu.memory_space<hbm>> -> memref<80xi32, #tpu.memory_space<hbm>>
    tpu.enqueue_dma source(%dma_start3A_133 : memref<80xi32, #tpu.memory_space<hbm>>) target(%arg15 : memref<80xi32, #tpu.memory_space<vmem>>) target_semaphore(%arg34 : memref<!tpu.dma_semaphore, #tpu.memory_space<semaphore_mem>>)
    %add3A_134 = arith.constant 400 : i32
    %add3A_135 = arith.addi %mul3A_2, %add3A_134 : i32
    %dma_start3A_136 = tpu.memref_slice %arg4[%add3A_135] : memref<320000xi32, #tpu.memory_space<hbm>> -> memref<80xi32, #tpu.memory_space<hbm>>
    %dma_start3A_137 = tpu.memref_slice %arg4[%add3A_135] : memref<320000xi32, #tpu.memory_space<hbm>> -> memref<80xi32, #tpu.memory_space<hbm>>
    tpu.enqueue_dma source(%dma_start3A_137 : memref<80xi32, #tpu.memory_space<hbm>>) target(%arg21 : memref<80xi32, #tpu.memory_space<vmem>>) target_semaphore(%arg34 : memref<!tpu.dma_semaphore, #tpu.memory_space<semaphore_mem>>)
    %add3A_138 = arith.constant 480 : i32
    %add3A_139 = arith.addi %mul3A_2, %add3A_138 : i32
    %dma_start3A_140 = tpu.memref_slice %arg3[%add3A_139] : memref<320000xi32, #tpu.memory_space<hbm>> -> memref<80xi32, #tpu.memory_space<hbm>>
    %dma_start3A_141 = tpu.memref_slice %arg3[%add3A_139] : memref<320000xi32, #tpu.memory_space<hbm>> -> memref<80xi32, #tpu.memory_space<hbm>>
    tpu.enqueue_dma source(%dma_start3A_141 : memref<80xi32, #tpu.memory_space<hbm>>) target(%arg10 : memref<80xi32, #tpu.memory_space<vmem>>) target_semaphore(%arg29 : memref<!tpu.dma_semaphore, #tpu.memory_space<semaphore_mem>>)
    %add3A_142 = arith.constant 480 : i32
    %add3A_143 = arith.addi %mul3A_2, %add3A_142 : i32
    %dma_start3A_144 = tpu.memref_slice %arg4[%add3A_143] : memref<320000xi32, #tpu.memory_space<hbm>> -> memref<80xi32, #tpu.memory_space<hbm>>
    %dma_start3A_145 = tpu.memref_slice %arg4[%add3A_143] : memref<320000xi32, #tpu.memory_space<hbm>> -> memref<80xi32, #tpu.memory_space<hbm>>
    tpu.enqueue_dma source(%dma_start3A_145 : memref<80xi32, #tpu.memory_space<hbm>>) target(%arg16 : memref<80xi32, #tpu.memory_space<vmem>>) target_semaphore(%arg29 : memref<!tpu.dma_semaphore, #tpu.memory_space<semaphore_mem>>)
    %add3A_146 = arith.constant 560 : i32
    %add3A_147 = arith.addi %mul3A_2, %add3A_146 : i32
    %dma_start3A_148 = tpu.memref_slice %arg3[%add3A_147] : memref<320000xi32, #tpu.memory_space<hbm>> -> memref<80xi32, #tpu.memory_space<hbm>>
    %dma_start3A_149 = tpu.memref_slice %arg3[%add3A_147] : memref<320000xi32, #tpu.memory_space<hbm>> -> memref<80xi32, #tpu.memory_space<hbm>>
    tpu.enqueue_dma source(%dma_start3A_149 : memref<80xi32, #tpu.memory_space<hbm>>) target(%arg11 : memref<80xi32, #tpu.memory_space<vmem>>) target_semaphore(%arg30 : memref<!tpu.dma_semaphore, #tpu.memory_space<semaphore_mem>>)
    %add3A_150 = arith.constant 560 : i32
    %add3A_151 = arith.addi %mul3A_2, %add3A_150 : i32
    %dma_start3A_152 = tpu.memref_slice %arg4[%add3A_151] : memref<320000xi32, #tpu.memory_space<hbm>> -> memref<80xi32, #tpu.memory_space<hbm>>
    %dma_start3A_153 = tpu.memref_slice %arg4[%add3A_151] : memref<320000xi32, #tpu.memory_space<hbm>> -> memref<80xi32, #tpu.memory_space<hbm>>
    tpu.enqueue_dma source(%dma_start3A_153 : memref<80xi32, #tpu.memory_space<hbm>>) target(%arg17 : memref<80xi32, #tpu.memory_space<vmem>>) target_semaphore(%arg30 : memref<!tpu.dma_semaphore, #tpu.memory_space<semaphore_mem>>)
    %add3A_154 = arith.constant 640 : i32
    %add3A_155 = arith.addi %mul3A_2, %add3A_154 : i32
    %dma_start3A_156 = tpu.memref_slice %arg3[%add3A_155] : memref<320000xi32, #tpu.memory_space<hbm>> -> memref<80xi32, #tpu.memory_space<hbm>>
    %dma_start3A_157 = tpu.memref_slice %arg3[%add3A_155] : memref<320000xi32, #tpu.memory_space<hbm>> -> memref<80xi32, #tpu.memory_space<hbm>>
    tpu.enqueue_dma source(%dma_start3A_157 : memref<80xi32, #tpu.memory_space<hbm>>) target(%arg12 : memref<80xi32, #tpu.memory_space<vmem>>) target_semaphore(%arg31 : memref<!tpu.dma_semaphore, #tpu.memory_space<semaphore_mem>>)
    %add3A_158 = arith.constant 640 : i32
    %add3A_159 = arith.addi %mul3A_2, %add3A_158 : i32
    %dma_start3A_160 = tpu.memref_slice %arg4[%add3A_159] : memref<320000xi32, #tpu.memory_space<hbm>> -> memref<80xi32, #tpu.memory_space<hbm>>
    %dma_start3A_161 = tpu.memref_slice %arg4[%add3A_159] : memref<320000xi32, #tpu.memory_space<hbm>> -> memref<80xi32, #tpu.memory_space<hbm>>
    tpu.enqueue_dma source(%dma_start3A_161 : memref<80xi32, #tpu.memory_space<hbm>>) target(%arg18 : memref<80xi32, #tpu.memory_space<vmem>>) target_semaphore(%arg31 : memref<!tpu.dma_semaphore, #tpu.memory_space<semaphore_mem>>)
    %dma_wait3A_162 = arith.constant 0 : i32
    %dma_wait3A_163 = tpu.memref_slice %arg3[%dma_wait3A_162] : memref<320000xi32, #tpu.memory_space<hbm>> -> memref<80xi32, #tpu.memory_space<hbm>>
    %dma_wait3A_164 = arith.constant 0 : i32
    %dma_wait3A_165 = tpu.memref_slice %arg3[%dma_wait3A_164] : memref<320000xi32, #tpu.memory_space<hbm>> -> memref<80xi32, #tpu.memory_space<hbm>>
    tpu.wait_dma2 semaphore(%arg34 : memref<!tpu.dma_semaphore, #tpu.memory_space<semaphore_mem>>) src(%dma_wait3A_165 : memref<80xi32, #tpu.memory_space<hbm>>) dst(%arg15 : memref<80xi32, #tpu.memory_space<vmem>>)
    %dma_wait3A_166 = arith.constant 0 : i32
    %dma_wait3A_167 = tpu.memref_slice %arg4[%dma_wait3A_166] : memref<320000xi32, #tpu.memory_space<hbm>> -> memref<80xi32, #tpu.memory_space<hbm>>
    %dma_wait3A_168 = arith.constant 0 : i32
    %dma_wait3A_169 = tpu.memref_slice %arg4[%dma_wait3A_168] : memref<320000xi32, #tpu.memory_space<hbm>> -> memref<80xi32, #tpu.memory_space<hbm>>
    tpu.wait_dma2 semaphore(%arg34 : memref<!tpu.dma_semaphore, #tpu.memory_space<semaphore_mem>>) src(%dma_wait3A_169 : memref<80xi32, #tpu.memory_space<hbm>>) dst(%arg21 : memref<80xi32, #tpu.memory_space<vmem>>)
    %dma_start3A_170 = arith.constant 0 : i32
    %dma_start3A_171 = arith.constant 0 : i32
    %dma_start3A_172 = tpu.memref_slice %arg2[%dma_start3A_170, %dma_start3A_171] : memref<10240x128xf32, #tpu.memory_space<hbm>> -> memref<10240x128xf32, #tpu.memory_space<hbm>>
    tpu.enqueue_indirect_dma source(%dma_start3A_172 : memref<10240x128xf32, #tpu.memory_space<hbm>>) target(%arg9 : memref<80x128xf32, #tpu.memory_space<vmem>>) offsets(%arg15 : memref<80xi32, #tpu.memory_space<vmem>>) semaphore(%arg25 : memref<!tpu.dma_semaphore, #tpu.memory_space<semaphore_mem>>)
    %dma_wait3A_173 = arith.constant 0 : i32
    %dma_wait3A_174 = tpu.memref_slice %arg3[%dma_wait3A_173] : memref<320000xi32, #tpu.memory_space<hbm>> -> memref<80xi32, #tpu.memory_space<hbm>>
    %dma_wait3A_175 = arith.constant 0 : i32
    %dma_wait3A_176 = tpu.memref_slice %arg3[%dma_wait3A_175] : memref<320000xi32, #tpu.memory_space<hbm>> -> memref<80xi32, #tpu.memory_space<hbm>>
    tpu.wait_dma2 semaphore(%arg29 : memref<!tpu.dma_semaphore, #tpu.memory_space<semaphore_mem>>) src(%dma_wait3A_176 : memref<80xi32, #tpu.memory_space<hbm>>) dst(%arg10 : memref<80xi32, #tpu.memory_space<vmem>>)
    %dma_wait3A_177 = arith.constant 0 : i32
    %dma_wait3A_178 = tpu.memref_slice %arg4[%dma_wait3A_177] : memref<320000xi32, #tpu.memory_space<hbm>> -> memref<80xi32, #tpu.memory_space<hbm>>
    %dma_wait3A_179 = arith.constant 0 : i32
    %dma_wait3A_180 = tpu.memref_slice %arg4[%dma_wait3A_179] : memref<320000xi32, #tpu.memory_space<hbm>> -> memref<80xi32, #tpu.memory_space<hbm>>
    tpu.wait_dma2 semaphore(%arg29 : memref<!tpu.dma_semaphore, #tpu.memory_space<semaphore_mem>>) src(%dma_wait3A_180 : memref<80xi32, #tpu.memory_space<hbm>>) dst(%arg16 : memref<80xi32, #tpu.memory_space<vmem>>)
    %dma_start3A_181 = arith.constant 0 : i32
    %dma_start3A_182 = arith.constant 0 : i32
    %dma_start3A_183 = tpu.memref_slice %arg2[%dma_start3A_181, %dma_start3A_182] : memref<10240x128xf32, #tpu.memory_space<hbm>> -> memref<10240x128xf32, #tpu.memory_space<hbm>>
    tpu.enqueue_indirect_dma source(%dma_start3A_183 : memref<10240x128xf32, #tpu.memory_space<hbm>>) target(%arg7 : memref<80x128xf32, #tpu.memory_space<vmem>>) offsets(%arg10 : memref<80xi32, #tpu.memory_space<vmem>>) semaphore(%arg23 : memref<!tpu.dma_semaphore, #tpu.memory_space<semaphore_mem>>)
    %scan3A_184 = arith.constant 0 : i32
    %scan3A_185 = arith.constant 20 : i32
    %scan3A_186 = arith.addi %scan3A_184, %scan3A_185 : i32
    %scan3A_187 = arith.constant 1 : i32
    scf.for %scan3A_201 = %scan3A_184 to %scan3A_186 step %scan3A_187  : i32 {
      %mul3A_202 = arith.constant 1 : i32
      %mul3A_203 = arith.muli %scan3A_201, %mul3A_202 : i32
      %add3A_204 = arith.constant 0 : i32
      %add3A_205 = arith.addi %add3A_204, %mul3A_203 : i32
      %mul3A_206 = arith.constant 6 : i32
      %mul3A_207 = arith.muli %add3A_205, %mul3A_206 : i32
      %add3A_208 = arith.constant 5 : i32
      %add3A_209 = arith.addi %add3A_208, %mul3A_207 : i32
      %add3A_210 = arith.constant 0 : i32
      %add3A_211 = arith.addi %add3A_209, %add3A_210 : i32
      %dma_wait3A_212 = arith.constant 0 : i32
      %dma_wait3A_213 = arith.constant 0 : i32
      %dma_wait3A_214 = tpu.memref_slice %arg2[%dma_wait3A_212, %dma_wait3A_213] : memref<10240x128xf32, #tpu.memory_space<hbm>> -> memref<80x128xf32, #tpu.memory_space<hbm>>
      %dma_wait3A_215 = arith.constant 0 : i32
      %dma_wait3A_216 = arith.constant 0 : i32
      %dma_wait3A_217 = tpu.memref_slice %arg2[%dma_wait3A_215, %dma_wait3A_216] : memref<10240x128xf32, #tpu.memory_space<hbm>> -> memref<80x128xf32, #tpu.memory_space<hbm>>
      tpu.wait_dma2 semaphore(%arg25 : memref<!tpu.dma_semaphore, #tpu.memory_space<semaphore_mem>>) src(%dma_wait3A_217 : memref<80x128xf32, #tpu.memory_space<hbm>>) dst(%arg9 : memref<80x128xf32, #tpu.memory_space<vmem>>)
      %dma_start3A_218 = arith.constant 0 : i32
      %dma_start3A_219 = arith.constant 0 : i32
      %dma_start3A_220 = tpu.memref_slice %arg22[%dma_start3A_218, %dma_start3A_219] : memref<10240x128xf32, #tpu.memory_space<vmem_shared>> -> memref<10240x128xf32, #tpu.memory_space<vmem_shared>>
      tpu.enqueue_indirect_dma source(%arg9 : memref<80x128xf32, #tpu.memory_space<vmem>>) target(%dma_start3A_220 : memref<10240x128xf32, #tpu.memory_space<vmem_shared>>) offsets(%arg21 : memref<80xi32, #tpu.memory_space<vmem>>) semaphore(%arg28 : memref<!tpu.dma_semaphore, #tpu.memory_space<semaphore_mem>>) {add = true}
      %add3A_221 = arith.constant 4 : i32
      %add3A_222 = arith.addi %add3A_211, %add3A_221 : i32
      %lt3A = arith.constant 125 : i32
      %lt3A_223 = arith.cmpi slt, %add3A_222, %lt3A : i32
      %convert_element_type3A = arith.extui %lt3A_223 : i1 to i32
      %cond3A = arith.constant 0 : i32
      %cond3A_224 = arith.cmpi ne, %convert_element_type3A, %cond3A : i32
      scf.if %cond3A_224 {
        %add3A_406 = arith.constant 4 : i32
        %add3A_407 = arith.addi %add3A_211, %add3A_406 : i32
        %mul3A_408 = arith.constant 80 : i32
        %mul3A_409 = arith.muli %add3A_407, %mul3A_408 : i32
        %add3A_410 = arith.addi %mul3A_2, %mul3A_409 : i32
        %dma_start3A_411 = tpu.memref_slice %arg3[%add3A_410] : memref<320000xi32, #tpu.memory_space<hbm>> -> memref<80xi32, #tpu.memory_space<hbm>>
        %dma_start3A_412 = tpu.memref_slice %arg3[%add3A_410] : memref<320000xi32, #tpu.memory_space<hbm>> -> memref<80xi32, #tpu.memory_space<hbm>>
        tpu.enqueue_dma source(%dma_start3A_412 : memref<80xi32, #tpu.memory_space<hbm>>) target(%arg13 : memref<80xi32, #tpu.memory_space<vmem>>) target_semaphore(%arg32 : memref<!tpu.dma_semaphore, #tpu.memory_space<semaphore_mem>>)
        %mul3A_413 = arith.constant 80 : i32
        %mul3A_414 = arith.muli %add3A_407, %mul3A_413 : i32
        %add3A_415 = arith.addi %mul3A_2, %mul3A_414 : i32
        %dma_start3A_416 = tpu.memref_slice %arg4[%add3A_415] : memref<320000xi32, #tpu.memory_space<hbm>> -> memref<80xi32, #tpu.memory_space<hbm>>
        %dma_start3A_417 = tpu.memref_slice %arg4[%add3A_415] : memref<320000xi32, #tpu.memory_space<hbm>> -> memref<80xi32, #tpu.memory_space<hbm>>
        tpu.enqueue_dma source(%dma_start3A_417 : memref<80xi32, #tpu.memory_space<hbm>>) target(%arg19 : memref<80xi32, #tpu.memory_space<vmem>>) target_semaphore(%arg32 : memref<!tpu.dma_semaphore, #tpu.memory_space<semaphore_mem>>)
      } else {
      }
      %ge3A = arith.constant 6 : i32
      %ge3A_225 = arith.cmpi sge, %add3A_211, %ge3A : i32
      %convert_element_type3A_226 = arith.extui %ge3A_225 : i1 to i32
      %cond3A_227 = arith.constant 0 : i32
      %cond3A_228 = arith.cmpi ne, %convert_element_type3A_226, %cond3A_227 : i32
      scf.if %cond3A_228 {
        %dma_wait3A_406 = arith.constant 0 : i32
        %dma_wait3A_407 = arith.constant 0 : i32
        %dma_wait3A_408 = tpu.memref_slice %arg22[%dma_wait3A_406, %dma_wait3A_407] : memref<10240x128xf32, #tpu.memory_space<vmem_shared>> -> memref<80x128xf32, #tpu.memory_space<vmem_shared>>
        %dma_wait3A_409 = arith.constant 0 : i32
        %dma_wait3A_410 = arith.constant 0 : i32
        %dma_wait3A_411 = tpu.memref_slice %arg22[%dma_wait3A_409, %dma_wait3A_410] : memref<10240x128xf32, #tpu.memory_space<vmem_shared>> -> memref<80x128xf32, #tpu.memory_space<vmem_shared>>
        tpu.wait_dma2 semaphore(%arg27 : memref<!tpu.dma_semaphore, #tpu.memory_space<semaphore_mem>>) src(%arg8 : memref<80x128xf32, #tpu.memory_space<vmem>>) dst(%dma_wait3A_411 : memref<80x128xf32, #tpu.memory_space<vmem_shared>>)
      } else {
      }
      %add3A_229 = arith.constant 2 : i32
      %add3A_230 = arith.addi %add3A_211, %add3A_229 : i32
      %lt3A_231 = arith.constant 125 : i32
      %lt3A_232 = arith.cmpi slt, %add3A_230, %lt3A_231 : i32
      %convert_element_type3A_233 = arith.extui %lt3A_232 : i1 to i32
      %cond3A_234 = arith.constant 0 : i32
      %cond3A_235 = arith.cmpi ne, %convert_element_type3A_233, %cond3A_234 : i32
      scf.if %cond3A_235 {
        %dma_wait3A_406 = arith.constant 0 : i32
        %dma_wait3A_407 = tpu.memref_slice %arg3[%dma_wait3A_406] : memref<320000xi32, #tpu.memory_space<hbm>> -> memref<80xi32, #tpu.memory_space<hbm>>
        %dma_wait3A_408 = arith.constant 0 : i32
        %dma_wait3A_409 = tpu.memref_slice %arg3[%dma_wait3A_408] : memref<320000xi32, #tpu.memory_space<hbm>> -> memref<80xi32, #tpu.memory_space<hbm>>
        tpu.wait_dma2 semaphore(%arg30 : memref<!tpu.dma_semaphore, #tpu.memory_space<semaphore_mem>>) src(%dma_wait3A_409 : memref<80xi32, #tpu.memory_space<hbm>>) dst(%arg11 : memref<80xi32, #tpu.memory_space<vmem>>)
        %dma_wait3A_410 = arith.constant 0 : i32
        %dma_wait3A_411 = tpu.memref_slice %arg4[%dma_wait3A_410] : memref<320000xi32, #tpu.memory_space<hbm>> -> memref<80xi32, #tpu.memory_space<hbm>>
        %dma_wait3A_412 = arith.constant 0 : i32
        %dma_wait3A_413 = tpu.memref_slice %arg4[%dma_wait3A_412] : memref<320000xi32, #tpu.memory_space<hbm>> -> memref<80xi32, #tpu.memory_space<hbm>>
        tpu.wait_dma2 semaphore(%arg30 : memref<!tpu.dma_semaphore, #tpu.memory_space<semaphore_mem>>) src(%dma_wait3A_413 : memref<80xi32, #tpu.memory_space<hbm>>) dst(%arg17 : memref<80xi32, #tpu.memory_space<vmem>>)
        %dma_start3A_414 = arith.constant 0 : i32
        %dma_start3A_415 = arith.constant 0 : i32
        %dma_start3A_416 = tpu.memref_slice %arg2[%dma_start3A_414, %dma_start3A_415] : memref<10240x128xf32, #tpu.memory_space<hbm>> -> memref<10240x128xf32, #tpu.memory_space<hbm>>
        tpu.enqueue_indirect_dma source(%dma_start3A_416 : memref<10240x128xf32, #tpu.memory_space<hbm>>) target(%arg8 : memref<80x128xf32, #tpu.memory_space<vmem>>) offsets(%arg11 : memref<80xi32, #tpu.memory_space<vmem>>) semaphore(%arg24 : memref<!tpu.dma_semaphore, #tpu.memory_space<semaphore_mem>>)
      } else {
      }
      %mul3A_236 = arith.constant 6 : i32
      %mul3A_237 = arith.muli %add3A_205, %mul3A_236 : i32
      %add3A_238 = arith.constant 5 : i32
      %add3A_239 = arith.addi %add3A_238, %mul3A_237 : i32
      %add3A_240 = arith.constant 1 : i32
      %add3A_241 = arith.addi %add3A_239, %add3A_240 : i32
      %dma_wait3A_242 = arith.constant 0 : i32
      %dma_wait3A_243 = arith.constant 0 : i32
      %dma_wait3A_244 = tpu.memref_slice %arg2[%dma_wait3A_242, %dma_wait3A_243] : memref<10240x128xf32, #tpu.memory_space<hbm>> -> memref<80x128xf32, #tpu.memory_space<hbm>>
      %dma_wait3A_245 = arith.constant 0 : i32
      %dma_wait3A_246 = arith.constant 0 : i32
      %dma_wait3A_247 = tpu.memref_slice %arg2[%dma_wait3A_245, %dma_wait3A_246] : memref<10240x128xf32, #tpu.memory_space<hbm>> -> memref<80x128xf32, #tpu.memory_space<hbm>>
      tpu.wait_dma2 semaphore(%arg23 : memref<!tpu.dma_semaphore, #tpu.memory_space<semaphore_mem>>) src(%dma_wait3A_247 : memref<80x128xf32, #tpu.memory_space<hbm>>) dst(%arg7 : memref<80x128xf32, #tpu.memory_space<vmem>>)
      %dma_start3A_248 = arith.constant 0 : i32
      %dma_start3A_249 = arith.constant 0 : i32
      %dma_start3A_250 = tpu.memref_slice %arg22[%dma_start3A_248, %dma_start3A_249] : memref<10240x128xf32, #tpu.memory_space<vmem_shared>> -> memref<10240x128xf32, #tpu.memory_space<vmem_shared>>
      tpu.enqueue_indirect_dma source(%arg7 : memref<80x128xf32, #tpu.memory_space<vmem>>) target(%dma_start3A_250 : memref<10240x128xf32, #tpu.memory_space<vmem_shared>>) offsets(%arg16 : memref<80xi32, #tpu.memory_space<vmem>>) semaphore(%arg26 : memref<!tpu.dma_semaphore, #tpu.memory_space<semaphore_mem>>) {add = true}
      %add3A_251 = arith.constant 4 : i32
      %add3A_252 = arith.addi %add3A_241, %add3A_251 : i32
      %lt3A_253 = arith.constant 125 : i32
      %lt3A_254 = arith.cmpi slt, %add3A_252, %lt3A_253 : i32
      %convert_element_type3A_255 = arith.extui %lt3A_254 : i1 to i32
      %cond3A_256 = arith.constant 0 : i32
      %cond3A_257 = arith.cmpi ne, %convert_element_type3A_255, %cond3A_256 : i32
      scf.if %cond3A_257 {
        %add3A_406 = arith.constant 4 : i32
        %add3A_407 = arith.addi %add3A_241, %add3A_406 : i32
        %mul3A_408 = arith.constant 80 : i32
        %mul3A_409 = arith.muli %add3A_407, %mul3A_408 : i32
        %add3A_410 = arith.addi %mul3A_2, %mul3A_409 : i32
        %dma_start3A_411 = tpu.memref_slice %arg3[%add3A_410] : memref<320000xi32, #tpu.memory_space<hbm>> -> memref<80xi32, #tpu.memory_space<hbm>>
        %dma_start3A_412 = tpu.memref_slice %arg3[%add3A_410] : memref<320000xi32, #tpu.memory_space<hbm>> -> memref<80xi32, #tpu.memory_space<hbm>>
        tpu.enqueue_dma source(%dma_start3A_412 : memref<80xi32, #tpu.memory_space<hbm>>) target(%arg14 : memref<80xi32, #tpu.memory_space<vmem>>) target_semaphore(%arg33 : memref<!tpu.dma_semaphore, #tpu.memory_space<semaphore_mem>>)
        %mul3A_413 = arith.constant 80 : i32
        %mul3A_414 = arith.muli %add3A_407, %mul3A_413 : i32
        %add3A_415 = arith.addi %mul3A_2, %mul3A_414 : i32
        %dma_start3A_416 = tpu.memref_slice %arg4[%add3A_415] : memref<320000xi32, #tpu.memory_space<hbm>> -> memref<80xi32, #tpu.memory_space<hbm>>
        %dma_start3A_417 = tpu.memref_slice %arg4[%add3A_415] : memref<320000xi32, #tpu.memory_space<hbm>> -> memref<80xi32, #tpu.memory_space<hbm>>
        tpu.enqueue_dma source(%dma_start3A_417 : memref<80xi32, #tpu.memory_space<hbm>>) target(%arg20 : memref<80xi32, #tpu.memory_space<vmem>>) target_semaphore(%arg33 : memref<!tpu.dma_semaphore, #tpu.memory_space<semaphore_mem>>)
      } else {
      }
      %ge3A_258 = arith.constant 6 : i32
      %ge3A_259 = arith.cmpi sge, %add3A_241, %ge3A_258 : i32
      %convert_element_type3A_260 = arith.extui %ge3A_259 : i1 to i32
      %cond3A_261 = arith.constant 0 : i32
      %cond3A_262 = arith.cmpi ne, %convert_element_type3A_260, %cond3A_261 : i32
      scf.if %cond3A_262 {
        %dma_wait3A_406 = arith.constant 0 : i32
        %dma_wait3A_407 = arith.constant 0 : i32
        %dma_wait3A_408 = tpu.memref_slice %arg22[%dma_wait3A_406, %dma_wait3A_407] : memref<10240x128xf32, #tpu.memory_space<vmem_shared>> -> memref<80x128xf32, #tpu.memory_space<vmem_shared>>
        %dma_wait3A_409 = arith.constant 0 : i32
        %dma_wait3A_410 = arith.constant 0 : i32
        %dma_wait3A_411 = tpu.memref_slice %arg22[%dma_wait3A_409, %dma_wait3A_410] : memref<10240x128xf32, #tpu.memory_space<vmem_shared>> -> memref<80x128xf32, #tpu.memory_space<vmem_shared>>
        tpu.wait_dma2 semaphore(%arg28 : memref<!tpu.dma_semaphore, #tpu.memory_space<semaphore_mem>>) src(%arg9 : memref<80x128xf32, #tpu.memory_space<vmem>>) dst(%dma_wait3A_411 : memref<80x128xf32, #tpu.memory_space<vmem_shared>>)
      } else {
      }
      %add3A_263 = arith.constant 2 : i32
      %add3A_264 = arith.addi %add3A_241, %add3A_263 : i32
      %lt3A_265 = arith.constant 125 : i32
      %lt3A_266 = arith.cmpi slt, %add3A_264, %lt3A_265 : i32
      %convert_element_type3A_267 = arith.extui %lt3A_266 : i1 to i32
      %cond3A_268 = arith.constant 0 : i32
      %cond3A_269 = arith.cmpi ne, %convert_element_type3A_267, %cond3A_268 : i32
      scf.if %cond3A_269 {
        %dma_wait3A_406 = arith.constant 0 : i32
        %dma_wait3A_407 = tpu.memref_slice %arg3[%dma_wait3A_406] : memref<320000xi32, #tpu.memory_space<hbm>> -> memref<80xi32, #tpu.memory_space<hbm>>
        %dma_wait3A_408 = arith.constant 0 : i32
        %dma_wait3A_409 = tpu.memref_slice %arg3[%dma_wait3A_408] : memref<320000xi32, #tpu.memory_space<hbm>> -> memref<80xi32, #tpu.memory_space<hbm>>
        tpu.wait_dma2 semaphore(%arg31 : memref<!tpu.dma_semaphore, #tpu.memory_space<semaphore_mem>>) src(%dma_wait3A_409 : memref<80xi32, #tpu.memory_space<hbm>>) dst(%arg12 : memref<80xi32, #tpu.memory_space<vmem>>)
        %dma_wait3A_410 = arith.constant 0 : i32
        %dma_wait3A_411 = tpu.memref_slice %arg4[%dma_wait3A_410] : memref<320000xi32, #tpu.memory_space<hbm>> -> memref<80xi32, #tpu.memory_space<hbm>>
        %dma_wait3A_412 = arith.constant 0 : i32
        %dma_wait3A_413 = tpu.memref_slice %arg4[%dma_wait3A_412] : memref<320000xi32, #tpu.memory_space<hbm>> -> memref<80xi32, #tpu.memory_space<hbm>>
        tpu.wait_dma2 semaphore(%arg31 : memref<!tpu.dma_semaphore, #tpu.memory_space<semaphore_mem>>) src(%dma_wait3A_413 : memref<80xi32, #tpu.memory_space<hbm>>) dst(%arg18 : memref<80xi32, #tpu.memory_space<vmem>>)
        %dma_start3A_414 = arith.constant 0 : i32
        %dma_start3A_415 = arith.constant 0 : i32
        %dma_start3A_416 = tpu.memref_slice %arg2[%dma_start3A_414, %dma_start3A_415] : memref<10240x128xf32, #tpu.memory_space<hbm>> -> memref<10240x128xf32, #tpu.memory_space<hbm>>
        tpu.enqueue_indirect_dma source(%dma_start3A_416 : memref<10240x128xf32, #tpu.memory_space<hbm>>) target(%arg9 : memref<80x128xf32, #tpu.memory_space<vmem>>) offsets(%arg12 : memref<80xi32, #tpu.memory_space<vmem>>) semaphore(%arg25 : memref<!tpu.dma_semaphore, #tpu.memory_space<semaphore_mem>>)
      } else {
      }
      %mul3A_270 = arith.constant 6 : i32
      %mul3A_271 = arith.muli %add3A_205, %mul3A_270 : i32
      %add3A_272 = arith.constant 5 : i32
      %add3A_273 = arith.addi %add3A_272, %mul3A_271 : i32
      %add3A_274 = arith.constant 2 : i32
      %add3A_275 = arith.addi %add3A_273, %add3A_274 : i32
      %dma_wait3A_276 = arith.constant 0 : i32
      %dma_wait3A_277 = arith.constant 0 : i32
      %dma_wait3A_278 = tpu.memref_slice %arg2[%dma_wait3A_276, %dma_wait3A_277] : memref<10240x128xf32, #tpu.memory_space<hbm>> -> memref<80x128xf32, #tpu.memory_space<hbm>>
      %dma_wait3A_279 = arith.constant 0 : i32
      %dma_wait3A_280 = arith.constant 0 : i32
      %dma_wait3A_281 = tpu.memref_slice %arg2[%dma_wait3A_279, %dma_wait3A_280] : memref<10240x128xf32, #tpu.memory_space<hbm>> -> memref<80x128xf32, #tpu.memory_space<hbm>>
      tpu.wait_dma2 semaphore(%arg24 : memref<!tpu.dma_semaphore, #tpu.memory_space<semaphore_mem>>) src(%dma_wait3A_281 : memref<80x128xf32, #tpu.memory_space<hbm>>) dst(%arg8 : memref<80x128xf32, #tpu.memory_space<vmem>>)
      %dma_start3A_282 = arith.constant 0 : i32
      %dma_start3A_283 = arith.constant 0 : i32
      %dma_start3A_284 = tpu.memref_slice %arg22[%dma_start3A_282, %dma_start3A_283] : memref<10240x128xf32, #tpu.memory_space<vmem_shared>> -> memref<10240x128xf32, #tpu.memory_space<vmem_shared>>
      tpu.enqueue_indirect_dma source(%arg8 : memref<80x128xf32, #tpu.memory_space<vmem>>) target(%dma_start3A_284 : memref<10240x128xf32, #tpu.memory_space<vmem_shared>>) offsets(%arg17 : memref<80xi32, #tpu.memory_space<vmem>>) semaphore(%arg27 : memref<!tpu.dma_semaphore, #tpu.memory_space<semaphore_mem>>) {add = true}
      %add3A_285 = arith.constant 4 : i32
      %add3A_286 = arith.addi %add3A_275, %add3A_285 : i32
      %lt3A_287 = arith.constant 125 : i32
      %lt3A_288 = arith.cmpi slt, %add3A_286, %lt3A_287 : i32
      %convert_element_type3A_289 = arith.extui %lt3A_288 : i1 to i32
      %cond3A_290 = arith.constant 0 : i32
      %cond3A_291 = arith.cmpi ne, %convert_element_type3A_289, %cond3A_290 : i32
      scf.if %cond3A_291 {
        %add3A_406 = arith.constant 4 : i32
        %add3A_407 = arith.addi %add3A_275, %add3A_406 : i32
        %mul3A_408 = arith.constant 80 : i32
        %mul3A_409 = arith.muli %add3A_407, %mul3A_408 : i32
        %add3A_410 = arith.addi %mul3A_2, %mul3A_409 : i32
        %dma_start3A_411 = tpu.memref_slice %arg3[%add3A_410] : memref<320000xi32, #tpu.memory_space<hbm>> -> memref<80xi32, #tpu.memory_space<hbm>>
        %dma_start3A_412 = tpu.memref_slice %arg3[%add3A_410] : memref<320000xi32, #tpu.memory_space<hbm>> -> memref<80xi32, #tpu.memory_space<hbm>>
        tpu.enqueue_dma source(%dma_start3A_412 : memref<80xi32, #tpu.memory_space<hbm>>) target(%arg15 : memref<80xi32, #tpu.memory_space<vmem>>) target_semaphore(%arg34 : memref<!tpu.dma_semaphore, #tpu.memory_space<semaphore_mem>>)
        %mul3A_413 = arith.constant 80 : i32
        %mul3A_414 = arith.muli %add3A_407, %mul3A_413 : i32
        %add3A_415 = arith.addi %mul3A_2, %mul3A_414 : i32
        %dma_start3A_416 = tpu.memref_slice %arg4[%add3A_415] : memref<320000xi32, #tpu.memory_space<hbm>> -> memref<80xi32, #tpu.memory_space<hbm>>
        %dma_start3A_417 = tpu.memref_slice %arg4[%add3A_415] : memref<320000xi32, #tpu.memory_space<hbm>> -> memref<80xi32, #tpu.memory_space<hbm>>
        tpu.enqueue_dma source(%dma_start3A_417 : memref<80xi32, #tpu.memory_space<hbm>>) target(%arg21 : memref<80xi32, #tpu.memory_space<vmem>>) target_semaphore(%arg34 : memref<!tpu.dma_semaphore, #tpu.memory_space<semaphore_mem>>)
      } else {
      }
      %ge3A_292 = arith.constant 6 : i32
      %ge3A_293 = arith.cmpi sge, %add3A_275, %ge3A_292 : i32
      %convert_element_type3A_294 = arith.extui %ge3A_293 : i1 to i32
      %cond3A_295 = arith.constant 0 : i32
      %cond3A_296 = arith.cmpi ne, %convert_element_type3A_294, %cond3A_295 : i32
      scf.if %cond3A_296 {
        %dma_wait3A_406 = arith.constant 0 : i32
        %dma_wait3A_407 = arith.constant 0 : i32
        %dma_wait3A_408 = tpu.memref_slice %arg22[%dma_wait3A_406, %dma_wait3A_407] : memref<10240x128xf32, #tpu.memory_space<vmem_shared>> -> memref<80x128xf32, #tpu.memory_space<vmem_shared>>
        %dma_wait3A_409 = arith.constant 0 : i32
        %dma_wait3A_410 = arith.constant 0 : i32
        %dma_wait3A_411 = tpu.memref_slice %arg22[%dma_wait3A_409, %dma_wait3A_410] : memref<10240x128xf32, #tpu.memory_space<vmem_shared>> -> memref<80x128xf32, #tpu.memory_space<vmem_shared>>
        tpu.wait_dma2 semaphore(%arg26 : memref<!tpu.dma_semaphore, #tpu.memory_space<semaphore_mem>>) src(%arg7 : memref<80x128xf32, #tpu.memory_space<vmem>>) dst(%dma_wait3A_411 : memref<80x128xf32, #tpu.memory_space<vmem_shared>>)
      } else {
      }
      %add3A_297 = arith.constant 2 : i32
      %add3A_298 = arith.addi %add3A_275, %add3A_297 : i32
      %lt3A_299 = arith.constant 125 : i32
      %lt3A_300 = arith.cmpi slt, %add3A_298, %lt3A_299 : i32
      %convert_element_type3A_301 = arith.extui %lt3A_300 : i1 to i32
      %cond3A_302 = arith.constant 0 : i32
      %cond3A_303 = arith.cmpi ne, %convert_element_type3A_301, %cond3A_302 : i32
      scf.if %cond3A_303 {
        %dma_wait3A_406 = arith.constant 0 : i32
        %dma_wait3A_407 = tpu.memref_slice %arg3[%dma_wait3A_406] : memref<320000xi32, #tpu.memory_space<hbm>> -> memref<80xi32, #tpu.memory_space<hbm>>
        %dma_wait3A_408 = arith.constant 0 : i32
        %dma_wait3A_409 = tpu.memref_slice %arg3[%dma_wait3A_408] : memref<320000xi32, #tpu.memory_space<hbm>> -> memref<80xi32, #tpu.memory_space<hbm>>
        tpu.wait_dma2 semaphore(%arg32 : memref<!tpu.dma_semaphore, #tpu.memory_space<semaphore_mem>>) src(%dma_wait3A_409 : memref<80xi32, #tpu.memory_space<hbm>>) dst(%arg13 : memref<80xi32, #tpu.memory_space<vmem>>)
        %dma_wait3A_410 = arith.constant 0 : i32
        %dma_wait3A_411 = tpu.memref_slice %arg4[%dma_wait3A_410] : memref<320000xi32, #tpu.memory_space<hbm>> -> memref<80xi32, #tpu.memory_space<hbm>>
        %dma_wait3A_412 = arith.constant 0 : i32
        %dma_wait3A_413 = tpu.memref_slice %arg4[%dma_wait3A_412] : memref<320000xi32, #tpu.memory_space<hbm>> -> memref<80xi32, #tpu.memory_space<hbm>>
        tpu.wait_dma2 semaphore(%arg32 : memref<!tpu.dma_semaphore, #tpu.memory_space<semaphore_mem>>) src(%dma_wait3A_413 : memref<80xi32, #tpu.memory_space<hbm>>) dst(%arg19 : memref<80xi32, #tpu.memory_space<vmem>>)
        %dma_start3A_414 = arith.constant 0 : i32
        %dma_start3A_415 = arith.constant 0 : i32
        %dma_start3A_416 = tpu.memref_slice %arg2[%dma_start3A_414, %dma_start3A_415] : memref<10240x128xf32, #tpu.memory_space<hbm>> -> memref<10240x128xf32, #tpu.memory_space<hbm>>
        tpu.enqueue_indirect_dma source(%dma_start3A_416 : memref<10240x128xf32, #tpu.memory_space<hbm>>) target(%arg7 : memref<80x128xf32, #tpu.memory_space<vmem>>) offsets(%arg13 : memref<80xi32, #tpu.memory_space<vmem>>) semaphore(%arg23 : memref<!tpu.dma_semaphore, #tpu.memory_space<semaphore_mem>>)
      } else {
      }
      %mul3A_304 = arith.constant 6 : i32
      %mul3A_305 = arith.muli %add3A_205, %mul3A_304 : i32
      %add3A_306 = arith.constant 5 : i32
      %add3A_307 = arith.addi %add3A_306, %mul3A_305 : i32
      %add3A_308 = arith.constant 3 : i32
      %add3A_309 = arith.addi %add3A_307, %add3A_308 : i32
      %dma_wait3A_310 = arith.constant 0 : i32
      %dma_wait3A_311 = arith.constant 0 : i32
      %dma_wait3A_312 = tpu.memref_slice %arg2[%dma_wait3A_310, %dma_wait3A_311] : memref<10240x128xf32, #tpu.memory_space<hbm>> -> memref<80x128xf32, #tpu.memory_space<hbm>>
      %dma_wait3A_313 = arith.constant 0 : i32
      %dma_wait3A_314 = arith.constant 0 : i32
      %dma_wait3A_315 = tpu.memref_slice %arg2[%dma_wait3A_313, %dma_wait3A_314] : memref<10240x128xf32, #tpu.memory_space<hbm>> -> memref<80x128xf32, #tpu.memory_space<hbm>>
      tpu.wait_dma2 semaphore(%arg25 : memref<!tpu.dma_semaphore, #tpu.memory_space<semaphore_mem>>) src(%dma_wait3A_315 : memref<80x128xf32, #tpu.memory_space<hbm>>) dst(%arg9 : memref<80x128xf32, #tpu.memory_space<vmem>>)
      %dma_start3A_316 = arith.constant 0 : i32
      %dma_start3A_317 = arith.constant 0 : i32
      %dma_start3A_318 = tpu.memref_slice %arg22[%dma_start3A_316, %dma_start3A_317] : memref<10240x128xf32, #tpu.memory_space<vmem_shared>> -> memref<10240x128xf32, #tpu.memory_space<vmem_shared>>
      tpu.enqueue_indirect_dma source(%arg9 : memref<80x128xf32, #tpu.memory_space<vmem>>) target(%dma_start3A_318 : memref<10240x128xf32, #tpu.memory_space<vmem_shared>>) offsets(%arg18 : memref<80xi32, #tpu.memory_space<vmem>>) semaphore(%arg28 : memref<!tpu.dma_semaphore, #tpu.memory_space<semaphore_mem>>) {add = true}
      %add3A_319 = arith.constant 4 : i32
      %add3A_320 = arith.addi %add3A_309, %add3A_319 : i32
      %lt3A_321 = arith.constant 125 : i32
      %lt3A_322 = arith.cmpi slt, %add3A_320, %lt3A_321 : i32
      %convert_element_type3A_323 = arith.extui %lt3A_322 : i1 to i32
      %cond3A_324 = arith.constant 0 : i32
      %cond3A_325 = arith.cmpi ne, %convert_element_type3A_323, %cond3A_324 : i32
      scf.if %cond3A_325 {
        %add3A_406 = arith.constant 4 : i32
        %add3A_407 = arith.addi %add3A_309, %add3A_406 : i32
        %mul3A_408 = arith.constant 80 : i32
        %mul3A_409 = arith.muli %add3A_407, %mul3A_408 : i32
        %add3A_410 = arith.addi %mul3A_2, %mul3A_409 : i32
        %dma_start3A_411 = tpu.memref_slice %arg3[%add3A_410] : memref<320000xi32, #tpu.memory_space<hbm>> -> memref<80xi32, #tpu.memory_space<hbm>>
        %dma_start3A_412 = tpu.memref_slice %arg3[%add3A_410] : memref<320000xi32, #tpu.memory_space<hbm>> -> memref<80xi32, #tpu.memory_space<hbm>>
        tpu.enqueue_dma source(%dma_start3A_412 : memref<80xi32, #tpu.memory_space<hbm>>) target(%arg10 : memref<80xi32, #tpu.memory_space<vmem>>) target_semaphore(%arg29 : memref<!tpu.dma_semaphore, #tpu.memory_space<semaphore_mem>>)
        %mul3A_413 = arith.constant 80 : i32
        %mul3A_414 = arith.muli %add3A_407, %mul3A_413 : i32
        %add3A_415 = arith.addi %mul3A_2, %mul3A_414 : i32
        %dma_start3A_416 = tpu.memref_slice %arg4[%add3A_415] : memref<320000xi32, #tpu.memory_space<hbm>> -> memref<80xi32, #tpu.memory_space<hbm>>
        %dma_start3A_417 = tpu.memref_slice %arg4[%add3A_415] : memref<320000xi32, #tpu.memory_space<hbm>> -> memref<80xi32, #tpu.memory_space<hbm>>
        tpu.enqueue_dma source(%dma_start3A_417 : memref<80xi32, #tpu.memory_space<hbm>>) target(%arg16 : memref<80xi32, #tpu.memory_space<vmem>>) target_semaphore(%arg29 : memref<!tpu.dma_semaphore, #tpu.memory_space<semaphore_mem>>)
      } else {
      }
      %ge3A_326 = arith.constant 6 : i32
      %ge3A_327 = arith.cmpi sge, %add3A_309, %ge3A_326 : i32
      %convert_element_type3A_328 = arith.extui %ge3A_327 : i1 to i32
      %cond3A_329 = arith.constant 0 : i32
      %cond3A_330 = arith.cmpi ne, %convert_element_type3A_328, %cond3A_329 : i32
      scf.if %cond3A_330 {
        %dma_wait3A_406 = arith.constant 0 : i32
        %dma_wait3A_407 = arith.constant 0 : i32
        %dma_wait3A_408 = tpu.memref_slice %arg22[%dma_wait3A_406, %dma_wait3A_407] : memref<10240x128xf32, #tpu.memory_space<vmem_shared>> -> memref<80x128xf32, #tpu.memory_space<vmem_shared>>
        %dma_wait3A_409 = arith.constant 0 : i32
        %dma_wait3A_410 = arith.constant 0 : i32
        %dma_wait3A_411 = tpu.memref_slice %arg22[%dma_wait3A_409, %dma_wait3A_410] : memref<10240x128xf32, #tpu.memory_space<vmem_shared>> -> memref<80x128xf32, #tpu.memory_space<vmem_shared>>
        tpu.wait_dma2 semaphore(%arg27 : memref<!tpu.dma_semaphore, #tpu.memory_space<semaphore_mem>>) src(%arg8 : memref<80x128xf32, #tpu.memory_space<vmem>>) dst(%dma_wait3A_411 : memref<80x128xf32, #tpu.memory_space<vmem_shared>>)
      } else {
      }
      %add3A_331 = arith.constant 2 : i32
      %add3A_332 = arith.addi %add3A_309, %add3A_331 : i32
      %lt3A_333 = arith.constant 125 : i32
      %lt3A_334 = arith.cmpi slt, %add3A_332, %lt3A_333 : i32
      %convert_element_type3A_335 = arith.extui %lt3A_334 : i1 to i32
      %cond3A_336 = arith.constant 0 : i32
      %cond3A_337 = arith.cmpi ne, %convert_element_type3A_335, %cond3A_336 : i32
      scf.if %cond3A_337 {
        %dma_wait3A_406 = arith.constant 0 : i32
        %dma_wait3A_407 = tpu.memref_slice %arg3[%dma_wait3A_406] : memref<320000xi32, #tpu.memory_space<hbm>> -> memref<80xi32, #tpu.memory_space<hbm>>
        %dma_wait3A_408 = arith.constant 0 : i32
        %dma_wait3A_409 = tpu.memref_slice %arg3[%dma_wait3A_408] : memref<320000xi32, #tpu.memory_space<hbm>> -> memref<80xi32, #tpu.memory_space<hbm>>
        tpu.wait_dma2 semaphore(%arg33 : memref<!tpu.dma_semaphore, #tpu.memory_space<semaphore_mem>>) src(%dma_wait3A_409 : memref<80xi32, #tpu.memory_space<hbm>>) dst(%arg14 : memref<80xi32, #tpu.memory_space<vmem>>)
        %dma_wait3A_410 = arith.constant 0 : i32
        %dma_wait3A_411 = tpu.memref_slice %arg4[%dma_wait3A_410] : memref<320000xi32, #tpu.memory_space<hbm>> -> memref<80xi32, #tpu.memory_space<hbm>>
        %dma_wait3A_412 = arith.constant 0 : i32
        %dma_wait3A_413 = tpu.memref_slice %arg4[%dma_wait3A_412] : memref<320000xi32, #tpu.memory_space<hbm>> -> memref<80xi32, #tpu.memory_space<hbm>>
        tpu.wait_dma2 semaphore(%arg33 : memref<!tpu.dma_semaphore, #tpu.memory_space<semaphore_mem>>) src(%dma_wait3A_413 : memref<80xi32, #tpu.memory_space<hbm>>) dst(%arg20 : memref<80xi32, #tpu.memory_space<vmem>>)
        %dma_start3A_414 = arith.constant 0 : i32
        %dma_start3A_415 = arith.constant 0 : i32
        %dma_start3A_416 = tpu.memref_slice %arg2[%dma_start3A_414, %dma_start3A_415] : memref<10240x128xf32, #tpu.memory_space<hbm>> -> memref<10240x128xf32, #tpu.memory_space<hbm>>
        tpu.enqueue_indirect_dma source(%dma_start3A_416 : memref<10240x128xf32, #tpu.memory_space<hbm>>) target(%arg8 : memref<80x128xf32, #tpu.memory_space<vmem>>) offsets(%arg14 : memref<80xi32, #tpu.memory_space<vmem>>) semaphore(%arg24 : memref<!tpu.dma_semaphore, #tpu.memory_space<semaphore_mem>>)
      } else {
      }
      %mul3A_338 = arith.constant 6 : i32
      %mul3A_339 = arith.muli %add3A_205, %mul3A_338 : i32
      %add3A_340 = arith.constant 5 : i32
      %add3A_341 = arith.addi %add3A_340, %mul3A_339 : i32
      %add3A_342 = arith.constant 4 : i32
      %add3A_343 = arith.addi %add3A_341, %add3A_342 : i32
      %dma_wait3A_344 = arith.constant 0 : i32
      %dma_wait3A_345 = arith.constant 0 : i32
      %dma_wait3A_346 = tpu.memref_slice %arg2[%dma_wait3A_344, %dma_wait3A_345] : memref<10240x128xf32, #tpu.memory_space<hbm>> -> memref<80x128xf32, #tpu.memory_space<hbm>>
      %dma_wait3A_347 = arith.constant 0 : i32
      %dma_wait3A_348 = arith.constant 0 : i32
      %dma_wait3A_349 = tpu.memref_slice %arg2[%dma_wait3A_347, %dma_wait3A_348] : memref<10240x128xf32, #tpu.memory_space<hbm>> -> memref<80x128xf32, #tpu.memory_space<hbm>>
      tpu.wait_dma2 semaphore(%arg23 : memref<!tpu.dma_semaphore, #tpu.memory_space<semaphore_mem>>) src(%dma_wait3A_349 : memref<80x128xf32, #tpu.memory_space<hbm>>) dst(%arg7 : memref<80x128xf32, #tpu.memory_space<vmem>>)
      %dma_start3A_350 = arith.constant 0 : i32
      %dma_start3A_351 = arith.constant 0 : i32
      %dma_start3A_352 = tpu.memref_slice %arg22[%dma_start3A_350, %dma_start3A_351] : memref<10240x128xf32, #tpu.memory_space<vmem_shared>> -> memref<10240x128xf32, #tpu.memory_space<vmem_shared>>
      tpu.enqueue_indirect_dma source(%arg7 : memref<80x128xf32, #tpu.memory_space<vmem>>) target(%dma_start3A_352 : memref<10240x128xf32, #tpu.memory_space<vmem_shared>>) offsets(%arg19 : memref<80xi32, #tpu.memory_space<vmem>>) semaphore(%arg26 : memref<!tpu.dma_semaphore, #tpu.memory_space<semaphore_mem>>) {add = true}
      %add3A_353 = arith.constant 4 : i32
      %add3A_354 = arith.addi %add3A_343, %add3A_353 : i32
      %lt3A_355 = arith.constant 125 : i32
      %lt3A_356 = arith.cmpi slt, %add3A_354, %lt3A_355 : i32
      %convert_element_type3A_357 = arith.extui %lt3A_356 : i1 to i32
      %cond3A_358 = arith.constant 0 : i32
      %cond3A_359 = arith.cmpi ne, %convert_element_type3A_357, %cond3A_358 : i32
      scf.if %cond3A_359 {
        %add3A_406 = arith.constant 4 : i32
        %add3A_407 = arith.addi %add3A_343, %add3A_406 : i32
        %mul3A_408 = arith.constant 80 : i32
        %mul3A_409 = arith.muli %add3A_407, %mul3A_408 : i32
        %add3A_410 = arith.addi %mul3A_2, %mul3A_409 : i32
        %dma_start3A_411 = tpu.memref_slice %arg3[%add3A_410] : memref<320000xi32, #tpu.memory_space<hbm>> -> memref<80xi32, #tpu.memory_space<hbm>>
        %dma_start3A_412 = tpu.memref_slice %arg3[%add3A_410] : memref<320000xi32, #tpu.memory_space<hbm>> -> memref<80xi32, #tpu.memory_space<hbm>>
        tpu.enqueue_dma source(%dma_start3A_412 : memref<80xi32, #tpu.memory_space<hbm>>) target(%arg11 : memref<80xi32, #tpu.memory_space<vmem>>) target_semaphore(%arg30 : memref<!tpu.dma_semaphore, #tpu.memory_space<semaphore_mem>>)
        %mul3A_413 = arith.constant 80 : i32
        %mul3A_414 = arith.muli %add3A_407, %mul3A_413 : i32
        %add3A_415 = arith.addi %mul3A_2, %mul3A_414 : i32
        %dma_start3A_416 = tpu.memref_slice %arg4[%add3A_415] : memref<320000xi32, #tpu.memory_space<hbm>> -> memref<80xi32, #tpu.memory_space<hbm>>
        %dma_start3A_417 = tpu.memref_slice %arg4[%add3A_415] : memref<320000xi32, #tpu.memory_space<hbm>> -> memref<80xi32, #tpu.memory_space<hbm>>
        tpu.enqueue_dma source(%dma_start3A_417 : memref<80xi32, #tpu.memory_space<hbm>>) target(%arg17 : memref<80xi32, #tpu.memory_space<vmem>>) target_semaphore(%arg30 : memref<!tpu.dma_semaphore, #tpu.memory_space<semaphore_mem>>)
      } else {
      }
      %ge3A_360 = arith.constant 6 : i32
      %ge3A_361 = arith.cmpi sge, %add3A_343, %ge3A_360 : i32
      %convert_element_type3A_362 = arith.extui %ge3A_361 : i1 to i32
      %cond3A_363 = arith.constant 0 : i32
      %cond3A_364 = arith.cmpi ne, %convert_element_type3A_362, %cond3A_363 : i32
      scf.if %cond3A_364 {
        %dma_wait3A_406 = arith.constant 0 : i32
        %dma_wait3A_407 = arith.constant 0 : i32
        %dma_wait3A_408 = tpu.memref_slice %arg22[%dma_wait3A_406, %dma_wait3A_407] : memref<10240x128xf32, #tpu.memory_space<vmem_shared>> -> memref<80x128xf32, #tpu.memory_space<vmem_shared>>
        %dma_wait3A_409 = arith.constant 0 : i32
        %dma_wait3A_410 = arith.constant 0 : i32
        %dma_wait3A_411 = tpu.memref_slice %arg22[%dma_wait3A_409, %dma_wait3A_410] : memref<10240x128xf32, #tpu.memory_space<vmem_shared>> -> memref<80x128xf32, #tpu.memory_space<vmem_shared>>
        tpu.wait_dma2 semaphore(%arg28 : memref<!tpu.dma_semaphore, #tpu.memory_space<semaphore_mem>>) src(%arg9 : memref<80x128xf32, #tpu.memory_space<vmem>>) dst(%dma_wait3A_411 : memref<80x128xf32, #tpu.memory_space<vmem_shared>>)
      } else {
      }
      %add3A_365 = arith.constant 2 : i32
      %add3A_366 = arith.addi %add3A_343, %add3A_365 : i32
      %lt3A_367 = arith.constant 125 : i32
      %lt3A_368 = arith.cmpi slt, %add3A_366, %lt3A_367 : i32
      %convert_element_type3A_369 = arith.extui %lt3A_368 : i1 to i32
      %cond3A_370 = arith.constant 0 : i32
      %cond3A_371 = arith.cmpi ne, %convert_element_type3A_369, %cond3A_370 : i32
      scf.if %cond3A_371 {
        %dma_wait3A_406 = arith.constant 0 : i32
        %dma_wait3A_407 = tpu.memref_slice %arg3[%dma_wait3A_406] : memref<320000xi32, #tpu.memory_space<hbm>> -> memref<80xi32, #tpu.memory_space<hbm>>
        %dma_wait3A_408 = arith.constant 0 : i32
        %dma_wait3A_409 = tpu.memref_slice %arg3[%dma_wait3A_408] : memref<320000xi32, #tpu.memory_space<hbm>> -> memref<80xi32, #tpu.memory_space<hbm>>
        tpu.wait_dma2 semaphore(%arg34 : memref<!tpu.dma_semaphore, #tpu.memory_space<semaphore_mem>>) src(%dma_wait3A_409 : memref<80xi32, #tpu.memory_space<hbm>>) dst(%arg15 : memref<80xi32, #tpu.memory_space<vmem>>)
        %dma_wait3A_410 = arith.constant 0 : i32
        %dma_wait3A_411 = tpu.memref_slice %arg4[%dma_wait3A_410] : memref<320000xi32, #tpu.memory_space<hbm>> -> memref<80xi32, #tpu.memory_space<hbm>>
        %dma_wait3A_412 = arith.constant 0 : i32
        %dma_wait3A_413 = tpu.memref_slice %arg4[%dma_wait3A_412] : memref<320000xi32, #tpu.memory_space<hbm>> -> memref<80xi32, #tpu.memory_space<hbm>>
        tpu.wait_dma2 semaphore(%arg34 : memref<!tpu.dma_semaphore, #tpu.memory_space<semaphore_mem>>) src(%dma_wait3A_413 : memref<80xi32, #tpu.memory_space<hbm>>) dst(%arg21 : memref<80xi32, #tpu.memory_space<vmem>>)
        %dma_start3A_414 = arith.constant 0 : i32
        %dma_start3A_415 = arith.constant 0 : i32
        %dma_start3A_416 = tpu.memref_slice %arg2[%dma_start3A_414, %dma_start3A_415] : memref<10240x128xf32, #tpu.memory_space<hbm>> -> memref<10240x128xf32, #tpu.memory_space<hbm>>
        tpu.enqueue_indirect_dma source(%dma_start3A_416 : memref<10240x128xf32, #tpu.memory_space<hbm>>) target(%arg9 : memref<80x128xf32, #tpu.memory_space<vmem>>) offsets(%arg15 : memref<80xi32, #tpu.memory_space<vmem>>) semaphore(%arg25 : memref<!tpu.dma_semaphore, #tpu.memory_space<semaphore_mem>>)
      } else {
      }
      %mul3A_372 = arith.constant 6 : i32
      %mul3A_373 = arith.muli %add3A_205, %mul3A_372 : i32
      %add3A_374 = arith.constant 5 : i32
      %add3A_375 = arith.addi %add3A_374, %mul3A_373 : i32
      %add3A_376 = arith.constant 5 : i32
      %add3A_377 = arith.addi %add3A_375, %add3A_376 : i32
      %dma_wait3A_378 = arith.constant 0 : i32
      %dma_wait3A_379 = arith.constant 0 : i32
      %dma_wait3A_380 = tpu.memref_slice %arg2[%dma_wait3A_378, %dma_wait3A_379] : memref<10240x128xf32, #tpu.memory_space<hbm>> -> memref<80x128xf32, #tpu.memory_space<hbm>>
      %dma_wait3A_381 = arith.constant 0 : i32
      %dma_wait3A_382 = arith.constant 0 : i32
      %dma_wait3A_383 = tpu.memref_slice %arg2[%dma_wait3A_381, %dma_wait3A_382] : memref<10240x128xf32, #tpu.memory_space<hbm>> -> memref<80x128xf32, #tpu.memory_space<hbm>>
      tpu.wait_dma2 semaphore(%arg24 : memref<!tpu.dma_semaphore, #tpu.memory_space<semaphore_mem>>) src(%dma_wait3A_383 : memref<80x128xf32, #tpu.memory_space<hbm>>) dst(%arg8 : memref<80x128xf32, #tpu.memory_space<vmem>>)
      %dma_start3A_384 = arith.constant 0 : i32
      %dma_start3A_385 = arith.constant 0 : i32
      %dma_start3A_386 = tpu.memref_slice %arg22[%dma_start3A_384, %dma_start3A_385] : memref<10240x128xf32, #tpu.memory_space<vmem_shared>> -> memref<10240x128xf32, #tpu.memory_space<vmem_shared>>
      tpu.enqueue_indirect_dma source(%arg8 : memref<80x128xf32, #tpu.memory_space<vmem>>) target(%dma_start3A_386 : memref<10240x128xf32, #tpu.memory_space<vmem_shared>>) offsets(%arg20 : memref<80xi32, #tpu.memory_space<vmem>>) semaphore(%arg27 : memref<!tpu.dma_semaphore, #tpu.memory_space<semaphore_mem>>) {add = true}
      %add3A_387 = arith.constant 4 : i32
      %add3A_388 = arith.addi %add3A_377, %add3A_387 : i32
      %lt3A_389 = arith.constant 125 : i32
      %lt3A_390 = arith.cmpi slt, %add3A_388, %lt3A_389 : i32
      %convert_element_type3A_391 = arith.extui %lt3A_390 : i1 to i32
      %cond3A_392 = arith.constant 0 : i32
      %cond3A_393 = arith.cmpi ne, %convert_element_type3A_391, %cond3A_392 : i32
      scf.if %cond3A_393 {
        %add3A_406 = arith.constant 4 : i32
        %add3A_407 = arith.addi %add3A_377, %add3A_406 : i32
        %mul3A_408 = arith.constant 80 : i32
        %mul3A_409 = arith.muli %add3A_407, %mul3A_408 : i32
        %add3A_410 = arith.addi %mul3A_2, %mul3A_409 : i32
        %dma_start3A_411 = tpu.memref_slice %arg3[%add3A_410] : memref<320000xi32, #tpu.memory_space<hbm>> -> memref<80xi32, #tpu.memory_space<hbm>>
        %dma_start3A_412 = tpu.memref_slice %arg3[%add3A_410] : memref<320000xi32, #tpu.memory_space<hbm>> -> memref<80xi32, #tpu.memory_space<hbm>>
        tpu.enqueue_dma source(%dma_start3A_412 : memref<80xi32, #tpu.memory_space<hbm>>) target(%arg12 : memref<80xi32, #tpu.memory_space<vmem>>) target_semaphore(%arg31 : memref<!tpu.dma_semaphore, #tpu.memory_space<semaphore_mem>>)
        %mul3A_413 = arith.constant 80 : i32
        %mul3A_414 = arith.muli %add3A_407, %mul3A_413 : i32
        %add3A_415 = arith.addi %mul3A_2, %mul3A_414 : i32
        %dma_start3A_416 = tpu.memref_slice %arg4[%add3A_415] : memref<320000xi32, #tpu.memory_space<hbm>> -> memref<80xi32, #tpu.memory_space<hbm>>
        %dma_start3A_417 = tpu.memref_slice %arg4[%add3A_415] : memref<320000xi32, #tpu.memory_space<hbm>> -> memref<80xi32, #tpu.memory_space<hbm>>
        tpu.enqueue_dma source(%dma_start3A_417 : memref<80xi32, #tpu.memory_space<hbm>>) target(%arg18 : memref<80xi32, #tpu.memory_space<vmem>>) target_semaphore(%arg31 : memref<!tpu.dma_semaphore, #tpu.memory_space<semaphore_mem>>)
      } else {
      }
      %ge3A_394 = arith.constant 6 : i32
      %ge3A_395 = arith.cmpi sge, %add3A_377, %ge3A_394 : i32
      %convert_element_type3A_396 = arith.extui %ge3A_395 : i1 to i32
      %cond3A_397 = arith.constant 0 : i32
      %cond3A_398 = arith.cmpi ne, %convert_element_type3A_396, %cond3A_397 : i32
      scf.if %cond3A_398 {
        %dma_wait3A_406 = arith.constant 0 : i32
        %dma_wait3A_407 = arith.constant 0 : i32
        %dma_wait3A_408 = tpu.memref_slice %arg22[%dma_wait3A_406, %dma_wait3A_407] : memref<10240x128xf32, #tpu.memory_space<vmem_shared>> -> memref<80x128xf32, #tpu.memory_space<vmem_shared>>
        %dma_wait3A_409 = arith.constant 0 : i32
        %dma_wait3A_410 = arith.constant 0 : i32
        %dma_wait3A_411 = tpu.memref_slice %arg22[%dma_wait3A_409, %dma_wait3A_410] : memref<10240x128xf32, #tpu.memory_space<vmem_shared>> -> memref<80x128xf32, #tpu.memory_space<vmem_shared>>
        tpu.wait_dma2 semaphore(%arg26 : memref<!tpu.dma_semaphore, #tpu.memory_space<semaphore_mem>>) src(%arg7 : memref<80x128xf32, #tpu.memory_space<vmem>>) dst(%dma_wait3A_411 : memref<80x128xf32, #tpu.memory_space<vmem_shared>>)
      } else {
      }
      %add3A_399 = arith.constant 2 : i32
      %add3A_400 = arith.addi %add3A_377, %add3A_399 : i32
      %lt3A_401 = arith.constant 125 : i32
      %lt3A_402 = arith.cmpi slt, %add3A_400, %lt3A_401 : i32
      %convert_element_type3A_403 = arith.extui %lt3A_402 : i1 to i32
      %cond3A_404 = arith.constant 0 : i32
      %cond3A_405 = arith.cmpi ne, %convert_element_type3A_403, %cond3A_404 : i32
      scf.if %cond3A_405 {
        %dma_wait3A_406 = arith.constant 0 : i32
        %dma_wait3A_407 = tpu.memref_slice %arg3[%dma_wait3A_406] : memref<320000xi32, #tpu.memory_space<hbm>> -> memref<80xi32, #tpu.memory_space<hbm>>
        %dma_wait3A_408 = arith.constant 0 : i32
        %dma_wait3A_409 = tpu.memref_slice %arg3[%dma_wait3A_408] : memref<320000xi32, #tpu.memory_space<hbm>> -> memref<80xi32, #tpu.memory_space<hbm>>
        tpu.wait_dma2 semaphore(%arg29 : memref<!tpu.dma_semaphore, #tpu.memory_space<semaphore_mem>>) src(%dma_wait3A_409 : memref<80xi32, #tpu.memory_space<hbm>>) dst(%arg10 : memref<80xi32, #tpu.memory_space<vmem>>)
        %dma_wait3A_410 = arith.constant 0 : i32
        %dma_wait3A_411 = tpu.memref_slice %arg4[%dma_wait3A_410] : memref<320000xi32, #tpu.memory_space<hbm>> -> memref<80xi32, #tpu.memory_space<hbm>>
        %dma_wait3A_412 = arith.constant 0 : i32
        %dma_wait3A_413 = tpu.memref_slice %arg4[%dma_wait3A_412] : memref<320000xi32, #tpu.memory_space<hbm>> -> memref<80xi32, #tpu.memory_space<hbm>>
        tpu.wait_dma2 semaphore(%arg29 : memref<!tpu.dma_semaphore, #tpu.memory_space<semaphore_mem>>) src(%dma_wait3A_413 : memref<80xi32, #tpu.memory_space<hbm>>) dst(%arg16 : memref<80xi32, #tpu.memory_space<vmem>>)
        %dma_start3A_414 = arith.constant 0 : i32
        %dma_start3A_415 = arith.constant 0 : i32
        %dma_start3A_416 = tpu.memref_slice %arg2[%dma_start3A_414, %dma_start3A_415] : memref<10240x128xf32, #tpu.memory_space<hbm>> -> memref<10240x128xf32, #tpu.memory_space<hbm>>
        tpu.enqueue_indirect_dma source(%dma_start3A_416 : memref<10240x128xf32, #tpu.memory_space<hbm>>) target(%arg7 : memref<80x128xf32, #tpu.memory_space<vmem>>) offsets(%arg10 : memref<80xi32, #tpu.memory_space<vmem>>) semaphore(%arg23 : memref<!tpu.dma_semaphore, #tpu.memory_space<semaphore_mem>>)
      } else {
      }
    }
    %scan3A_188 = arith.constant 20 : i32
    %dma_wait3A_189 = arith.constant 0 : i32
    %dma_wait3A_190 = arith.constant 0 : i32
    %dma_wait3A_191 = tpu.memref_slice %arg22[%dma_wait3A_189, %dma_wait3A_190] : memref<10240x128xf32, #tpu.memory_space<vmem_shared>> -> memref<80x128xf32, #tpu.memory_space<vmem_shared>>
    %dma_wait3A_192 = arith.constant 0 : i32
    %dma_wait3A_193 = arith.constant 0 : i32
    %dma_wait3A_194 = tpu.memref_slice %arg22[%dma_wait3A_192, %dma_wait3A_193] : memref<10240x128xf32, #tpu.memory_space<vmem_shared>> -> memref<80x128xf32, #tpu.memory_space<vmem_shared>>
    tpu.wait_dma2 semaphore(%arg27 : memref<!tpu.dma_semaphore, #tpu.memory_space<semaphore_mem>>) src(%arg8 : memref<80x128xf32, #tpu.memory_space<vmem>>) dst(%dma_wait3A_194 : memref<80x128xf32, #tpu.memory_space<vmem_shared>>)
    %barrier3A_195 = arith.constant 0 : index
    tpu.barrier barrier_id(%barrier3A_195)
    %scan3A_196 = arith.constant 0 : i32
    %scan3A_197 = arith.constant 8 : i32
    %scan3A_198 = arith.addi %scan3A_196, %scan3A_197 : i32
    %scan3A_199 = arith.constant 1 : i32
    scf.for %scan3A_201 = %scan3A_196 to %scan3A_198 step %scan3A_199  : i32 {
      %mul3A_202 = arith.constant 1 : i32
      %mul3A_203 = arith.muli %scan3A_201, %mul3A_202 : i32
      %add3A_204 = arith.constant 0 : i32
      %add3A_205 = arith.addi %add3A_204, %mul3A_203 : i32
      %mul3A_206 = arith.constant 640 : i32
      %mul3A_207 = arith.muli %arg1, %mul3A_206 : i32
      %mul3A_208 = arith.constant 80 : i32
      %mul3A_209 = arith.muli %add3A_205, %mul3A_208 : i32
      %add3A_210 = arith.addi %mul3A_207, %mul3A_209 : i32
      "tpu.region"() ({
        %run_scoped3A = tpu.sem_alloc : memref<!tpu.dma_semaphore, #tpu.memory_space<semaphore_mem>>
        %dma_start3A_219 = arith.constant 0 : i32
        %dma_start3A_220 = tpu.memref_slice %arg22[%add3A_210, %dma_start3A_219] : memref<10240x128xf32, #tpu.memory_space<vmem_shared>> -> memref<80x128xf32, #tpu.memory_space<vmem_shared>>
        %dma_start3A_221 = arith.constant 0 : i32
        %dma_start3A_222 = tpu.memref_slice %arg22[%add3A_210, %dma_start3A_221] : memref<10240x128xf32, #tpu.memory_space<vmem_shared>> -> memref<80x128xf32, #tpu.memory_space<vmem_shared>>
        tpu.enqueue_dma source(%dma_start3A_222 : memref<80x128xf32, #tpu.memory_space<vmem_shared>>) target(%arg7 : memref<80x128xf32, #tpu.memory_space<vmem>>) target_semaphore(%run_scoped3A : memref<!tpu.dma_semaphore, #tpu.memory_space<semaphore_mem>>)
        %dma_wait3A_223 = arith.constant 0 : i32
        %dma_wait3A_224 = tpu.memref_slice %arg22[%add3A_210, %dma_wait3A_223] : memref<10240x128xf32, #tpu.memory_space<vmem_shared>> -> memref<80x128xf32, #tpu.memory_space<vmem_shared>>
        %dma_wait3A_225 = arith.constant 0 : i32
        %dma_wait3A_226 = tpu.memref_slice %arg22[%add3A_210, %dma_wait3A_225] : memref<10240x128xf32, #tpu.memory_space<vmem_shared>> -> memref<80x128xf32, #tpu.memory_space<vmem_shared>>
        tpu.wait_dma2 semaphore(%run_scoped3A : memref<!tpu.dma_semaphore, #tpu.memory_space<semaphore_mem>>) src(%dma_wait3A_226 : memref<80x128xf32, #tpu.memory_space<vmem_shared>>) dst(%arg7 : memref<80x128xf32, #tpu.memory_space<vmem>>)
        tpu.yield
      }) : () -> ()
      %mul3A_211 = arith.constant 10240 : i32
      %mul3A_212 = arith.muli %arg0, %mul3A_211 : i32
      %mul3A_213 = arith.constant 640 : i32
      %mul3A_214 = arith.muli %arg1, %mul3A_213 : i32
      %add3A_215 = arith.addi %mul3A_212, %mul3A_214 : i32
      %mul3A_216 = arith.constant 80 : i32
      %mul3A_217 = arith.muli %add3A_205, %mul3A_216 : i32
      %add3A_218 = arith.addi %add3A_215, %mul3A_217 : i32
      "tpu.region"() ({
        %run_scoped3A = tpu.sem_alloc : memref<!tpu.dma_semaphore, #tpu.memory_space<semaphore_mem>>
        %dma_start3A_219 = arith.constant 0 : i32
        %dma_start3A_220 = tpu.memref_slice %arg6[%add3A_218, %dma_start3A_219] : memref<20480x128xf32, #tpu.memory_space<hbm>> -> memref<80x128xf32, #tpu.memory_space<hbm>>
        %dma_start3A_221 = arith.constant 0 : i32
        %dma_start3A_222 = tpu.memref_slice %arg6[%add3A_218, %dma_start3A_221] : memref<20480x128xf32, #tpu.memory_space<hbm>> -> memref<80x128xf32, #tpu.memory_space<hbm>>
        tpu.enqueue_dma source(%arg7 : memref<80x128xf32, #tpu.memory_space<vmem>>) target(%dma_start3A_222 : memref<80x128xf32, #tpu.memory_space<hbm>>) target_semaphore(%run_scoped3A : memref<!tpu.dma_semaphore, #tpu.memory_space<semaphore_mem>>)
        %dma_wait3A_223 = arith.constant 0 : i32
        %dma_wait3A_224 = tpu.memref_slice %arg6[%add3A_218, %dma_wait3A_223] : memref<20480x128xf32, #tpu.memory_space<hbm>> -> memref<80x128xf32, #tpu.memory_space<hbm>>
        %dma_wait3A_225 = arith.constant 0 : i32
        %dma_wait3A_226 = tpu.memref_slice %arg6[%add3A_218, %dma_wait3A_225] : memref<20480x128xf32, #tpu.memory_space<hbm>> -> memref<80x128xf32, #tpu.memory_space<hbm>>
        tpu.wait_dma2 semaphore(%run_scoped3A : memref<!tpu.dma_semaphore, #tpu.memory_space<semaphore_mem>>) src(%arg7 : memref<80x128xf32, #tpu.memory_space<vmem>>) dst(%dma_wait3A_226 : memref<80x128xf32, #tpu.memory_space<hbm>>)
        tpu.yield
      }) : () -> ()
    }
    %scan3A_200 = arith.constant 8 : i32
    return
  }
}

module attributes {stable_mosaic.version = 14 : i64} {
  func.func @_tc_update_body(%arg0: i32, %arg1: memref<1024x128xf32, #tpu.memory_space<vmem>>, %arg2: memref<1024x128xf32, #tpu.memory_space<vmem>>, %arg3: memref<1024x128xf32, #tpu.memory_space<vmem>>, %arg4: memref<1024x128xf32, #tpu.memory_space<vmem>>, %arg5: memref<1024x128xf32, #tpu.memory_space<vmem>>, %arg6: memref<1024x128xf32, #tpu.memory_space<vmem>>, %arg7: memref<1024x128xf32, #tpu.memory_space<vmem>>, %arg8: memref<128x256xf32, #tpu.memory_space<vmem>>, %arg9: memref<128x256xf32, #tpu.memory_space<vmem>>, %arg10: memref<128x256xf32, #tpu.memory_space<vmem>>, %arg11: memref<256x384xf32, #tpu.memory_space<vmem>>, %arg12: memref<128x384xf32, #tpu.memory_space<vmem>>, %arg13: memref<1x256xf32, #tpu.memory_space<vmem>>, %arg14: memref<1x384xf32, #tpu.memory_space<vmem>>, %arg15: memref<1x384xf32, #tpu.memory_space<vmem>>, %arg16: memref<1024x128xf32, #tpu.memory_space<vmem>>) attributes {dimension_semantics = [#tpu.dimension_semantics<arbitrary>], iteration_bounds = array<i64: 10>, scalar_prefetch = 0 : i64, scratch_operands = 0 : i64, tpu.core_type = #tpu.core_type<tc>, window_params = [{transform_indices = @transform_0, window_bounds = array<i64: 1024, 128>}, {transform_indices = @transform_1, window_bounds = array<i64: 1024, 128>}, {transform_indices = @transform_2, window_bounds = array<i64: 1024, 128>}, {transform_indices = @transform_3, window_bounds = array<i64: 1024, 128>}, {transform_indices = @transform_4, window_bounds = array<i64: 1024, 128>}, {transform_indices = @transform_5, window_bounds = array<i64: 1024, 128>}, {transform_indices = @transform_6, window_bounds = array<i64: 1024, 128>}, {pipeline_mode = #tpu.pipeline_mode<synchronous>, transform_indices = @transform_7, window_bounds = array<i64: 128, 256>}, {pipeline_mode = #tpu.pipeline_mode<synchronous>, transform_indices = @transform_8, window_bounds = array<i64: 128, 256>}, {pipeline_mode = #tpu.pipeline_mode<synchronous>, transform_indices = @transform_9, window_bounds = array<i64: 128, 256>}, {pipeline_mode = #tpu.pipeline_mode<synchronous>, transform_indices = @transform_10, window_bounds = array<i64: 256, 384>}, {pipeline_mode = #tpu.pipeline_mode<synchronous>, transform_indices = @transform_11, window_bounds = array<i64: 128, 384>}, {pipeline_mode = #tpu.pipeline_mode<synchronous>, transform_indices = @transform_12, window_bounds = array<i64: 1, 256>}, {pipeline_mode = #tpu.pipeline_mode<synchronous>, transform_indices = @transform_13, window_bounds = array<i64: 1, 384>}, {pipeline_mode = #tpu.pipeline_mode<synchronous>, transform_indices = @transform_14, window_bounds = array<i64: 1, 384>}, {transform_indices = @transform_15, window_bounds = array<i64: 1024, 128>}]} {
    %get3A = arith.constant 0 : index
    %get3A_0 = arith.constant 0 : index
    %get3A_1 = vector.load %arg1[%get3A, %get3A_0] : memref<1024x128xf32, #tpu.memory_space<vmem>>, vector<1024x128xf32>
    %convert_element_type3A = arith.truncf %get3A_1 : vector<1024x128xf32> to vector<1024x128xbf16>
    %get3A_2 = arith.constant 0 : index
    %get3A_3 = arith.constant 0 : index
    %get3A_4 = vector.load %arg2[%get3A_2, %get3A_3] : memref<1024x128xf32, #tpu.memory_space<vmem>>, vector<1024x128xf32>
    %get3A_5 = arith.constant 0 : index
    %get3A_6 = arith.constant 0 : index
    %get3A_7 = vector.load %arg3[%get3A_5, %get3A_6] : memref<1024x128xf32, #tpu.memory_space<vmem>>, vector<1024x128xf32>
    %add3A = arith.addf %get3A_4, %get3A_7 : vector<1024x128xf32>
    %get3A_8 = arith.constant 0 : index
    %get3A_9 = arith.constant 0 : index
    %get3A_10 = vector.load %arg4[%get3A_8, %get3A_9] : memref<1024x128xf32, #tpu.memory_space<vmem>>, vector<1024x128xf32>
    %get3A_11 = arith.constant 0 : index
    %get3A_12 = arith.constant 0 : index
    %get3A_13 = vector.load %arg5[%get3A_11, %get3A_12] : memref<1024x128xf32, #tpu.memory_space<vmem>>, vector<1024x128xf32>
    %add3A_14 = arith.addf %get3A_10, %get3A_13 : vector<1024x128xf32>
    %get3A_15 = arith.constant 0 : index
    %get3A_16 = arith.constant 0 : index
    %get3A_17 = vector.load %arg6[%get3A_15, %get3A_16] : memref<1024x128xf32, #tpu.memory_space<vmem>>, vector<1024x1xf32>
    %get3A_18 = arith.constant 0 : index
    %get3A_19 = arith.constant 0 : index
    %get3A_20 = vector.load %arg7[%get3A_18, %get3A_19] : memref<1024x128xf32, #tpu.memory_space<vmem>>, vector<1024x1xf32>
    %add3A_21 = arith.addf %get3A_17, %get3A_20 : vector<1024x1xf32>
    %get3A_22 = arith.constant 0 : index
    %get3A_23 = arith.constant 0 : index
    %get3A_24 = vector.load %arg8[%get3A_22, %get3A_23] : memref<128x256xf32, #tpu.memory_space<vmem>>, vector<128x256xf32>
    %convert_element_type3A_25 = arith.truncf %get3A_24 : vector<128x256xf32> to vector<128x256xbf16>
    %get3A_26 = arith.constant 0 : index
    %get3A_27 = arith.constant 0 : index
    %get3A_28 = vector.load %arg9[%get3A_26, %get3A_27] : memref<128x256xf32, #tpu.memory_space<vmem>>, vector<128x256xf32>
    %convert_element_type3A_29 = arith.truncf %get3A_28 : vector<128x256xf32> to vector<128x256xbf16>
    %get3A_30 = arith.constant 0 : index
    %get3A_31 = arith.constant 0 : index
    %get3A_32 = vector.load %arg10[%get3A_30, %get3A_31] : memref<128x256xf32, #tpu.memory_space<vmem>>, vector<128x256xf32>
    %convert_element_type3A_33 = arith.truncf %get3A_32 : vector<128x256xf32> to vector<128x256xbf16>
    %get3A_34 = arith.constant 0 : index
    %get3A_35 = arith.constant 0 : index
    %get3A_36 = vector.load %arg11[%get3A_34, %get3A_35] : memref<256x384xf32, #tpu.memory_space<vmem>>, vector<256x384xf32>
    %convert_element_type3A_37 = arith.truncf %get3A_36 : vector<256x384xf32> to vector<256x384xbf16>
    %get3A_38 = arith.constant 0 : index
    %get3A_39 = arith.constant 0 : index
    %get3A_40 = vector.load %arg12[%get3A_38, %get3A_39] : memref<128x384xf32, #tpu.memory_space<vmem>>, vector<128x384xf32>
    %convert_element_type3A_41 = arith.truncf %get3A_40 : vector<128x384xf32> to vector<128x384xbf16>
    %dot_general3A = arith.constant dense<0.000000e+00> : vector<1024x256xf32>
    %dot_general3A_42 = tpu.matmul %convert_element_type3A, %convert_element_type3A_25, %dot_general3A {dimension_numbers = #tpu.dot_dimension_numbers<[1], [0], [0], [1], [0, 0, 1, 1], [], []>, transpose_lhs_hint = false} : vector<1024x128xbf16>, vector<128x256xbf16>, vector<1024x256xf32> -> vector<1024x256xf32>
    %get3A_43 = arith.constant 0 : index
    %get3A_44 = arith.constant 0 : index
    %get3A_45 = vector.load %arg13[%get3A_43, %get3A_44] : memref<1x256xf32, #tpu.memory_space<vmem>>, vector<1x256xf32>
    %get3A_46 = vector.shape_cast %get3A_45 : vector<1x256xf32> to vector<256xf32>
    %broadcast_in_dim3A = vector.shape_cast %get3A_46 : vector<256xf32> to vector<1x256xf32>
    %add3A_47 = vector.broadcast %broadcast_in_dim3A : vector<1x256xf32> to vector<1024x256xf32>
    %add3A_48 = arith.addf %dot_general3A_42, %add3A_47 : vector<1024x256xf32>
    %mul3A = vector.broadcast %add3A_21 : vector<1024x1xf32> to vector<1024x256xf32>
    %mul3A_49 = arith.mulf %mul3A, %add3A_48 : vector<1024x256xf32>
    %convert_element_type3A_50 = arith.truncf %add3A : vector<1024x128xf32> to vector<1024x128xbf16>
    %convert_element_type3A_51 = arith.extf %convert_element_type3A_50 : vector<1024x128xbf16> to vector<1024x128xf32>
    %sub3A = arith.subf %add3A, %convert_element_type3A_51 : vector<1024x128xf32>
    %convert_element_type3A_52 = arith.truncf %sub3A : vector<1024x128xf32> to vector<1024x128xbf16>
    %dot_general3A_53 = arith.constant dense<0.000000e+00> : vector<1024x256xf32>
    %dot_general3A_54 = tpu.matmul %convert_element_type3A_50, %convert_element_type3A_29, %dot_general3A_53 {dimension_numbers = #tpu.dot_dimension_numbers<[1], [0], [0], [1], [0, 0, 1, 1], [], []>, transpose_lhs_hint = false} : vector<1024x128xbf16>, vector<128x256xbf16>, vector<1024x256xf32> -> vector<1024x256xf32>
    %dot_general3A_55 = arith.constant dense<0.000000e+00> : vector<1024x256xf32>
    %dot_general3A_56 = tpu.matmul %convert_element_type3A_52, %convert_element_type3A_29, %dot_general3A_55 {dimension_numbers = #tpu.dot_dimension_numbers<[1], [0], [0], [1], [0, 0, 1, 1], [], []>, transpose_lhs_hint = false} : vector<1024x128xbf16>, vector<128x256xbf16>, vector<1024x256xf32> -> vector<1024x256xf32>
    %add3A_57 = arith.addf %dot_general3A_54, %dot_general3A_56 : vector<1024x256xf32>
    %add3A_58 = arith.addf %mul3A_49, %add3A_57 : vector<1024x256xf32>
    %convert_element_type3A_59 = arith.truncf %add3A_14 : vector<1024x128xf32> to vector<1024x128xbf16>
    %convert_element_type3A_60 = arith.extf %convert_element_type3A_59 : vector<1024x128xbf16> to vector<1024x128xf32>
    %sub3A_61 = arith.subf %add3A_14, %convert_element_type3A_60 : vector<1024x128xf32>
    %convert_element_type3A_62 = arith.truncf %sub3A_61 : vector<1024x128xf32> to vector<1024x128xbf16>
    %dot_general3A_63 = arith.constant dense<0.000000e+00> : vector<1024x256xf32>
    %dot_general3A_64 = tpu.matmul %convert_element_type3A_59, %convert_element_type3A_33, %dot_general3A_63 {dimension_numbers = #tpu.dot_dimension_numbers<[1], [0], [0], [1], [0, 0, 1, 1], [], []>, transpose_lhs_hint = false} : vector<1024x128xbf16>, vector<128x256xbf16>, vector<1024x256xf32> -> vector<1024x256xf32>
    %dot_general3A_65 = arith.constant dense<0.000000e+00> : vector<1024x256xf32>
    %dot_general3A_66 = tpu.matmul %convert_element_type3A_62, %convert_element_type3A_33, %dot_general3A_65 {dimension_numbers = #tpu.dot_dimension_numbers<[1], [0], [0], [1], [0, 0, 1, 1], [], []>, transpose_lhs_hint = false} : vector<1024x128xbf16>, vector<128x256xbf16>, vector<1024x256xf32> -> vector<1024x256xf32>
    %add3A_67 = arith.addf %dot_general3A_64, %dot_general3A_66 : vector<1024x256xf32>
    %add3A_68 = arith.addf %add3A_58, %add3A_67 : vector<1024x256xf32>
    %convert_element_type3A_69 = arith.truncf %add3A_68 : vector<1024x256xf32> to vector<1024x256xbf16>
    %dot_general3A_70 = arith.constant dense<0.000000e+00> : vector<1024x384xf32>
    %dot_general3A_71 = tpu.matmul %convert_element_type3A_69, %convert_element_type3A_37, %dot_general3A_70 {dimension_numbers = #tpu.dot_dimension_numbers<[1], [0], [0], [1], [0, 0, 1, 1], [], []>, transpose_lhs_hint = false} : vector<1024x256xbf16>, vector<256x384xbf16>, vector<1024x384xf32> -> vector<1024x384xf32>
    %get3A_72 = arith.constant 0 : index
    %get3A_73 = arith.constant 0 : index
    %get3A_74 = vector.load %arg14[%get3A_72, %get3A_73] : memref<1x384xf32, #tpu.memory_space<vmem>>, vector<1x384xf32>
    %get3A_75 = vector.shape_cast %get3A_74 : vector<1x384xf32> to vector<384xf32>
    %broadcast_in_dim3A_76 = vector.shape_cast %get3A_75 : vector<384xf32> to vector<1x384xf32>
    %add3A_77 = vector.broadcast %broadcast_in_dim3A_76 : vector<1x384xf32> to vector<1024x384xf32>
    %add3A_78 = arith.addf %dot_general3A_71, %add3A_77 : vector<1024x384xf32>
    %dot_general3A_79 = arith.constant dense<0.000000e+00> : vector<1024x384xf32>
    %dot_general3A_80 = tpu.matmul %convert_element_type3A, %convert_element_type3A_41, %dot_general3A_79 {dimension_numbers = #tpu.dot_dimension_numbers<[1], [0], [0], [1], [0, 0, 1, 1], [], []>, transpose_lhs_hint = false} : vector<1024x128xbf16>, vector<128x384xbf16>, vector<1024x384xf32> -> vector<1024x384xf32>
    %get3A_81 = arith.constant 0 : index
    %get3A_82 = arith.constant 0 : index
    %get3A_83 = vector.load %arg15[%get3A_81, %get3A_82] : memref<1x384xf32, #tpu.memory_space<vmem>>, vector<1x384xf32>
    %get3A_84 = vector.shape_cast %get3A_83 : vector<1x384xf32> to vector<384xf32>
    %broadcast_in_dim3A_85 = vector.shape_cast %get3A_84 : vector<384xf32> to vector<1x384xf32>
    %add3A_86 = vector.broadcast %broadcast_in_dim3A_85 : vector<1x384xf32> to vector<1024x384xf32>
    %add3A_87 = arith.addf %dot_general3A_80, %add3A_86 : vector<1024x384xf32>
    %slice3A = vector.extract_strided_slice %add3A_78 {offsets = [0, 0], sizes = [1024, 128], strides = [1, 1]} : vector<1024x384xf32> to vector<1024x128xf32>
    %slice3A_88 = vector.extract_strided_slice %add3A_87 {offsets = [0, 0], sizes = [1024, 128], strides = [1, 1]} : vector<1024x384xf32> to vector<1024x128xf32>
    %add3A_89 = arith.addf %slice3A, %slice3A_88 : vector<1024x128xf32>
    %logistic3A = arith.negf %add3A_89 : vector<1024x128xf32>
    %logistic3A_90 = math.exp %logistic3A : vector<1024x128xf32>
    %logistic3A_91 = arith.constant 1.000000e+00 : f32
    %logistic3A_92 = vector.broadcast %logistic3A_91 : f32 to vector<1024x128xf32>
    %logistic3A_93 = arith.addf %logistic3A_92, %logistic3A_90 : vector<1024x128xf32>
    %logistic3A_94 = arith.divf %logistic3A_92, %logistic3A_93 : vector<1024x128xf32>
    %slice3A_95 = vector.extract_strided_slice %add3A_78 {offsets = [0, 128], sizes = [1024, 128], strides = [1, 1]} : vector<1024x384xf32> to vector<1024x128xf32>
    %slice3A_96 = vector.extract_strided_slice %add3A_87 {offsets = [0, 128], sizes = [1024, 128], strides = [1, 1]} : vector<1024x384xf32> to vector<1024x128xf32>
    %add3A_97 = arith.addf %slice3A_95, %slice3A_96 : vector<1024x128xf32>
    %logistic3A_98 = arith.negf %add3A_97 : vector<1024x128xf32>
    %logistic3A_99 = math.exp %logistic3A_98 : vector<1024x128xf32>
    %logistic3A_100 = arith.constant 1.000000e+00 : f32
    %logistic3A_101 = vector.broadcast %logistic3A_100 : f32 to vector<1024x128xf32>
    %logistic3A_102 = arith.addf %logistic3A_101, %logistic3A_99 : vector<1024x128xf32>
    %logistic3A_103 = arith.divf %logistic3A_101, %logistic3A_102 : vector<1024x128xf32>
    %slice3A_104 = vector.extract_strided_slice %add3A_78 {offsets = [0, 256], sizes = [1024, 128], strides = [1, 1]} : vector<1024x384xf32> to vector<1024x128xf32>
    %slice3A_105 = vector.extract_strided_slice %add3A_87 {offsets = [0, 256], sizes = [1024, 128], strides = [1, 1]} : vector<1024x384xf32> to vector<1024x128xf32>
    %mul3A_106 = arith.mulf %logistic3A_94, %slice3A_105 : vector<1024x128xf32>
    %add3A_107 = arith.addf %slice3A_104, %mul3A_106 : vector<1024x128xf32>
    %tanh3A = math.tanh %add3A_107 : vector<1024x128xf32>
    %sub3A_108 = arith.constant 1.000000e+00 : f32
    %sub3A_109 = vector.broadcast %sub3A_108 : f32 to vector<1024x128xf32>
    %sub3A_110 = arith.subf %sub3A_109, %logistic3A_103 : vector<1024x128xf32>
    %mul3A_111 = arith.mulf %sub3A_110, %tanh3A : vector<1024x128xf32>
    %mul3A_112 = arith.mulf %logistic3A_103, %get3A_1 : vector<1024x128xf32>
    %add3A_113 = arith.addf %mul3A_111, %mul3A_112 : vector<1024x128xf32>
    %swap3A = arith.constant 0 : index
    %swap3A_114 = arith.constant 0 : index
    %swap3A_115 = vector.load %arg16[%swap3A, %swap3A_114] : memref<1024x128xf32, #tpu.memory_space<vmem>>, vector<1024x128xf32>
    tpu.vector_store %arg16[%swap3A, %swap3A_114], %add3A_113 {strides = array<i32>} : memref<1024x128xf32, #tpu.memory_space<vmem>>, vector<1024x128xf32>,
    return
  }
  func.func @transform_0(%arg0: i32) -> (i32, i32) {
    %c0_i32 = arith.constant 0 : i32
    %c0_i32_0 = arith.constant 0 : i32
    return %arg0, %c0_i32 : i32, i32
  }
  func.func @transform_1(%arg0: i32) -> (i32, i32) {
    %c0_i32 = arith.constant 0 : i32
    %c0_i32_0 = arith.constant 0 : i32
    return %arg0, %c0_i32 : i32, i32
  }
  func.func @transform_2(%arg0: i32) -> (i32, i32) {
    %add3A = arith.constant 10 : i32
    %add3A_0 = arith.addi %arg0, %add3A : i32
    %c0_i32 = arith.constant 0 : i32
    %c0_i32_1 = arith.constant 0 : i32
    return %add3A_0, %c0_i32 : i32, i32
  }
  func.func @transform_3(%arg0: i32) -> (i32, i32) {
    %c0_i32 = arith.constant 0 : i32
    %c0_i32_0 = arith.constant 0 : i32
    return %arg0, %c0_i32 : i32, i32
  }
  func.func @transform_4(%arg0: i32) -> (i32, i32) {
    %add3A = arith.constant 10 : i32
    %add3A_0 = arith.addi %arg0, %add3A : i32
    %c0_i32 = arith.constant 0 : i32
    %c0_i32_1 = arith.constant 0 : i32
    return %add3A_0, %c0_i32 : i32, i32
  }
  func.func @transform_5(%arg0: i32) -> (i32, i32) {
    %c0_i32 = arith.constant 0 : i32
    %c0_i32_0 = arith.constant 0 : i32
    return %arg0, %c0_i32 : i32, i32
  }
  func.func @transform_6(%arg0: i32) -> (i32, i32) {
    %add3A = arith.constant 10 : i32
    %add3A_0 = arith.addi %arg0, %add3A : i32
    %c0_i32 = arith.constant 0 : i32
    %c0_i32_1 = arith.constant 0 : i32
    return %add3A_0, %c0_i32 : i32, i32
  }
  func.func @transform_7(%arg0: i32) -> (i32, i32) {
    %c0_i32 = arith.constant 0 : i32
    %c0_i32_0 = arith.constant 0 : i32
    %c0_i32_1 = arith.constant 0 : i32
    return %c0_i32, %c0_i32_0 : i32, i32
  }
  func.func @transform_8(%arg0: i32) -> (i32, i32) {
    %c0_i32 = arith.constant 0 : i32
    %c0_i32_0 = arith.constant 0 : i32
    %c0_i32_1 = arith.constant 0 : i32
    return %c0_i32, %c0_i32_0 : i32, i32
  }
  func.func @transform_9(%arg0: i32) -> (i32, i32) {
    %c0_i32 = arith.constant 0 : i32
    %c0_i32_0 = arith.constant 0 : i32
    %c0_i32_1 = arith.constant 0 : i32
    return %c0_i32, %c0_i32_0 : i32, i32
  }
  func.func @transform_10(%arg0: i32) -> (i32, i32) {
    %c0_i32 = arith.constant 0 : i32
    %c0_i32_0 = arith.constant 0 : i32
    %c0_i32_1 = arith.constant 0 : i32
    return %c0_i32, %c0_i32_0 : i32, i32
  }
  func.func @transform_11(%arg0: i32) -> (i32, i32) {
    %c0_i32 = arith.constant 0 : i32
    %c0_i32_0 = arith.constant 0 : i32
    %c0_i32_1 = arith.constant 0 : i32
    return %c0_i32, %c0_i32_0 : i32, i32
  }
  func.func @transform_12(%arg0: i32) -> (i32, i32) {
    %c0_i32 = arith.constant 0 : i32
    %c0_i32_0 = arith.constant 0 : i32
    %c0_i32_1 = arith.constant 0 : i32
    return %c0_i32, %c0_i32_0 : i32, i32
  }
  func.func @transform_13(%arg0: i32) -> (i32, i32) {
    %c0_i32 = arith.constant 0 : i32
    %c0_i32_0 = arith.constant 0 : i32
    %c0_i32_1 = arith.constant 0 : i32
    return %c0_i32, %c0_i32_0 : i32, i32
  }
  func.func @transform_14(%arg0: i32) -> (i32, i32) {
    %c0_i32 = arith.constant 0 : i32
    %c0_i32_0 = arith.constant 0 : i32
    %c0_i32_1 = arith.constant 0 : i32
    return %c0_i32, %c0_i32_0 : i32, i32
  }
  func.func @transform_15(%arg0: i32) -> (i32, i32) {
    %c0_i32 = arith.constant 0 : i32
    %c0_i32_0 = arith.constant 0 : i32
    return %arg0, %c0_i32 : i32, i32
  }
}

</mosaic_0001>

<sc_bundles>
// kernel: kernel.11.cloned.1.call-start
scs
__scs_entry_jumppad:
0x0: {  	(pc) =	sbr.rel $0x88, $3  }
0x1: {  	(tag) =	ssettag $0x0;
	lr =	simm.s32 $0x1  }
0x2: {  	[smem:$0x3F98] =	sst lr;
	_ =	strace $0xD0000000  }
0x3: {  	_ = 	snop  }
0x4: {  	_ = 	snop  }
0x5: {  	_ = 	snop  }
0x6: {  	_ = 	snop  }
0x7: {  	_ = 	snop  }
__scs_overlays_trampoline_lowered:
0x8: {  	[smem:$0x3FA7] =	sst s0  }
0x9: {  	[smem:$0x3FA8] =	sst s1  }
0xa: {  	[smem:$0x3FA9] =	sst s2  }
0xb: {  	[smem:$0x3FAA] =	sst s3  }
0xc: {  	[smem:$0x3FAB] =	sst s4  }
0xd: {  	[smem:$0x3FAC] =	sst s5  }
0xe: {  	[smem:$0x3FAD] =	sst s6  }
0xf: {  	[smem:$0x3FAE] =	sst s7  }
0x10: {  	[smem:$0x3FAF] =	sst s8  }
0x11: {  	[smem:$0x3FB0] =	sst s9;
	s0 =	simm.s32 @!p0 $0x0  }
0x12: {  	s1 =	sld [smem:$0x3F96];
	s0 =	simm.s32 @p0 $0x1  }
0x13: {  	[smem:$0x3FB1] =	sst s0;
	s0 =	simm.s32 @!p1 $0x0  }
0x14: {  	s2 =	sld [smem:$0x3F95];
	s0 =	simm.s32 @p1 $0x1  }
0x15: {  	[smem:$0x3FB2] =	sst s0;
	s0 =	simm.s32 @!p2 $0x0  }
0x16: {  	s3 =	sld [smem:$0x3FDB];
	s0 =	simm.s32 @p2 $0x1  }
0x17: {  	s4 =	simm.s32 $0x1BF5;
	[smem:$0x3FB4] =	sst s0  }
0x18: {  	s0 =	sld [smem:$0x3F97];
	_ =	swait.ge [sflag:s4], $0x0  }
0x19: {  	s7 =	sld [smem:$0x3F98]  }
0x1a: {  	s8 =	sadd.s32 $0xFFFFE003, lr  }
0x1b: {  	s9 =	sadd.s32 $0xFFFFFEF7, lr;
	s5 =	simm.s32 $0xFFFFFFFF;
	p2 =	slt.u32 s8, $0xFFFFF086  }
0x1c: {  	p1 =	slt.u32 s9, $0xF7A;
	s5 =	simm.s32 @!p2 $0x0  }
0x1d: {  	s5 =	simm.s32 @p1 $0x1;
	p0 =	seq.s32 s7, s2  }
0x1e: {  	s7 =	smul.u32 @!p0 $0xF7A, s2;
	p2 =	seq.s32 @!p0 s5, $0x0  }
0x1f: {  	s9 =	smul.u32 $0xF7A, s1;
	s8 =	simm.s32 @!p0 $0x1BF5;
	p2 =	por !p2, p0  }
0x20: {  	[sflag:s8] =	ssyncset.s32 @!p0 $0xFFFFF086;
	s6 =	sadd.s32 @!p0 s3, s7;
	s7 =	simm.s32 @!p0 $0x108  }
0x21: {  	s3 =	sadd.s32 s3, s9;
	s6 =	sadd.s32 @!p0 $0x88, s6;
	s7 =	simm.s32 @p2 $0x1082  }
0x22: {  	[simem:s7], [sflag:s8] =	dma.local @!p0 [hbm:s6], $0xF7A  }
0x23: {  	s9 =	sor.u32 $0xD0000000, s2;
	s6 =	simm.s32 $0x108;
	_ =	swait.ge @!p0 [sflag:s8], $0x0  }
0x24: {  	s3 =	sadd.s32 $0x88, s3;
	s6 =	simm.s32 @!p1 $0x1082;
	[sflag:s4] =	ssyncset.s32 $0xFFFFF086  }
0x25: {  	[simem:s6], [sflag:s4] =	dma.local [hbm:s3], $0xF7A  }
0x26: {  	[smem:$0x3F98] =	sst s1;
	(tag) =	ssettag s2;
	_ =	strace s9  }
0x27: {  	s1 =	sld [smem:$0x3FA8]  }
0x28: {  	s2 =	sld [smem:$0x3FA9]  }
0x29: {  	s4 =	sld [smem:$0x3FAB]  }
0x2a: {  	p0 =	seq.s32 s5, $0x0;
	s5 =	sld [smem:$0x3FAC]  }
0x2b: {  	s6 =	sld [smem:$0x3FAD]  }
0x2c: {  	s7 =	sld [smem:$0x3FAE]  }
0x2d: {  	s3 =	simm.s32 $0x108;
	s8 =	sld [smem:$0x3FAF]  }
0x2e: {  	s3 =	simm.s32 @!p0 $0x1082;
	s9 =	sld [smem:$0x3FB0]  }
0x2f: {  	lr =	sadd.s32 s0, s3;
	s0 =	sld [smem:$0x3FA7]  }
0x30: {  	s3 =	sld [smem:$0x3FAA]  }
0x31: {  	[smem:$0x3FB3] =	sst s10  }
0x32: {  	s10 =	sld [smem:$0x3FB1];
	_ =	sdelay $0x3  }
0x33: {  	p0 =	seq.s32 s10, $0x1;
	s10 =	sld [smem:$0x3FB3];
	_ =	sdelay $0x3  }
0x34: {  	[smem:$0x3FB3] =	sst s10  }
0x35: {  	s10 =	sld [smem:$0x3FB2];
	_ =	sdelay $0x3  }
0x36: {  	p1 =	seq.s32 s10, $0x1;
	s10 =	sld [smem:$0x3FB3];
	_ =	sdelay $0x3  }
0x37: {  	[smem:$0x3FB3] =	sst s10  }
0x38: {  	s10 =	sld [smem:$0x3FB4]  }
0x39: {  	_ = 	snop;
	(pc) =	sbr.ind lr, $3  }
0x3a: {  	_ = 	snop  }
0x3b: {  	_ = 	snop  }
0x3c: {  	p2 =	seq.s32 s10, $0x1;
	s10 =	sld [smem:$0x3FB3]  }
0x3d: {  	_ =	shalt  }
0x3e: {  	_ =	shalt  }
0x3f: {  	_ =	shalt  }
0x40: {  	_ =	shalt  }
0x41: {  	_ =	shalt  }
0x42: {  	_ =	shalt  }
0x43: {  	_ =	shalt  }
0x44: {  	_ =	shalt  }
0x45: {  	_ =	shalt  }
0x46: {  	_ =	shalt  }
0x47: {  	_ =	shalt  }
0x48: {  	_ =	shalt  }
0x49: {  	_ =	shalt  }
0x4a: {  	_ =	shalt  }
0x4b: {  	_ =	shalt  }
0x4c: {  	_ =	shalt  }
0x4d: {  	_ =	shalt  }
0x4e: {  	_ =	shalt  }
0x4f: {  	_ =	shalt  }
0x50: {  	_ =	shalt  }
0x51: {  	_ =	shalt  }
0x52: {  	_ =	shalt  }
0x53: {  	_ =	shalt  }
0x54: {  	_ =	shalt  }
0x55: {  	_ =	shalt  }
0x56: {  	_ =	shalt  }
0x57: {  	_ =	shalt  }
0x58: {  	_ =	shalt  }
0x59: {  	_ =	shalt  }
0x5a: {  	_ =	shalt  }
0x5b: {  	_ =	shalt  }
0x5c: {  	_ =	shalt  }
0x5d: {  	_ =	shalt  }
0x5e: {  	_ =	shalt  }
0x5f: {  	_ =	shalt  }
0x60: {  	_ =	shalt  }
0x61: {  	_ =	shalt  }
0x62: {  	_ =	shalt  }
0x63: {  	_ =	shalt  }
0x64: {  	_ =	shalt  }
0x65: {  	_ =	shalt  }
0x66: {  	_ =	shalt  }
0x67: {  	_ =	shalt  }
0x68: {  	_ =	shalt  }
0x69: {  	_ =	shalt  }
0x6a: {  	_ =	shalt  }
0x6b: {  	_ =	shalt  }
0x6c: {  	_ =	shalt  }
0x6d: {  	_ =	shalt  }
0x6e: {  	_ =	shalt  }
0x6f: {  	_ =	shalt  }
0x70: {  	_ =	shalt  }
0x71: {  	_ =	shalt  }
0x72: {  	_ =	shalt  }
0x73: {  	_ =	shalt  }
0x74: {  	_ =	shalt  }
0x75: {  	_ =	shalt  }
0x76: {  	_ =	shalt  }
0x77: {  	_ =	shalt  }
0x78: {  	_ =	shalt  }
0x79: {  	_ =	shalt  }
0x7a: {  	_ =	shalt  }
0x7b: {  	_ =	shalt  }
0x7c: {  	_ =	shalt  }
0x7d: {  	_ =	shalt  }
0x7e: {  	_ =	shalt  }
0x7f: {  	_ =	shalt  }
0x80: {  	_ =	shalt  }
0x81: {  	_ =	shalt  }
0x82: {  	_ =	shalt  }
0x83: {  	_ =	shalt  }
0x84: {  	_ =	shalt  }
0x85: {  	_ =	shalt  }
0x86: {  	_ =	shalt  }
0x87: {  	_ =	shalt  }
.Lfunc_end0:
.L_simem_size_0:
called_computation.1_lowered:
.L_overlay_start_0:
0x88: {  	s2 =	sld [smem:$0x3FD9]  }
0x89: {  	s3 =	sld [smem:$0x3FFE];
	_ =	sdelay $0x1  }
0x8a: {  	s1 =	srdreg.scid  }
0x8b: {  	s0 =	sand.u32 $0x1, s1  }
0x8c: {  	s17 =	sshll.u32 s0, $0xA;
	s2 =	sadd.s32 s3, s2  }
0x8d: {  	s2 =	sadd.s32 s2, s17  }
0x8e: {  	[smem:$0x3FBF] =	sst s2  }
0x8f: {  	_ = 	snop  }
0x90: {  	s18 =	sld [smem:$0x3FD0];
	(tm) =	ssettm $0x1  }
0x91: {  	s19 =	sld [smem:$0x3FFB];
	_ =	sdelay $0x3  }
0x92: {  	_ =	strace s19  }
0x93: {  	s2 =	sld [smem:$0x3FFC];
	_ =	sdelay $0x3  }
0x94: {  	_ =	strace s2  }
0x95: {  	s2 =	sld [smem:$0x3FFD];
	_ =	sdelay $0x3  }
0x96: {  	_ =	strace s2  }
0x97: {  	_ =	strace $0x8FFFFFFF  }
0x98: {  	s20 =	sld [smem:$0x3FDB];
	_ =	sdelay $0x1  }
0x99: {  	s4 =	simm.s32 $_scs_section_size  }
0x9a: {  	s5 =	simm.s32 $_size__tile_overlayer_lowered;
	s6 =	simm.s32 $_tile_overlayer_lowered  }
0x9b: {  	s7 =	simm.s32 $0x1BFF;
	s21 =	sshll.u32 s6, $0x1;
	s4 =	sadd.s32 s4, s20  }
0x9c: {  	s22 =	simm.s32 $0x0;
	s5 =	sshll.u32 s5, $0x1;
	s6 =	sadd.s32 s21, s4  }
0x9d: {  	[timem:s22], [sflag:s7] =	dma.local [hbm:s6], s5  }
0x9e: {  	_ =	swait.ge [sflag:s7], s5  }
0x9f: {  	s5 =	ssub.s32 $0x0, s5;
	[sflag:s7] =	ssyncset.done $0x0  }
0xa0: {  	[sflag:s7] =	ssyncadd.s32 s5;
	_ =	sdelay $0x1  }
0xa1: {  	s23 =	simm.s32 $0x1B8B  }
0xa2: {  	_ =	swait.ge [sflag:s23], $0x1  }
0xa3: {  	[sflag:s23] =	ssyncset.done $0x0  }
0xa4: {  	[sflag:s23] =	ssyncadd.s32 $0xFFFFFFFF  }
0xa5: {  	s5 =	sld [smem:$0x0]  }
0xa6: {  	s6 =	sand.u32 $0xFFFFFFFE, s1  }
0xa7: {  	p0 =	sne.s32 s1, s6  }
0xa8: {  	s6 =	sshll.u32 @p0 s6, $0xE  }
0xa9: {  	s6 =	sadd.s32 @p0 $0x11B8D, s6;
	s7 =	sshll.u32 @p0 s5, $0x11  }
0xaa: {  	s6 =	sor.u32 @p0 s7, s6  }
0xab: {  	[sflag:s6] =	ssyncadd.remote.s32 @p0 $0x1;
	_ =	sdelay $0x1  }
0xac: {  	s6 =	simm.s32 @p0 $0x1B8D  }
0xad: {  	_ =	swait.eq @p0 [sflag:s6], $0x1  }
0xae: {  	[sflag:s6] =	ssyncadd.s32 @p0 $0xFFFFFFFF  }
0xaf: {  	s7 =	sshll.u32 @!p0 s1, $0xE  }
0xb0: {  	s7 =	sor.u32 @!p0 $0x4000, s7;
	s6 =	simm.s32 @!p0 $0x1B8D  }
0xb1: {  	s5 =	sshll.u32 @!p0 s5, $0x11;
	s7 =	sadd.s32 @!p0 $0x11B8D, s7;
	_ =	swait.eq @!p0 [sflag:s6], $0x1  }
0xb2: {  	s5 =	sor.u32 @!p0 s5, s7;
	[sflag:s6] =	ssyncadd.s32 @!p0 $0xFFFFFFFF  }
0xb3: {  	s25 =	simm.s32 $0x1B8E;
	s24 =	sld [smem:$0x3FFE];
	[sflag:s5] =	ssyncadd.remote.s32 @!p0 $0x1  }
0xb4: {  	s26 =	simm.s32 $execute0_lowered;
	[smem:$0x3FD2] =	sst s25  }
0xb5: {  	s6 =	sshll.u32 s26, $0x1;
	_ =	strace $0x8000004C;
	[dreg:$0x1] =	wrdreg $0xFFFFFFFF  }
0xb6: {  	s28 =	simm.s32 $_size_execute0_lowered;
	s4 =	sadd.s32 s4, s6;
	[dreg:$0x0] =	wrdreg $0x0  }
0xb7: {  	s6 =	sshll.u32 s28, $0x1;
	[dreg:$0x2] =	wrdreg s4  }
0xb8: {  	[dreg:$0x3] =	wrdreg s6  }
0xb9: {  	[dreg:$0x4] =	wrdreg $0xC0  }
0xba: {  	_ =	task [dreg:s22], $0x5FFFF  }
0xbb: {  	[dreg:$0x1] =	wrdreg $0xFFFFFFFF  }
0xbc: {  	[dreg:$0x0] =	wrdreg $0x60  }
0xbd: {  	[dreg:$0x2] =	wrdreg s18  }
0xbe: {  	[dreg:$0x3] =	wrdreg s24  }
0xbf: {  	[dreg:$0x4] =	wrdreg $0x90000  }
0xc0: {  	[dreg:$0x5] =	wrdreg $0xA  }
0xc1: {  	_ =	task.clear_ibuf [dreg:s22], $0x6FFFF;
	_ =	strace $0x9000004C  }
0xc2: {  	s29 =	simm.s32 $0xA;
	_ =	strace $0x8000004E  }
0xc3: {  	_ =	swait.ge [sflag:s29], $0x1  }
0xc4: {  	[sflag:s29] =	ssyncadd.s32 $0xFFFFFFFF  }
0xc5: {  	_ =	strace $0x9000004E  }
0xc6: {  	_ =	sfence  }
0xc7: {  	s30 =	sld [smem:$0x0];
	_ =	sdelay $0x2  }
0xc8: {  	s31 =	sshll.u32 s1, $0xD;
	s1 =	sshrl.u32 s1, $0x2  }
0xc9: {  	s4 =	sand.u32 $0x4000, s31;
	s1 =	sadd.s32 s1, s30  }
0xca: {  	s0 =	sor.u32 s4, s0;
	s1 =	sshll.u32 s1, $0x11  }
0xcb: {  	s0 =	sor.u32 s1, s0  }
0xcc: {  	s0 =	sadd.s32 $0x8F2B, s0  }
0xcd: {  	[sflag:s0] =	ssyncadd.remote.s32 $0x1  }
0xce: {  	_ =	sfence.sel $0xFFFF  }
0xcf: {  	[dreg:$0x0] =	wrdreg $0xFFFFFFFF;
	(pc) =	sbr.abs _section_cstart, $3  }
0xd0: {  	[dreg:$0x1] =	wrdreg $0xFFFFFFFF  }
0xd1: {  	_ =	task.clear_ibuf [dreg:s22], $0x2FFFF;
	_ =	strace $0x9FFFFFFF  }
0xd2: {  	(tm) =	ssettm $0x7FFFFFFF  }
0xd3: {  	_ =	shalt  }
tec
execute0_lowered:
.L_overlay_start_1:
0x0: {  	(tag) =	ssettag $0x1  }
0x1: {  	s0 =	rddreg [dreg:$0x0]  }
0x2: {  	s1 =	rddreg [dreg:$0x1]  }
0x3: {  	s2 =	rddreg [dreg:$0x2];
	s4 =	srdreg.scid  }
0x4: {  	s10 =	stileid.u32;
	s3 =	simm.s32 $0x0;
	s24 =	simm.s32 $0x4000  }
0x5: {  	s25 =	simm.s32 $0x2;
	s28 =	simm.s32 $0x50;
	s29 =	simm.s32 $0x1  }
0x6: {  	s30 =	simm.s32 $0x0;
	s4 =	sand.u32 $0x1, s4;
	s5 =	smul.u32 $0x280, s10  }
0x7: {  	[smem:$0x7FF] =	sst s3;
	s7 =	sadd.s32 $0x3EA00, s1;
	s8 =	smul.u32 $0x50000, s10  }
0x8: {  	s13 =	sshll.u32 s10, $0xB;
	s6 =	smul.u32 $0x2800, s4;
	_ =	strace $0x8000004D  }
0x9: {  	[dreg:$0x4] =	wrdreg s7;
	s26 =	ssub.s32 $0x2, s4;
	s4 =	sshll.u32 s4, $0xF  }
0xa: {  	s9 =	sshrl.u32 s26, $0x1;
	s31 =	sshrl.u32 s8, $0x2;
	s6 =	sadd.s32 s6, s5  }
0xb: {  	s5 =	sadd.s32 $0x5C1000, s1;
	s21 =	ssub.s32 s26, s9;
	s6 =	sshll.u32 s6, $0x4  }
0xc: {  	s26 =	simm.s32 $0x6800;
	s1 =	sadd.s32 s6, s1;
	s6 =	sadd.s32 s31, s2  }
0xd: {  	s7 =	sadd.s32 $0x2800, s6;
	s8 =	sadd.s32 $0x5000, s6;
	s9 =	sadd.s32 $0x7800, s6  }
0xe: {  	s10 =	sadd.s32 $0xA000, s6;
	s11 =	sadd.s32 $0xC800, s6;
	s12 =	sadd.s32 $0xF000, s6  }
0xf: {  	s0 =	sadd.s32 s0, s13;
	s13 =	sadd.s32 $0x5C1600, s1;
	s14 =	sadd.s32 $0x5C1B00, s1  }
0x10: {  	s15 =	sadd.s32 $0x11800, s6;
	s16 =	sadd.s32 $0x5C2000, s1;
	s17 =	sadd.s32 $0x5C2500, s1  }
0x11: {  	s18 =	sadd.s32 s4, s0;
	s19 =	sadd.s32 $0x5C2A00, s1;
	s20 =	sadd.s32 $0x5C2F00, s1  }
0x12: {  	s21 =	smax.u32 s21, $0x1;
	s22 =	sadd.s32 $0x5C3400, s1;
	s23 =	sadd.s32 $0x5C3900, s1  }
.LBB2_1:
0x13: {  	s0 =	rddreg [dreg:$0x4]  }
0x14: {  	[tilespmem:s24], [sflag:$0x2] =	stream.linear.gather [hbm4b:s0+s3], $0x2800, $0x38;
	[tilespmem:$0x1D000] =	vst v63  }
0x15: {  	_ =	swait.ge [sflag:s25], $0x2800  }
0x16: {  	[sflag:s25] =	ssyncset.done $0x0  }
0x17: {  	[sflag:s25] =	ssyncadd.s32 $0xFFFFD800  }
0x18: {  	[spmem:s6] =	stream.linear.scatter [tilespmem:s24], [sflag:$0x2], $0x2800, $0x38;
	[tilespmem:$0x1D000] =	vst v63  }
0x19: {  	_ =	swait.ge [sflag:s25], $0x2800  }
0x1a: {  	[sflag:s25] =	ssyncset.done $0x0  }
0x1b: {  	[sflag:s25] =	ssyncadd.s32 $0xFFFFD800  }
0x1c: {  	[spmem:s7] =	stream.linear.scatter [tilespmem:s24], [sflag:$0x2], $0x2800, $0x38;
	[tilespmem:$0x1D000] =	vst v63  }
0x1d: {  	_ =	swait.ge [sflag:s25], $0x2800  }
0x1e: {  	[sflag:s25] =	ssyncset.done $0x0  }
0x1f: {  	[sflag:s25] =	ssyncadd.s32 $0xFFFFD800  }
0x20: {  	[spmem:s8] =	stream.linear.scatter [tilespmem:s24], [sflag:$0x2], $0x2800, $0x38;
	[tilespmem:$0x1D000] =	vst v63  }
0x21: {  	_ =	swait.ge [sflag:s25], $0x2800  }
0x22: {  	[sflag:s25] =	ssyncset.done $0x0  }
0x23: {  	[sflag:s25] =	ssyncadd.s32 $0xFFFFD800  }
0x24: {  	[spmem:s9] =	stream.linear.scatter [tilespmem:s24], [sflag:$0x2], $0x2800, $0x38;
	[tilespmem:$0x1D000] =	vst v63  }
0x25: {  	_ =	swait.ge [sflag:s25], $0x2800  }
0x26: {  	[sflag:s25] =	ssyncset.done $0x0  }
0x27: {  	[sflag:s25] =	ssyncadd.s32 $0xFFFFD800  }
0x28: {  	[spmem:s10] =	stream.linear.scatter [tilespmem:s24], [sflag:$0x2], $0x2800, $0x38;
	[tilespmem:$0x1D000] =	vst v63  }
0x29: {  	_ =	swait.ge [sflag:s25], $0x2800  }
0x2a: {  	[sflag:s25] =	ssyncset.done $0x0  }
0x2b: {  	[sflag:s25] =	ssyncadd.s32 $0xFFFFD800  }
0x2c: {  	[spmem:s11] =	stream.linear.scatter [tilespmem:s24], [sflag:$0x2], $0x2800, $0x38;
	[tilespmem:$0x1D000] =	vst v63  }
0x2d: {  	_ =	swait.ge [sflag:s25], $0x2800  }
0x2e: {  	[sflag:s25] =	ssyncset.done $0x0  }
0x2f: {  	[sflag:s25] =	ssyncadd.s32 $0xFFFFD800  }
0x30: {  	[spmem:s12] =	stream.linear.scatter [tilespmem:s24], [sflag:$0x2], $0x2800, $0x38;
	[tilespmem:$0x1D000] =	vst v63  }
0x31: {  	_ =	swait.ge [sflag:s25], $0x2800  }
0x32: {  	[sflag:s25] =	ssyncset.done $0x0  }
0x33: {  	[sflag:s25] =	ssyncadd.s32 $0xFFFFD800  }
0x34: {  	[spmem:s15] =	stream.linear.scatter [tilespmem:s24], [sflag:$0x2], $0x2800, $0x38;
	[tilespmem:$0x1D000] =	vst v63  }
0x35: {  	_ =	swait.ge [sflag:s25], $0x2800  }
0x36: {  	[sflag:s25] =	ssyncset.done $0x0  }
0x37: {  	[sflag:s25] =	ssyncadd.s32 $0xFFFFD800  }
0x38: {  	[tilespmem:s3], [sflag:$0x2] =	stream.linear.gather [hbm4b:s18+s3], $0x3E80, $0x38;
	[tilespmem:$0x1D000] =	vst v63  }
0x39: {  	_ =	swait.ge [sflag:s25], $0x3E80  }
0x3a: {  	[sflag:s25] =	ssyncset.done $0x0  }
0x3b: {  	[sflag:s25] =	ssyncadd.s32 $0xFFFFC180  }
0x3c: {  	[tilespmem:s26], [sflag:$0x2] =	stream.linear.gather [hbm4b:s5+s3], $0x2800, $0x38;
	[tilespmem:$0x1D000] =	vst v63  }
0x3d: {  	_ =	swait.ge [sflag:s25], $0x2800  }
0x3e: {  	[sflag:s25] =	ssyncset.done $0x0  }
0x3f: {  	[sflag:s25] =	ssyncadd.s32 $0xFFFFD800  }
0x40: {  	s4 =	simm.s32 $0x0;
	[bflag:$0x0] =	sbarrier.arrive $0xFFFF  }
0x41: {  	[spmem:s2] =	stream.indirect.scatter.add.f32 [tilespmem:s26], [sflag:$0x1], $0x80, s4, s28, $0xb8;
	[tilespmem:$0x1D000] =	vst v63  }
0x42: {  	s1 =	simm.s32 $0x80  }
0x43: {  	[spmem:s2] =	stream.indirect.scatter.add.f32 [tilespmem:s26], [sflag:$0x1], $0x80, s1, s28, $0xb8;
	[tilespmem:$0x1D000] =	vst v63  }
0x44: {  	s4 =	simm.s32 $0x100  }
0x45: {  	[spmem:s2] =	stream.indirect.scatter.add.f32 [tilespmem:s26], [sflag:$0x1], $0x80, s4, s28, $0xb8;
	[tilespmem:$0x1D000] =	vst v63  }
0x46: {  	s1 =	simm.s32 $0x180  }
0x47: {  	[spmem:s2] =	stream.indirect.scatter.add.f32 [tilespmem:s26], [sflag:$0x1], $0x80, s1, s28, $0xb8;
	[tilespmem:$0x1D000] =	vst v63  }
0x48: {  	s4 =	simm.s32 $0x200  }
0x49: {  	[spmem:s2] =	stream.indirect.scatter.add.f32 [tilespmem:s26], [sflag:$0x1], $0x80, s4, s28, $0xb8;
	[tilespmem:$0x1D000] =	vst v63  }
0x4a: {  	s1 =	simm.s32 $0x280  }
0x4b: {  	[spmem:s2] =	stream.indirect.scatter.add.f32 [tilespmem:s26], [sflag:$0x1], $0x80, s1, s28, $0xb8;
	[tilespmem:$0x1D000] =	vst v63  }
0x4c: {  	s4 =	simm.s32 $0x300  }
0x4d: {  	[spmem:s2] =	stream.indirect.scatter.add.f32 [tilespmem:s26], [sflag:$0x1], $0x80, s4, s28, $0xb8;
	[tilespmem:$0x1D000] =	vst v63  }
0x4e: {  	s1 =	simm.s32 $0x380  }
0x4f: {  	[spmem:s2] =	stream.indirect.scatter.add.f32 [tilespmem:s26], [sflag:$0x1], $0x80, s1, s28, $0xb8;
	[tilespmem:$0x1D000] =	vst v63  }
0x50: {  	s4 =	simm.s32 $0x400  }
0x51: {  	[spmem:s2] =	stream.indirect.scatter.add.f32 [tilespmem:s26], [sflag:$0x1], $0x80, s4, s28, $0xb8;
	[tilespmem:$0x1D000] =	vst v63  }
0x52: {  	s1 =	simm.s32 $0x480  }
0x53: {  	[spmem:s2] =	stream.indirect.scatter.add.f32 [tilespmem:s26], [sflag:$0x1], $0x80, s1, s28, $0xb8;
	[tilespmem:$0x1D000] =	vst v63  }
0x54: {  	s4 =	simm.s32 $0x500  }
0x55: {  	[spmem:s2] =	stream.indirect.scatter.add.f32 [tilespmem:s26], [sflag:$0x1], $0x80, s4, s28, $0xb8;
	[tilespmem:$0x1D000] =	vst v63  }
0x56: {  	s1 =	simm.s32 $0x580  }
0x57: {  	[spmem:s2] =	stream.indirect.scatter.add.f32 [tilespmem:s26], [sflag:$0x1], $0x80, s1, s28, $0xb8;
	[tilespmem:$0x1D000] =	vst v63  }
0x58: {  	s4 =	simm.s32 $0x600  }
0x59: {  	[spmem:s2] =	stream.indirect.scatter.add.f32 [tilespmem:s26], [sflag:$0x1], $0x80, s4, s28, $0xb8;
	[tilespmem:$0x1D000] =	vst v63  }
0x5a: {  	s1 =	simm.s32 $0x680  }
0x5b: {  	[spmem:s2] =	stream.indirect.scatter.add.f32 [tilespmem:s26], [sflag:$0x1], $0x80, s1, s28, $0xb8;
	[tilespmem:$0x1D000] =	vst v63  }
0x5c: {  	s4 =	simm.s32 $0x700  }
0x5d: {  	[spmem:s2] =	stream.indirect.scatter.add.f32 [tilespmem:s26], [sflag:$0x1], $0x80, s4, s28, $0xb8;
	[tilespmem:$0x1D000] =	vst v63  }
0x5e: {  	s1 =	simm.s32 $0x780  }
0x5f: {  	[spmem:s2] =	stream.indirect.scatter.add.f32 [tilespmem:s26], [sflag:$0x1], $0x80, s1, s28, $0xb8;
	[tilespmem:$0x1D000] =	vst v63  }
0x60: {  	s4 =	simm.s32 $0x800  }
0x61: {  	[spmem:s2] =	stream.indirect.scatter.add.f32 [tilespmem:s26], [sflag:$0x1], $0x80, s4, s28, $0xb8;
	[tilespmem:$0x1D000] =	vst v63  }
0x62: {  	s1 =	simm.s32 $0x880  }
0x63: {  	[spmem:s2] =	stream.indirect.scatter.add.f32 [tilespmem:s26], [sflag:$0x1], $0x80, s1, s28, $0xb8;
	[tilespmem:$0x1D000] =	vst v63  }
0x64: {  	s4 =	simm.s32 $0x900  }
0x65: {  	[spmem:s2] =	stream.indirect.scatter.add.f32 [tilespmem:s26], [sflag:$0x1], $0x80, s4, s28, $0xb8;
	[tilespmem:$0x1D000] =	vst v63  }
0x66: {  	s1 =	simm.s32 $0x980  }
0x67: {  	[spmem:s2] =	stream.indirect.scatter.add.f32 [tilespmem:s26], [sflag:$0x1], $0x80, s1, s28, $0xb8;
	[tilespmem:$0x1D000] =	vst v63  }
0x68: {  	s4 =	simm.s32 $0xA00  }
0x69: {  	[spmem:s2] =	stream.indirect.scatter.add.f32 [tilespmem:s26], [sflag:$0x1], $0x80, s4, s28, $0xb8;
	[tilespmem:$0x1D000] =	vst v63  }
0x6a: {  	s1 =	simm.s32 $0xA80  }
0x6b: {  	[spmem:s2] =	stream.indirect.scatter.add.f32 [tilespmem:s26], [sflag:$0x1], $0x80, s1, s28, $0xb8;
	[tilespmem:$0x1D000] =	vst v63  }
0x6c: {  	s4 =	simm.s32 $0xB00  }
0x6d: {  	[spmem:s2] =	stream.indirect.scatter.add.f32 [tilespmem:s26], [sflag:$0x1], $0x80, s4, s28, $0xb8;
	[tilespmem:$0x1D000] =	vst v63  }
0x6e: {  	s1 =	simm.s32 $0xB80  }
0x6f: {  	[spmem:s2] =	stream.indirect.scatter.add.f32 [tilespmem:s26], [sflag:$0x1], $0x80, s1, s28, $0xb8;
	[tilespmem:$0x1D000] =	vst v63  }
0x70: {  	s4 =	simm.s32 $0xC00  }
0x71: {  	[spmem:s2] =	stream.indirect.scatter.add.f32 [tilespmem:s26], [sflag:$0x1], $0x80, s4, s28, $0xb8;
	[tilespmem:$0x1D000] =	vst v63  }
0x72: {  	_ =	swait.ge [sflag:s29], $0x2800  }
0x73: {  	[sflag:s29] =	ssyncset.done $0x0  }
0x74: {  	[sflag:s29] =	ssyncadd.s32 $0xFFFFD800  }
0x75: {  	_ =	swait.ge [sflag:s29], $0x2800  }
0x76: {  	[sflag:s29] =	ssyncset.done $0x0  }
0x77: {  	[sflag:s29] =	ssyncadd.s32 $0xFFFFD800  }
0x78: {  	_ =	swait.ge [sflag:s29], $0x2800  }
0x79: {  	[sflag:s29] =	ssyncset.done $0x0  }
0x7a: {  	[sflag:s29] =	ssyncadd.s32 $0xFFFFD800  }
0x7b: {  	_ =	swait.ge [sflag:s29], $0x2800  }
0x7c: {  	[sflag:s29] =	ssyncset.done $0x0  }
0x7d: {  	[sflag:s29] =	ssyncadd.s32 $0xFFFFD800  }
0x7e: {  	_ =	swait.ge [sflag:s29], $0x2800  }
0x7f: {  	[sflag:s29] =	ssyncset.done $0x0  }
0x80: {  	[sflag:s29] =	ssyncadd.s32 $0xFFFFD800  }
0x81: {  	_ =	swait.ge [sflag:s29], $0x2800  }
0x82: {  	[sflag:s29] =	ssyncset.done $0x0  }
0x83: {  	[sflag:s29] =	ssyncadd.s32 $0xFFFFD800  }
0x84: {  	_ =	swait.ge [sflag:s29], $0x2800  }
0x85: {  	[sflag:s29] =	ssyncset.done $0x0  }
0x86: {  	[sflag:s29] =	ssyncadd.s32 $0xFFFFD800  }
0x87: {  	_ =	swait.ge [sflag:s29], $0x2800  }
0x88: {  	[sflag:s29] =	ssyncset.done $0x0  }
0x89: {  	[sflag:s29] =	ssyncadd.s32 $0xFFFFD800  }
0x8a: {  	_ =	swait.ge [sflag:s29], $0x2800  }
0x8b: {  	[sflag:s29] =	ssyncset.done $0x0  }
0x8c: {  	[sflag:s29] =	ssyncadd.s32 $0xFFFFD800  }
0x8d: {  	_ =	swait.ge [sflag:s29], $0x2800  }
0x8e: {  	[sflag:s29] =	ssyncset.done $0x0  }
0x8f: {  	[sflag:s29] =	ssyncadd.s32 $0xFFFFD800  }
0x90: {  	_ =	swait.ge [sflag:s29], $0x2800  }
0x91: {  	[sflag:s29] =	ssyncset.done $0x0  }
0x92: {  	[sflag:s29] =	ssyncadd.s32 $0xFFFFD800  }
0x93: {  	_ =	swait.ge [sflag:s29], $0x2800  }
0x94: {  	[sflag:s29] =	ssyncset.done $0x0  }
0x95: {  	[sflag:s29] =	ssyncadd.s32 $0xFFFFD800  }
0x96: {  	_ =	swait.ge [sflag:s29], $0x2800  }
0x97: {  	[sflag:s29] =	ssyncset.done $0x0  }
0x98: {  	[sflag:s29] =	ssyncadd.s32 $0xFFFFD800  }
0x99: {  	_ =	swait.ge [sflag:s29], $0x2800  }
0x9a: {  	[sflag:s29] =	ssyncset.done $0x0  }
0x9b: {  	[sflag:s29] =	ssyncadd.s32 $0xFFFFD800  }
0x9c: {  	_ =	swait.ge [sflag:s29], $0x2800  }
0x9d: {  	[sflag:s29] =	ssyncset.done $0x0  }
0x9e: {  	[sflag:s29] =	ssyncadd.s32 $0xFFFFD800  }
0x9f: {  	_ =	swait.ge [sflag:s29], $0x2800  }
0xa0: {  	[sflag:s29] =	ssyncset.done $0x0  }
0xa1: {  	[sflag:s29] =	ssyncadd.s32 $0xFFFFD800  }
0xa2: {  	_ =	swait.ge [sflag:s29], $0x2800  }
0xa3: {  	[sflag:s29] =	ssyncset.done $0x0  }
0xa4: {  	[sflag:s29] =	ssyncadd.s32 $0xFFFFD800  }
0xa5: {  	_ =	swait.ge [sflag:s29], $0x2800  }
0xa6: {  	[sflag:s29] =	ssyncset.done $0x0  }
0xa7: {  	[sflag:s29] =	ssyncadd.s32 $0xFFFFD800  }
0xa8: {  	_ =	swait.ge [sflag:s29], $0x2800  }
0xa9: {  	[sflag:s29] =	ssyncset.done $0x0  }
0xaa: {  	[sflag:s29] =	ssyncadd.s32 $0xFFFFD800  }
0xab: {  	_ =	swait.ge [sflag:s29], $0x2800  }
0xac: {  	[sflag:s29] =	ssyncset.done $0x0  }
0xad: {  	[sflag:s29] =	ssyncadd.s32 $0xFFFFD800  }
0xae: {  	_ =	swait.ge [sflag:s29], $0x2800  }
0xaf: {  	[sflag:s29] =	ssyncset.done $0x0  }
0xb0: {  	[sflag:s29] =	ssyncadd.s32 $0xFFFFD800  }
0xb1: {  	_ =	swait.ge [sflag:s29], $0x2800  }
0xb2: {  	[sflag:s29] =	ssyncset.done $0x0  }
0xb3: {  	[sflag:s29] =	ssyncadd.s32 $0xFFFFD800  }
0xb4: {  	_ =	swait.ge [sflag:s29], $0x2800  }
0xb5: {  	[sflag:s29] =	ssyncset.done $0x0  }
0xb6: {  	[sflag:s29] =	ssyncadd.s32 $0xFFFFD800  }
0xb7: {  	_ =	swait.ge [sflag:s29], $0x2800  }
0xb8: {  	[sflag:s29] =	ssyncset.done $0x0  }
0xb9: {  	[sflag:s29] =	ssyncadd.s32 $0xFFFFD800  }
0xba: {  	_ =	swait.ge [sflag:s29], $0x2800  }
0xbb: {  	s31 =	simm.s32 $0x3200;
	s0 =	simm.s32 $0x6400;
	[sflag:s29] =	ssyncset.done $0x0  }
.LBB2_2:
0xbc: {  	s1 =	sshra.s32 s31, $0x2  }
0xbd: {  	[sflag:s29] =	ssyncadd.s32 $0xFFFFD800;
	s31 =	smov.u32 s0;
	s4 =	sadd.s32 $0x3200, s0  }
0xbe: {  	[spmem:s2] =	stream.indirect.scatter.add.f32 [tilespmem:s26], [sflag:$0x1], $0x80, s1, s28, $0xb8;
	[tilespmem:$0x1D000] =	vst v63  }
0xbf: {  	p0 =	sne.s32 s0, $0xC800;
	s0 =	sadd.s32 $0x80, s1  }
0xc0: {  	[spmem:s2] =	stream.indirect.scatter.add.f32 [tilespmem:s26], [sflag:$0x1], $0x80, s0, s28, $0xb8;
	[tilespmem:$0x1D000] =	vst v63  }
0xc1: {  	s0 =	sadd.s32 $0x100, s1  }
0xc2: {  	[spmem:s2] =	stream.indirect.scatter.add.f32 [tilespmem:s26], [sflag:$0x1], $0x80, s0, s28, $0xb8;
	[tilespmem:$0x1D000] =	vst v63  }
0xc3: {  	s0 =	sadd.s32 $0x180, s1  }
0xc4: {  	[spmem:s2] =	stream.indirect.scatter.add.f32 [tilespmem:s26], [sflag:$0x1], $0x80, s0, s28, $0xb8;
	[tilespmem:$0x1D000] =	vst v63  }
0xc5: {  	s0 =	sadd.s32 $0x200, s1  }
0xc6: {  	[spmem:s2] =	stream.indirect.scatter.add.f32 [tilespmem:s26], [sflag:$0x1], $0x80, s0, s28, $0xb8;
	[tilespmem:$0x1D000] =	vst v63  }
0xc7: {  	s0 =	sadd.s32 $0x280, s1  }
0xc8: {  	[spmem:s2] =	stream.indirect.scatter.add.f32 [tilespmem:s26], [sflag:$0x1], $0x80, s0, s28, $0xb8;
	[tilespmem:$0x1D000] =	vst v63  }
0xc9: {  	s0 =	sadd.s32 $0x300, s1  }
0xca: {  	[spmem:s2] =	stream.indirect.scatter.add.f32 [tilespmem:s26], [sflag:$0x1], $0x80, s0, s28, $0xb8;
	[tilespmem:$0x1D000] =	vst v63  }
0xcb: {  	s0 =	sadd.s32 $0x380, s1  }
0xcc: {  	[spmem:s2] =	stream.indirect.scatter.add.f32 [tilespmem:s26], [sflag:$0x1], $0x80, s0, s28, $0xb8;
	[tilespmem:$0x1D000] =	vst v63  }
0xcd: {  	s0 =	sadd.s32 $0x400, s1  }
0xce: {  	[spmem:s2] =	stream.indirect.scatter.add.f32 [tilespmem:s26], [sflag:$0x1], $0x80, s0, s28, $0xb8;
	[tilespmem:$0x1D000] =	vst v63  }
0xcf: {  	s0 =	sadd.s32 $0x480, s1  }
0xd0: {  	[spmem:s2] =	stream.indirect.scatter.add.f32 [tilespmem:s26], [sflag:$0x1], $0x80, s0, s28, $0xb8;
	[tilespmem:$0x1D000] =	vst v63  }
0xd1: {  	s0 =	sadd.s32 $0x500, s1  }
0xd2: {  	[spmem:s2] =	stream.indirect.scatter.add.f32 [tilespmem:s26], [sflag:$0x1], $0x80, s0, s28, $0xb8;
	[tilespmem:$0x1D000] =	vst v63  }
0xd3: {  	s0 =	sadd.s32 $0x580, s1  }
0xd4: {  	[spmem:s2] =	stream.indirect.scatter.add.f32 [tilespmem:s26], [sflag:$0x1], $0x80, s0, s28, $0xb8;
	[tilespmem:$0x1D000] =	vst v63  }
0xd5: {  	s0 =	sadd.s32 $0x600, s1  }
0xd6: {  	[spmem:s2] =	stream.indirect.scatter.add.f32 [tilespmem:s26], [sflag:$0x1], $0x80, s0, s28, $0xb8;
	[tilespmem:$0x1D000] =	vst v63  }
0xd7: {  	s0 =	sadd.s32 $0x680, s1  }
0xd8: {  	[spmem:s2] =	stream.indirect.scatter.add.f32 [tilespmem:s26], [sflag:$0x1], $0x80, s0, s28, $0xb8;
	[tilespmem:$0x1D000] =	vst v63  }
0xd9: {  	s0 =	sadd.s32 $0x700, s1  }
0xda: {  	[spmem:s2] =	stream.indirect.scatter.add.f32 [tilespmem:s26], [sflag:$0x1], $0x80, s0, s28, $0xb8;
	[tilespmem:$0x1D000] =	vst v63  }
0xdb: {  	s0 =	sadd.s32 $0x780, s1  }
0xdc: {  	[spmem:s2] =	stream.indirect.scatter.add.f32 [tilespmem:s26], [sflag:$0x1], $0x80, s0, s28, $0xb8;
	[tilespmem:$0x1D000] =	vst v63  }
0xdd: {  	s0 =	sadd.s32 $0x800, s1  }
0xde: {  	[spmem:s2] =	stream.indirect.scatter.add.f32 [tilespmem:s26], [sflag:$0x1], $0x80, s0, s28, $0xb8;
	[tilespmem:$0x1D000] =	vst v63  }
0xdf: {  	s0 =	sadd.s32 $0x880, s1  }
0xe0: {  	[spmem:s2] =	stream.indirect.scatter.add.f32 [tilespmem:s26], [sflag:$0x1], $0x80, s0, s28, $0xb8;
	[tilespmem:$0x1D000] =	vst v63  }
0xe1: {  	s0 =	sadd.s32 $0x900, s1  }
0xe2: {  	[spmem:s2] =	stream.indirect.scatter.add.f32 [tilespmem:s26], [sflag:$0x1], $0x80, s0, s28, $0xb8;
	[tilespmem:$0x1D000] =	vst v63  }
0xe3: {  	s0 =	sadd.s32 $0x980, s1  }
0xe4: {  	[spmem:s2] =	stream.indirect.scatter.add.f32 [tilespmem:s26], [sflag:$0x1], $0x80, s0, s28, $0xb8;
	[tilespmem:$0x1D000] =	vst v63  }
0xe5: {  	s0 =	sadd.s32 $0xA00, s1  }
0xe6: {  	[spmem:s2] =	stream.indirect.scatter.add.f32 [tilespmem:s26], [sflag:$0x1], $0x80, s0, s28, $0xb8;
	[tilespmem:$0x1D000] =	vst v63  }
0xe7: {  	s0 =	sadd.s32 $0xA80, s1  }
0xe8: {  	[spmem:s2] =	stream.indirect.scatter.add.f32 [tilespmem:s26], [sflag:$0x1], $0x80, s0, s28, $0xb8;
	[tilespmem:$0x1D000] =	vst v63  }
0xe9: {  	s0 =	sadd.s32 $0xB00, s1  }
0xea: {  	[spmem:s2] =	stream.indirect.scatter.add.f32 [tilespmem:s26], [sflag:$0x1], $0x80, s0, s28, $0xb8;
	[tilespmem:$0x1D000] =	vst v63  }
0xeb: {  	s0 =	sadd.s32 $0xB80, s1  }
0xec: {  	[spmem:s2] =	stream.indirect.scatter.add.f32 [tilespmem:s26], [sflag:$0x1], $0x80, s0, s28, $0xb8;
	[tilespmem:$0x1D000] =	vst v63  }
0xed: {  	s0 =	sadd.s32 $0xC00, s1  }
0xee: {  	[spmem:s2] =	stream.indirect.scatter.add.f32 [tilespmem:s26], [sflag:$0x1], $0x80, s0, s28, $0xb8;
	[tilespmem:$0x1D000] =	vst v63  }
0xef: {  	_ =	swait.ge [sflag:s29], $0x2800  }
0xf0: {  	[sflag:s29] =	ssyncset.done $0x0  }
0xf1: {  	[sflag:s29] =	ssyncadd.s32 $0xFFFFD800  }
0xf2: {  	_ =	swait.ge [sflag:s29], $0x2800  }
0xf3: {  	[sflag:s29] =	ssyncset.done $0x0  }
0xf4: {  	[sflag:s29] =	ssyncadd.s32 $0xFFFFD800  }
0xf5: {  	_ =	swait.ge [sflag:s29], $0x2800  }
0xf6: {  	[sflag:s29] =	ssyncset.done $0x0  }
0xf7: {  	[sflag:s29] =	ssyncadd.s32 $0xFFFFD800  }
0xf8: {  	_ =	swait.ge [sflag:s29], $0x2800  }
0xf9: {  	[sflag:s29] =	ssyncset.done $0x0  }
0xfa: {  	[sflag:s29] =	ssyncadd.s32 $0xFFFFD800  }
0xfb: {  	_ =	swait.ge [sflag:s29], $0x2800  }
0xfc: {  	[sflag:s29] =	ssyncset.done $0x0  }
0xfd: {  	[sflag:s29] =	ssyncadd.s32 $0xFFFFD800  }
0xfe: {  	_ =	swait.ge [sflag:s29], $0x2800  }
0xff: {  	[sflag:s29] =	ssyncset.done $0x0  }
0x100: {  	[sflag:s29] =	ssyncadd.s32 $0xFFFFD800  }
0x101: {  	_ =	swait.ge [sflag:s29], $0x2800  }
0x102: {  	[sflag:s29] =	ssyncset.done $0x0  }
0x103: {  	[sflag:s29] =	ssyncadd.s32 $0xFFFFD800  }
0x104: {  	_ =	swait.ge [sflag:s29], $0x2800  }
0x105: {  	[sflag:s29] =	ssyncset.done $0x0  }
0x106: {  	[sflag:s29] =	ssyncadd.s32 $0xFFFFD800  }
0x107: {  	_ =	swait.ge [sflag:s29], $0x2800  }
0x108: {  	[sflag:s29] =	ssyncset.done $0x0  }
0x109: {  	[sflag:s29] =	ssyncadd.s32 $0xFFFFD800  }
0x10a: {  	_ =	swait.ge [sflag:s29], $0x2800  }
0x10b: {  	[sflag:s29] =	ssyncset.done $0x0  }
0x10c: {  	[sflag:s29] =	ssyncadd.s32 $0xFFFFD800  }
0x10d: {  	_ =	swait.ge [sflag:s29], $0x2800  }
0x10e: {  	[sflag:s29] =	ssyncset.done $0x0  }
0x10f: {  	[sflag:s29] =	ssyncadd.s32 $0xFFFFD800  }
0x110: {  	_ =	swait.ge [sflag:s29], $0x2800  }
0x111: {  	[sflag:s29] =	ssyncset.done $0x0  }
0x112: {  	[sflag:s29] =	ssyncadd.s32 $0xFFFFD800  }
0x113: {  	_ =	swait.ge [sflag:s29], $0x2800  }
0x114: {  	[sflag:s29] =	ssyncset.done $0x0  }
0x115: {  	[sflag:s29] =	ssyncadd.s32 $0xFFFFD800  }
0x116: {  	_ =	swait.ge [sflag:s29], $0x2800  }
0x117: {  	[sflag:s29] =	ssyncset.done $0x0  }
0x118: {  	[sflag:s29] =	ssyncadd.s32 $0xFFFFD800  }
0x119: {  	_ =	swait.ge [sflag:s29], $0x2800  }
0x11a: {  	[sflag:s29] =	ssyncset.done $0x0  }
0x11b: {  	[sflag:s29] =	ssyncadd.s32 $0xFFFFD800  }
0x11c: {  	_ =	swait.ge [sflag:s29], $0x2800  }
0x11d: {  	[sflag:s29] =	ssyncset.done $0x0  }
0x11e: {  	[sflag:s29] =	ssyncadd.s32 $0xFFFFD800  }
0x11f: {  	_ =	swait.ge [sflag:s29], $0x2800  }
0x120: {  	[sflag:s29] =	ssyncset.done $0x0  }
0x121: {  	[sflag:s29] =	ssyncadd.s32 $0xFFFFD800  }
0x122: {  	_ =	swait.ge [sflag:s29], $0x2800  }
0x123: {  	[sflag:s29] =	ssyncset.done $0x0  }
0x124: {  	[sflag:s29] =	ssyncadd.s32 $0xFFFFD800  }
0x125: {  	_ =	swait.ge [sflag:s29], $0x2800  }
0x126: {  	[sflag:s29] =	ssyncset.done $0x0  }
0x127: {  	[sflag:s29] =	ssyncadd.s32 $0xFFFFD800  }
0x128: {  	_ =	swait.ge [sflag:s29], $0x2800  }
0x129: {  	[sflag:s29] =	ssyncset.done $0x0  }
0x12a: {  	[sflag:s29] =	ssyncadd.s32 $0xFFFFD800  }
0x12b: {  	_ =	swait.ge [sflag:s29], $0x2800  }
0x12c: {  	[sflag:s29] =	ssyncset.done $0x0  }
0x12d: {  	[sflag:s29] =	ssyncadd.s32 $0xFFFFD800  }
0x12e: {  	_ =	swait.ge [sflag:s29], $0x2800  }
0x12f: {  	[sflag:s29] =	ssyncset.done $0x0  }
0x130: {  	[sflag:s29] =	ssyncadd.s32 $0xFFFFD800  }
0x131: {  	_ =	swait.ge [sflag:s29], $0x2800  }
0x132: {  	[sflag:s29] =	ssyncset.done $0x0  }
0x133: {  	[sflag:s29] =	ssyncadd.s32 $0xFFFFD800  }
.Ltmp0:
0x134: {  	_ =	swait.ge [sflag:s29], $0x2800;
	(pc) =	sbr.rel @p0 .LBB2_2-.Ltmp0, $4  }
0x135: {  	[sflag:s29] =	ssyncset.done $0x0  }
0x136: {  	[sflag:s29] =	ssyncadd.s32 $0xFFFFD800  }
0x137: {  	_ =	swait.ge [sflag:s29], $0x2800  }
0x138: {  	s0 =	smov.u32 s4;
	[sflag:s29] =	ssyncset.done $0x0  }
0x139: {  	s0 =	sshra.s32 s31, $0x2;
	[sflag:s29] =	ssyncadd.s32 $0xFFFFD800  }
0x13a: {  	[spmem:s2] =	stream.indirect.scatter.add.f32 [tilespmem:s26], [sflag:$0x1], $0x80, s0, s28, $0xb8;
	[tilespmem:$0x1D000] =	vst v63  }
0x13b: {  	s1 =	sadd.s32 $0x80, s0  }
0x13c: {  	[spmem:s2] =	stream.indirect.scatter.add.f32 [tilespmem:s26], [sflag:$0x1], $0x80, s1, s28, $0xb8;
	[tilespmem:$0x1D000] =	vst v63  }
0x13d: {  	s4 =	sadd.s32 $0x100, s0  }
0x13e: {  	[spmem:s2] =	stream.indirect.scatter.add.f32 [tilespmem:s26], [sflag:$0x1], $0x80, s4, s28, $0xb8;
	[tilespmem:$0x1D000] =	vst v63  }
0x13f: {  	s31 =	sadd.s32 $0x180, s0  }
0x140: {  	[spmem:s2] =	stream.indirect.scatter.add.f32 [tilespmem:s26], [sflag:$0x1], $0x80, s31, s28, $0xb8;
	[tilespmem:$0x1D000] =	vst v63  }
0x141: {  	s4 =	sadd.s32 $0x200, s0  }
0x142: {  	[spmem:s2] =	stream.indirect.scatter.add.f32 [tilespmem:s26], [sflag:$0x1], $0x80, s4, s28, $0xb8;
	[tilespmem:$0x1D000] =	vst v63  }
0x143: {  	s31 =	sadd.s32 $0x280, s0  }
0x144: {  	[spmem:s2] =	stream.indirect.scatter.add.f32 [tilespmem:s26], [sflag:$0x1], $0x80, s31, s28, $0xb8;
	[tilespmem:$0x1D000] =	vst v63  }
0x145: {  	s4 =	sadd.s32 $0x300, s0  }
0x146: {  	[spmem:s2] =	stream.indirect.scatter.add.f32 [tilespmem:s26], [sflag:$0x1], $0x80, s4, s28, $0xb8;
	[tilespmem:$0x1D000] =	vst v63  }
0x147: {  	s31 =	sadd.s32 $0x380, s0  }
0x148: {  	[spmem:s2] =	stream.indirect.scatter.add.f32 [tilespmem:s26], [sflag:$0x1], $0x80, s31, s28, $0xb8;
	[tilespmem:$0x1D000] =	vst v63  }
0x149: {  	s4 =	sadd.s32 $0x400, s0  }
0x14a: {  	[spmem:s2] =	stream.indirect.scatter.add.f32 [tilespmem:s26], [sflag:$0x1], $0x80, s4, s28, $0xb8;
	[tilespmem:$0x1D000] =	vst v63  }
0x14b: {  	s31 =	sadd.s32 $0x480, s0  }
0x14c: {  	[spmem:s2] =	stream.indirect.scatter.add.f32 [tilespmem:s26], [sflag:$0x1], $0x80, s31, s28, $0xb8;
	[tilespmem:$0x1D000] =	vst v63  }
0x14d: {  	s4 =	sadd.s32 $0x500, s0  }
0x14e: {  	[spmem:s2] =	stream.indirect.scatter.add.f32 [tilespmem:s26], [sflag:$0x1], $0x80, s4, s28, $0xb8;
	[tilespmem:$0x1D000] =	vst v63  }
0x14f: {  	s31 =	sadd.s32 $0x580, s0  }
0x150: {  	[spmem:s2] =	stream.indirect.scatter.add.f32 [tilespmem:s26], [sflag:$0x1], $0x80, s31, s28, $0xb8;
	[tilespmem:$0x1D000] =	vst v63  }
0x151: {  	s4 =	sadd.s32 $0x600, s0  }
0x152: {  	[spmem:s2] =	stream.indirect.scatter.add.f32 [tilespmem:s26], [sflag:$0x1], $0x80, s4, s28, $0xb8;
	[tilespmem:$0x1D000] =	vst v63  }
0x153: {  	s31 =	sadd.s32 $0x680, s0  }
0x154: {  	[spmem:s2] =	stream.indirect.scatter.add.f32 [tilespmem:s26], [sflag:$0x1], $0x80, s31, s28, $0xb8;
	[tilespmem:$0x1D000] =	vst v63  }
0x155: {  	s4 =	sadd.s32 $0x700, s0  }
0x156: {  	[spmem:s2] =	stream.indirect.scatter.add.f32 [tilespmem:s26], [sflag:$0x1], $0x80, s4, s28, $0xb8;
	[tilespmem:$0x1D000] =	vst v63  }
0x157: {  	s31 =	sadd.s32 $0x780, s0  }
0x158: {  	[spmem:s2] =	stream.indirect.scatter.add.f32 [tilespmem:s26], [sflag:$0x1], $0x80, s31, s28, $0xb8;
	[tilespmem:$0x1D000] =	vst v63  }
0x159: {  	s4 =	sadd.s32 $0x800, s0  }
0x15a: {  	[spmem:s2] =	stream.indirect.scatter.add.f32 [tilespmem:s26], [sflag:$0x1], $0x80, s4, s28, $0xb8;
	[tilespmem:$0x1D000] =	vst v63  }
0x15b: {  	s31 =	sadd.s32 $0x880, s0  }
0x15c: {  	[spmem:s2] =	stream.indirect.scatter.add.f32 [tilespmem:s26], [sflag:$0x1], $0x80, s31, s28, $0xb8;
	[tilespmem:$0x1D000] =	vst v63  }
0x15d: {  	s4 =	sadd.s32 $0x900, s0  }
0x15e: {  	[spmem:s2] =	stream.indirect.scatter.add.f32 [tilespmem:s26], [sflag:$0x1], $0x80, s4, s28, $0xb8;
	[tilespmem:$0x1D000] =	vst v63  }
0x15f: {  	s31 =	sadd.s32 $0x980, s0  }
0x160: {  	[spmem:s2] =	stream.indirect.scatter.add.f32 [tilespmem:s26], [sflag:$0x1], $0x80, s31, s28, $0xb8;
	[tilespmem:$0x1D000] =	vst v63  }
0x161: {  	s4 =	sadd.s32 $0xA00, s0  }
0x162: {  	[spmem:s2] =	stream.indirect.scatter.add.f32 [tilespmem:s26], [sflag:$0x1], $0x80, s4, s28, $0xb8;
	[tilespmem:$0x1D000] =	vst v63  }
0x163: {  	s31 =	sadd.s32 $0xA80, s0  }
0x164: {  	[spmem:s2] =	stream.indirect.scatter.add.f32 [tilespmem:s26], [sflag:$0x1], $0x80, s31, s28, $0xb8;
	[tilespmem:$0x1D000] =	vst v63  }
0x165: {  	s4 =	sadd.s32 $0xB00, s0  }
0x166: {  	[spmem:s2] =	stream.indirect.scatter.add.f32 [tilespmem:s26], [sflag:$0x1], $0x80, s4, s28, $0xb8;
	[tilespmem:$0x1D000] =	vst v63  }
0x167: {  	s31 =	sadd.s32 $0xB80, s0  }
0x168: {  	[spmem:s2] =	stream.indirect.scatter.add.f32 [tilespmem:s26], [sflag:$0x1], $0x80, s31, s28, $0xb8;
	[tilespmem:$0x1D000] =	vst v63  }
0x169: {  	s0 =	sadd.s32 $0xC00, s0  }
0x16a: {  	[spmem:s2] =	stream.indirect.scatter.add.f32 [tilespmem:s26], [sflag:$0x1], $0x80, s0, s28, $0xb8;
	[tilespmem:$0x1D000] =	vst v63  }
0x16b: {  	_ =	swait.ge [sflag:s29], $0x2800  }
0x16c: {  	[sflag:s29] =	ssyncset.done $0x0  }
0x16d: {  	[sflag:s29] =	ssyncadd.s32 $0xFFFFD800  }
0x16e: {  	_ =	swait.ge [sflag:s29], $0x2800  }
0x16f: {  	[sflag:s29] =	ssyncset.done $0x0  }
0x170: {  	[sflag:s29] =	ssyncadd.s32 $0xFFFFD800  }
0x171: {  	_ =	swait.ge [sflag:s29], $0x2800  }
0x172: {  	[sflag:s29] =	ssyncset.done $0x0  }
0x173: {  	[sflag:s29] =	ssyncadd.s32 $0xFFFFD800  }
0x174: {  	_ =	swait.ge [sflag:s29], $0x2800  }
0x175: {  	[sflag:s29] =	ssyncset.done $0x0  }
0x176: {  	[sflag:s29] =	ssyncadd.s32 $0xFFFFD800  }
0x177: {  	_ =	swait.ge [sflag:s29], $0x2800  }
0x178: {  	[sflag:s29] =	ssyncset.done $0x0  }
0x179: {  	[sflag:s29] =	ssyncadd.s32 $0xFFFFD800  }
0x17a: {  	_ =	swait.ge [sflag:s29], $0x2800  }
0x17b: {  	[sflag:s29] =	ssyncset.done $0x0  }
0x17c: {  	[sflag:s29] =	ssyncadd.s32 $0xFFFFD800  }
0x17d: {  	_ =	swait.ge [sflag:s29], $0x2800  }
0x17e: {  	[sflag:s29] =	ssyncset.done $0x0  }
0x17f: {  	[sflag:s29] =	ssyncadd.s32 $0xFFFFD800  }
0x180: {  	_ =	swait.ge [sflag:s29], $0x2800  }
0x181: {  	[sflag:s29] =	ssyncset.done $0x0  }
0x182: {  	[sflag:s29] =	ssyncadd.s32 $0xFFFFD800  }
0x183: {  	_ =	swait.ge [sflag:s29], $0x2800  }
0x184: {  	[sflag:s29] =	ssyncset.done $0x0  }
0x185: {  	[sflag:s29] =	ssyncadd.s32 $0xFFFFD800  }
0x186: {  	_ =	swait.ge [sflag:s29], $0x2800  }
0x187: {  	[sflag:s29] =	ssyncset.done $0x0  }
0x188: {  	[sflag:s29] =	ssyncadd.s32 $0xFFFFD800  }
0x189: {  	_ =	swait.ge [sflag:s29], $0x2800  }
0x18a: {  	[sflag:s29] =	ssyncset.done $0x0  }
0x18b: {  	[sflag:s29] =	ssyncadd.s32 $0xFFFFD800  }
0x18c: {  	_ =	swait.ge [sflag:s29], $0x2800  }
0x18d: {  	[sflag:s29] =	ssyncset.done $0x0  }
0x18e: {  	[sflag:s29] =	ssyncadd.s32 $0xFFFFD800  }
0x18f: {  	_ =	swait.ge [sflag:s29], $0x2800  }
0x190: {  	[sflag:s29] =	ssyncset.done $0x0  }
0x191: {  	[sflag:s29] =	ssyncadd.s32 $0xFFFFD800  }
0x192: {  	_ =	swait.ge [sflag:s29], $0x2800  }
0x193: {  	[sflag:s29] =	ssyncset.done $0x0  }
0x194: {  	[sflag:s29] =	ssyncadd.s32 $0xFFFFD800  }
0x195: {  	_ =	swait.ge [sflag:s29], $0x2800  }
0x196: {  	[sflag:s29] =	ssyncset.done $0x0  }
0x197: {  	[sflag:s29] =	ssyncadd.s32 $0xFFFFD800  }
0x198: {  	_ =	swait.ge [sflag:s29], $0x2800  }
0x199: {  	[sflag:s29] =	ssyncset.done $0x0  }
0x19a: {  	[sflag:s29] =	ssyncadd.s32 $0xFFFFD800  }
0x19b: {  	_ =	swait.ge [sflag:s29], $0x2800  }
0x19c: {  	[sflag:s29] =	ssyncset.done $0x0  }
0x19d: {  	[sflag:s29] =	ssyncadd.s32 $0xFFFFD800  }
0x19e: {  	_ =	swait.ge [sflag:s29], $0x2800  }
0x19f: {  	[sflag:s29] =	ssyncset.done $0x0  }
0x1a0: {  	[sflag:s29] =	ssyncadd.s32 $0xFFFFD800  }
0x1a1: {  	_ =	swait.ge [sflag:s29], $0x2800  }
0x1a2: {  	[sflag:s29] =	ssyncset.done $0x0  }
0x1a3: {  	[sflag:s29] =	ssyncadd.s32 $0xFFFFD800  }
0x1a4: {  	_ =	swait.ge [sflag:s29], $0x2800  }
0x1a5: {  	[sflag:s29] =	ssyncset.done $0x0  }
0x1a6: {  	[sflag:s29] =	ssyncadd.s32 $0xFFFFD800  }
0x1a7: {  	_ =	swait.ge [sflag:s29], $0x2800  }
0x1a8: {  	[sflag:s29] =	ssyncset.done $0x0  }
0x1a9: {  	[sflag:s29] =	ssyncadd.s32 $0xFFFFD800  }
0x1aa: {  	_ =	swait.ge [sflag:s29], $0x2800  }
0x1ab: {  	[sflag:s29] =	ssyncset.done $0x0  }
0x1ac: {  	[sflag:s29] =	ssyncadd.s32 $0xFFFFD800  }
0x1ad: {  	_ =	swait.ge [sflag:s29], $0x2800  }
0x1ae: {  	[sflag:s29] =	ssyncset.done $0x0  }
0x1af: {  	[sflag:s29] =	ssyncadd.s32 $0xFFFFD800  }
0x1b0: {  	_ =	swait.ge [sflag:s29], $0x2800  }
0x1b1: {  	[sflag:s29] =	ssyncset.done $0x0  }
0x1b2: {  	[sflag:s29] =	ssyncadd.s32 $0xFFFFD800  }
0x1b3: {  	_ =	swait.ge [sflag:s29], $0x2800  }
0x1b4: {  	[sflag:s29] =	ssyncset.done $0x0  }
0x1b5: {  	[sflag:s29] =	ssyncadd.s32 $0xFFFFD800  }
0x1b6: {  	[bflag:$0x0] =	sbarrier.arrive $0xFFFF  }
0x1b7: {  	[tilespmem:s24], [sflag:$0x2] =	stream.linear.gather [spmem:s6], $0x2800, $0x38;
	[tilespmem:$0x1D000] =	vst v63  }
0x1b8: {  	_ =	swait.ge [sflag:s25], $0x2800  }
0x1b9: {  	[sflag:s25] =	ssyncset.done $0x0  }
0x1ba: {  	[sflag:s25] =	ssyncadd.s32 $0xFFFFD800  }
0x1bb: {  	[hbm4b:s13+s3] =	stream.linear.scatter [tilespmem:s24], [sflag:$0x2], $0x2800, $0x38;
	[tilespmem:$0x1D000] =	vst v63  }
0x1bc: {  	_ =	swait.ge [sflag:s25], $0x2800  }
0x1bd: {  	[sflag:s25] =	ssyncset.done $0x0  }
0x1be: {  	[sflag:s25] =	ssyncadd.s32 $0xFFFFD800  }
0x1bf: {  	[tilespmem:s24], [sflag:$0x2] =	stream.linear.gather [spmem:s7], $0x2800, $0x38;
	[tilespmem:$0x1D000] =	vst v63  }
0x1c0: {  	_ =	swait.ge [sflag:s25], $0x2800  }
0x1c1: {  	[sflag:s25] =	ssyncset.done $0x0  }
0x1c2: {  	[sflag:s25] =	ssyncadd.s32 $0xFFFFD800  }
0x1c3: {  	[hbm4b:s14+s3] =	stream.linear.scatter [tilespmem:s24], [sflag:$0x2], $0x2800, $0x38;
	[tilespmem:$0x1D000] =	vst v63  }
0x1c4: {  	_ =	swait.ge [sflag:s25], $0x2800  }
0x1c5: {  	[sflag:s25] =	ssyncset.done $0x0  }
0x1c6: {  	[sflag:s25] =	ssyncadd.s32 $0xFFFFD800  }
0x1c7: {  	[tilespmem:s24], [sflag:$0x2] =	stream.linear.gather [spmem:s8], $0x2800, $0x38;
	[tilespmem:$0x1D000] =	vst v63  }
0x1c8: {  	_ =	swait.ge [sflag:s25], $0x2800  }
0x1c9: {  	[sflag:s25] =	ssyncset.done $0x0  }
0x1ca: {  	[sflag:s25] =	ssyncadd.s32 $0xFFFFD800  }
0x1cb: {  	[hbm4b:s16+s3] =	stream.linear.scatter [tilespmem:s24], [sflag:$0x2], $0x2800, $0x38;
	[tilespmem:$0x1D000] =	vst v63  }
0x1cc: {  	_ =	swait.ge [sflag:s25], $0x2800  }
0x1cd: {  	[sflag:s25] =	ssyncset.done $0x0  }
0x1ce: {  	[sflag:s25] =	ssyncadd.s32 $0xFFFFD800  }
0x1cf: {  	[tilespmem:s24], [sflag:$0x2] =	stream.linear.gather [spmem:s9], $0x2800, $0x38;
	[tilespmem:$0x1D000] =	vst v63  }
0x1d0: {  	_ =	swait.ge [sflag:s25], $0x2800  }
0x1d1: {  	[sflag:s25] =	ssyncset.done $0x0  }
0x1d2: {  	[sflag:s25] =	ssyncadd.s32 $0xFFFFD800  }
0x1d3: {  	[hbm4b:s17+s3] =	stream.linear.scatter [tilespmem:s24], [sflag:$0x2], $0x2800, $0x38;
	[tilespmem:$0x1D000] =	vst v63  }
0x1d4: {  	_ =	swait.ge [sflag:s25], $0x2800  }
0x1d5: {  	[sflag:s25] =	ssyncset.done $0x0  }
0x1d6: {  	[sflag:s25] =	ssyncadd.s32 $0xFFFFD800  }
0x1d7: {  	[tilespmem:s24], [sflag:$0x2] =	stream.linear.gather [spmem:s10], $0x2800, $0x38;
	[tilespmem:$0x1D000] =	vst v63  }
0x1d8: {  	_ =	swait.ge [sflag:s25], $0x2800  }
0x1d9: {  	[sflag:s25] =	ssyncset.done $0x0  }
0x1da: {  	[sflag:s25] =	ssyncadd.s32 $0xFFFFD800  }
0x1db: {  	[hbm4b:s19+s3] =	stream.linear.scatter [tilespmem:s24], [sflag:$0x2], $0x2800, $0x38;
	[tilespmem:$0x1D000] =	vst v63  }
0x1dc: {  	_ =	swait.ge [sflag:s25], $0x2800  }
0x1dd: {  	[sflag:s25] =	ssyncset.done $0x0  }
0x1de: {  	[sflag:s25] =	ssyncadd.s32 $0xFFFFD800  }
0x1df: {  	[tilespmem:s24], [sflag:$0x2] =	stream.linear.gather [spmem:s11], $0x2800, $0x38;
	[tilespmem:$0x1D000] =	vst v63  }
0x1e0: {  	_ =	swait.ge [sflag:s25], $0x2800  }
0x1e1: {  	[sflag:s25] =	ssyncset.done $0x0  }
0x1e2: {  	[sflag:s25] =	ssyncadd.s32 $0xFFFFD800  }
0x1e3: {  	[hbm4b:s20+s3] =	stream.linear.scatter [tilespmem:s24], [sflag:$0x2], $0x2800, $0x38;
	[tilespmem:$0x1D000] =	vst v63  }
0x1e4: {  	_ =	swait.ge [sflag:s25], $0x2800  }
0x1e5: {  	[sflag:s25] =	ssyncset.done $0x0  }
0x1e6: {  	[sflag:s25] =	ssyncadd.s32 $0xFFFFD800  }
0x1e7: {  	[tilespmem:s24], [sflag:$0x2] =	stream.linear.gather [spmem:s12], $0x2800, $0x38;
	[tilespmem:$0x1D000] =	vst v63  }
0x1e8: {  	_ =	swait.ge [sflag:s25], $0x2800  }
0x1e9: {  	[sflag:s25] =	ssyncset.done $0x0  }
0x1ea: {  	[sflag:s25] =	ssyncadd.s32 $0xFFFFD800  }
0x1eb: {  	[hbm4b:s22+s3] =	stream.linear.scatter [tilespmem:s24], [sflag:$0x2], $0x2800, $0x38;
	[tilespmem:$0x1D000] =	vst v63  }
0x1ec: {  	_ =	swait.ge [sflag:s25], $0x2800  }
0x1ed: {  	[sflag:s25] =	ssyncset.done $0x0  }
0x1ee: {  	[sflag:s25] =	ssyncadd.s32 $0xFFFFD800  }
0x1ef: {  	[tilespmem:s24], [sflag:$0x2] =	stream.linear.gather [spmem:s15], $0x2800, $0x38;
	[tilespmem:$0x1D000] =	vst v63  }
0x1f0: {  	s30 =	sadd.s32 $0x1, s30;
	_ =	swait.ge [sflag:s25], $0x2800  }
0x1f1: {  	p0 =	sne.s32 s30, s21;
	[sflag:s25] =	ssyncset.done $0x0  }
.Ltmp1:
0x1f2: {  	[sflag:s25] =	ssyncadd.s32 $0xFFFFD800;
	(pc) =	sbr.rel @p0 .LBB2_1-.Ltmp1, $4  }
0x1f3: {  	[hbm4b:s23+s3] =	stream.linear.scatter [tilespmem:s24], [sflag:$0x2], $0x2800, $0x38;
	[tilespmem:$0x1D000] =	vst v63  }
0x1f4: {  	_ =	swait.ge [sflag:s25], $0x2800  }
0x1f5: {  	[sflag:s25] =	ssyncset.done $0x0  }
0x1f6: {  	[sflag:s25] =	ssyncadd.s32 $0xFFFFD800  }
0x1f7: {  	_ =	sfence.sel $0x180000  }
0x1f8: {  	[bflag:$0x0] =	sbarrier.arrive $0xFFFF  }
0x1f9: {  	_ =	strace $0x9000004D  }
0x1fa: {  	s0 =	stileid.u32;
	[bflag:$0x2] =	sbarrier.arrive $0xFFFF  }
0x1fb: {  	p0 =	sne.s32 s0, $0x0;
	s0 =	rddreg [dreg:$0x3]  }
0x1fc: {  	s0 =	sadd.s32 @!p0 $0x100000, s0  }
0x1fd: {  	[sflag:s0] =	ssyncadd.tile.s32 @!p0 $0x1;
	_ =	shalt  }
.Lfunc_end2:
_tile_overlayer_lowered:
.L_overlay_start_2:
0x1fe: {  	(tag) =	ssettag $0x2  }
0x1ff: {  	s0 =	rddreg [dreg:$0x0];
	s2 =	stileid.u32  }
0x200: {  	s1 =	rddreg [dreg:$0x1];
	p0 =	sne.s32 s2, $0x0  }
0x201: {  	s3 =	rddreg [dreg:$0x2];
	[bflag:$0x3] =	sbarrier.arrive $0xFFFF;
	s2 =	simm.s32 @!p0 $0x1C02  }
0x202: {  	[timem:s3], [sflag:s2] =	dma.local @!p0 [hbm:s0], s1  }
0x203: {  	s0 =	simm.s32 @!p0 $0x2  }
0x204: {  	_ =	swait.ge @!p0 [sflag:s0], s1  }
0x205: {  	s1 =	ssub.s32 @!p0 $0x0, s1;
	[sflag:s0] =	ssyncset.done @!p0 $0x0  }
0x206: {  	[sflag:s0] =	ssyncadd.s32 @!p0 s1  }
0x207: {  	[bflag:$0x3] =	sbarrier.arrive $0xFFFF  }
0x208: {  	_ =	shalt  }

// kernel: kernel.14.cloned.1.call-start
scs
__scs_entry_jumppad:
0x0: {  	(pc) =	sbr.rel $0x88, $3  }
0x1: {  	(tag) =	ssettag $0x0;
	lr =	simm.s32 $0x1  }
0x2: {  	[smem:$0x3F98] =	sst lr;
	_ =	strace $0xD0000000  }
0x3: {  	_ = 	snop  }
0x4: {  	_ = 	snop  }
0x5: {  	_ = 	snop  }
0x6: {  	_ = 	snop  }
0x7: {  	_ = 	snop  }
__scs_overlays_trampoline_lowered:
0x8: {  	[smem:$0x3FA7] =	sst s0  }
0x9: {  	[smem:$0x3FA8] =	sst s1  }
0xa: {  	[smem:$0x3FA9] =	sst s2  }
0xb: {  	[smem:$0x3FAA] =	sst s3  }
0xc: {  	[smem:$0x3FAB] =	sst s4  }
0xd: {  	[smem:$0x3FAC] =	sst s5  }
0xe: {  	[smem:$0x3FAD] =	sst s6  }
0xf: {  	[smem:$0x3FAE] =	sst s7  }
0x10: {  	[smem:$0x3FAF] =	sst s8  }
0x11: {  	[smem:$0x3FB0] =	sst s9;
	s0 =	simm.s32 @!p0 $0x0  }
0x12: {  	s1 =	sld [smem:$0x3F96];
	s0 =	simm.s32 @p0 $0x1  }
0x13: {  	[smem:$0x3FB1] =	sst s0;
	s0 =	simm.s32 @!p1 $0x0  }
0x14: {  	s2 =	sld [smem:$0x3F95];
	s0 =	simm.s32 @p1 $0x1  }
0x15: {  	[smem:$0x3FB2] =	sst s0;
	s0 =	simm.s32 @!p2 $0x0  }
0x16: {  	s3 =	sld [smem:$0x3FDB];
	s0 =	simm.s32 @p2 $0x1  }
0x17: {  	s4 =	simm.s32 $0x1BF5;
	[smem:$0x3FB4] =	sst s0  }
0x18: {  	s0 =	sld [smem:$0x3F97];
	_ =	swait.ge [sflag:s4], $0x0  }
0x19: {  	s7 =	sld [smem:$0x3F98]  }
0x1a: {  	s8 =	sadd.s32 $0xFFFFE003, lr  }
0x1b: {  	s9 =	sadd.s32 $0xFFFFFEF7, lr;
	s5 =	simm.s32 $0xFFFFFFFF;
	p2 =	slt.u32 s8, $0xFFFFF086  }
0x1c: {  	p1 =	slt.u32 s9, $0xF7A;
	s5 =	simm.s32 @!p2 $0x0  }
0x1d: {  	s5 =	simm.s32 @p1 $0x1;
	p0 =	seq.s32 s7, s2  }
0x1e: {  	s7 =	smul.u32 @!p0 $0xF7A, s2;
	p2 =	seq.s32 @!p0 s5, $0x0  }
0x1f: {  	s9 =	smul.u32 $0xF7A, s1;
	s8 =	simm.s32 @!p0 $0x1BF5;
	p2 =	por !p2, p0  }
0x20: {  	[sflag:s8] =	ssyncset.s32 @!p0 $0xFFFFF086;
	s6 =	sadd.s32 @!p0 s3, s7;
	s7 =	simm.s32 @!p0 $0x108  }
0x21: {  	s3 =	sadd.s32 s3, s9;
	s6 =	sadd.s32 @!p0 $0x88, s6;
	s7 =	simm.s32 @p2 $0x1082  }
0x22: {  	[simem:s7], [sflag:s8] =	dma.local @!p0 [hbm:s6], $0xF7A  }
0x23: {  	s9 =	sor.u32 $0xD0000000, s2;
	s6 =	simm.s32 $0x108;
	_ =	swait.ge @!p0 [sflag:s8], $0x0  }
0x24: {  	s3 =	sadd.s32 $0x88, s3;
	s6 =	simm.s32 @!p1 $0x1082;
	[sflag:s4] =	ssyncset.s32 $0xFFFFF086  }
0x25: {  	[simem:s6], [sflag:s4] =	dma.local [hbm:s3], $0xF7A  }
0x26: {  	[smem:$0x3F98] =	sst s1;
	(tag) =	ssettag s2;
	_ =	strace s9  }
0x27: {  	s1 =	sld [smem:$0x3FA8]  }
0x28: {  	s2 =	sld [smem:$0x3FA9]  }
0x29: {  	s4 =	sld [smem:$0x3FAB]  }
0x2a: {  	p0 =	seq.s32 s5, $0x0;
	s5 =	sld [smem:$0x3FAC]  }
0x2b: {  	s6 =	sld [smem:$0x3FAD]  }
0x2c: {  	s7 =	sld [smem:$0x3FAE]  }
0x2d: {  	s3 =	simm.s32 $0x108;
	s8 =	sld [smem:$0x3FAF]  }
0x2e: {  	s3 =	simm.s32 @!p0 $0x1082;
	s9 =	sld [smem:$0x3FB0]  }
0x2f: {  	lr =	sadd.s32 s0, s3;
	s0 =	sld [smem:$0x3FA7]  }
0x30: {  	s3 =	sld [smem:$0x3FAA]  }
0x31: {  	[smem:$0x3FB3] =	sst s10  }
0x32: {  	s10 =	sld [smem:$0x3FB1];
	_ =	sdelay $0x3  }
0x33: {  	p0 =	seq.s32 s10, $0x1;
	s10 =	sld [smem:$0x3FB3];
	_ =	sdelay $0x3  }
0x34: {  	[smem:$0x3FB3] =	sst s10  }
0x35: {  	s10 =	sld [smem:$0x3FB2];
	_ =	sdelay $0x3  }
0x36: {  	p1 =	seq.s32 s10, $0x1;
	s10 =	sld [smem:$0x3FB3];
	_ =	sdelay $0x3  }
0x37: {  	[smem:$0x3FB3] =	sst s10  }
0x38: {  	s10 =	sld [smem:$0x3FB4]  }
0x39: {  	_ = 	snop;
	(pc) =	sbr.ind lr, $3  }
0x3a: {  	_ = 	snop  }
0x3b: {  	_ = 	snop  }
0x3c: {  	p2 =	seq.s32 s10, $0x1;
	s10 =	sld [smem:$0x3FB3]  }
0x3d: {  	_ =	shalt  }
0x3e: {  	_ =	shalt  }
0x3f: {  	_ =	shalt  }
0x40: {  	_ =	shalt  }
0x41: {  	_ =	shalt  }
0x42: {  	_ =	shalt  }
0x43: {  	_ =	shalt  }
0x44: {  	_ =	shalt  }
0x45: {  	_ =	shalt  }
0x46: {  	_ =	shalt  }
0x47: {  	_ =	shalt  }
0x48: {  	_ =	shalt  }
0x49: {  	_ =	shalt  }
0x4a: {  	_ =	shalt  }
0x4b: {  	_ =	shalt  }
0x4c: {  	_ =	shalt  }
0x4d: {  	_ =	shalt  }
0x4e: {  	_ =	shalt  }
0x4f: {  	_ =	shalt  }
0x50: {  	_ =	shalt  }
0x51: {  	_ =	shalt  }
0x52: {  	_ =	shalt  }
0x53: {  	_ =	shalt  }
0x54: {  	_ =	shalt  }
0x55: {  	_ =	shalt  }
0x56: {  	_ =	shalt  }
0x57: {  	_ =	shalt  }
0x58: {  	_ =	shalt  }
0x59: {  	_ =	shalt  }
0x5a: {  	_ =	shalt  }
0x5b: {  	_ =	shalt  }
0x5c: {  	_ =	shalt  }
0x5d: {  	_ =	shalt  }
0x5e: {  	_ =	shalt  }
0x5f: {  	_ =	shalt  }
0x60: {  	_ =	shalt  }
0x61: {  	_ =	shalt  }
0x62: {  	_ =	shalt  }
0x63: {  	_ =	shalt  }
0x64: {  	_ =	shalt  }
0x65: {  	_ =	shalt  }
0x66: {  	_ =	shalt  }
0x67: {  	_ =	shalt  }
0x68: {  	_ =	shalt  }
0x69: {  	_ =	shalt  }
0x6a: {  	_ =	shalt  }
0x6b: {  	_ =	shalt  }
0x6c: {  	_ =	shalt  }
0x6d: {  	_ =	shalt  }
0x6e: {  	_ =	shalt  }
0x6f: {  	_ =	shalt  }
0x70: {  	_ =	shalt  }
0x71: {  	_ =	shalt  }
0x72: {  	_ =	shalt  }
0x73: {  	_ =	shalt  }
0x74: {  	_ =	shalt  }
0x75: {  	_ =	shalt  }
0x76: {  	_ =	shalt  }
0x77: {  	_ =	shalt  }
0x78: {  	_ =	shalt  }
0x79: {  	_ =	shalt  }
0x7a: {  	_ =	shalt  }
0x7b: {  	_ =	shalt  }
0x7c: {  	_ =	shalt  }
0x7d: {  	_ =	shalt  }
0x7e: {  	_ =	shalt  }
0x7f: {  	_ =	shalt  }
0x80: {  	_ =	shalt  }
0x81: {  	_ =	shalt  }
0x82: {  	_ =	shalt  }
0x83: {  	_ =	shalt  }
0x84: {  	_ =	shalt  }
0x85: {  	_ =	shalt  }
0x86: {  	_ =	shalt  }
0x87: {  	_ =	shalt  }
.Lfunc_end0:
.L_simem_size_0:
called_computation.2_lowered:
.L_overlay_start_0:
0x88: {  	s2 =	sld [smem:$0x3FD9]  }
0x89: {  	s3 =	sld [smem:$0x3FFE];
	_ =	sdelay $0x1  }
0x8a: {  	s1 =	srdreg.scid  }
0x8b: {  	s0 =	sand.u32 $0x1, s1  }
0x8c: {  	s16 =	sshll.u32 s0, $0xA;
	s2 =	sadd.s32 s3, s2  }
0x8d: {  	s2 =	sadd.s32 s2, s16  }
0x8e: {  	[smem:$0x3FBF] =	sst s2  }
0x8f: {  	_ = 	snop  }
0x90: {  	(tm) =	ssettm $0x1  }
0x91: {  	s17 =	sld [smem:$0x3FFB];
	_ =	sdelay $0x3  }
0x92: {  	_ =	strace s17  }
0x93: {  	s2 =	sld [smem:$0x3FFC];
	_ =	sdelay $0x3  }
0x94: {  	_ =	strace s2  }
0x95: {  	s2 =	sld [smem:$0x3FFD];
	_ =	sdelay $0x3  }
0x96: {  	_ =	strace s2  }
0x97: {  	_ =	strace $0x8FFFFFFF  }
0x98: {  	s18 =	sld [smem:$0x3FDB];
	_ =	sdelay $0x1  }
0x99: {  	s19 =	simm.s32 $_scs_section_size  }
0x9a: {  	s4 =	simm.s32 $_size__tile_overlayer_lowered;
	s5 =	simm.s32 $_tile_overlayer_lowered  }
0x9b: {  	s22 =	simm.s32 $0x1BFF;
	s21 =	sshll.u32 s5, $0x1;
	s2 =	sadd.s32 s19, s18  }
0x9c: {  	s6 =	simm.s32 $0x0;
	s20 =	sshll.u32 s4, $0x1;
	s4 =	sadd.s32 s21, s2  }
0x9d: {  	[timem:s6], [sflag:s22] =	dma.local [hbm:s4], s20  }
0x9e: {  	_ =	swait.ge [sflag:s22], s20  }
0x9f: {  	s3 =	ssub.s32 $0x0, s20;
	[sflag:s22] =	ssyncset.done $0x0  }
0xa0: {  	[sflag:s22] =	ssyncadd.s32 s3;
	_ =	sdelay $0x1  }
0xa1: {  	s23 =	simm.s32 $0x1B8B  }
0xa2: {  	_ =	swait.ge [sflag:s23], $0x1  }
0xa3: {  	[sflag:s23] =	ssyncset.done $0x0  }
0xa4: {  	s25 =	simm.s32 $0x1B8E;
	s24 =	sld [smem:$0x3FFE];
	[sflag:s23] =	ssyncadd.s32 $0xFFFFFFFF  }
0xa5: {  	s26 =	simm.s32 $execute0_lowered;
	[smem:$0x3FD2] =	sst s25  }
0xa6: {  	s4 =	sshll.u32 s26, $0x1;
	_ =	strace $0x80000046;
	[dreg:$0x1] =	wrdreg $0xFFFFFFFF  }
0xa7: {  	s28 =	simm.s32 $_size_execute0_lowered;
	s2 =	sadd.s32 s2, s4;
	[dreg:$0x0] =	wrdreg $0x0  }
0xa8: {  	s4 =	sshll.u32 s28, $0x1;
	[dreg:$0x2] =	wrdreg s2  }
0xa9: {  	[dreg:$0x3] =	wrdreg s4  }
0xaa: {  	[dreg:$0x4] =	wrdreg $0xC0  }
0xab: {  	_ =	task [dreg:s6], $0x5FFFF  }
0xac: {  	[dreg:$0x1] =	wrdreg $0xFFFFFFFF  }
0xad: {  	[dreg:$0x0] =	wrdreg $0x60  }
0xae: {  	[dreg:$0x2] =	wrdreg s24  }
0xaf: {  	[dreg:$0x3] =	wrdreg $0x7E000  }
0xb0: {  	[dreg:$0x4] =	wrdreg $0xB  }
0xb1: {  	_ =	task.clear_ibuf [dreg:s6], $0x5FFFF;
	_ =	strace $0x90000046  }
0xb2: {  	s29 =	simm.s32 $0xB;
	_ =	strace $0x80000048  }
0xb3: {  	_ =	swait.ge [sflag:s29], $0x1  }
0xb4: {  	[sflag:s29] =	ssyncadd.s32 $0xFFFFFFFF  }
0xb5: {  	_ =	strace $0x90000048  }
0xb6: {  	_ =	sfence  }
0xb7: {  	s30 =	sld [smem:$0x0];
	_ =	sdelay $0x2  }
0xb8: {  	s31 =	sshll.u32 s1, $0xD;
	s1 =	sshrl.u32 s1, $0x2  }
0xb9: {  	s3 =	sand.u32 $0x4000, s31;
	s1 =	sadd.s32 s1, s30  }
0xba: {  	s0 =	sor.u32 s3, s0;
	s1 =	sshll.u32 s1, $0x11  }
0xbb: {  	s0 =	sor.u32 s1, s0  }
0xbc: {  	s0 =	sadd.s32 $0x8F2B, s0  }
0xbd: {  	[sflag:s0] =	ssyncadd.remote.s32 $0x1  }
0xbe: {  	_ =	sfence.sel $0xFFFF  }
0xbf: {  	[dreg:$0x0] =	wrdreg $0xFFFFFFFF;
	(pc) =	sbr.abs _section_cstart, $3  }
0xc0: {  	[dreg:$0x1] =	wrdreg $0xFFFFFFFF  }
0xc1: {  	_ =	task.clear_ibuf [dreg:s6], $0x2FFFF;
	_ =	strace $0x9FFFFFFF  }
0xc2: {  	(tm) =	ssettm $0x7FFFFFFF  }
0xc3: {  	_ =	shalt  }
tec
execute0_lowered:
.L_overlay_start_1:
0x0: {  	(tag) =	ssettag $0x1  }
0x1: {  	s0 =	srdreg.scid  }
0x2: {  	s11 =	stileid.u32;
	s0 =	sand.u32 $0x1, s0  }
0x3: {  	s2 =	smul.u32 $0x280, s11;
	s3 =	sshll.u32 s0, $0x4  }
0x4: {  	s5 =	smul.u32 $0x2800, s0;
	s3 =	sor.u32 s11, s3  }
0x5: {  	s4 =	rddreg [dreg:$0x0];
	s1 =	simm.s32 $0x0;
	s3 =	smul.u32 $0x2710, s3  }
0x6: {  	[smem:$0x7FF] =	sst s1;
	s7 =	sadd.s32 $0xCC00, s4  }
0x7: {  	s6 =	ssub.s32 $0x2, s0;
	s10 =	sadd.s32 s5, s2;
	s2 =	sshrl.u32 s3, $0x3  }
0x8: {  	s8 =	sadd.s32 $0x2E00, s4;
	s9 =	sshrl.u32 s6, $0x1;
	s3 =	sadd.s32 s7, s2  }
0x9: {  	s19 =	sadd.s32 s8, s2;
	s20 =	sadd.s32 $0xA, s2;
	[dreg:$0x3] =	wrdreg s3  }
0xa: {  	s5 =	ssub.s32 s6, s9;
	[dreg:$0x4] =	wrdreg s19;
	s21 =	sadd.s32 s7, s20  }
0xb: {  	s22 =	sadd.s32 $0x14, s2;
	s3 =	sadd.s32 s8, s20;
	[dreg:$0x5] =	wrdreg s21  }
0xc: {  	s24 =	sadd.s32 $0x1E, s2;
	s23 =	sadd.s32 s7, s22;
	[dreg:$0x6] =	wrdreg s3  }
0xd: {  	s26 =	sadd.s32 $0x28, s2;
	s25 =	sadd.s32 s7, s24;
	[dreg:$0x7] =	wrdreg s23  }
0xe: {  	s9 =	sadd.s32 $0x32, s2;
	s30 =	sadd.s32 s7, s26;
	[dreg:$0x9] =	wrdreg s25  }
0xf: {  	s13 =	sadd.s32 $0x3C, s2;
	s12 =	sadd.s32 s7, s9;
	[dreg:$0xb] =	wrdreg s30  }
0x10: {  	s14 =	smul.u32 $0x2710, s11;
	s15 =	sadd.s32 s7, s13;
	[dreg:$0xd] =	wrdreg s12  }
0x11: {  	s17 =	sadd.s32 $0x46, s2;
	s16 =	sadd.s32 s8, s13;
	[dreg:$0xf] =	wrdreg s15  }
0x12: {  	s0 =	smul.u32 $0x27100, s0;
	s18 =	sadd.s32 s7, s17;
	[dreg:$0x10] =	wrdreg s16  }
0x13: {  	s2 =	sadd.s32 $0x50, s2;
	s3 =	sadd.s32 s8, s22;
	[dreg:$0x11] =	wrdreg s18  }
0x14: {  	s0 =	sadd.s32 s14, s0;
	s21 =	sadd.s32 s7, s2;
	[dreg:$0x8] =	wrdreg s3  }
0x15: {  	s19 =	sadd.s32 $0x460, s0;
	s2 =	sadd.s32 s8, s2;
	[dreg:$0x13] =	wrdreg s21  }
0x16: {  	s20 =	sshrl.u32 s19, $0x3;
	s3 =	sadd.s32 s8, s24;
	[dreg:$0x14] =	wrdreg s2  }
0x17: {  	s23 =	sadd.s32 $0x410, s0;
	s22 =	sadd.s32 s20, s8;
	[dreg:$0xa] =	wrdreg s3  }
0x18: {  	s2 =	sshrl.u32 s23, $0x3;
	s3 =	sadd.s32 s8, s26;
	[dreg:$0x15] =	wrdreg s22  }
0x19: {  	s13 =	sadd.s32 $0x320, s0;
	s25 =	sadd.s32 s2, s8;
	[dreg:$0xc] =	wrdreg s3  }
0x1a: {  	s24 =	sadd.s32 $0x3C0, s0;
	s2 =	sadd.s32 s2, s7;
	[dreg:$0x17] =	wrdreg s25  }
0x1b: {  	s26 =	sadd.s32 $0x370, s0;
	s3 =	sadd.s32 s8, s9;
	[dreg:$0x18] =	wrdreg s2  }
0x1c: {  	s30 =	sshrl.u32 s26, $0x3;
	[dreg:$0xe] =	wrdreg s3;
	s3 =	sadd.s32 s8, s17  }
0x1d: {  	s0 =	sadd.s32 $0x2D0, s0;
	s12 =	sadd.s32 s30, s8;
	[dreg:$0x12] =	wrdreg s3  }
0x1e: {  	s15 =	sshrl.u32 s0, $0x3;
	s2 =	sadd.s32 s30, s7;
	[dreg:$0x1b] =	wrdreg s12  }
0x1f: {  	s0 =	sadd.s32 s15, s8;
	[dreg:$0x1c] =	wrdreg s2  }
0x20: {  	s31 =	simm.s32 $0x7D00;
	[smem:$0x7EC] =	sst s0  }
0x21: {  	s14 =	sshrl.u32 s13, $0x3;
	s3 =	sadd.s32 s20, s7;
	s0 =	rddreg [dreg:$0x1]  }
0x22: {  	s16 =	smul.u32 $0x50000, s11;
	s2 =	sadd.s32 s14, s7;
	[dreg:$0x16] =	wrdreg s3  }
0x23: {  	s3 =	sshrl.u32 s24, $0x3;
	[smem:$0x7EB] =	sst s2;
	s2 =	sadd.s32 s15, s7  }
0x24: {  	s19 =	smax.u32 s5, $0x1;
	s9 =	sadd.s32 s3, s8;
	[smem:$0x7ED] =	sst s2  }
0x25: {  	s17 =	sshll.u32 s10, $0x4;
	s3 =	sadd.s32 s3, s7;
	[dreg:$0x19] =	wrdreg s9  }
0x26: {  	s6 =	sadd.s32 s17, s4;
	[dreg:$0x1a] =	wrdreg s3;
	s3 =	sadd.s32 s14, s8  }
0x27: {  	[dreg:$0x1d] =	wrdreg s3;
	s3 =	sadd.s32 $0x16A00, s4;
	s4 =	sadd.s32 $0x3EA00, s4  }
0x28: {  	s11 =	simm.s32 $0x50;
	_ =	strace $0x80000047;
	[dreg:$0x1e] =	wrdreg s4  }
0x29: {  	s5 =	simm.s32 $0x3;
	s20 =	sadd.s32 $0x3F000, s6;
	[smem:$0x7EE] =	sst s19  }
0x2a: {  	s13 =	simm.s32 $0xA;
	s21 =	sadd.s32 $0x3F500, s6;
	[smem:$0x7EF] =	sst s20  }
0x2b: {  	s18 =	sshrl.u32 s16, $0x2;
	s22 =	sadd.s32 $0x3FA00, s6;
	[smem:$0x7F0] =	sst s21  }
0x2c: {  	s16 =	simm.s32 $0x2800;
	s23 =	sadd.s32 $0x3FF00, s6;
	[smem:$0x7F1] =	sst s22  }
0x2d: {  	s10 =	simm.s32 $0x7;
	s24 =	sadd.s32 $0x40400, s6;
	[smem:$0x7F2] =	sst s23  }
0x2e: {  	s12 =	simm.s32 $0x1;
	s25 =	sadd.s32 $0x40900, s6;
	[smem:$0x7F3] =	sst s24  }
0x2f: {  	s17 =	simm.s32 $0x2;
	s26 =	sadd.s32 $0x40E00, s6;
	[smem:$0x7F4] =	sst s25  }
0x30: {  	s30 =	sadd.s32 $0x41300, s6;
	s15 =	simm.s32 $0x8;
	[smem:$0x7F5] =	sst s26  }
0x31: {  	s6 =	simm.s32 $0x5000;
	s9 =	sadd.s32 s18, s0;
	[smem:$0x7F6] =	sst s30  }
0x32: {  	s7 =	simm.s32 $0xD;
	s14 =	sadd.s32 $0x2800, s9;
	[dreg:$0x1f] =	wrdreg s9  }
0x33: {  	s2 =	simm.s32 $0x0;
	s18 =	sadd.s32 $0x5000, s9;
	[smem:$0x7F7] =	sst s14  }
0x34: {  	s8 =	simm.s32 $0x7C00;
	s29 =	sadd.s32 $0xC800, s9;
	[smem:$0x7F8] =	sst s18  }
.Ltmp0:
0x35: {  	s28 =	sadd.s32 $0x11800, s9;
	[smem:$0x7FB] =	sst s29;
	(pc) =	sbr.rel .LBB2_1-.Ltmp0, $4  }
0x36: {  	s19 =	sadd.s32 $0x7800, s9;
	s20 =	sadd.s32 $0xA000, s9;
	[smem:$0x7FD] =	sst s28  }
0x37: {  	s26 =	sadd.s32 $0xF000, s9;
	s4 =	simm.s32 $0x9;
	[smem:$0x7F9] =	sst s19  }
0x38: {  	s21 =	simm.s32 $0xB;
	s22 =	simm.s32 $0x6;
	[smem:$0x7FA] =	sst s20  }
0x39: {  	s23 =	simm.s32 $0x4;
	s24 =	simm.s32 $0x5;
	[smem:$0x7FC] =	sst s26  }
.LBB2_4:
0x3a: {  	_ =	swait.ge [sflag:s23], $0x2800  }
0x3b: {  	[sflag:s23] =	ssyncset.done $0x0  }
0x3c: {  	[sflag:s23] =	ssyncadd.s32 $0xFFFFD800  }
0x3d: {  	_ =	swait.ge [sflag:s24], $0x2800  }
0x3e: {  	[sflag:s24] =	ssyncset.done $0x0  }
0x3f: {  	[sflag:s24] =	ssyncadd.s32 $0xFFFFD800  }
0x40: {  	[bflag:$0x0] =	sbarrier.arrive $0xFFFF  }
0x41: {  	s9 =	rddreg [dreg:$0x1f]  }
0x42: {  	[tilespmem:s1], [sflag:$0xD] =	stream.linear.gather [spmem:s9], $0x2800, $0x38;
	[tilespmem:$0x1BE00] =	vst v63  }
0x43: {  	_ =	swait.ge [sflag:s7], $0x2800  }
0x44: {  	s25 =	sld [smem:$0x7EF]  }
0x45: {  	[sflag:s7] =	ssyncset.done $0x0  }
0x46: {  	[sflag:s7] =	ssyncadd.s32 $0xFFFFD800  }
0x47: {  	[hbm4b:s25+s1] =	stream.linear.scatter [tilespmem:s1], [sflag:$0xD], $0x2800, $0x38;
	[tilespmem:$0x1BE00] =	vst v63  }
0x48: {  	_ =	swait.ge [sflag:s7], $0x2800  }
0x49: {  	s14 =	sld [smem:$0x7F7]  }
0x4a: {  	[sflag:s7] =	ssyncset.done $0x0  }
0x4b: {  	[sflag:s7] =	ssyncadd.s32 $0xFFFFD800  }
0x4c: {  	[tilespmem:s1], [sflag:$0xD] =	stream.linear.gather [spmem:s14], $0x2800, $0x38;
	[tilespmem:$0x1BE00] =	vst v63  }
0x4d: {  	_ =	swait.ge [sflag:s7], $0x2800  }
0x4e: {  	s18 =	sld [smem:$0x7F0]  }
0x4f: {  	[sflag:s7] =	ssyncset.done $0x0  }
0x50: {  	[sflag:s7] =	ssyncadd.s32 $0xFFFFD800  }
0x51: {  	[hbm4b:s18+s1] =	stream.linear.scatter [tilespmem:s1], [sflag:$0xD], $0x2800, $0x38;
	[tilespmem:$0x1BE00] =	vst v63  }
0x52: {  	_ =	swait.ge [sflag:s7], $0x2800  }
0x53: {  	s18 =	sld [smem:$0x7F8]  }
0x54: {  	[sflag:s7] =	ssyncset.done $0x0  }
0x55: {  	[sflag:s7] =	ssyncadd.s32 $0xFFFFD800  }
0x56: {  	[tilespmem:s1], [sflag:$0xD] =	stream.linear.gather [spmem:s18], $0x2800, $0x38;
	[tilespmem:$0x1BE00] =	vst v63  }
0x57: {  	_ =	swait.ge [sflag:s7], $0x2800  }
0x58: {  	s19 =	sld [smem:$0x7F1]  }
0x59: {  	[sflag:s7] =	ssyncset.done $0x0  }
0x5a: {  	[sflag:s7] =	ssyncadd.s32 $0xFFFFD800  }
0x5b: {  	[hbm4b:s19+s1] =	stream.linear.scatter [tilespmem:s1], [sflag:$0xD], $0x2800, $0x38;
	[tilespmem:$0x1BE00] =	vst v63  }
0x5c: {  	_ =	swait.ge [sflag:s7], $0x2800  }
0x5d: {  	s19 =	sld [smem:$0x7F9]  }
0x5e: {  	[sflag:s7] =	ssyncset.done $0x0  }
0x5f: {  	[sflag:s7] =	ssyncadd.s32 $0xFFFFD800  }
0x60: {  	[tilespmem:s1], [sflag:$0xD] =	stream.linear.gather [spmem:s19], $0x2800, $0x38;
	[tilespmem:$0x1BE00] =	vst v63  }
0x61: {  	_ =	swait.ge [sflag:s7], $0x2800  }
0x62: {  	s20 =	sld [smem:$0x7F2]  }
0x63: {  	[sflag:s7] =	ssyncset.done $0x0  }
0x64: {  	[sflag:s7] =	ssyncadd.s32 $0xFFFFD800  }
0x65: {  	[hbm4b:s20+s1] =	stream.linear.scatter [tilespmem:s1], [sflag:$0xD], $0x2800, $0x38;
	[tilespmem:$0x1BE00] =	vst v63  }
0x66: {  	_ =	swait.ge [sflag:s7], $0x2800  }
0x67: {  	s20 =	sld [smem:$0x7FA]  }
0x68: {  	[sflag:s7] =	ssyncset.done $0x0  }
0x69: {  	[sflag:s7] =	ssyncadd.s32 $0xFFFFD800  }
0x6a: {  	[tilespmem:s1], [sflag:$0xD] =	stream.linear.gather [spmem:s20], $0x2800, $0x38;
	[tilespmem:$0x1BE00] =	vst v63  }
0x6b: {  	_ =	swait.ge [sflag:s7], $0x2800  }
0x6c: {  	s26 =	sld [smem:$0x7F3]  }
0x6d: {  	[sflag:s7] =	ssyncset.done $0x0  }
0x6e: {  	[sflag:s7] =	ssyncadd.s32 $0xFFFFD800  }
0x6f: {  	[hbm4b:s26+s1] =	stream.linear.scatter [tilespmem:s1], [sflag:$0xD], $0x2800, $0x38;
	[tilespmem:$0x1BE00] =	vst v63  }
0x70: {  	_ =	swait.ge [sflag:s7], $0x2800  }
0x71: {  	s29 =	sld [smem:$0x7FB]  }
0x72: {  	[sflag:s7] =	ssyncset.done $0x0  }
0x73: {  	[sflag:s7] =	ssyncadd.s32 $0xFFFFD800  }
0x74: {  	[tilespmem:s1], [sflag:$0xD] =	stream.linear.gather [spmem:s29], $0x2800, $0x38;
	[tilespmem:$0x1BE00] =	vst v63  }
0x75: {  	_ =	swait.ge [sflag:s7], $0x2800  }
0x76: {  	s30 =	sld [smem:$0x7F4]  }
0x77: {  	[sflag:s7] =	ssyncset.done $0x0  }
0x78: {  	[sflag:s7] =	ssyncadd.s32 $0xFFFFD800  }
0x79: {  	[hbm4b:s30+s1] =	stream.linear.scatter [tilespmem:s1], [sflag:$0xD], $0x2800, $0x38;
	[tilespmem:$0x1BE00] =	vst v63  }
0x7a: {  	_ =	swait.ge [sflag:s7], $0x2800  }
0x7b: {  	s26 =	sld [smem:$0x7FC]  }
0x7c: {  	[sflag:s7] =	ssyncset.done $0x0  }
0x7d: {  	[sflag:s7] =	ssyncadd.s32 $0xFFFFD800  }
0x7e: {  	[tilespmem:s1], [sflag:$0xD] =	stream.linear.gather [spmem:s26], $0x2800, $0x38;
	[tilespmem:$0x1BE00] =	vst v63  }
0x7f: {  	_ =	swait.ge [sflag:s7], $0x2800  }
0x80: {  	s2 =	sld [smem:$0x7F5]  }
0x81: {  	[sflag:s7] =	ssyncset.done $0x0  }
0x82: {  	[sflag:s7] =	ssyncadd.s32 $0xFFFFD800  }
0x83: {  	[hbm4b:s2+s1] =	stream.linear.scatter [tilespmem:s1], [sflag:$0xD], $0x2800, $0x38;
	[tilespmem:$0x1BE00] =	vst v63  }
0x84: {  	_ =	swait.ge [sflag:s7], $0x2800  }
0x85: {  	s28 =	sld [smem:$0x7FD]  }
0x86: {  	[sflag:s7] =	ssyncset.done $0x0  }
0x87: {  	[sflag:s7] =	ssyncadd.s32 $0xFFFFD800  }
0x88: {  	[tilespmem:s1], [sflag:$0xD] =	stream.linear.gather [spmem:s28], $0x2800, $0x38;
	[tilespmem:$0x1BE00] =	vst v63  }
0x89: {  	_ =	swait.ge [sflag:s7], $0x2800  }
0x8a: {  	s8 =	sld [smem:$0x7F6]  }
0x8b: {  	[sflag:s7] =	ssyncset.done $0x0  }
0x8c: {  	[sflag:s7] =	ssyncadd.s32 $0xFFFFD800  }
0x8d: {  	[hbm4b:s8+s1] =	stream.linear.scatter [tilespmem:s1], [sflag:$0xD], $0x2800, $0x38;
	[tilespmem:$0x1BE00] =	vst v63  }
0x8e: {  	_ =	swait.ge [sflag:s7], $0x2800  }
0x8f: {  	s2 =	sld [smem:$0x7EA]  }
0x90: {  	s30 =	sld [smem:$0x7EE];
	_ =	sdelay $0x1  }
0x91: {  	s2 =	sadd.s32 $0x1, s2  }
0x92: {  	p0 =	sne.s32 s2, s30  }
.Ltmp1:
0x93: {  	_ = 	snop;
	(pc) =	sbr.rel @!p0 .LBB2_5-.Ltmp1, $3  }
0x94: {  	_ =	sdelay $0x1  }
0x95: {  	[sflag:s7] =	ssyncset.done $0x0  }
0x96: {  	s8 =	simm.s32 $0x7C00;
	[sflag:s7] =	ssyncadd.s32 $0xFFFFD800  }
.LBB2_1:
0x97: {  	[smem:$0x7EA] =	sst s2  }
0x98: {  	s25 =	rddreg [dreg:$0x1e]  }
0x99: {  	[tilespmem:s1], [sflag:$0xD] =	stream.linear.gather [hbm4b:s25+s1], $0x2800, $0x38;
	[tilespmem:$0x1BE00] =	vst v63  }
0x9a: {  	_ =	swait.ge [sflag:s7], $0x2800  }
0x9b: {  	[sflag:s7] =	ssyncset.done $0x0  }
0x9c: {  	[sflag:s7] =	ssyncadd.s32 $0xFFFFD800  }
0x9d: {  	[spmem:s9] =	stream.linear.scatter [tilespmem:s1], [sflag:$0xD], $0x2800, $0x38;
	[tilespmem:$0x1BE00] =	vst v63  }
0x9e: {  	_ =	swait.ge [sflag:s7], $0x2800  }
0x9f: {  	[sflag:s7] =	ssyncset.done $0x0  }
0xa0: {  	[sflag:s7] =	ssyncadd.s32 $0xFFFFD800  }
0xa1: {  	[spmem:s14] =	stream.linear.scatter [tilespmem:s1], [sflag:$0xD], $0x2800, $0x38;
	[tilespmem:$0x1BE00] =	vst v63  }
0xa2: {  	_ =	swait.ge [sflag:s7], $0x2800  }
0xa3: {  	[sflag:s7] =	ssyncset.done $0x0  }
0xa4: {  	[sflag:s7] =	ssyncadd.s32 $0xFFFFD800  }
0xa5: {  	[spmem:s18] =	stream.linear.scatter [tilespmem:s1], [sflag:$0xD], $0x2800, $0x38;
	[tilespmem:$0x1BE00] =	vst v63  }
0xa6: {  	_ =	swait.ge [sflag:s7], $0x2800  }
0xa7: {  	[sflag:s7] =	ssyncset.done $0x0  }
0xa8: {  	[sflag:s7] =	ssyncadd.s32 $0xFFFFD800  }
0xa9: {  	[spmem:s19] =	stream.linear.scatter [tilespmem:s1], [sflag:$0xD], $0x2800, $0x38;
	[tilespmem:$0x1BE00] =	vst v63  }
0xaa: {  	_ =	swait.ge [sflag:s7], $0x2800  }
0xab: {  	[sflag:s7] =	ssyncset.done $0x0  }
0xac: {  	[sflag:s7] =	ssyncadd.s32 $0xFFFFD800  }
0xad: {  	[spmem:s20] =	stream.linear.scatter [tilespmem:s1], [sflag:$0xD], $0x2800, $0x38;
	[tilespmem:$0x1BE00] =	vst v63  }
0xae: {  	_ =	swait.ge [sflag:s7], $0x2800  }
0xaf: {  	[sflag:s7] =	ssyncset.done $0x0  }
0xb0: {  	[sflag:s7] =	ssyncadd.s32 $0xFFFFD800  }
0xb1: {  	[spmem:s29] =	stream.linear.scatter [tilespmem:s1], [sflag:$0xD], $0x2800, $0x38;
	[tilespmem:$0x1BE00] =	vst v63  }
0xb2: {  	_ =	swait.ge [sflag:s7], $0x2800  }
0xb3: {  	[sflag:s7] =	ssyncset.done $0x0  }
0xb4: {  	[sflag:s7] =	ssyncadd.s32 $0xFFFFD800  }
0xb5: {  	[spmem:s26] =	stream.linear.scatter [tilespmem:s1], [sflag:$0xD], $0x2800, $0x38;
	[tilespmem:$0x1BE00] =	vst v63  }
0xb6: {  	_ =	swait.ge [sflag:s7], $0x2800  }
0xb7: {  	[sflag:s7] =	ssyncset.done $0x0  }
0xb8: {  	[sflag:s7] =	ssyncadd.s32 $0xFFFFD800  }
0xb9: {  	[spmem:s28] =	stream.linear.scatter [tilespmem:s1], [sflag:$0xD], $0x2800, $0x38;
	[tilespmem:$0x1BE00] =	vst v63  }
0xba: {  	_ =	swait.ge [sflag:s7], $0x2800  }
0xbb: {  	[sflag:s7] =	ssyncset.done $0x0  }
0xbc: {  	[sflag:s7] =	ssyncadd.s32 $0xFFFFD800  }
0xbd: {  	[bflag:$0x0] =	sbarrier.arrive $0xFFFF  }
0xbe: {  	s26 =	simm.s32 $0x7800;
	s29 =	rddreg [dreg:$0x3]  }
0xbf: {  	[tilespmem:s26], [sflag:$0x7] =	stream.linear.gather [hbm4b:s29+s1], $0x50, $0x38;
	[tilespmem:$0x1BE00] =	vst v63  }
0xc0: {  	s28 =	simm.s32 $0x7B00;
	s2 =	rddreg [dreg:$0x4]  }
0xc1: {  	[tilespmem:s28], [sflag:$0x7] =	stream.linear.gather [hbm4b:s2+s1], $0x50, $0x38;
	[tilespmem:$0x1BE00] =	vst v63  }
0xc2: {  	_ =	swait.ge [sflag:s10], $0x50  }
0xc3: {  	[sflag:s10] =	ssyncset.done $0x0  }
0xc4: {  	[sflag:s10] =	ssyncadd.s32 $0xFFFFFFB0  }
0xc5: {  	_ =	swait.ge [sflag:s10], $0x50  }
0xc6: {  	[sflag:s10] =	ssyncset.done $0x0  }
0xc7: {  	[sflag:s10] =	ssyncadd.s32 $0xFFFFFFB0  }
0xc8: {  	[tilespmem:s1], [sflag:$0x1] =	stream.indirect.gather [hbm4b:s3+s11], $0x80, s26, s11, $0xb8;
	[tilespmem:$0x1BE00] =	vst v63  }
0xc9: {  	_ =	swait.ge [sflag:s12], $0x2800  }
0xca: {  	[sflag:s12] =	ssyncset.done $0x0  }
0xcb: {  	[sflag:s12] =	ssyncadd.s32 $0xFFFFD800  }
0xcc: {  	[spmem:s0] =	stream.indirect.scatter.add.f32 [tilespmem:s1], [sflag:$0xD], $0x80, s28, s11, $0xb8;
	[tilespmem:$0x1BE00] =	vst v63  }
0xcd: {  	_ =	swait.ge [sflag:s7], $0x2800  }
0xce: {  	[sflag:s7] =	ssyncset.done $0x0  }
0xcf: {  	s29 =	simm.s32 $0x7880;
	s9 =	rddreg [dreg:$0x5];
	[sflag:s7] =	ssyncadd.s32 $0xFFFFD800  }
0xd0: {  	[tilespmem:s29], [sflag:$0x8] =	stream.linear.gather [hbm4b:s9+s1], $0x50, $0x38;
	[tilespmem:$0x1BE00] =	vst v63  }
0xd1: {  	s30 =	simm.s32 $0x7B80;
	s14 =	rddreg [dreg:$0x6]  }
0xd2: {  	[tilespmem:s30], [sflag:$0x8] =	stream.linear.gather [hbm4b:s14+s1], $0x50, $0x38;
	[tilespmem:$0x1BE00] =	vst v63  }
0xd3: {  	_ =	swait.ge [sflag:s15], $0x50  }
0xd4: {  	[sflag:s15] =	ssyncset.done $0x0  }
0xd5: {  	[sflag:s15] =	ssyncadd.s32 $0xFFFFFFB0  }
0xd6: {  	_ =	swait.ge [sflag:s15], $0x50  }
0xd7: {  	[sflag:s15] =	ssyncset.done $0x0  }
0xd8: {  	[sflag:s15] =	ssyncadd.s32 $0xFFFFFFB0  }
0xd9: {  	[tilespmem:s16], [sflag:$0x2] =	stream.indirect.gather [hbm4b:s3+s11], $0x80, s29, s11, $0xb8;
	[tilespmem:$0x1BE00] =	vst v63  }
0xda: {  	_ =	swait.ge [sflag:s17], $0x2800  }
0xdb: {  	[sflag:s17] =	ssyncset.done $0x0  }
0xdc: {  	[sflag:s17] =	ssyncadd.s32 $0xFFFFD800  }
0xdd: {  	[spmem:s0] =	stream.indirect.scatter.add.f32 [tilespmem:s16], [sflag:$0xD], $0x80, s30, s11, $0xb8;
	[tilespmem:$0x1BE00] =	vst v63  }
0xde: {  	_ =	swait.ge [sflag:s7], $0x2800  }
0xdf: {  	[sflag:s7] =	ssyncset.done $0x0  }
0xe0: {  	s19 =	simm.s32 $0x7900;
	s18 =	rddreg [dreg:$0x7];
	[sflag:s7] =	ssyncadd.s32 $0xFFFFD800  }
0xe1: {  	[tilespmem:s19], [sflag:$0x9] =	stream.linear.gather [hbm4b:s18+s1], $0x50, $0x38;
	[tilespmem:$0x1BE00] =	vst v63  }
0xe2: {  	s20 =	rddreg [dreg:$0x8]  }
0xe3: {  	[tilespmem:s8], [sflag:$0x9] =	stream.linear.gather [hbm4b:s20+s1], $0x50, $0x38;
	[tilespmem:$0x1BE00] =	vst v63  }
0xe4: {  	_ =	swait.ge [sflag:s4], $0x50  }
0xe5: {  	[sflag:s4] =	ssyncset.done $0x0  }
0xe6: {  	[sflag:s4] =	ssyncadd.s32 $0xFFFFFFB0  }
0xe7: {  	_ =	swait.ge [sflag:s4], $0x50  }
0xe8: {  	[sflag:s4] =	ssyncset.done $0x0  }
0xe9: {  	[sflag:s4] =	ssyncadd.s32 $0xFFFFFFB0  }
0xea: {  	[tilespmem:s6], [sflag:$0x3] =	stream.indirect.gather [hbm4b:s3+s11], $0x80, s19, s11, $0xb8;
	[tilespmem:$0x1BE00] =	vst v63  }
0xeb: {  	_ =	swait.ge [sflag:s5], $0x2800  }
0xec: {  	[sflag:s5] =	ssyncset.done $0x0  }
0xed: {  	[sflag:s5] =	ssyncadd.s32 $0xFFFFD800  }
0xee: {  	[spmem:s0] =	stream.indirect.scatter.add.f32 [tilespmem:s6], [sflag:$0xD], $0x80, s8, s11, $0xb8;
	[tilespmem:$0x1BE00] =	vst v63  }
0xef: {  	_ =	swait.ge [sflag:s7], $0x2800  }
0xf0: {  	[sflag:s7] =	ssyncset.done $0x0  }
0xf1: {  	s9 =	simm.s32 $0x7980;
	s8 =	rddreg [dreg:$0x9];
	[sflag:s7] =	ssyncadd.s32 $0xFFFFD800  }
0xf2: {  	[tilespmem:s9], [sflag:$0xA] =	stream.linear.gather [hbm4b:s8+s1], $0x50, $0x38;
	[tilespmem:$0x1BE00] =	vst v63  }
0xf3: {  	s18 =	simm.s32 $0x7C80;
	s14 =	rddreg [dreg:$0xa]  }
0xf4: {  	[tilespmem:s18], [sflag:$0xA] =	stream.linear.gather [hbm4b:s14+s1], $0x50, $0x38;
	[tilespmem:$0x1BE00] =	vst v63  }
0xf5: {  	_ =	swait.ge [sflag:s13], $0x50  }
0xf6: {  	[sflag:s13] =	ssyncset.done $0x0  }
0xf7: {  	[sflag:s13] =	ssyncadd.s32 $0xFFFFFFB0  }
0xf8: {  	_ =	swait.ge [sflag:s13], $0x50  }
0xf9: {  	[sflag:s13] =	ssyncset.done $0x0  }
0xfa: {  	[sflag:s13] =	ssyncadd.s32 $0xFFFFFFB0  }
0xfb: {  	[tilespmem:s1], [sflag:$0x1] =	stream.indirect.gather [hbm4b:s3+s11], $0x80, s9, s11, $0xb8;
	[tilespmem:$0x1BE00] =	vst v63  }
0xfc: {  	_ =	swait.ge [sflag:s12], $0x2800  }
0xfd: {  	[sflag:s12] =	ssyncset.done $0x0  }
0xfe: {  	[sflag:s12] =	ssyncadd.s32 $0xFFFFD800  }
0xff: {  	[spmem:s0] =	stream.indirect.scatter.add.f32 [tilespmem:s1], [sflag:$0xD], $0x80, s18, s11, $0xb8;
	[tilespmem:$0x1BE00] =	vst v63  }
0x100: {  	_ =	swait.ge [sflag:s7], $0x2800  }
0x101: {  	[sflag:s7] =	ssyncset.done $0x0  }
0x102: {  	s20 =	simm.s32 $0x7A00;
	s19 =	rddreg [dreg:$0xb];
	[sflag:s7] =	ssyncadd.s32 $0xFFFFD800  }
0x103: {  	[tilespmem:s20], [sflag:$0xB] =	stream.linear.gather [hbm4b:s19+s1], $0x50, $0x38;
	[tilespmem:$0x1BE00] =	vst v63  }
0x104: {  	s9 =	simm.s32 $0x7D00;
	s8 =	rddreg [dreg:$0xc]  }
0x105: {  	[tilespmem:s9], [sflag:$0xB] =	stream.linear.gather [hbm4b:s8+s1], $0x50, $0x38;
	[tilespmem:$0x1BE00] =	vst v63  }
0x106: {  	_ =	swait.ge [sflag:s21], $0x50  }
0x107: {  	[sflag:s21] =	ssyncset.done $0x0  }
0x108: {  	[sflag:s21] =	ssyncadd.s32 $0xFFFFFFB0  }
0x109: {  	_ =	swait.ge [sflag:s21], $0x50  }
0x10a: {  	[sflag:s21] =	ssyncset.done $0x0  }
0x10b: {  	[sflag:s21] =	ssyncadd.s32 $0xFFFFFFB0  }
0x10c: {  	[tilespmem:s16], [sflag:$0x2] =	stream.indirect.gather [hbm4b:s3+s11], $0x80, s20, s11, $0xb8;
	[tilespmem:$0x1BE00] =	vst v63  }
0x10d: {  	_ =	swait.ge [sflag:s17], $0x2800  }
0x10e: {  	[sflag:s17] =	ssyncset.done $0x0  }
0x10f: {  	[sflag:s17] =	ssyncadd.s32 $0xFFFFD800  }
0x110: {  	[spmem:s0] =	stream.indirect.scatter.add.f32 [tilespmem:s16], [sflag:$0xD], $0x80, s9, s11, $0xb8;
	[tilespmem:$0x1BE00] =	vst v63  }
0x111: {  	_ =	swait.ge [sflag:s7], $0x2800  }
0x112: {  	[sflag:s7] =	ssyncset.done $0x0  }
0x113: {  	s9 =	simm.s32 $0x7A80;
	s14 =	rddreg [dreg:$0xd];
	[sflag:s7] =	ssyncadd.s32 $0xFFFFD800  }
0x114: {  	[tilespmem:s9], [sflag:$0xC] =	stream.linear.gather [hbm4b:s14+s1], $0x50, $0x38;
	[tilespmem:$0x1BE00] =	vst v63  }
0x115: {  	s19 =	simm.s32 $0x7D80;
	s18 =	rddreg [dreg:$0xe]  }
0x116: {  	[tilespmem:s19], [sflag:$0xC] =	stream.linear.gather [hbm4b:s18+s1], $0x50, $0x38;
	[tilespmem:$0x1BE00] =	vst v63  }
0x117: {  	s20 =	rddreg [dreg:$0xf]  }
0x118: {  	[tilespmem:s26], [sflag:$0x7] =	stream.linear.gather [hbm4b:s20+s1], $0x50, $0x38;
	[tilespmem:$0x1BE00] =	vst v63  }
0x119: {  	s2 =	rddreg [dreg:$0x10]  }
0x11a: {  	[tilespmem:s28], [sflag:$0x7] =	stream.linear.gather [hbm4b:s2+s1], $0x50, $0x38;
	[tilespmem:$0x1BE00] =	vst v63  }
0x11b: {  	s8 =	rddreg [dreg:$0x11]  }
0x11c: {  	[tilespmem:s29], [sflag:$0x8] =	stream.linear.gather [hbm4b:s8+s1], $0x50, $0x38;
	[tilespmem:$0x1BE00] =	vst v63  }
0x11d: {  	s14 =	rddreg [dreg:$0x12]  }
0x11e: {  	[tilespmem:s30], [sflag:$0x8] =	stream.linear.gather [hbm4b:s14+s1], $0x50, $0x38;
	[tilespmem:$0x1BE00] =	vst v63  }
0x11f: {  	s19 =	simm.s32 $0x7900;
	s20 =	rddreg [dreg:$0x13]  }
0x120: {  	[tilespmem:s19], [sflag:$0x9] =	stream.linear.gather [hbm4b:s20+s1], $0x50, $0x38;
	[tilespmem:$0x1BE00] =	vst v63  }
0x121: {  	s28 =	rddreg [dreg:$0x14];
	s8 =	simm.s32 $0x7C00;
	s29 =	simm.s32 $0xC  }
0x122: {  	[tilespmem:s8], [sflag:$0x9] =	stream.linear.gather [hbm4b:s28+s1], $0x50, $0x38;
	[tilespmem:$0x1BE00] =	vst v63  }
0x123: {  	_ =	swait.ge [sflag:s29], $0x50  }
0x124: {  	[sflag:s29] =	ssyncset.done $0x0  }
0x125: {  	[sflag:s29] =	ssyncadd.s32 $0xFFFFFFB0  }
0x126: {  	_ =	swait.ge [sflag:s29], $0x50  }
0x127: {  	[sflag:s29] =	ssyncset.done $0x0  }
0x128: {  	[sflag:s29] =	ssyncadd.s32 $0xFFFFFFB0  }
0x129: {  	[tilespmem:s6], [sflag:$0x3] =	stream.indirect.gather [hbm4b:s3+s11], $0x80, s9, s11, $0xb8;
	[tilespmem:$0x1BE00] =	vst v63  }
0x12a: {  	_ =	swait.ge [sflag:s10], $0x50  }
0x12b: {  	[sflag:s10] =	ssyncset.done $0x0  }
0x12c: {  	[sflag:s10] =	ssyncadd.s32 $0xFFFFFFB0  }
0x12d: {  	_ =	swait.ge [sflag:s10], $0x50  }
0x12e: {  	s25 =	simm.s32 $0x0;
	s18 =	simm.s32 $0x7B80;
	[sflag:s10] =	ssyncset.done $0x0  }
0x12f: {  	s2 =	simm.s32 $0x7880;
	s30 =	simm.s32 $0x7800;
	[sflag:s10] =	ssyncadd.s32 $0xFFFFFFB0  }
0x130: {  	[tilespmem:s1], [sflag:$0x1] =	stream.indirect.gather [hbm4b:s3+s11], $0x80, s26, s11, $0xb8;
	[tilespmem:$0x1BE00] =	vst v63  }
.LBB2_2:
0x131: {  	_ =	swait.ge [sflag:s5], $0x2800  }
0x132: {  	[sflag:s5] =	ssyncset.done $0x0;
	s26 =	sld [smem:$0x7ED]  }
0x133: {  	s9 =	simm.s32 $0x7D80;
	s20 =	sld [smem:$0x7EC];
	[sflag:s5] =	ssyncadd.s32 $0xFFFFD800  }
0x134: {  	[spmem:s0] =	stream.indirect.scatter.add.f32 [tilespmem:s6], [sflag:$0x6], $0x80, s9, s11, $0xb8;
	[tilespmem:$0x1BE00] =	vst v63  }
0x135: {  	s9 =	simm.s32 $0x7980;
	s26 =	sadd.s32 s25, s26  }
0x136: {  	[tilespmem:s9], [sflag:$0xA] =	stream.linear.gather [hbm4b:s26+s1], $0x50, $0x38;
	[tilespmem:$0x1BE00] =	vst v63  }
0x137: {  	s14 =	simm.s32 $0x7C80;
	p0 =	seq.s32 s25, $0x0;
	s26 =	sadd.s32 s25, s20  }
0x138: {  	[tilespmem:s14], [sflag:$0xA] =	stream.linear.gather [hbm4b:s26+s1], $0x50, $0x38;
	[tilespmem:$0x1BE00] =	vst v63  }
0x139: {  	s26 =	simm.s32 @!p0 $0x5  }
0x13a: {  	_ =	swait.ge @!p0 [sflag:s26], $0x2800  }
0x13b: {  	[sflag:s26] =	ssyncset.done @!p0 $0x0  }
0x13c: {  	[sflag:s26] =	ssyncadd.s32 @!p0 $0xFFFFD800  }
0x13d: {  	_ =	swait.ge [sflag:s15], $0x50  }
0x13e: {  	[sflag:s15] =	ssyncset.done $0x0  }
0x13f: {  	[sflag:s15] =	ssyncadd.s32 $0xFFFFFFB0  }
0x140: {  	_ =	swait.ge [sflag:s15], $0x50  }
0x141: {  	[sflag:s15] =	ssyncset.done $0x0  }
0x142: {  	[sflag:s15] =	ssyncadd.s32 $0xFFFFFFB0  }
0x143: {  	[tilespmem:s16], [sflag:$0x2] =	stream.indirect.gather [hbm4b:s3+s11], $0x80, s2, s11, $0xb8;
	[tilespmem:$0x1BE00] =	vst v63  }
0x144: {  	_ =	swait.ge [sflag:s12], $0x2800  }
0x145: {  	[sflag:s12] =	ssyncset.done $0x0;
	s28 =	sld [smem:$0x7EB]  }
0x146: {  	s20 =	simm.s32 $0x7B00;
	[sflag:s12] =	ssyncadd.s32 $0xFFFFD800  }
0x147: {  	[spmem:s0] =	stream.indirect.scatter.add.f32 [tilespmem:s1], [sflag:$0x4], $0x80, s20, s11, $0xb8;
	[tilespmem:$0x1BE00] =	vst v63  }
0x148: {  	s29 =	rddreg [dreg:$0x1d];
	s20 =	simm.s32 $0x7A00;
	s26 =	sadd.s32 s25, s28  }
0x149: {  	[tilespmem:s20], [sflag:$0xB] =	stream.linear.gather [hbm4b:s26+s1], $0x50, $0x38;
	[tilespmem:$0x1BE00] =	vst v63  }
0x14a: {  	s26 =	sadd.s32 s25, s29  }
0x14b: {  	[tilespmem:s31], [sflag:$0xB] =	stream.linear.gather [hbm4b:s26+s1], $0x50, $0x38;
	[tilespmem:$0x1BE00] =	vst v63  }
0x14c: {  	_ =	swait.ge [sflag:s22], $0x2800  }
0x14d: {  	[sflag:s22] =	ssyncset.done $0x0  }
0x14e: {  	[sflag:s22] =	ssyncadd.s32 $0xFFFFD800  }
0x14f: {  	_ =	swait.ge [sflag:s4], $0x50  }
0x150: {  	[sflag:s4] =	ssyncset.done $0x0  }
0x151: {  	[sflag:s4] =	ssyncadd.s32 $0xFFFFFFB0  }
0x152: {  	_ =	swait.ge [sflag:s4], $0x50  }
0x153: {  	[sflag:s4] =	ssyncset.done $0x0  }
0x154: {  	[sflag:s4] =	ssyncadd.s32 $0xFFFFFFB0  }
0x155: {  	[tilespmem:s6], [sflag:$0x3] =	stream.indirect.gather [hbm4b:s3+s11], $0x80, s19, s11, $0xb8;
	[tilespmem:$0x1BE00] =	vst v63  }
0x156: {  	_ =	swait.ge [sflag:s17], $0x2800  }
0x157: {  	[sflag:s17] =	ssyncset.done $0x0  }
0x158: {  	p0 =	seq.s32 s25, $0x474;
	s26 =	rddreg [dreg:$0x1c];
	[sflag:s17] =	ssyncadd.s32 $0xFFFFD800  }
0x159: {  	[spmem:s0] =	stream.indirect.scatter.add.f32 [tilespmem:s16], [sflag:$0x5], $0x80, s18, s11, $0xb8;
	[tilespmem:$0x1BE00] =	vst v63  }
0x15a: {  	s28 =	simm.s32 @!p0 $0x0;
	s29 =	simm.s32 @!p0 $0x7A80;
	s26 =	sadd.s32 @!p0 s25, s26  }
0x15b: {  	[tilespmem:s29], [sflag:$0xC] =	stream.linear.gather @!p0 [hbm4b:s26+s28], $0x50, $0x38;
	[tilespmem:$0x1BE00] =	vst v63  }
0x15c: {  	s26 =	rddreg [dreg:$0x1b]  }
0x15d: {  	s29 =	simm.s32 @!p0 $0x7D80;
	s26 =	sadd.s32 @!p0 s25, s26  }
0x15e: {  	[tilespmem:s29], [sflag:$0xC] =	stream.linear.gather @!p0 [hbm4b:s26+s28], $0x50, $0x38;
	[tilespmem:$0x1BE00] =	vst v63  }
0x15f: {  	_ =	swait.ge [sflag:s23], $0x2800  }
0x160: {  	[sflag:s23] =	ssyncset.done $0x0  }
0x161: {  	[sflag:s23] =	ssyncadd.s32 $0xFFFFD800  }
0x162: {  	_ =	swait.ge [sflag:s13], $0x50  }
0x163: {  	[sflag:s13] =	ssyncset.done $0x0  }
0x164: {  	[sflag:s13] =	ssyncadd.s32 $0xFFFFFFB0  }
0x165: {  	_ =	swait.ge [sflag:s13], $0x50  }
0x166: {  	[sflag:s13] =	ssyncset.done $0x0  }
0x167: {  	[sflag:s13] =	ssyncadd.s32 $0xFFFFFFB0  }
0x168: {  	[tilespmem:s1], [sflag:$0x1] =	stream.indirect.gather [hbm4b:s3+s11], $0x80, s9, s11, $0xb8;
	[tilespmem:$0x1BE00] =	vst v63  }
0x169: {  	_ =	swait.ge [sflag:s5], $0x2800  }
0x16a: {  	[sflag:s5] =	ssyncset.done $0x0  }
0x16b: {  	s26 =	rddreg [dreg:$0x1a];
	[sflag:s5] =	ssyncadd.s32 $0xFFFFD800  }
0x16c: {  	[spmem:s0] =	stream.indirect.scatter.add.f32 [tilespmem:s6], [sflag:$0x6], $0x80, s8, s11, $0xb8;
	[tilespmem:$0x1BE00] =	vst v63  }
0x16d: {  	s29 =	simm.s32 @!p0 $0x7800;
	s26 =	sadd.s32 @!p0 s25, s26  }
0x16e: {  	[tilespmem:s29], [sflag:$0x7] =	stream.linear.gather @!p0 [hbm4b:s26+s28], $0x50, $0x38;
	[tilespmem:$0x1BE00] =	vst v63  }
0x16f: {  	s26 =	rddreg [dreg:$0x19]  }
0x170: {  	s29 =	simm.s32 @!p0 $0x7B00;
	s26 =	sadd.s32 @!p0 s25, s26  }
0x171: {  	[tilespmem:s29], [sflag:$0x7] =	stream.linear.gather @!p0 [hbm4b:s26+s28], $0x50, $0x38;
	[tilespmem:$0x1BE00] =	vst v63  }
0x172: {  	_ =	swait.ge [sflag:s24], $0x2800  }
0x173: {  	[sflag:s24] =	ssyncset.done $0x0  }
0x174: {  	[sflag:s24] =	ssyncadd.s32 $0xFFFFD800  }
0x175: {  	_ =	swait.ge [sflag:s21], $0x50  }
0x176: {  	[sflag:s21] =	ssyncset.done $0x0  }
0x177: {  	[sflag:s21] =	ssyncadd.s32 $0xFFFFFFB0  }
0x178: {  	_ =	swait.ge [sflag:s21], $0x50  }
0x179: {  	[sflag:s21] =	ssyncset.done $0x0  }
0x17a: {  	[sflag:s21] =	ssyncadd.s32 $0xFFFFFFB0  }
0x17b: {  	[tilespmem:s16], [sflag:$0x2] =	stream.indirect.gather [hbm4b:s3+s11], $0x80, s20, s11, $0xb8;
	[tilespmem:$0x1BE00] =	vst v63  }
0x17c: {  	_ =	swait.ge [sflag:s12], $0x2800  }
0x17d: {  	[sflag:s12] =	ssyncset.done $0x0  }
0x17e: {  	p1 =	sne.s32 s25, $0x474;
	s26 =	rddreg [dreg:$0x18];
	[sflag:s12] =	ssyncadd.s32 $0xFFFFD800  }
0x17f: {  	[spmem:s0] =	stream.indirect.scatter.add.f32 [tilespmem:s1], [sflag:$0x4], $0x80, s14, s11, $0xb8;
	[tilespmem:$0x1BE00] =	vst v63  }
0x180: {  	s28 =	simm.s32 @p1 $0x0;
	s29 =	simm.s32 @p1 $0x7880;
	s26 =	sadd.s32 @p1 s25, s26  }
0x181: {  	[tilespmem:s29], [sflag:$0x8] =	stream.linear.gather @p1 [hbm4b:s26+s28], $0x50, $0x38;
	[tilespmem:$0x1BE00] =	vst v63  }
0x182: {  	s26 =	rddreg [dreg:$0x17]  }
0x183: {  	s29 =	simm.s32 @p1 $0x7B80;
	s26 =	sadd.s32 @p1 s25, s26  }
0x184: {  	[tilespmem:s29], [sflag:$0x8] =	stream.linear.gather @p1 [hbm4b:s26+s28], $0x50, $0x38;
	[tilespmem:$0x1BE00] =	vst v63  }
0x185: {  	s26 =	simm.s32 @p1 $0x6  }
0x186: {  	_ =	swait.ge @p1 [sflag:s26], $0x2800  }
0x187: {  	[sflag:s26] =	ssyncset.done @p1 $0x0  }
0x188: {  	[sflag:s26] =	ssyncadd.s32 @p1 $0xFFFFD800;
	s26 =	simm.s32 @p1 $0xC  }
0x189: {  	_ =	swait.ge @p1 [sflag:s26], $0x50  }
0x18a: {  	[sflag:s26] =	ssyncset.done @p1 $0x0  }
0x18b: {  	[sflag:s26] =	ssyncadd.s32 @p1 $0xFFFFFFB0  }
0x18c: {  	_ =	swait.ge @p1 [sflag:s26], $0x50  }
0x18d: {  	s28 =	simm.s32 @p1 $0x7A80;
	[sflag:s26] =	ssyncset.done @p1 $0x0  }
0x18e: {  	s29 =	simm.s32 @p1 $0x5000;
	[sflag:s26] =	ssyncadd.s32 @p1 $0xFFFFFFB0;
	s26 =	simm.s32 @p1 $0x50  }
0x18f: {  	[tilespmem:s29], [sflag:$0x3] =	stream.indirect.gather @p1 [hbm4b:s3+s26], $0x80, s28, s26, $0xb8;
	[tilespmem:$0x1BE00] =	vst v63  }
0x190: {  	s26 =	simm.s32 @!p1 $0x6  }
0x191: {  	_ =	swait.ge @!p1 [sflag:s26], $0x2800  }
0x192: {  	[sflag:s26] =	ssyncset.done @!p1 $0x0  }
.Ltmp2:
0x193: {  	[sflag:s26] =	ssyncadd.s32 @!p1 $0xFFFFD800;
	(pc) =	sbr.rel @p0 .LBB2_4-.Ltmp2, $4  }
0x194: {  	_ =	swait.ge [sflag:s17], $0x2800  }
0x195: {  	[sflag:s17] =	ssyncset.done $0x0  }
0x196: {  	s19 =	simm.s32 $0x7900;
	[sflag:s17] =	ssyncadd.s32 $0xFFFFD800  }
0x197: {  	[spmem:s0] =	stream.indirect.scatter.add.f32 [tilespmem:s16], [sflag:$0x5], $0x80, s31, s11, $0xb8;
	[tilespmem:$0x1BE00] =	vst v63  }
0x198: {  	s26 =	rddreg [dreg:$0x16]  }
0x199: {  	s29 =	rddreg [dreg:$0x15];
	s26 =	sadd.s32 s25, s26  }
0x19a: {  	[tilespmem:s19], [sflag:$0x9] =	stream.linear.gather [hbm4b:s26+s1], $0x50, $0x38;
	[tilespmem:$0x1BE00] =	vst v63  }
0x19b: {  	s26 =	sadd.s32 s25, s29  }
0x19c: {  	[tilespmem:s8], [sflag:$0x9] =	stream.linear.gather [hbm4b:s26+s1], $0x50, $0x38;
	[tilespmem:$0x1BE00] =	vst v63  }
0x19d: {  	_ =	swait.ge [sflag:s23], $0x2800  }
0x19e: {  	[sflag:s23] =	ssyncset.done $0x0  }
0x19f: {  	[sflag:s23] =	ssyncadd.s32 $0xFFFFD800  }
0x1a0: {  	_ =	swait.ge [sflag:s10], $0x50  }
0x1a1: {  	[sflag:s10] =	ssyncset.done $0x0  }
.Ltmp3:
0x1a2: {  	[sflag:s10] =	ssyncadd.s32 $0xFFFFFFB0;
	(pc) =	sbr.rel .LBB2_2-.Ltmp3, $4  }
0x1a3: {  	_ =	swait.ge [sflag:s10], $0x50  }
0x1a4: {  	[sflag:s10] =	ssyncset.done $0x0  }
0x1a5: {  	s25 =	sadd.s32 $0x3C, s25;
	s19 =	simm.s32 $0x7900;
	[sflag:s10] =	ssyncadd.s32 $0xFFFFFFB0  }
0x1a6: {  	[tilespmem:s1], [sflag:$0x1] =	stream.indirect.gather [hbm4b:s3+s11], $0x80, s30, s11, $0xb8;
	[tilespmem:$0x1BE00] =	vst v63  }
.LBB2_5:
0x1a7: {  	_ =	sfence.sel $0x180000  }
0x1a8: {  	[bflag:$0x0] =	sbarrier.arrive $0xFFFF  }
0x1a9: {  	_ =	strace $0x90000047  }
0x1aa: {  	s0 =	stileid.u32;
	[bflag:$0x2] =	sbarrier.arrive $0xFFFF  }
0x1ab: {  	p0 =	sne.s32 s0, $0x0;
	s0 =	rddreg [dreg:$0x2]  }
0x1ac: {  	s0 =	sadd.s32 @!p0 $0x100000, s0  }
0x1ad: {  	[sflag:s0] =	ssyncadd.tile.s32 @!p0 $0x1;
	_ =	shalt  }
.Lfunc_end2:
_tile_overlayer_lowered:
.L_overlay_start_2:
0x1ae: {  	(tag) =	ssettag $0x2  }
0x1af: {  	s0 =	rddreg [dreg:$0x0];
	s2 =	stileid.u32  }
0x1b0: {  	s1 =	rddreg [dreg:$0x1];
	p0 =	sne.s32 s2, $0x0  }
0x1b1: {  	s3 =	rddreg [dreg:$0x2];
	[bflag:$0x3] =	sbarrier.arrive $0xFFFF;
	s2 =	simm.s32 @!p0 $0x1C0D  }
0x1b2: {  	[timem:s3], [sflag:s2] =	dma.local @!p0 [hbm:s0], s1  }
0x1b3: {  	s0 =	simm.s32 @!p0 $0xD  }
0x1b4: {  	_ =	swait.ge @!p0 [sflag:s0], s1  }
0x1b5: {  	s1 =	ssub.s32 @!p0 $0x0, s1;
	[sflag:s0] =	ssyncset.done @!p0 $0x0  }
0x1b6: {  	[sflag:s0] =	ssyncadd.s32 @!p0 s1  }
0x1b7: {  	[bflag:$0x3] =	sbarrier.arrive $0xFFFF  }
0x1b8: {  	_ =	shalt  }

// kernel: kernel.17.cloned.1.call-start
scs
__scs_entry_jumppad:
0x0: {  	(pc) =	sbr.rel $0x88, $3  }
0x1: {  	(tag) =	ssettag $0x0;
	lr =	simm.s32 $0x1  }
0x2: {  	[smem:$0x3F98] =	sst lr;
	_ =	strace $0xD0000000  }
0x3: {  	_ = 	snop  }
0x4: {  	_ = 	snop  }
0x5: {  	_ = 	snop  }
0x6: {  	_ = 	snop  }
0x7: {  	_ = 	snop  }
__scs_overlays_trampoline_lowered:
0x8: {  	[smem:$0x3FA7] =	sst s0  }
0x9: {  	[smem:$0x3FA8] =	sst s1  }
0xa: {  	[smem:$0x3FA9] =	sst s2  }
0xb: {  	[smem:$0x3FAA] =	sst s3  }
0xc: {  	[smem:$0x3FAB] =	sst s4  }
0xd: {  	[smem:$0x3FAC] =	sst s5  }
0xe: {  	[smem:$0x3FAD] =	sst s6  }
0xf: {  	[smem:$0x3FAE] =	sst s7  }
0x10: {  	[smem:$0x3FAF] =	sst s8  }
0x11: {  	[smem:$0x3FB0] =	sst s9;
	s0 =	simm.s32 @!p0 $0x0  }
0x12: {  	s1 =	sld [smem:$0x3F96];
	s0 =	simm.s32 @p0 $0x1  }
0x13: {  	[smem:$0x3FB1] =	sst s0;
	s0 =	simm.s32 @!p1 $0x0  }
0x14: {  	s2 =	sld [smem:$0x3F95];
	s0 =	simm.s32 @p1 $0x1  }
0x15: {  	[smem:$0x3FB2] =	sst s0;
	s0 =	simm.s32 @!p2 $0x0  }
0x16: {  	s3 =	sld [smem:$0x3FDB];
	s0 =	simm.s32 @p2 $0x1  }
0x17: {  	s4 =	simm.s32 $0x1BF5;
	[smem:$0x3FB4] =	sst s0  }
0x18: {  	s0 =	sld [smem:$0x3F97];
	_ =	swait.ge [sflag:s4], $0x0  }
0x19: {  	s7 =	sld [smem:$0x3F98]  }
0x1a: {  	s8 =	sadd.s32 $0xFFFFE003, lr  }
0x1b: {  	s9 =	sadd.s32 $0xFFFFFEF7, lr;
	s5 =	simm.s32 $0xFFFFFFFF;
	p2 =	slt.u32 s8, $0xFFFFF086  }
0x1c: {  	p1 =	slt.u32 s9, $0xF7A;
	s5 =	simm.s32 @!p2 $0x0  }
0x1d: {  	s5 =	simm.s32 @p1 $0x1;
	p0 =	seq.s32 s7, s2  }
0x1e: {  	s7 =	smul.u32 @!p0 $0xF7A, s2;
	p2 =	seq.s32 @!p0 s5, $0x0  }
0x1f: {  	s9 =	smul.u32 $0xF7A, s1;
	s8 =	simm.s32 @!p0 $0x1BF5;
	p2 =	por !p2, p0  }
0x20: {  	[sflag:s8] =	ssyncset.s32 @!p0 $0xFFFFF086;
	s6 =	sadd.s32 @!p0 s3, s7;
	s7 =	simm.s32 @!p0 $0x108  }
0x21: {  	s3 =	sadd.s32 s3, s9;
	s6 =	sadd.s32 @!p0 $0x88, s6;
	s7 =	simm.s32 @p2 $0x1082  }
0x22: {  	[simem:s7], [sflag:s8] =	dma.local @!p0 [hbm:s6], $0xF7A  }
0x23: {  	s9 =	sor.u32 $0xD0000000, s2;
	s6 =	simm.s32 $0x108;
	_ =	swait.ge @!p0 [sflag:s8], $0x0  }
0x24: {  	s3 =	sadd.s32 $0x88, s3;
	s6 =	simm.s32 @!p1 $0x1082;
	[sflag:s4] =	ssyncset.s32 $0xFFFFF086  }
0x25: {  	[simem:s6], [sflag:s4] =	dma.local [hbm:s3], $0xF7A  }
0x26: {  	[smem:$0x3F98] =	sst s1;
	(tag) =	ssettag s2;
	_ =	strace s9  }
0x27: {  	s1 =	sld [smem:$0x3FA8]  }
0x28: {  	s2 =	sld [smem:$0x3FA9]  }
0x29: {  	s4 =	sld [smem:$0x3FAB]  }
0x2a: {  	p0 =	seq.s32 s5, $0x0;
	s5 =	sld [smem:$0x3FAC]  }
0x2b: {  	s6 =	sld [smem:$0x3FAD]  }
0x2c: {  	s7 =	sld [smem:$0x3FAE]  }
0x2d: {  	s3 =	simm.s32 $0x108;
	s8 =	sld [smem:$0x3FAF]  }
0x2e: {  	s3 =	simm.s32 @!p0 $0x1082;
	s9 =	sld [smem:$0x3FB0]  }
0x2f: {  	lr =	sadd.s32 s0, s3;
	s0 =	sld [smem:$0x3FA7]  }
0x30: {  	s3 =	sld [smem:$0x3FAA]  }
0x31: {  	[smem:$0x3FB3] =	sst s10  }
0x32: {  	s10 =	sld [smem:$0x3FB1];
	_ =	sdelay $0x3  }
0x33: {  	p0 =	seq.s32 s10, $0x1;
	s10 =	sld [smem:$0x3FB3];
	_ =	sdelay $0x3  }
0x34: {  	[smem:$0x3FB3] =	sst s10  }
0x35: {  	s10 =	sld [smem:$0x3FB2];
	_ =	sdelay $0x3  }
0x36: {  	p1 =	seq.s32 s10, $0x1;
	s10 =	sld [smem:$0x3FB3];
	_ =	sdelay $0x3  }
0x37: {  	[smem:$0x3FB3] =	sst s10  }
0x38: {  	s10 =	sld [smem:$0x3FB4]  }
0x39: {  	_ = 	snop;
	(pc) =	sbr.ind lr, $3  }
0x3a: {  	_ = 	snop  }
0x3b: {  	_ = 	snop  }
0x3c: {  	p2 =	seq.s32 s10, $0x1;
	s10 =	sld [smem:$0x3FB3]  }
0x3d: {  	_ =	shalt  }
0x3e: {  	_ =	shalt  }
0x3f: {  	_ =	shalt  }
0x40: {  	_ =	shalt  }
0x41: {  	_ =	shalt  }
0x42: {  	_ =	shalt  }
0x43: {  	_ =	shalt  }
0x44: {  	_ =	shalt  }
0x45: {  	_ =	shalt  }
0x46: {  	_ =	shalt  }
0x47: {  	_ =	shalt  }
0x48: {  	_ =	shalt  }
0x49: {  	_ =	shalt  }
0x4a: {  	_ =	shalt  }
0x4b: {  	_ =	shalt  }
0x4c: {  	_ =	shalt  }
0x4d: {  	_ =	shalt  }
0x4e: {  	_ =	shalt  }
0x4f: {  	_ =	shalt  }
0x50: {  	_ =	shalt  }
0x51: {  	_ =	shalt  }
0x52: {  	_ =	shalt  }
0x53: {  	_ =	shalt  }
0x54: {  	_ =	shalt  }
0x55: {  	_ =	shalt  }
0x56: {  	_ =	shalt  }
0x57: {  	_ =	shalt  }
0x58: {  	_ =	shalt  }
0x59: {  	_ =	shalt  }
0x5a: {  	_ =	shalt  }
0x5b: {  	_ =	shalt  }
0x5c: {  	_ =	shalt  }
0x5d: {  	_ =	shalt  }
0x5e: {  	_ =	shalt  }
0x5f: {  	_ =	shalt  }
0x60: {  	_ =	shalt  }
0x61: {  	_ =	shalt  }
0x62: {  	_ =	shalt  }
0x63: {  	_ =	shalt  }
0x64: {  	_ =	shalt  }
0x65: {  	_ =	shalt  }
0x66: {  	_ =	shalt  }
0x67: {  	_ =	shalt  }
0x68: {  	_ =	shalt  }
0x69: {  	_ =	shalt  }
0x6a: {  	_ =	shalt  }
0x6b: {  	_ =	shalt  }
0x6c: {  	_ =	shalt  }
0x6d: {  	_ =	shalt  }
0x6e: {  	_ =	shalt  }
0x6f: {  	_ =	shalt  }
0x70: {  	_ =	shalt  }
0x71: {  	_ =	shalt  }
0x72: {  	_ =	shalt  }
0x73: {  	_ =	shalt  }
0x74: {  	_ =	shalt  }
0x75: {  	_ =	shalt  }
0x76: {  	_ =	shalt  }
0x77: {  	_ =	shalt  }
0x78: {  	_ =	shalt  }
0x79: {  	_ =	shalt  }
0x7a: {  	_ =	shalt  }
0x7b: {  	_ =	shalt  }
0x7c: {  	_ =	shalt  }
0x7d: {  	_ =	shalt  }
0x7e: {  	_ =	shalt  }
0x7f: {  	_ =	shalt  }
0x80: {  	_ =	shalt  }
0x81: {  	_ =	shalt  }
0x82: {  	_ =	shalt  }
0x83: {  	_ =	shalt  }
0x84: {  	_ =	shalt  }
0x85: {  	_ =	shalt  }
0x86: {  	_ =	shalt  }
0x87: {  	_ =	shalt  }
.Lfunc_end0:
.L_simem_size_0:
called_computation.3_lowered:
.L_overlay_start_0:
0x88: {  	s2 =	sld [smem:$0x3FD9]  }
0x89: {  	s3 =	sld [smem:$0x3FFE];
	_ =	sdelay $0x1  }
0x8a: {  	s1 =	srdreg.scid  }
0x8b: {  	s0 =	sand.u32 $0x1, s1  }
0x8c: {  	s16 =	sshll.u32 s0, $0xA;
	s2 =	sadd.s32 s3, s2  }
0x8d: {  	s2 =	sadd.s32 s2, s16  }
0x8e: {  	[smem:$0x3FBF] =	sst s2  }
0x8f: {  	_ = 	snop  }
0x90: {  	(tm) =	ssettm $0x1  }
0x91: {  	s17 =	sld [smem:$0x3FFB];
	_ =	sdelay $0x3  }
0x92: {  	_ =	strace s17  }
0x93: {  	s2 =	sld [smem:$0x3FFC];
	_ =	sdelay $0x3  }
0x94: {  	_ =	strace s2  }
0x95: {  	s2 =	sld [smem:$0x3FFD];
	_ =	sdelay $0x3  }
0x96: {  	_ =	strace s2  }
0x97: {  	_ =	strace $0x8FFFFFFF  }
0x98: {  	s18 =	sld [smem:$0x3FDB];
	_ =	sdelay $0x1  }
0x99: {  	s19 =	simm.s32 $_scs_section_size  }
0x9a: {  	s4 =	simm.s32 $_size__tile_overlayer_lowered;
	s5 =	simm.s32 $_tile_overlayer_lowered  }
0x9b: {  	s22 =	simm.s32 $0x1BFF;
	s21 =	sshll.u32 s5, $0x1;
	s2 =	sadd.s32 s19, s18  }
0x9c: {  	s6 =	simm.s32 $0x0;
	s20 =	sshll.u32 s4, $0x1;
	s4 =	sadd.s32 s21, s2  }
0x9d: {  	[timem:s6], [sflag:s22] =	dma.local [hbm:s4], s20  }
0x9e: {  	_ =	swait.ge [sflag:s22], s20  }
0x9f: {  	s3 =	ssub.s32 $0x0, s20;
	[sflag:s22] =	ssyncset.done $0x0  }
0xa0: {  	[sflag:s22] =	ssyncadd.s32 s3;
	_ =	sdelay $0x1  }
0xa1: {  	s23 =	simm.s32 $0x1B8B  }
0xa2: {  	_ =	swait.ge [sflag:s23], $0x1  }
0xa3: {  	[sflag:s23] =	ssyncset.done $0x0  }
0xa4: {  	s25 =	simm.s32 $0x1B8E;
	s24 =	sld [smem:$0x3FFE];
	[sflag:s23] =	ssyncadd.s32 $0xFFFFFFFF  }
0xa5: {  	s26 =	simm.s32 $execute0_lowered;
	[smem:$0x3FD2] =	sst s25  }
0xa6: {  	s4 =	sshll.u32 s26, $0x1;
	_ =	strace $0x8000004F;
	[dreg:$0x1] =	wrdreg $0xFFFFFFFF  }
0xa7: {  	s28 =	simm.s32 $_size_execute0_lowered;
	s2 =	sadd.s32 s2, s4;
	[dreg:$0x0] =	wrdreg $0x0  }
0xa8: {  	s4 =	sshll.u32 s28, $0x1;
	[dreg:$0x2] =	wrdreg s2  }
0xa9: {  	[dreg:$0x3] =	wrdreg s4  }
0xaa: {  	[dreg:$0x4] =	wrdreg $0xC0  }
0xab: {  	_ =	task [dreg:s6], $0x5FFFF  }
0xac: {  	[dreg:$0x1] =	wrdreg $0xFFFFFFFF  }
0xad: {  	[dreg:$0x0] =	wrdreg $0x60  }
0xae: {  	[dreg:$0x2] =	wrdreg s24  }
0xaf: {  	[dreg:$0x3] =	wrdreg $0x7E000  }
0xb0: {  	[dreg:$0x4] =	wrdreg $0x9  }
0xb1: {  	_ =	task.clear_ibuf [dreg:s6], $0x5FFFF;
	_ =	strace $0x9000004F  }
0xb2: {  	s29 =	simm.s32 $0x9;
	_ =	strace $0x80000051  }
0xb3: {  	_ =	swait.ge [sflag:s29], $0x1  }
0xb4: {  	[sflag:s29] =	ssyncadd.s32 $0xFFFFFFFF  }
0xb5: {  	_ =	strace $0x90000051  }
0xb6: {  	_ =	sfence  }
0xb7: {  	s30 =	sld [smem:$0x0];
	_ =	sdelay $0x2  }
0xb8: {  	s31 =	sshll.u32 s1, $0xD;
	s1 =	sshrl.u32 s1, $0x2  }
0xb9: {  	s3 =	sand.u32 $0x4000, s31;
	s1 =	sadd.s32 s1, s30  }
0xba: {  	s0 =	sor.u32 s3, s0;
	s1 =	sshll.u32 s1, $0x11  }
0xbb: {  	s0 =	sor.u32 s1, s0  }
0xbc: {  	s0 =	sadd.s32 $0x8F2B, s0  }
0xbd: {  	[sflag:s0] =	ssyncadd.remote.s32 $0x1  }
0xbe: {  	_ =	sfence.sel $0xFFFF  }
0xbf: {  	[dreg:$0x0] =	wrdreg $0xFFFFFFFF;
	(pc) =	sbr.abs _section_cstart, $3  }
0xc0: {  	[dreg:$0x1] =	wrdreg $0xFFFFFFFF  }
0xc1: {  	_ =	task.clear_ibuf [dreg:s6], $0x2FFFF;
	_ =	strace $0x9FFFFFFF  }
0xc2: {  	(tm) =	ssettm $0x7FFFFFFF  }
0xc3: {  	_ =	shalt  }
tec
execute0_lowered:
.L_overlay_start_1:
0x0: {  	(tag) =	ssettag $0x1  }
0x1: {  	s0 =	srdreg.scid  }
0x2: {  	s11 =	stileid.u32;
	s0 =	sand.u32 $0x1, s0  }
0x3: {  	s2 =	smul.u32 $0x280, s11;
	s3 =	sshll.u32 s0, $0x4  }
0x4: {  	s5 =	smul.u32 $0x2800, s0;
	s3 =	sor.u32 s11, s3  }
0x5: {  	s4 =	rddreg [dreg:$0x0];
	s1 =	simm.s32 $0x0;
	s3 =	smul.u32 $0x2710, s3  }
0x6: {  	[smem:$0x7FF] =	sst s1;
	s7 =	sadd.s32 $0xCC00, s4  }
0x7: {  	s6 =	ssub.s32 $0x2, s0;
	s10 =	sadd.s32 s5, s2;
	s2 =	sshrl.u32 s3, $0x3  }
0x8: {  	s8 =	sadd.s32 $0x2E00, s4;
	s9 =	sshrl.u32 s6, $0x1;
	s3 =	sadd.s32 s7, s2  }
0x9: {  	s19 =	sadd.s32 s8, s2;
	s20 =	sadd.s32 $0xA, s2;
	[dreg:$0x3] =	wrdreg s3  }
0xa: {  	s5 =	ssub.s32 s6, s9;
	[dreg:$0x4] =	wrdreg s19;
	s21 =	sadd.s32 s7, s20  }
0xb: {  	s22 =	sadd.s32 $0x14, s2;
	s3 =	sadd.s32 s8, s20;
	[dreg:$0x5] =	wrdreg s21  }
0xc: {  	s24 =	sadd.s32 $0x1E, s2;
	s23 =	sadd.s32 s7, s22;
	[dreg:$0x6] =	wrdreg s3  }
0xd: {  	s26 =	sadd.s32 $0x28, s2;
	s25 =	sadd.s32 s7, s24;
	[dreg:$0x7] =	wrdreg s23  }
0xe: {  	s9 =	sadd.s32 $0x32, s2;
	s30 =	sadd.s32 s7, s26;
	[dreg:$0x9] =	wrdreg s25  }
0xf: {  	s13 =	sadd.s32 $0x3C, s2;
	s12 =	sadd.s32 s7, s9;
	[dreg:$0xb] =	wrdreg s30  }
0x10: {  	s14 =	smul.u32 $0x2710, s11;
	s15 =	sadd.s32 s7, s13;
	[dreg:$0xd] =	wrdreg s12  }
0x11: {  	s17 =	sadd.s32 $0x46, s2;
	s16 =	sadd.s32 s8, s13;
	[dreg:$0xf] =	wrdreg s15  }
0x12: {  	s0 =	smul.u32 $0x27100, s0;
	s18 =	sadd.s32 s7, s17;
	[dreg:$0x10] =	wrdreg s16  }
0x13: {  	s2 =	sadd.s32 $0x50, s2;
	s3 =	sadd.s32 s8, s22;
	[dreg:$0x11] =	wrdreg s18  }
0x14: {  	s0 =	sadd.s32 s14, s0;
	s21 =	sadd.s32 s7, s2;
	[dreg:$0x8] =	wrdreg s3  }
0x15: {  	s19 =	sadd.s32 $0x460, s0;
	s2 =	sadd.s32 s8, s2;
	[dreg:$0x13] =	wrdreg s21  }
0x16: {  	s20 =	sshrl.u32 s19, $0x3;
	s3 =	sadd.s32 s8, s24;
	[dreg:$0x14] =	wrdreg s2  }
0x17: {  	s23 =	sadd.s32 $0x410, s0;
	s22 =	sadd.s32 s20, s8;
	[dreg:$0xa] =	wrdreg s3  }
0x18: {  	s2 =	sshrl.u32 s23, $0x3;
	s3 =	sadd.s32 s8, s26;
	[dreg:$0x15] =	wrdreg s22  }
0x19: {  	s13 =	sadd.s32 $0x320, s0;
	s25 =	sadd.s32 s2, s8;
	[dreg:$0xc] =	wrdreg s3  }
0x1a: {  	s24 =	sadd.s32 $0x3C0, s0;
	s2 =	sadd.s32 s2, s7;
	[dreg:$0x17] =	wrdreg s25  }
0x1b: {  	s26 =	sadd.s32 $0x370, s0;
	s3 =	sadd.s32 s8, s9;
	[dreg:$0x18] =	wrdreg s2  }
0x1c: {  	s30 =	sshrl.u32 s26, $0x3;
	[dreg:$0xe] =	wrdreg s3;
	s3 =	sadd.s32 s8, s17  }
0x1d: {  	s0 =	sadd.s32 $0x2D0, s0;
	s12 =	sadd.s32 s30, s8;
	[dreg:$0x12] =	wrdreg s3  }
0x1e: {  	s15 =	sshrl.u32 s0, $0x3;
	s2 =	sadd.s32 s30, s7;
	[dreg:$0x1b] =	wrdreg s12  }
0x1f: {  	s0 =	sadd.s32 s15, s8;
	[dreg:$0x1c] =	wrdreg s2  }
0x20: {  	s31 =	simm.s32 $0x7D00;
	[smem:$0x7EC] =	sst s0  }
0x21: {  	s14 =	sshrl.u32 s13, $0x3;
	s3 =	sadd.s32 s20, s7;
	s0 =	rddreg [dreg:$0x1]  }
0x22: {  	s16 =	smul.u32 $0x50000, s11;
	s2 =	sadd.s32 s14, s7;
	[dreg:$0x16] =	wrdreg s3  }
0x23: {  	s3 =	sshrl.u32 s24, $0x3;
	[smem:$0x7EB] =	sst s2;
	s2 =	sadd.s32 s15, s7  }
0x24: {  	s19 =	smax.u32 s5, $0x1;
	s9 =	sadd.s32 s3, s8;
	[smem:$0x7ED] =	sst s2  }
0x25: {  	s17 =	sshll.u32 s10, $0x4;
	s3 =	sadd.s32 s3, s7;
	[dreg:$0x19] =	wrdreg s9  }
0x26: {  	s6 =	sadd.s32 s17, s4;
	[dreg:$0x1a] =	wrdreg s3;
	s3 =	sadd.s32 s14, s8  }
0x27: {  	[dreg:$0x1d] =	wrdreg s3;
	s3 =	sadd.s32 $0x16A00, s4;
	s4 =	sadd.s32 $0x3EA00, s4  }
0x28: {  	s11 =	simm.s32 $0x50;
	_ =	strace $0x80000050;
	[dreg:$0x1e] =	wrdreg s4  }
0x29: {  	s5 =	simm.s32 $0x3;
	s20 =	sadd.s32 $0x3F000, s6;
	[smem:$0x7EE] =	sst s19  }
0x2a: {  	s13 =	simm.s32 $0xA;
	s21 =	sadd.s32 $0x3F500, s6;
	[smem:$0x7EF] =	sst s20  }
0x2b: {  	s18 =	sshrl.u32 s16, $0x2;
	s22 =	sadd.s32 $0x3FA00, s6;
	[smem:$0x7F0] =	sst s21  }
0x2c: {  	s16 =	simm.s32 $0x2800;
	s23 =	sadd.s32 $0x3FF00, s6;
	[smem:$0x7F1] =	sst s22  }
0x2d: {  	s10 =	simm.s32 $0x7;
	s24 =	sadd.s32 $0x40400, s6;
	[smem:$0x7F2] =	sst s23  }
0x2e: {  	s12 =	simm.s32 $0x1;
	s25 =	sadd.s32 $0x40900, s6;
	[smem:$0x7F3] =	sst s24  }
0x2f: {  	s17 =	simm.s32 $0x2;
	s26 =	sadd.s32 $0x40E00, s6;
	[smem:$0x7F4] =	sst s25  }
0x30: {  	s30 =	sadd.s32 $0x41300, s6;
	s15 =	simm.s32 $0x8;
	[smem:$0x7F5] =	sst s26  }
0x31: {  	s6 =	simm.s32 $0x5000;
	s9 =	sadd.s32 s18, s0;
	[smem:$0x7F6] =	sst s30  }
0x32: {  	s7 =	simm.s32 $0xD;
	s14 =	sadd.s32 $0x2800, s9;
	[dreg:$0x1f] =	wrdreg s9  }
0x33: {  	s2 =	simm.s32 $0x0;
	s18 =	sadd.s32 $0x5000, s9;
	[smem:$0x7F7] =	sst s14  }
0x34: {  	s8 =	simm.s32 $0x7C00;
	s29 =	sadd.s32 $0xC800, s9;
	[smem:$0x7F8] =	sst s18  }
.Ltmp0:
0x35: {  	s28 =	sadd.s32 $0x11800, s9;
	[smem:$0x7FB] =	sst s29;
	(pc) =	sbr.rel .LBB2_1-.Ltmp0, $4  }
0x36: {  	s19 =	sadd.s32 $0x7800, s9;
	s20 =	sadd.s32 $0xA000, s9;
	[smem:$0x7FD] =	sst s28  }
0x37: {  	s26 =	sadd.s32 $0xF000, s9;
	s4 =	simm.s32 $0x9;
	[smem:$0x7F9] =	sst s19  }
0x38: {  	s21 =	simm.s32 $0xB;
	s22 =	simm.s32 $0x6;
	[smem:$0x7FA] =	sst s20  }
0x39: {  	s23 =	simm.s32 $0x4;
	s24 =	simm.s32 $0x5;
	[smem:$0x7FC] =	sst s26  }
.LBB2_4:
0x3a: {  	_ =	swait.ge [sflag:s23], $0x2800  }
0x3b: {  	[sflag:s23] =	ssyncset.done $0x0  }
0x3c: {  	[sflag:s23] =	ssyncadd.s32 $0xFFFFD800  }
0x3d: {  	_ =	swait.ge [sflag:s24], $0x2800  }
0x3e: {  	[sflag:s24] =	ssyncset.done $0x0  }
0x3f: {  	[sflag:s24] =	ssyncadd.s32 $0xFFFFD800  }
0x40: {  	[bflag:$0x0] =	sbarrier.arrive $0xFFFF  }
0x41: {  	s9 =	rddreg [dreg:$0x1f]  }
0x42: {  	[tilespmem:s1], [sflag:$0xD] =	stream.linear.gather [spmem:s9], $0x2800, $0x38;
	[tilespmem:$0x1BE00] =	vst v63  }
0x43: {  	_ =	swait.ge [sflag:s7], $0x2800  }
0x44: {  	s25 =	sld [smem:$0x7EF]  }
0x45: {  	[sflag:s7] =	ssyncset.done $0x0  }
0x46: {  	[sflag:s7] =	ssyncadd.s32 $0xFFFFD800  }
0x47: {  	[hbm4b:s25+s1] =	stream.linear.scatter [tilespmem:s1], [sflag:$0xD], $0x2800, $0x38;
	[tilespmem:$0x1BE00] =	vst v63  }
0x48: {  	_ =	swait.ge [sflag:s7], $0x2800  }
0x49: {  	s14 =	sld [smem:$0x7F7]  }
0x4a: {  	[sflag:s7] =	ssyncset.done $0x0  }
0x4b: {  	[sflag:s7] =	ssyncadd.s32 $0xFFFFD800  }
0x4c: {  	[tilespmem:s1], [sflag:$0xD] =	stream.linear.gather [spmem:s14], $0x2800, $0x38;
	[tilespmem:$0x1BE00] =	vst v63  }
0x4d: {  	_ =	swait.ge [sflag:s7], $0x2800  }
0x4e: {  	s18 =	sld [smem:$0x7F0]  }
0x4f: {  	[sflag:s7] =	ssyncset.done $0x0  }
0x50: {  	[sflag:s7] =	ssyncadd.s32 $0xFFFFD800  }
0x51: {  	[hbm4b:s18+s1] =	stream.linear.scatter [tilespmem:s1], [sflag:$0xD], $0x2800, $0x38;
	[tilespmem:$0x1BE00] =	vst v63  }
0x52: {  	_ =	swait.ge [sflag:s7], $0x2800  }
0x53: {  	s18 =	sld [smem:$0x7F8]  }
0x54: {  	[sflag:s7] =	ssyncset.done $0x0  }
0x55: {  	[sflag:s7] =	ssyncadd.s32 $0xFFFFD800  }
0x56: {  	[tilespmem:s1], [sflag:$0xD] =	stream.linear.gather [spmem:s18], $0x2800, $0x38;
	[tilespmem:$0x1BE00] =	vst v63  }
0x57: {  	_ =	swait.ge [sflag:s7], $0x2800  }
0x58: {  	s19 =	sld [smem:$0x7F1]  }
0x59: {  	[sflag:s7] =	ssyncset.done $0x0  }
0x5a: {  	[sflag:s7] =	ssyncadd.s32 $0xFFFFD800  }
0x5b: {  	[hbm4b:s19+s1] =	stream.linear.scatter [tilespmem:s1], [sflag:$0xD], $0x2800, $0x38;
	[tilespmem:$0x1BE00] =	vst v63  }
0x5c: {  	_ =	swait.ge [sflag:s7], $0x2800  }
0x5d: {  	s19 =	sld [smem:$0x7F9]  }
0x5e: {  	[sflag:s7] =	ssyncset.done $0x0  }
0x5f: {  	[sflag:s7] =	ssyncadd.s32 $0xFFFFD800  }
0x60: {  	[tilespmem:s1], [sflag:$0xD] =	stream.linear.gather [spmem:s19], $0x2800, $0x38;
	[tilespmem:$0x1BE00] =	vst v63  }
0x61: {  	_ =	swait.ge [sflag:s7], $0x2800  }
0x62: {  	s20 =	sld [smem:$0x7F2]  }
0x63: {  	[sflag:s7] =	ssyncset.done $0x0  }
0x64: {  	[sflag:s7] =	ssyncadd.s32 $0xFFFFD800  }
0x65: {  	[hbm4b:s20+s1] =	stream.linear.scatter [tilespmem:s1], [sflag:$0xD], $0x2800, $0x38;
	[tilespmem:$0x1BE00] =	vst v63  }
0x66: {  	_ =	swait.ge [sflag:s7], $0x2800  }
0x67: {  	s20 =	sld [smem:$0x7FA]  }
0x68: {  	[sflag:s7] =	ssyncset.done $0x0  }
0x69: {  	[sflag:s7] =	ssyncadd.s32 $0xFFFFD800  }
0x6a: {  	[tilespmem:s1], [sflag:$0xD] =	stream.linear.gather [spmem:s20], $0x2800, $0x38;
	[tilespmem:$0x1BE00] =	vst v63  }
0x6b: {  	_ =	swait.ge [sflag:s7], $0x2800  }
0x6c: {  	s26 =	sld [smem:$0x7F3]  }
0x6d: {  	[sflag:s7] =	ssyncset.done $0x0  }
0x6e: {  	[sflag:s7] =	ssyncadd.s32 $0xFFFFD800  }
0x6f: {  	[hbm4b:s26+s1] =	stream.linear.scatter [tilespmem:s1], [sflag:$0xD], $0x2800, $0x38;
	[tilespmem:$0x1BE00] =	vst v63  }
0x70: {  	_ =	swait.ge [sflag:s7], $0x2800  }
0x71: {  	s29 =	sld [smem:$0x7FB]  }
0x72: {  	[sflag:s7] =	ssyncset.done $0x0  }
0x73: {  	[sflag:s7] =	ssyncadd.s32 $0xFFFFD800  }
0x74: {  	[tilespmem:s1], [sflag:$0xD] =	stream.linear.gather [spmem:s29], $0x2800, $0x38;
	[tilespmem:$0x1BE00] =	vst v63  }
0x75: {  	_ =	swait.ge [sflag:s7], $0x2800  }
0x76: {  	s30 =	sld [smem:$0x7F4]  }
0x77: {  	[sflag:s7] =	ssyncset.done $0x0  }
0x78: {  	[sflag:s7] =	ssyncadd.s32 $0xFFFFD800  }
0x79: {  	[hbm4b:s30+s1] =	stream.linear.scatter [tilespmem:s1], [sflag:$0xD], $0x2800, $0x38;
	[tilespmem:$0x1BE00] =	vst v63  }
0x7a: {  	_ =	swait.ge [sflag:s7], $0x2800  }
0x7b: {  	s26 =	sld [smem:$0x7FC]  }
0x7c: {  	[sflag:s7] =	ssyncset.done $0x0  }
0x7d: {  	[sflag:s7] =	ssyncadd.s32 $0xFFFFD800  }
0x7e: {  	[tilespmem:s1], [sflag:$0xD] =	stream.linear.gather [spmem:s26], $0x2800, $0x38;
	[tilespmem:$0x1BE00] =	vst v63  }
0x7f: {  	_ =	swait.ge [sflag:s7], $0x2800  }
0x80: {  	s2 =	sld [smem:$0x7F5]  }
0x81: {  	[sflag:s7] =	ssyncset.done $0x0  }
0x82: {  	[sflag:s7] =	ssyncadd.s32 $0xFFFFD800  }
0x83: {  	[hbm4b:s2+s1] =	stream.linear.scatter [tilespmem:s1], [sflag:$0xD], $0x2800, $0x38;
	[tilespmem:$0x1BE00] =	vst v63  }
0x84: {  	_ =	swait.ge [sflag:s7], $0x2800  }
0x85: {  	s28 =	sld [smem:$0x7FD]  }
0x86: {  	[sflag:s7] =	ssyncset.done $0x0  }
0x87: {  	[sflag:s7] =	ssyncadd.s32 $0xFFFFD800  }
0x88: {  	[tilespmem:s1], [sflag:$0xD] =	stream.linear.gather [spmem:s28], $0x2800, $0x38;
	[tilespmem:$0x1BE00] =	vst v63  }
0x89: {  	_ =	swait.ge [sflag:s7], $0x2800  }
0x8a: {  	s8 =	sld [smem:$0x7F6]  }
0x8b: {  	[sflag:s7] =	ssyncset.done $0x0  }
0x8c: {  	[sflag:s7] =	ssyncadd.s32 $0xFFFFD800  }
0x8d: {  	[hbm4b:s8+s1] =	stream.linear.scatter [tilespmem:s1], [sflag:$0xD], $0x2800, $0x38;
	[tilespmem:$0x1BE00] =	vst v63  }
0x8e: {  	_ =	swait.ge [sflag:s7], $0x2800  }
0x8f: {  	s2 =	sld [smem:$0x7EA]  }
0x90: {  	s30 =	sld [smem:$0x7EE];
	_ =	sdelay $0x1  }
0x91: {  	s2 =	sadd.s32 $0x1, s2  }
0x92: {  	p0 =	sne.s32 s2, s30  }
.Ltmp1:
0x93: {  	_ = 	snop;
	(pc) =	sbr.rel @!p0 .LBB2_5-.Ltmp1, $3  }
0x94: {  	_ =	sdelay $0x1  }
0x95: {  	[sflag:s7] =	ssyncset.done $0x0  }
0x96: {  	s8 =	simm.s32 $0x7C00;
	[sflag:s7] =	ssyncadd.s32 $0xFFFFD800  }
.LBB2_1:
0x97: {  	[smem:$0x7EA] =	sst s2  }
0x98: {  	s25 =	rddreg [dreg:$0x1e]  }
0x99: {  	[tilespmem:s1], [sflag:$0xD] =	stream.linear.gather [hbm4b:s25+s1], $0x2800, $0x38;
	[tilespmem:$0x1BE00] =	vst v63  }
0x9a: {  	_ =	swait.ge [sflag:s7], $0x2800  }
0x9b: {  	[sflag:s7] =	ssyncset.done $0x0  }
0x9c: {  	[sflag:s7] =	ssyncadd.s32 $0xFFFFD800  }
0x9d: {  	[spmem:s9] =	stream.linear.scatter [tilespmem:s1], [sflag:$0xD], $0x2800, $0x38;
	[tilespmem:$0x1BE00] =	vst v63  }
0x9e: {  	_ =	swait.ge [sflag:s7], $0x2800  }
0x9f: {  	[sflag:s7] =	ssyncset.done $0x0  }
0xa0: {  	[sflag:s7] =	ssyncadd.s32 $0xFFFFD800  }
0xa1: {  	[spmem:s14] =	stream.linear.scatter [tilespmem:s1], [sflag:$0xD], $0x2800, $0x38;
	[tilespmem:$0x1BE00] =	vst v63  }
0xa2: {  	_ =	swait.ge [sflag:s7], $0x2800  }
0xa3: {  	[sflag:s7] =	ssyncset.done $0x0  }
0xa4: {  	[sflag:s7] =	ssyncadd.s32 $0xFFFFD800  }
0xa5: {  	[spmem:s18] =	stream.linear.scatter [tilespmem:s1], [sflag:$0xD], $0x2800, $0x38;
	[tilespmem:$0x1BE00] =	vst v63  }
0xa6: {  	_ =	swait.ge [sflag:s7], $0x2800  }
0xa7: {  	[sflag:s7] =	ssyncset.done $0x0  }
0xa8: {  	[sflag:s7] =	ssyncadd.s32 $0xFFFFD800  }
0xa9: {  	[spmem:s19] =	stream.linear.scatter [tilespmem:s1], [sflag:$0xD], $0x2800, $0x38;
	[tilespmem:$0x1BE00] =	vst v63  }
0xaa: {  	_ =	swait.ge [sflag:s7], $0x2800  }
0xab: {  	[sflag:s7] =	ssyncset.done $0x0  }
0xac: {  	[sflag:s7] =	ssyncadd.s32 $0xFFFFD800  }
0xad: {  	[spmem:s20] =	stream.linear.scatter [tilespmem:s1], [sflag:$0xD], $0x2800, $0x38;
	[tilespmem:$0x1BE00] =	vst v63  }
0xae: {  	_ =	swait.ge [sflag:s7], $0x2800  }
0xaf: {  	[sflag:s7] =	ssyncset.done $0x0  }
0xb0: {  	[sflag:s7] =	ssyncadd.s32 $0xFFFFD800  }
0xb1: {  	[spmem:s29] =	stream.linear.scatter [tilespmem:s1], [sflag:$0xD], $0x2800, $0x38;
	[tilespmem:$0x1BE00] =	vst v63  }
0xb2: {  	_ =	swait.ge [sflag:s7], $0x2800  }
0xb3: {  	[sflag:s7] =	ssyncset.done $0x0  }
0xb4: {  	[sflag:s7] =	ssyncadd.s32 $0xFFFFD800  }
0xb5: {  	[spmem:s26] =	stream.linear.scatter [tilespmem:s1], [sflag:$0xD], $0x2800, $0x38;
	[tilespmem:$0x1BE00] =	vst v63  }
0xb6: {  	_ =	swait.ge [sflag:s7], $0x2800  }
0xb7: {  	[sflag:s7] =	ssyncset.done $0x0  }
0xb8: {  	[sflag:s7] =	ssyncadd.s32 $0xFFFFD800  }
0xb9: {  	[spmem:s28] =	stream.linear.scatter [tilespmem:s1], [sflag:$0xD], $0x2800, $0x38;
	[tilespmem:$0x1BE00] =	vst v63  }
0xba: {  	_ =	swait.ge [sflag:s7], $0x2800  }
0xbb: {  	[sflag:s7] =	ssyncset.done $0x0  }
0xbc: {  	[sflag:s7] =	ssyncadd.s32 $0xFFFFD800  }
0xbd: {  	[bflag:$0x0] =	sbarrier.arrive $0xFFFF  }
0xbe: {  	s26 =	simm.s32 $0x7800;
	s29 =	rddreg [dreg:$0x3]  }
0xbf: {  	[tilespmem:s26], [sflag:$0x7] =	stream.linear.gather [hbm4b:s29+s1], $0x50, $0x38;
	[tilespmem:$0x1BE00] =	vst v63  }
0xc0: {  	s28 =	simm.s32 $0x7B00;
	s2 =	rddreg [dreg:$0x4]  }
0xc1: {  	[tilespmem:s28], [sflag:$0x7] =	stream.linear.gather [hbm4b:s2+s1], $0x50, $0x38;
	[tilespmem:$0x1BE00] =	vst v63  }
0xc2: {  	_ =	swait.ge [sflag:s10], $0x50  }
0xc3: {  	[sflag:s10] =	ssyncset.done $0x0  }
0xc4: {  	[sflag:s10] =	ssyncadd.s32 $0xFFFFFFB0  }
0xc5: {  	_ =	swait.ge [sflag:s10], $0x50  }
0xc6: {  	[sflag:s10] =	ssyncset.done $0x0  }
0xc7: {  	[sflag:s10] =	ssyncadd.s32 $0xFFFFFFB0  }
0xc8: {  	[tilespmem:s1], [sflag:$0x1] =	stream.indirect.gather [hbm4b:s3+s11], $0x80, s26, s11, $0xb8;
	[tilespmem:$0x1BE00] =	vst v63  }
0xc9: {  	_ =	swait.ge [sflag:s12], $0x2800  }
0xca: {  	[sflag:s12] =	ssyncset.done $0x0  }
0xcb: {  	[sflag:s12] =	ssyncadd.s32 $0xFFFFD800  }
0xcc: {  	[spmem:s0] =	stream.indirect.scatter.add.f32 [tilespmem:s1], [sflag:$0xD], $0x80, s28, s11, $0xb8;
	[tilespmem:$0x1BE00] =	vst v63  }
0xcd: {  	_ =	swait.ge [sflag:s7], $0x2800  }
0xce: {  	[sflag:s7] =	ssyncset.done $0x0  }
0xcf: {  	s29 =	simm.s32 $0x7880;
	s9 =	rddreg [dreg:$0x5];
	[sflag:s7] =	ssyncadd.s32 $0xFFFFD800  }
0xd0: {  	[tilespmem:s29], [sflag:$0x8] =	stream.linear.gather [hbm4b:s9+s1], $0x50, $0x38;
	[tilespmem:$0x1BE00] =	vst v63  }
0xd1: {  	s30 =	simm.s32 $0x7B80;
	s14 =	rddreg [dreg:$0x6]  }
0xd2: {  	[tilespmem:s30], [sflag:$0x8] =	stream.linear.gather [hbm4b:s14+s1], $0x50, $0x38;
	[tilespmem:$0x1BE00] =	vst v63  }
0xd3: {  	_ =	swait.ge [sflag:s15], $0x50  }
0xd4: {  	[sflag:s15] =	ssyncset.done $0x0  }
0xd5: {  	[sflag:s15] =	ssyncadd.s32 $0xFFFFFFB0  }
0xd6: {  	_ =	swait.ge [sflag:s15], $0x50  }
0xd7: {  	[sflag:s15] =	ssyncset.done $0x0  }
0xd8: {  	[sflag:s15] =	ssyncadd.s32 $0xFFFFFFB0  }
0xd9: {  	[tilespmem:s16], [sflag:$0x2] =	stream.indirect.gather [hbm4b:s3+s11], $0x80, s29, s11, $0xb8;
	[tilespmem:$0x1BE00] =	vst v63  }
0xda: {  	_ =	swait.ge [sflag:s17], $0x2800  }
0xdb: {  	[sflag:s17] =	ssyncset.done $0x0  }
0xdc: {  	[sflag:s17] =	ssyncadd.s32 $0xFFFFD800  }
0xdd: {  	[spmem:s0] =	stream.indirect.scatter.add.f32 [tilespmem:s16], [sflag:$0xD], $0x80, s30, s11, $0xb8;
	[tilespmem:$0x1BE00] =	vst v63  }
0xde: {  	_ =	swait.ge [sflag:s7], $0x2800  }
0xdf: {  	[sflag:s7] =	ssyncset.done $0x0  }
0xe0: {  	s19 =	simm.s32 $0x7900;
	s18 =	rddreg [dreg:$0x7];
	[sflag:s7] =	ssyncadd.s32 $0xFFFFD800  }
0xe1: {  	[tilespmem:s19], [sflag:$0x9] =	stream.linear.gather [hbm4b:s18+s1], $0x50, $0x38;
	[tilespmem:$0x1BE00] =	vst v63  }
0xe2: {  	s20 =	rddreg [dreg:$0x8]  }
0xe3: {  	[tilespmem:s8], [sflag:$0x9] =	stream.linear.gather [hbm4b:s20+s1], $0x50, $0x38;
	[tilespmem:$0x1BE00] =	vst v63  }
0xe4: {  	_ =	swait.ge [sflag:s4], $0x50  }
0xe5: {  	[sflag:s4] =	ssyncset.done $0x0  }
0xe6: {  	[sflag:s4] =	ssyncadd.s32 $0xFFFFFFB0  }
0xe7: {  	_ =	swait.ge [sflag:s4], $0x50  }
0xe8: {  	[sflag:s4] =	ssyncset.done $0x0  }
0xe9: {  	[sflag:s4] =	ssyncadd.s32 $0xFFFFFFB0  }
0xea: {  	[tilespmem:s6], [sflag:$0x3] =	stream.indirect.gather [hbm4b:s3+s11], $0x80, s19, s11, $0xb8;
	[tilespmem:$0x1BE00] =	vst v63  }
0xeb: {  	_ =	swait.ge [sflag:s5], $0x2800  }
0xec: {  	[sflag:s5] =	ssyncset.done $0x0  }
0xed: {  	[sflag:s5] =	ssyncadd.s32 $0xFFFFD800  }
0xee: {  	[spmem:s0] =	stream.indirect.scatter.add.f32 [tilespmem:s6], [sflag:$0xD], $0x80, s8, s11, $0xb8;
	[tilespmem:$0x1BE00] =	vst v63  }
0xef: {  	_ =	swait.ge [sflag:s7], $0x2800  }
0xf0: {  	[sflag:s7] =	ssyncset.done $0x0  }
0xf1: {  	s9 =	simm.s32 $0x7980;
	s8 =	rddreg [dreg:$0x9];
	[sflag:s7] =	ssyncadd.s32 $0xFFFFD800  }
0xf2: {  	[tilespmem:s9], [sflag:$0xA] =	stream.linear.gather [hbm4b:s8+s1], $0x50, $0x38;
	[tilespmem:$0x1BE00] =	vst v63  }
0xf3: {  	s18 =	simm.s32 $0x7C80;
	s14 =	rddreg [dreg:$0xa]  }
0xf4: {  	[tilespmem:s18], [sflag:$0xA] =	stream.linear.gather [hbm4b:s14+s1], $0x50, $0x38;
	[tilespmem:$0x1BE00] =	vst v63  }
0xf5: {  	_ =	swait.ge [sflag:s13], $0x50  }
0xf6: {  	[sflag:s13] =	ssyncset.done $0x0  }
0xf7: {  	[sflag:s13] =	ssyncadd.s32 $0xFFFFFFB0  }
0xf8: {  	_ =	swait.ge [sflag:s13], $0x50  }
0xf9: {  	[sflag:s13] =	ssyncset.done $0x0  }
0xfa: {  	[sflag:s13] =	ssyncadd.s32 $0xFFFFFFB0  }
0xfb: {  	[tilespmem:s1], [sflag:$0x1] =	stream.indirect.gather [hbm4b:s3+s11], $0x80, s9, s11, $0xb8;
	[tilespmem:$0x1BE00] =	vst v63  }
0xfc: {  	_ =	swait.ge [sflag:s12], $0x2800  }
0xfd: {  	[sflag:s12] =	ssyncset.done $0x0  }
0xfe: {  	[sflag:s12] =	ssyncadd.s32 $0xFFFFD800  }
0xff: {  	[spmem:s0] =	stream.indirect.scatter.add.f32 [tilespmem:s1], [sflag:$0xD], $0x80, s18, s11, $0xb8;
	[tilespmem:$0x1BE00] =	vst v63  }
0x100: {  	_ =	swait.ge [sflag:s7], $0x2800  }
0x101: {  	[sflag:s7] =	ssyncset.done $0x0  }
0x102: {  	s20 =	simm.s32 $0x7A00;
	s19 =	rddreg [dreg:$0xb];
	[sflag:s7] =	ssyncadd.s32 $0xFFFFD800  }
0x103: {  	[tilespmem:s20], [sflag:$0xB] =	stream.linear.gather [hbm4b:s19+s1], $0x50, $0x38;
	[tilespmem:$0x1BE00] =	vst v63  }
0x104: {  	s9 =	simm.s32 $0x7D00;
	s8 =	rddreg [dreg:$0xc]  }
0x105: {  	[tilespmem:s9], [sflag:$0xB] =	stream.linear.gather [hbm4b:s8+s1], $0x50, $0x38;
	[tilespmem:$0x1BE00] =	vst v63  }
0x106: {  	_ =	swait.ge [sflag:s21], $0x50  }
0x107: {  	[sflag:s21] =	ssyncset.done $0x0  }
0x108: {  	[sflag:s21] =	ssyncadd.s32 $0xFFFFFFB0  }
0x109: {  	_ =	swait.ge [sflag:s21], $0x50  }
0x10a: {  	[sflag:s21] =	ssyncset.done $0x0  }
0x10b: {  	[sflag:s21] =	ssyncadd.s32 $0xFFFFFFB0  }
0x10c: {  	[tilespmem:s16], [sflag:$0x2] =	stream.indirect.gather [hbm4b:s3+s11], $0x80, s20, s11, $0xb8;
	[tilespmem:$0x1BE00] =	vst v63  }
0x10d: {  	_ =	swait.ge [sflag:s17], $0x2800  }
0x10e: {  	[sflag:s17] =	ssyncset.done $0x0  }
0x10f: {  	[sflag:s17] =	ssyncadd.s32 $0xFFFFD800  }
0x110: {  	[spmem:s0] =	stream.indirect.scatter.add.f32 [tilespmem:s16], [sflag:$0xD], $0x80, s9, s11, $0xb8;
	[tilespmem:$0x1BE00] =	vst v63  }
0x111: {  	_ =	swait.ge [sflag:s7], $0x2800  }
0x112: {  	[sflag:s7] =	ssyncset.done $0x0  }
0x113: {  	s9 =	simm.s32 $0x7A80;
	s14 =	rddreg [dreg:$0xd];
	[sflag:s7] =	ssyncadd.s32 $0xFFFFD800  }
0x114: {  	[tilespmem:s9], [sflag:$0xC] =	stream.linear.gather [hbm4b:s14+s1], $0x50, $0x38;
	[tilespmem:$0x1BE00] =	vst v63  }
0x115: {  	s19 =	simm.s32 $0x7D80;
	s18 =	rddreg [dreg:$0xe]  }
0x116: {  	[tilespmem:s19], [sflag:$0xC] =	stream.linear.gather [hbm4b:s18+s1], $0x50, $0x38;
	[tilespmem:$0x1BE00] =	vst v63  }
0x117: {  	s20 =	rddreg [dreg:$0xf]  }
0x118: {  	[tilespmem:s26], [sflag:$0x7] =	stream.linear.gather [hbm4b:s20+s1], $0x50, $0x38;
	[tilespmem:$0x1BE00] =	vst v63  }
0x119: {  	s2 =	rddreg [dreg:$0x10]  }
0x11a: {  	[tilespmem:s28], [sflag:$0x7] =	stream.linear.gather [hbm4b:s2+s1], $0x50, $0x38;
	[tilespmem:$0x1BE00] =	vst v63  }
0x11b: {  	s8 =	rddreg [dreg:$0x11]  }
0x11c: {  	[tilespmem:s29], [sflag:$0x8] =	stream.linear.gather [hbm4b:s8+s1], $0x50, $0x38;
	[tilespmem:$0x1BE00] =	vst v63  }
0x11d: {  	s14 =	rddreg [dreg:$0x12]  }
0x11e: {  	[tilespmem:s30], [sflag:$0x8] =	stream.linear.gather [hbm4b:s14+s1], $0x50, $0x38;
	[tilespmem:$0x1BE00] =	vst v63  }
0x11f: {  	s19 =	simm.s32 $0x7900;
	s20 =	rddreg [dreg:$0x13]  }
0x120: {  	[tilespmem:s19], [sflag:$0x9] =	stream.linear.gather [hbm4b:s20+s1], $0x50, $0x38;
	[tilespmem:$0x1BE00] =	vst v63  }
0x121: {  	s28 =	rddreg [dreg:$0x14];
	s8 =	simm.s32 $0x7C00;
	s29 =	simm.s32 $0xC  }
0x122: {  	[tilespmem:s8], [sflag:$0x9] =	stream.linear.gather [hbm4b:s28+s1], $0x50, $0x38;
	[tilespmem:$0x1BE00] =	vst v63  }
0x123: {  	_ =	swait.ge [sflag:s29], $0x50  }
0x124: {  	[sflag:s29] =	ssyncset.done $0x0  }
0x125: {  	[sflag:s29] =	ssyncadd.s32 $0xFFFFFFB0  }
0x126: {  	_ =	swait.ge [sflag:s29], $0x50  }
0x127: {  	[sflag:s29] =	ssyncset.done $0x0  }
0x128: {  	[sflag:s29] =	ssyncadd.s32 $0xFFFFFFB0  }
0x129: {  	[tilespmem:s6], [sflag:$0x3] =	stream.indirect.gather [hbm4b:s3+s11], $0x80, s9, s11, $0xb8;
	[tilespmem:$0x1BE00] =	vst v63  }
0x12a: {  	_ =	swait.ge [sflag:s10], $0x50  }
0x12b: {  	[sflag:s10] =	ssyncset.done $0x0  }
0x12c: {  	[sflag:s10] =	ssyncadd.s32 $0xFFFFFFB0  }
0x12d: {  	_ =	swait.ge [sflag:s10], $0x50  }
0x12e: {  	s25 =	simm.s32 $0x0;
	s18 =	simm.s32 $0x7B80;
	[sflag:s10] =	ssyncset.done $0x0  }
0x12f: {  	s2 =	simm.s32 $0x7880;
	s30 =	simm.s32 $0x7800;
	[sflag:s10] =	ssyncadd.s32 $0xFFFFFFB0  }
0x130: {  	[tilespmem:s1], [sflag:$0x1] =	stream.indirect.gather [hbm4b:s3+s11], $0x80, s26, s11, $0xb8;
	[tilespmem:$0x1BE00] =	vst v63  }
.LBB2_2:
0x131: {  	_ =	swait.ge [sflag:s5], $0x2800  }
0x132: {  	[sflag:s5] =	ssyncset.done $0x0;
	s26 =	sld [smem:$0x7ED]  }
0x133: {  	s9 =	simm.s32 $0x7D80;
	s20 =	sld [smem:$0x7EC];
	[sflag:s5] =	ssyncadd.s32 $0xFFFFD800  }
0x134: {  	[spmem:s0] =	stream.indirect.scatter.add.f32 [tilespmem:s6], [sflag:$0x6], $0x80, s9, s11, $0xb8;
	[tilespmem:$0x1BE00] =	vst v63  }
0x135: {  	s9 =	simm.s32 $0x7980;
	s26 =	sadd.s32 s25, s26  }
0x136: {  	[tilespmem:s9], [sflag:$0xA] =	stream.linear.gather [hbm4b:s26+s1], $0x50, $0x38;
	[tilespmem:$0x1BE00] =	vst v63  }
0x137: {  	s14 =	simm.s32 $0x7C80;
	p0 =	seq.s32 s25, $0x0;
	s26 =	sadd.s32 s25, s20  }
0x138: {  	[tilespmem:s14], [sflag:$0xA] =	stream.linear.gather [hbm4b:s26+s1], $0x50, $0x38;
	[tilespmem:$0x1BE00] =	vst v63  }
0x139: {  	s26 =	simm.s32 @!p0 $0x5  }
0x13a: {  	_ =	swait.ge @!p0 [sflag:s26], $0x2800  }
0x13b: {  	[sflag:s26] =	ssyncset.done @!p0 $0x0  }
0x13c: {  	[sflag:s26] =	ssyncadd.s32 @!p0 $0xFFFFD800  }
0x13d: {  	_ =	swait.ge [sflag:s15], $0x50  }
0x13e: {  	[sflag:s15] =	ssyncset.done $0x0  }
0x13f: {  	[sflag:s15] =	ssyncadd.s32 $0xFFFFFFB0  }
0x140: {  	_ =	swait.ge [sflag:s15], $0x50  }
0x141: {  	[sflag:s15] =	ssyncset.done $0x0  }
0x142: {  	[sflag:s15] =	ssyncadd.s32 $0xFFFFFFB0  }
0x143: {  	[tilespmem:s16], [sflag:$0x2] =	stream.indirect.gather [hbm4b:s3+s11], $0x80, s2, s11, $0xb8;
	[tilespmem:$0x1BE00] =	vst v63  }
0x144: {  	_ =	swait.ge [sflag:s12], $0x2800  }
0x145: {  	[sflag:s12] =	ssyncset.done $0x0;
	s28 =	sld [smem:$0x7EB]  }
0x146: {  	s20 =	simm.s32 $0x7B00;
	[sflag:s12] =	ssyncadd.s32 $0xFFFFD800  }
0x147: {  	[spmem:s0] =	stream.indirect.scatter.add.f32 [tilespmem:s1], [sflag:$0x4], $0x80, s20, s11, $0xb8;
	[tilespmem:$0x1BE00] =	vst v63  }
0x148: {  	s29 =	rddreg [dreg:$0x1d];
	s20 =	simm.s32 $0x7A00;
	s26 =	sadd.s32 s25, s28  }
0x149: {  	[tilespmem:s20], [sflag:$0xB] =	stream.linear.gather [hbm4b:s26+s1], $0x50, $0x38;
	[tilespmem:$0x1BE00] =	vst v63  }
0x14a: {  	s26 =	sadd.s32 s25, s29  }
0x14b: {  	[tilespmem:s31], [sflag:$0xB] =	stream.linear.gather [hbm4b:s26+s1], $0x50, $0x38;
	[tilespmem:$0x1BE00] =	vst v63  }
0x14c: {  	_ =	swait.ge [sflag:s22], $0x2800  }
0x14d: {  	[sflag:s22] =	ssyncset.done $0x0  }
0x14e: {  	[sflag:s22] =	ssyncadd.s32 $0xFFFFD800  }
0x14f: {  	_ =	swait.ge [sflag:s4], $0x50  }
0x150: {  	[sflag:s4] =	ssyncset.done $0x0  }
0x151: {  	[sflag:s4] =	ssyncadd.s32 $0xFFFFFFB0  }
0x152: {  	_ =	swait.ge [sflag:s4], $0x50  }
0x153: {  	[sflag:s4] =	ssyncset.done $0x0  }
0x154: {  	[sflag:s4] =	ssyncadd.s32 $0xFFFFFFB0  }
0x155: {  	[tilespmem:s6], [sflag:$0x3] =	stream.indirect.gather [hbm4b:s3+s11], $0x80, s19, s11, $0xb8;
	[tilespmem:$0x1BE00] =	vst v63  }
0x156: {  	_ =	swait.ge [sflag:s17], $0x2800  }
0x157: {  	[sflag:s17] =	ssyncset.done $0x0  }
0x158: {  	p0 =	seq.s32 s25, $0x474;
	s26 =	rddreg [dreg:$0x1c];
	[sflag:s17] =	ssyncadd.s32 $0xFFFFD800  }
0x159: {  	[spmem:s0] =	stream.indirect.scatter.add.f32 [tilespmem:s16], [sflag:$0x5], $0x80, s18, s11, $0xb8;
	[tilespmem:$0x1BE00] =	vst v63  }
0x15a: {  	s28 =	simm.s32 @!p0 $0x0;
	s29 =	simm.s32 @!p0 $0x7A80;
	s26 =	sadd.s32 @!p0 s25, s26  }
0x15b: {  	[tilespmem:s29], [sflag:$0xC] =	stream.linear.gather @!p0 [hbm4b:s26+s28], $0x50, $0x38;
	[tilespmem:$0x1BE00] =	vst v63  }
0x15c: {  	s26 =	rddreg [dreg:$0x1b]  }
0x15d: {  	s29 =	simm.s32 @!p0 $0x7D80;
	s26 =	sadd.s32 @!p0 s25, s26  }
0x15e: {  	[tilespmem:s29], [sflag:$0xC] =	stream.linear.gather @!p0 [hbm4b:s26+s28], $0x50, $0x38;
	[tilespmem:$0x1BE00] =	vst v63  }
0x15f: {  	_ =	swait.ge [sflag:s23], $0x2800  }
0x160: {  	[sflag:s23] =	ssyncset.done $0x0  }
0x161: {  	[sflag:s23] =	ssyncadd.s32 $0xFFFFD800  }
0x162: {  	_ =	swait.ge [sflag:s13], $0x50  }
0x163: {  	[sflag:s13] =	ssyncset.done $0x0  }
0x164: {  	[sflag:s13] =	ssyncadd.s32 $0xFFFFFFB0  }
0x165: {  	_ =	swait.ge [sflag:s13], $0x50  }
0x166: {  	[sflag:s13] =	ssyncset.done $0x0  }
0x167: {  	[sflag:s13] =	ssyncadd.s32 $0xFFFFFFB0  }
0x168: {  	[tilespmem:s1], [sflag:$0x1] =	stream.indirect.gather [hbm4b:s3+s11], $0x80, s9, s11, $0xb8;
	[tilespmem:$0x1BE00] =	vst v63  }
0x169: {  	_ =	swait.ge [sflag:s5], $0x2800  }
0x16a: {  	[sflag:s5] =	ssyncset.done $0x0  }
0x16b: {  	s26 =	rddreg [dreg:$0x1a];
	[sflag:s5] =	ssyncadd.s32 $0xFFFFD800  }
0x16c: {  	[spmem:s0] =	stream.indirect.scatter.add.f32 [tilespmem:s6], [sflag:$0x6], $0x80, s8, s11, $0xb8;
	[tilespmem:$0x1BE00] =	vst v63  }
0x16d: {  	s29 =	simm.s32 @!p0 $0x7800;
	s26 =	sadd.s32 @!p0 s25, s26  }
0x16e: {  	[tilespmem:s29], [sflag:$0x7] =	stream.linear.gather @!p0 [hbm4b:s26+s28], $0x50, $0x38;
	[tilespmem:$0x1BE00] =	vst v63  }
0x16f: {  	s26 =	rddreg [dreg:$0x19]  }
0x170: {  	s29 =	simm.s32 @!p0 $0x7B00;
	s26 =	sadd.s32 @!p0 s25, s26  }
0x171: {  	[tilespmem:s29], [sflag:$0x7] =	stream.linear.gather @!p0 [hbm4b:s26+s28], $0x50, $0x38;
	[tilespmem:$0x1BE00] =	vst v63  }
0x172: {  	_ =	swait.ge [sflag:s24], $0x2800  }
0x173: {  	[sflag:s24] =	ssyncset.done $0x0  }
0x174: {  	[sflag:s24] =	ssyncadd.s32 $0xFFFFD800  }
0x175: {  	_ =	swait.ge [sflag:s21], $0x50  }
0x176: {  	[sflag:s21] =	ssyncset.done $0x0  }
0x177: {  	[sflag:s21] =	ssyncadd.s32 $0xFFFFFFB0  }
0x178: {  	_ =	swait.ge [sflag:s21], $0x50  }
0x179: {  	[sflag:s21] =	ssyncset.done $0x0  }
0x17a: {  	[sflag:s21] =	ssyncadd.s32 $0xFFFFFFB0  }
0x17b: {  	[tilespmem:s16], [sflag:$0x2] =	stream.indirect.gather [hbm4b:s3+s11], $0x80, s20, s11, $0xb8;
	[tilespmem:$0x1BE00] =	vst v63  }
0x17c: {  	_ =	swait.ge [sflag:s12], $0x2800  }
0x17d: {  	[sflag:s12] =	ssyncset.done $0x0  }
0x17e: {  	p1 =	sne.s32 s25, $0x474;
	s26 =	rddreg [dreg:$0x18];
	[sflag:s12] =	ssyncadd.s32 $0xFFFFD800  }
0x17f: {  	[spmem:s0] =	stream.indirect.scatter.add.f32 [tilespmem:s1], [sflag:$0x4], $0x80, s14, s11, $0xb8;
	[tilespmem:$0x1BE00] =	vst v63  }
0x180: {  	s28 =	simm.s32 @p1 $0x0;
	s29 =	simm.s32 @p1 $0x7880;
	s26 =	sadd.s32 @p1 s25, s26  }
0x181: {  	[tilespmem:s29], [sflag:$0x8] =	stream.linear.gather @p1 [hbm4b:s26+s28], $0x50, $0x38;
	[tilespmem:$0x1BE00] =	vst v63  }
0x182: {  	s26 =	rddreg [dreg:$0x17]  }
0x183: {  	s29 =	simm.s32 @p1 $0x7B80;
	s26 =	sadd.s32 @p1 s25, s26  }
0x184: {  	[tilespmem:s29], [sflag:$0x8] =	stream.linear.gather @p1 [hbm4b:s26+s28], $0x50, $0x38;
	[tilespmem:$0x1BE00] =	vst v63  }
0x185: {  	s26 =	simm.s32 @p1 $0x6  }
0x186: {  	_ =	swait.ge @p1 [sflag:s26], $0x2800  }
0x187: {  	[sflag:s26] =	ssyncset.done @p1 $0x0  }
0x188: {  	[sflag:s26] =	ssyncadd.s32 @p1 $0xFFFFD800;
	s26 =	simm.s32 @p1 $0xC  }
0x189: {  	_ =	swait.ge @p1 [sflag:s26], $0x50  }
0x18a: {  	[sflag:s26] =	ssyncset.done @p1 $0x0  }
0x18b: {  	[sflag:s26] =	ssyncadd.s32 @p1 $0xFFFFFFB0  }
0x18c: {  	_ =	swait.ge @p1 [sflag:s26], $0x50  }
0x18d: {  	s28 =	simm.s32 @p1 $0x7A80;
	[sflag:s26] =	ssyncset.done @p1 $0x0  }
0x18e: {  	s29 =	simm.s32 @p1 $0x5000;
	[sflag:s26] =	ssyncadd.s32 @p1 $0xFFFFFFB0;
	s26 =	simm.s32 @p1 $0x50  }
0x18f: {  	[tilespmem:s29], [sflag:$0x3] =	stream.indirect.gather @p1 [hbm4b:s3+s26], $0x80, s28, s26, $0xb8;
	[tilespmem:$0x1BE00] =	vst v63  }
0x190: {  	s26 =	simm.s32 @!p1 $0x6  }
0x191: {  	_ =	swait.ge @!p1 [sflag:s26], $0x2800  }
0x192: {  	[sflag:s26] =	ssyncset.done @!p1 $0x0  }
.Ltmp2:
0x193: {  	[sflag:s26] =	ssyncadd.s32 @!p1 $0xFFFFD800;
	(pc) =	sbr.rel @p0 .LBB2_4-.Ltmp2, $4  }
0x194: {  	_ =	swait.ge [sflag:s17], $0x2800  }
0x195: {  	[sflag:s17] =	ssyncset.done $0x0  }
0x196: {  	s19 =	simm.s32 $0x7900;
	[sflag:s17] =	ssyncadd.s32 $0xFFFFD800  }
0x197: {  	[spmem:s0] =	stream.indirect.scatter.add.f32 [tilespmem:s16], [sflag:$0x5], $0x80, s31, s11, $0xb8;
	[tilespmem:$0x1BE00] =	vst v63  }
0x198: {  	s26 =	rddreg [dreg:$0x16]  }
0x199: {  	s29 =	rddreg [dreg:$0x15];
	s26 =	sadd.s32 s25, s26  }
0x19a: {  	[tilespmem:s19], [sflag:$0x9] =	stream.linear.gather [hbm4b:s26+s1], $0x50, $0x38;
	[tilespmem:$0x1BE00] =	vst v63  }
0x19b: {  	s26 =	sadd.s32 s25, s29  }
0x19c: {  	[tilespmem:s8], [sflag:$0x9] =	stream.linear.gather [hbm4b:s26+s1], $0x50, $0x38;
	[tilespmem:$0x1BE00] =	vst v63  }
0x19d: {  	_ =	swait.ge [sflag:s23], $0x2800  }
0x19e: {  	[sflag:s23] =	ssyncset.done $0x0  }
0x19f: {  	[sflag:s23] =	ssyncadd.s32 $0xFFFFD800  }
0x1a0: {  	_ =	swait.ge [sflag:s10], $0x50  }
0x1a1: {  	[sflag:s10] =	ssyncset.done $0x0  }
.Ltmp3:
0x1a2: {  	[sflag:s10] =	ssyncadd.s32 $0xFFFFFFB0;
	(pc) =	sbr.rel .LBB2_2-.Ltmp3, $4  }
0x1a3: {  	_ =	swait.ge [sflag:s10], $0x50  }
0x1a4: {  	[sflag:s10] =	ssyncset.done $0x0  }
0x1a5: {  	s25 =	sadd.s32 $0x3C, s25;
	s19 =	simm.s32 $0x7900;
	[sflag:s10] =	ssyncadd.s32 $0xFFFFFFB0  }
0x1a6: {  	[tilespmem:s1], [sflag:$0x1] =	stream.indirect.gather [hbm4b:s3+s11], $0x80, s30, s11, $0xb8;
	[tilespmem:$0x1BE00] =	vst v63  }
.LBB2_5:
0x1a7: {  	_ =	sfence.sel $0x180000  }
0x1a8: {  	[bflag:$0x0] =	sbarrier.arrive $0xFFFF  }
0x1a9: {  	_ =	strace $0x90000050  }
0x1aa: {  	s0 =	stileid.u32;
	[bflag:$0x2] =	sbarrier.arrive $0xFFFF  }
0x1ab: {  	p0 =	sne.s32 s0, $0x0;
	s0 =	rddreg [dreg:$0x2]  }
0x1ac: {  	s0 =	sadd.s32 @!p0 $0x100000, s0  }
0x1ad: {  	[sflag:s0] =	ssyncadd.tile.s32 @!p0 $0x1;
	_ =	shalt  }
.Lfunc_end2:
_tile_overlayer_lowered:
.L_overlay_start_2:
0x1ae: {  	(tag) =	ssettag $0x2  }
0x1af: {  	s0 =	rddreg [dreg:$0x0];
	s2 =	stileid.u32  }
0x1b0: {  	s1 =	rddreg [dreg:$0x1];
	p0 =	sne.s32 s2, $0x0  }
0x1b1: {  	s3 =	rddreg [dreg:$0x2];
	[bflag:$0x3] =	sbarrier.arrive $0xFFFF;
	s2 =	simm.s32 @!p0 $0x1C0D  }
0x1b2: {  	[timem:s3], [sflag:s2] =	dma.local @!p0 [hbm:s0], s1  }
0x1b3: {  	s0 =	simm.s32 @!p0 $0xD  }
0x1b4: {  	_ =	swait.ge @!p0 [sflag:s0], s1  }
0x1b5: {  	s1 =	ssub.s32 @!p0 $0x0, s1;
	[sflag:s0] =	ssyncset.done @!p0 $0x0  }
0x1b6: {  	[sflag:s0] =	ssyncadd.s32 @!p0 s1  }
0x1b7: {  	[bflag:$0x3] =	sbarrier.arrive $0xFFFF  }
0x1b8: {  	_ =	shalt  }

// kernel: kernel.8.cloned.1.call-start
scs
__scs_entry_jumppad:
0x0: {  	(pc) =	sbr.rel $0x88, $3  }
0x1: {  	(tag) =	ssettag $0x0;
	lr =	simm.s32 $0x1  }
0x2: {  	[smem:$0x3F98] =	sst lr;
	_ =	strace $0xD0000000  }
0x3: {  	_ = 	snop  }
0x4: {  	_ = 	snop  }
0x5: {  	_ = 	snop  }
0x6: {  	_ = 	snop  }
0x7: {  	_ = 	snop  }
__scs_overlays_trampoline_lowered:
0x8: {  	[smem:$0x3FA7] =	sst s0  }
0x9: {  	[smem:$0x3FA8] =	sst s1  }
0xa: {  	[smem:$0x3FA9] =	sst s2  }
0xb: {  	[smem:$0x3FAA] =	sst s3  }
0xc: {  	[smem:$0x3FAB] =	sst s4  }
0xd: {  	[smem:$0x3FAC] =	sst s5  }
0xe: {  	[smem:$0x3FAD] =	sst s6  }
0xf: {  	[smem:$0x3FAE] =	sst s7  }
0x10: {  	[smem:$0x3FAF] =	sst s8  }
0x11: {  	[smem:$0x3FB0] =	sst s9;
	s0 =	simm.s32 @!p0 $0x0  }
0x12: {  	s1 =	sld [smem:$0x3F96];
	s0 =	simm.s32 @p0 $0x1  }
0x13: {  	[smem:$0x3FB1] =	sst s0;
	s0 =	simm.s32 @!p1 $0x0  }
0x14: {  	s2 =	sld [smem:$0x3F95];
	s0 =	simm.s32 @p1 $0x1  }
0x15: {  	[smem:$0x3FB2] =	sst s0;
	s0 =	simm.s32 @!p2 $0x0  }
0x16: {  	s3 =	sld [smem:$0x3FDB];
	s0 =	simm.s32 @p2 $0x1  }
0x17: {  	s4 =	simm.s32 $0x1BF5;
	[smem:$0x3FB4] =	sst s0  }
0x18: {  	s0 =	sld [smem:$0x3F97];
	_ =	swait.ge [sflag:s4], $0x0  }
0x19: {  	s7 =	sld [smem:$0x3F98]  }
0x1a: {  	s8 =	sadd.s32 $0xFFFFE003, lr  }
0x1b: {  	s9 =	sadd.s32 $0xFFFFFEF7, lr;
	s5 =	simm.s32 $0xFFFFFFFF;
	p2 =	slt.u32 s8, $0xFFFFF086  }
0x1c: {  	p1 =	slt.u32 s9, $0xF7A;
	s5 =	simm.s32 @!p2 $0x0  }
0x1d: {  	s5 =	simm.s32 @p1 $0x1;
	p0 =	seq.s32 s7, s2  }
0x1e: {  	s7 =	smul.u32 @!p0 $0xF7A, s2;
	p2 =	seq.s32 @!p0 s5, $0x0  }
0x1f: {  	s9 =	smul.u32 $0xF7A, s1;
	s8 =	simm.s32 @!p0 $0x1BF5;
	p2 =	por !p2, p0  }
0x20: {  	[sflag:s8] =	ssyncset.s32 @!p0 $0xFFFFF086;
	s6 =	sadd.s32 @!p0 s3, s7;
	s7 =	simm.s32 @!p0 $0x108  }
0x21: {  	s3 =	sadd.s32 s3, s9;
	s6 =	sadd.s32 @!p0 $0x88, s6;
	s7 =	simm.s32 @p2 $0x1082  }
0x22: {  	[simem:s7], [sflag:s8] =	dma.local @!p0 [hbm:s6], $0xF7A  }
0x23: {  	s9 =	sor.u32 $0xD0000000, s2;
	s6 =	simm.s32 $0x108;
	_ =	swait.ge @!p0 [sflag:s8], $0x0  }
0x24: {  	s3 =	sadd.s32 $0x88, s3;
	s6 =	simm.s32 @!p1 $0x1082;
	[sflag:s4] =	ssyncset.s32 $0xFFFFF086  }
0x25: {  	[simem:s6], [sflag:s4] =	dma.local [hbm:s3], $0xF7A  }
0x26: {  	[smem:$0x3F98] =	sst s1;
	(tag) =	ssettag s2;
	_ =	strace s9  }
0x27: {  	s1 =	sld [smem:$0x3FA8]  }
0x28: {  	s2 =	sld [smem:$0x3FA9]  }
0x29: {  	s4 =	sld [smem:$0x3FAB]  }
0x2a: {  	p0 =	seq.s32 s5, $0x0;
	s5 =	sld [smem:$0x3FAC]  }
0x2b: {  	s6 =	sld [smem:$0x3FAD]  }
0x2c: {  	s7 =	sld [smem:$0x3FAE]  }
0x2d: {  	s3 =	simm.s32 $0x108;
	s8 =	sld [smem:$0x3FAF]  }
0x2e: {  	s3 =	simm.s32 @!p0 $0x1082;
	s9 =	sld [smem:$0x3FB0]  }
0x2f: {  	lr =	sadd.s32 s0, s3;
	s0 =	sld [smem:$0x3FA7]  }
0x30: {  	s3 =	sld [smem:$0x3FAA]  }
0x31: {  	[smem:$0x3FB3] =	sst s10  }
0x32: {  	s10 =	sld [smem:$0x3FB1];
	_ =	sdelay $0x3  }
0x33: {  	p0 =	seq.s32 s10, $0x1;
	s10 =	sld [smem:$0x3FB3];
	_ =	sdelay $0x3  }
0x34: {  	[smem:$0x3FB3] =	sst s10  }
0x35: {  	s10 =	sld [smem:$0x3FB2];
	_ =	sdelay $0x3  }
0x36: {  	p1 =	seq.s32 s10, $0x1;
	s10 =	sld [smem:$0x3FB3];
	_ =	sdelay $0x3  }
0x37: {  	[smem:$0x3FB3] =	sst s10  }
0x38: {  	s10 =	sld [smem:$0x3FB4]  }
0x39: {  	_ = 	snop;
	(pc) =	sbr.ind lr, $3  }
0x3a: {  	_ = 	snop  }
0x3b: {  	_ = 	snop  }
0x3c: {  	p2 =	seq.s32 s10, $0x1;
	s10 =	sld [smem:$0x3FB3]  }
0x3d: {  	_ =	shalt  }
0x3e: {  	_ =	shalt  }
0x3f: {  	_ =	shalt  }
0x40: {  	_ =	shalt  }
0x41: {  	_ =	shalt  }
0x42: {  	_ =	shalt  }
0x43: {  	_ =	shalt  }
0x44: {  	_ =	shalt  }
0x45: {  	_ =	shalt  }
0x46: {  	_ =	shalt  }
0x47: {  	_ =	shalt  }
0x48: {  	_ =	shalt  }
0x49: {  	_ =	shalt  }
0x4a: {  	_ =	shalt  }
0x4b: {  	_ =	shalt  }
0x4c: {  	_ =	shalt  }
0x4d: {  	_ =	shalt  }
0x4e: {  	_ =	shalt  }
0x4f: {  	_ =	shalt  }
0x50: {  	_ =	shalt  }
0x51: {  	_ =	shalt  }
0x52: {  	_ =	shalt  }
0x53: {  	_ =	shalt  }
0x54: {  	_ =	shalt  }
0x55: {  	_ =	shalt  }
0x56: {  	_ =	shalt  }
0x57: {  	_ =	shalt  }
0x58: {  	_ =	shalt  }
0x59: {  	_ =	shalt  }
0x5a: {  	_ =	shalt  }
0x5b: {  	_ =	shalt  }
0x5c: {  	_ =	shalt  }
0x5d: {  	_ =	shalt  }
0x5e: {  	_ =	shalt  }
0x5f: {  	_ =	shalt  }
0x60: {  	_ =	shalt  }
0x61: {  	_ =	shalt  }
0x62: {  	_ =	shalt  }
0x63: {  	_ =	shalt  }
0x64: {  	_ =	shalt  }
0x65: {  	_ =	shalt  }
0x66: {  	_ =	shalt  }
0x67: {  	_ =	shalt  }
0x68: {  	_ =	shalt  }
0x69: {  	_ =	shalt  }
0x6a: {  	_ =	shalt  }
0x6b: {  	_ =	shalt  }
0x6c: {  	_ =	shalt  }
0x6d: {  	_ =	shalt  }
0x6e: {  	_ =	shalt  }
0x6f: {  	_ =	shalt  }
0x70: {  	_ =	shalt  }
0x71: {  	_ =	shalt  }
0x72: {  	_ =	shalt  }
0x73: {  	_ =	shalt  }
0x74: {  	_ =	shalt  }
0x75: {  	_ =	shalt  }
0x76: {  	_ =	shalt  }
0x77: {  	_ =	shalt  }
0x78: {  	_ =	shalt  }
0x79: {  	_ =	shalt  }
0x7a: {  	_ =	shalt  }
0x7b: {  	_ =	shalt  }
0x7c: {  	_ =	shalt  }
0x7d: {  	_ =	shalt  }
0x7e: {  	_ =	shalt  }
0x7f: {  	_ =	shalt  }
0x80: {  	_ =	shalt  }
0x81: {  	_ =	shalt  }
0x82: {  	_ =	shalt  }
0x83: {  	_ =	shalt  }
0x84: {  	_ =	shalt  }
0x85: {  	_ =	shalt  }
0x86: {  	_ =	shalt  }
0x87: {  	_ =	shalt  }
.Lfunc_end0:
.L_simem_size_0:
called_computation_lowered:
.L_overlay_start_0:
0x88: {  	s2 =	sld [smem:$0x3FD9]  }
0x89: {  	s3 =	sld [smem:$0x3FFE];
	_ =	sdelay $0x1  }
0x8a: {  	s1 =	srdreg.scid  }
0x8b: {  	s0 =	sand.u32 $0x1, s1  }
0x8c: {  	s17 =	sshll.u32 s0, $0xA;
	s2 =	sadd.s32 s3, s2  }
0x8d: {  	s2 =	sadd.s32 s2, s17  }
0x8e: {  	[smem:$0x3FBF] =	sst s2  }
0x8f: {  	_ = 	snop  }
0x90: {  	(tm) =	ssettm $0x1  }
0x91: {  	s18 =	sld [smem:$0x3FFB];
	_ =	sdelay $0x3  }
0x92: {  	_ =	strace s18  }
0x93: {  	s2 =	sld [smem:$0x3FFC];
	_ =	sdelay $0x3  }
0x94: {  	_ =	strace s2  }
0x95: {  	s2 =	sld [smem:$0x3FFD];
	_ =	sdelay $0x3  }
0x96: {  	_ =	strace s2  }
0x97: {  	_ =	strace $0x8FFFFFFF  }
0x98: {  	s19 =	sld [smem:$0x3FDB];
	_ =	sdelay $0x1  }
0x99: {  	s20 =	simm.s32 $_scs_section_size  }
0x9a: {  	s4 =	simm.s32 $_size__tile_overlayer_lowered;
	s5 =	simm.s32 $_tile_overlayer_lowered  }
0x9b: {  	s6 =	simm.s32 $0x1BFF;
	s21 =	sshll.u32 s5, $0x1;
	s3 =	sadd.s32 s20, s19  }
0x9c: {  	s22 =	simm.s32 $0x0;
	s4 =	sshll.u32 s4, $0x1;
	s5 =	sadd.s32 s21, s3  }
0x9d: {  	[timem:s22], [sflag:s6] =	dma.local [hbm:s5], s4  }
0x9e: {  	_ =	swait.ge [sflag:s6], s4  }
0x9f: {  	s4 =	ssub.s32 $0x0, s4;
	[sflag:s6] =	ssyncset.done $0x0  }
0xa0: {  	[sflag:s6] =	ssyncadd.s32 s4;
	_ =	sdelay $0x1  }
0xa1: {  	s23 =	simm.s32 $0x1B8B  }
0xa2: {  	_ =	swait.ge [sflag:s23], $0x1  }
0xa3: {  	[sflag:s23] =	ssyncset.done $0x0  }
0xa4: {  	[sflag:s23] =	ssyncadd.s32 $0xFFFFFFFF  }
0xa5: {  	s4 =	sld [smem:$0x0]  }
0xa6: {  	s5 =	sand.u32 $0xFFFFFFFE, s1  }
0xa7: {  	p0 =	sne.s32 s1, s5  }
0xa8: {  	s5 =	sshll.u32 @p0 s5, $0xE  }
0xa9: {  	s5 =	sadd.s32 @p0 $0x11B8D, s5;
	s6 =	sshll.u32 @p0 s4, $0x11  }
0xaa: {  	s5 =	sor.u32 @p0 s6, s5  }
0xab: {  	[sflag:s5] =	ssyncadd.remote.s32 @p0 $0x1;
	_ =	sdelay $0x1  }
0xac: {  	s5 =	simm.s32 @p0 $0x1B8D  }
0xad: {  	_ =	swait.eq @p0 [sflag:s5], $0x1  }
0xae: {  	[sflag:s5] =	ssyncadd.s32 @p0 $0xFFFFFFFF  }
0xaf: {  	s6 =	sshll.u32 @!p0 s1, $0xE  }
0xb0: {  	s6 =	sor.u32 @!p0 $0x4000, s6;
	s5 =	simm.s32 @!p0 $0x1B8D  }
0xb1: {  	s4 =	sshll.u32 @!p0 s4, $0x11;
	s6 =	sadd.s32 @!p0 $0x11B8D, s6;
	_ =	swait.eq @!p0 [sflag:s5], $0x1  }
0xb2: {  	s4 =	sor.u32 @!p0 s4, s6;
	[sflag:s5] =	ssyncadd.s32 @!p0 $0xFFFFFFFF  }
0xb3: {  	s25 =	simm.s32 $0x1B8E;
	s24 =	sld [smem:$0x3FFE];
	[sflag:s4] =	ssyncadd.remote.s32 @!p0 $0x1  }
0xb4: {  	s26 =	simm.s32 $execute0_lowered;
	[smem:$0x3FD2] =	sst s25  }
0xb5: {  	s5 =	sshll.u32 s26, $0x1;
	_ =	strace $0x80000049;
	[dreg:$0x1] =	wrdreg $0xFFFFFFFF  }
0xb6: {  	s28 =	simm.s32 $_size_execute0_lowered;
	s3 =	sadd.s32 s3, s5;
	[dreg:$0x0] =	wrdreg $0x0  }
0xb7: {  	s5 =	sshll.u32 s28, $0x1;
	[dreg:$0x2] =	wrdreg s3  }
0xb8: {  	[dreg:$0x3] =	wrdreg s5  }
0xb9: {  	[dreg:$0x4] =	wrdreg $0xC0  }
0xba: {  	_ =	task [dreg:s22], $0x5FFFF  }
0xbb: {  	[dreg:$0x1] =	wrdreg $0xFFFFFFFF  }
0xbc: {  	[dreg:$0x0] =	wrdreg $0x60  }
0xbd: {  	[dreg:$0x2] =	wrdreg s24  }
0xbe: {  	[dreg:$0x3] =	wrdreg $0x7B000  }
0xbf: {  	[dreg:$0x4] =	wrdreg $0x9  }
0xc0: {  	_ =	task.clear_ibuf [dreg:s22], $0x5FFFF;
	_ =	strace $0x90000049  }
0xc1: {  	s29 =	simm.s32 $0x9;
	_ =	strace $0x8000004B  }
0xc2: {  	_ =	swait.ge [sflag:s29], $0x1  }
0xc3: {  	[sflag:s29] =	ssyncadd.s32 $0xFFFFFFFF  }
0xc4: {  	_ =	strace $0x9000004B  }
0xc5: {  	_ =	sfence  }
0xc6: {  	s30 =	sld [smem:$0x0];
	_ =	sdelay $0x2  }
0xc7: {  	s31 =	sshll.u32 s1, $0xD;
	s1 =	sshrl.u32 s1, $0x2  }
0xc8: {  	s4 =	sand.u32 $0x4000, s31;
	s1 =	sadd.s32 s1, s30  }
0xc9: {  	s0 =	sor.u32 s4, s0;
	s1 =	sshll.u32 s1, $0x11  }
0xca: {  	s0 =	sor.u32 s1, s0  }
0xcb: {  	s0 =	sadd.s32 $0x8F2B, s0  }
0xcc: {  	[sflag:s0] =	ssyncadd.remote.s32 $0x1  }
0xcd: {  	_ =	sfence.sel $0xFFFF  }
0xce: {  	[dreg:$0x0] =	wrdreg $0xFFFFFFFF;
	(pc) =	sbr.abs _section_cstart, $3  }
0xcf: {  	[dreg:$0x1] =	wrdreg $0xFFFFFFFF  }
0xd0: {  	_ =	task.clear_ibuf [dreg:s22], $0x2FFFF;
	_ =	strace $0x9FFFFFFF  }
0xd1: {  	(tm) =	ssettm $0x7FFFFFFF  }
tec
execute0_lowered:
.L_overlay_start_1:
0x0: {  	(tag) =	ssettag $0x1  }
0x1: {  	s11 =	stileid.u32  }
0x2: {  	s0 =	srdreg.scid;
	s1 =	simm.s32 $0x0;
	s2 =	smul.u32 $0x280, s11  }
0x3: {  	s5 =	sand.u32 $0x1, s0;
	s0 =	rddreg [dreg:$0x0];
	s19 =	smul.u32 $0x2710, s11  }
0x4: {  	[smem:$0x7FF] =	sst s1;
	s4 =	smul.u32 $0x2800, s5  }
0x5: {  	s3 =	sshll.u32 s5, $0x4;
	s7 =	sadd.s32 $0x8F000, s0;
	s17 =	smul.u32 $0x271000, s5  }
0x6: {  	s20 =	ssub.s32 $0x2, s5;
	s5 =	smul.u32 $0x27100, s5;
	s6 =	sor.u32 s11, s3  }
0x7: {  	s3 =	sadd.s32 $0x2E00, s0;
	s9 =	sshrl.u32 s20, $0x1;
	s8 =	smul.u32 $0x2710, s6  }
0x8: {  	s4 =	sadd.s32 s4, s2;
	s6 =	smul.u32 $0x27100, s6;
	s2 =	ssub.s32 s20, s9  }
0x9: {  	s5 =	sadd.s32 s19, s5;
	s10 =	sshrl.u32 s8, $0x3;
	s21 =	sadd.s32 $0x50, s8  }
0xa: {  	s6 =	sadd.s32 s7, s6;
	s24 =	sadd.s32 $0xA0, s8;
	s26 =	sadd.s32 $0xF0, s8  }
0xb: {  	s15 =	sadd.s32 $0x190, s8;
	s12 =	sadd.s32 s3, s10;
	[dreg:$0x4] =	wrdreg s6  }
0xc: {  	s22 =	sshrl.u32 s21, $0x3;
	s9 =	sshll.u32 s21, $0x4;
	s25 =	sshrl.u32 s24, $0x3  }
0xd: {  	s30 =	sshrl.u32 s26, $0x3;
	s10 =	sadd.s32 $0x140, s8;
	s16 =	sshrl.u32 s15, $0x3  }
0xe: {  	s8 =	sadd.s32 $0x1E0, s8;
	s21 =	smul.u32 $0x27100, s11;
	s6 =	sadd.s32 s3, s22  }
0xf: {  	s23 =	sadd.s32 s7, s9;
	s9 =	sadd.s32 s3, s25;
	s13 =	sshrl.u32 s10, $0x3  }
0x10: {  	s18 =	sshrl.u32 s8, $0x3;
	s20 =	sshll.u32 s8, $0x4;
	[dreg:$0x5] =	wrdreg s6  }
0x11: {  	s22 =	sadd.s32 s17, s7;
	[dreg:$0x6] =	wrdreg s23;
	s6 =	sshll.u32 s24, $0x4  }
0x12: {  	s25 =	sadd.s32 $0x320, s5;
	[dreg:$0x7] =	wrdreg s9;
	s6 =	sadd.s32 s7, s6  }
0x13: {  	s9 =	sshll.u32 s26, $0x4;
	[dreg:$0x8] =	wrdreg s6;
	s6 =	sadd.s32 s3, s30  }
0x14: {  	s8 =	sadd.s32 $0x460, s5;
	[dreg:$0x9] =	wrdreg s6;
	s6 =	sadd.s32 s7, s9  }
0x15: {  	s9 =	sshll.u32 s10, $0x4;
	[dreg:$0xa] =	wrdreg s6;
	s6 =	sadd.s32 s3, s13  }
0x16: {  	s23 =	sadd.s32 $0x3C0, s5;
	s14 =	sadd.s32 s7, s9;
	[dreg:$0xb] =	wrdreg s6  }
0x17: {  	s24 =	sadd.s32 $0x370, s5;
	s9 =	sadd.s32 s3, s16;
	[dreg:$0xc] =	wrdreg s14  }
0x18: {  	[dreg:$0xd] =	wrdreg s9;
	s9 =	sadd.s32 s3, s18;
	s6 =	sshll.u32 s15, $0x4  }
0x19: {  	s30 =	sshrl.u32 s25, $0x3;
	[dreg:$0xe] =	wrdreg s9;
	s6 =	sadd.s32 s7, s6  }
0x1a: {  	s10 =	sshll.u32 s4, $0x4;
	[dreg:$0xf] =	wrdreg s6;
	s6 =	sadd.s32 s7, s20  }
0x1b: {  	s7 =	sshrl.u32 s24, $0x3;
	[dreg:$0x10] =	wrdreg s6;
	s6 =	sshrl.u32 s23, $0x3  }
0x1c: {  	s24 =	rddreg [dreg:$0x1];
	s26 =	sadd.s32 s7, s3;
	s6 =	sadd.s32 s6, s3  }
0x1d: {  	s7 =	sadd.s32 $0x410, s5;
	[dreg:$0x11] =	wrdreg s6;
	s6 =	sadd.s32 s30, s3  }
0x1e: {  	s5 =	sadd.s32 $0x2D0, s5;
	[dreg:$0x13] =	wrdreg s6;
	s6 =	sshrl.u32 s7, $0x3  }
0x1f: {  	[dreg:$0x12] =	wrdreg s26;
	s7 =	sshrl.u32 s8, $0x3;
	s6 =	sadd.s32 s6, s3  }
0x20: {  	s5 =	sshrl.u32 s5, $0x3;
	s9 =	sadd.s32 s7, s3;
	[dreg:$0x14] =	wrdreg s6  }
0x21: {  	s16 =	sadd.s32 s21, s22;
	s3 =	sadd.s32 s5, s3;
	[dreg:$0x15] =	wrdreg s9  }
0x22: {  	[dreg:$0x16] =	wrdreg s3;
	s3 =	sadd.s32 s10, s0;
	s0 =	sadd.s32 $0x3EA00, s0  }
0x23: {  	s21 =	smax.u32 s2, $0x1;
	_ =	strace $0x8000004A;
	[dreg:$0x17] =	wrdreg s0  }
0x24: {  	s13 =	smul.u32 $0x50000, s11;
	s26 =	sadd.s32 $0x46, s12;
	[dreg:$0x1e] =	wrdreg s21  }
0x25: {  	[smem:$0x7F5] =	sst s26  }
0x26: {  	s15 =	sshrl.u32 s13, $0x2;
	s30 =	sadd.s32 $0x50, s12;
	[dreg:$0x3] =	wrdreg s12  }
0x27: {  	s5 =	sadd.s32 s15, s24;
	[smem:$0x7F6] =	sst s30  }
0x28: {  	s9 =	sadd.s32 $0x2800, s5;
	[dreg:$0x1b] =	wrdreg s5  }
0x29: {  	s10 =	sadd.s32 $0x5000, s5;
	[smem:$0x7F7] =	sst s9  }
0x2a: {  	s28 =	simm.s32 $0x9;
	s11 =	sadd.s32 $0x7800, s5;
	[smem:$0x7F8] =	sst s10  }
0x2b: {  	s29 =	simm.s32 $0x5000;
	s13 =	sadd.s32 $0xC800, s5;
	[smem:$0x7F9] =	sst s11  }
0x2c: {  	s31 =	simm.s32 $0x3;
	s15 =	sadd.s32 $0xF000, s5;
	[smem:$0x7FB] =	sst s13  }
0x2d: {  	s4 =	simm.s32 $0xB;
	s14 =	sadd.s32 $0x571000, s3;
	[smem:$0x7FC] =	sst s15  }
0x2e: {  	s8 =	simm.s32 $0x5;
	s17 =	sadd.s32 $0x571500, s3;
	[dreg:$0x18] =	wrdreg s14  }
0x2f: {  	s7 =	simm.s32 $0x6;
	s18 =	sadd.s32 $0x571A00, s3;
	[dreg:$0x19] =	wrdreg s17  }
0x30: {  	s6 =	simm.s32 $0x4;
	s19 =	sadd.s32 $0x571F00, s3;
	[dreg:$0x1a] =	wrdreg s18  }
0x31: {  	s20 =	sadd.s32 $0x572400, s3;
	s22 =	sadd.s32 $0x572900, s3;
	[dreg:$0x1c] =	wrdreg s19  }
0x32: {  	s23 =	sadd.s32 $0x572E00, s3;
	s25 =	sadd.s32 $0x573300, s3;
	[dreg:$0x1d] =	wrdreg s20  }
0x33: {  	s12 =	sadd.s32 $0xA000, s5;
	s26 =	simm.s32 $0x7900;
	[dreg:$0x1f] =	wrdreg s22  }
.Ltmp0:
0x34: {  	s0 =	simm.s32 $0xA;
	[smem:$0x7F3] =	sst s23;
	(pc) =	sbr.rel .LBB2_1-.Ltmp0, $4  }
0x35: {  	s3 =	simm.s32 $0x0;
	[smem:$0x7F4] =	sst s25;
	s20 =	sadd.s32 $0x11800, s5  }
0x36: {  	s14 =	simm.s32 $0xD;
	s17 =	simm.s32 $0x7;
	s18 =	simm.s32 $0x1  }
0x37: {  	s19 =	simm.s32 $0x50;
	s22 =	simm.s32 $0x8;
	[smem:$0x7FA] =	sst s12  }
0x38: {  	s23 =	simm.s32 $0x2800;
	s25 =	simm.s32 $0x2;
	[smem:$0x7FD] =	sst s20  }
.LBB2_4:
0x39: {  	_ =	swait.ge [sflag:s6], $0x2800  }
0x3a: {  	[sflag:s6] =	ssyncset.done $0x0  }
0x3b: {  	[sflag:s6] =	ssyncadd.s32 $0xFFFFD800  }
0x3c: {  	_ =	swait.ge [sflag:s8], $0x2800  }
0x3d: {  	[sflag:s8] =	ssyncset.done $0x0  }
0x3e: {  	[sflag:s8] =	ssyncadd.s32 $0xFFFFD800  }
0x3f: {  	[bflag:$0x0] =	sbarrier.arrive $0xFFFF  }
0x40: {  	s5 =	rddreg [dreg:$0x1b]  }
0x41: {  	[tilespmem:s1], [sflag:$0xD] =	stream.linear.gather [spmem:s5], $0x2800, $0x38;
	[tilespmem:$0x1BB00] =	vst v63  }
0x42: {  	_ =	swait.ge [sflag:s14], $0x2800  }
0x43: {  	[sflag:s14] =	ssyncset.done $0x0  }
0x44: {  	s2 =	rddreg [dreg:$0x18];
	[sflag:s14] =	ssyncadd.s32 $0xFFFFD800  }
0x45: {  	[hbm4b:s2+s1] =	stream.linear.scatter [tilespmem:s1], [sflag:$0xD], $0x2800, $0x38;
	[tilespmem:$0x1BB00] =	vst v63  }
0x46: {  	_ =	swait.ge [sflag:s14], $0x2800  }
0x47: {  	s9 =	sld [smem:$0x7F7]  }
0x48: {  	[sflag:s14] =	ssyncset.done $0x0  }
0x49: {  	[sflag:s14] =	ssyncadd.s32 $0xFFFFD800  }
0x4a: {  	[tilespmem:s1], [sflag:$0xD] =	stream.linear.gather [spmem:s9], $0x2800, $0x38;
	[tilespmem:$0x1BB00] =	vst v63  }
0x4b: {  	_ =	swait.ge [sflag:s14], $0x2800  }
0x4c: {  	[sflag:s14] =	ssyncset.done $0x0  }
0x4d: {  	s11 =	rddreg [dreg:$0x19];
	[sflag:s14] =	ssyncadd.s32 $0xFFFFD800  }
0x4e: {  	[hbm4b:s11+s1] =	stream.linear.scatter [tilespmem:s1], [sflag:$0xD], $0x2800, $0x38;
	[tilespmem:$0x1BB00] =	vst v63  }
0x4f: {  	_ =	swait.ge [sflag:s14], $0x2800  }
0x50: {  	s10 =	sld [smem:$0x7F8]  }
0x51: {  	[sflag:s14] =	ssyncset.done $0x0  }
0x52: {  	[sflag:s14] =	ssyncadd.s32 $0xFFFFD800  }
0x53: {  	[tilespmem:s1], [sflag:$0xD] =	stream.linear.gather [spmem:s10], $0x2800, $0x38;
	[tilespmem:$0x1BB00] =	vst v63  }
0x54: {  	_ =	swait.ge [sflag:s14], $0x2800  }
0x55: {  	[sflag:s14] =	ssyncset.done $0x0  }
0x56: {  	s12 =	rddreg [dreg:$0x1a];
	[sflag:s14] =	ssyncadd.s32 $0xFFFFD800  }
0x57: {  	[hbm4b:s12+s1] =	stream.linear.scatter [tilespmem:s1], [sflag:$0xD], $0x2800, $0x38;
	[tilespmem:$0x1BB00] =	vst v63  }
0x58: {  	_ =	swait.ge [sflag:s14], $0x2800  }
0x59: {  	s11 =	sld [smem:$0x7F9]  }
0x5a: {  	[sflag:s14] =	ssyncset.done $0x0  }
0x5b: {  	[sflag:s14] =	ssyncadd.s32 $0xFFFFD800  }
0x5c: {  	[tilespmem:s1], [sflag:$0xD] =	stream.linear.gather [spmem:s11], $0x2800, $0x38;
	[tilespmem:$0x1BB00] =	vst v63  }
0x5d: {  	_ =	swait.ge [sflag:s14], $0x2800  }
0x5e: {  	[sflag:s14] =	ssyncset.done $0x0  }
0x5f: {  	s13 =	rddreg [dreg:$0x1c];
	[sflag:s14] =	ssyncadd.s32 $0xFFFFD800  }
0x60: {  	[hbm4b:s13+s1] =	stream.linear.scatter [tilespmem:s1], [sflag:$0xD], $0x2800, $0x38;
	[tilespmem:$0x1BB00] =	vst v63  }
0x61: {  	_ =	swait.ge [sflag:s14], $0x2800  }
0x62: {  	s12 =	sld [smem:$0x7FA]  }
0x63: {  	[sflag:s14] =	ssyncset.done $0x0  }
0x64: {  	[sflag:s14] =	ssyncadd.s32 $0xFFFFD800  }
0x65: {  	[tilespmem:s1], [sflag:$0xD] =	stream.linear.gather [spmem:s12], $0x2800, $0x38;
	[tilespmem:$0x1BB00] =	vst v63  }
0x66: {  	_ =	swait.ge [sflag:s14], $0x2800  }
0x67: {  	[sflag:s14] =	ssyncset.done $0x0  }
0x68: {  	s15 =	rddreg [dreg:$0x1d];
	[sflag:s14] =	ssyncadd.s32 $0xFFFFD800  }
0x69: {  	[hbm4b:s15+s1] =	stream.linear.scatter [tilespmem:s1], [sflag:$0xD], $0x2800, $0x38;
	[tilespmem:$0x1BB00] =	vst v63  }
0x6a: {  	_ =	swait.ge [sflag:s14], $0x2800  }
0x6b: {  	s13 =	sld [smem:$0x7FB]  }
0x6c: {  	[sflag:s14] =	ssyncset.done $0x0  }
0x6d: {  	[sflag:s14] =	ssyncadd.s32 $0xFFFFD800  }
0x6e: {  	[tilespmem:s1], [sflag:$0xD] =	stream.linear.gather [spmem:s13], $0x2800, $0x38;
	[tilespmem:$0x1BB00] =	vst v63  }
0x6f: {  	_ =	swait.ge [sflag:s14], $0x2800  }
0x70: {  	[sflag:s14] =	ssyncset.done $0x0  }
0x71: {  	s20 =	rddreg [dreg:$0x1f];
	[sflag:s14] =	ssyncadd.s32 $0xFFFFD800  }
0x72: {  	[hbm4b:s20+s1] =	stream.linear.scatter [tilespmem:s1], [sflag:$0xD], $0x2800, $0x38;
	[tilespmem:$0x1BB00] =	vst v63  }
0x73: {  	_ =	swait.ge [sflag:s14], $0x2800  }
0x74: {  	s15 =	sld [smem:$0x7FC]  }
0x75: {  	[sflag:s14] =	ssyncset.done $0x0  }
0x76: {  	[sflag:s14] =	ssyncadd.s32 $0xFFFFD800  }
0x77: {  	[tilespmem:s1], [sflag:$0xD] =	stream.linear.gather [spmem:s15], $0x2800, $0x38;
	[tilespmem:$0x1BB00] =	vst v63  }
0x78: {  	_ =	swait.ge [sflag:s14], $0x2800  }
0x79: {  	s21 =	sld [smem:$0x7F3]  }
0x7a: {  	[sflag:s14] =	ssyncset.done $0x0  }
0x7b: {  	[sflag:s14] =	ssyncadd.s32 $0xFFFFD800  }
0x7c: {  	[hbm4b:s21+s1] =	stream.linear.scatter [tilespmem:s1], [sflag:$0xD], $0x2800, $0x38;
	[tilespmem:$0x1BB00] =	vst v63  }
0x7d: {  	_ =	swait.ge [sflag:s14], $0x2800  }
0x7e: {  	s20 =	sld [smem:$0x7FD]  }
0x7f: {  	[sflag:s14] =	ssyncset.done $0x0  }
0x80: {  	[sflag:s14] =	ssyncadd.s32 $0xFFFFD800  }
0x81: {  	[tilespmem:s1], [sflag:$0xD] =	stream.linear.gather [spmem:s20], $0x2800, $0x38;
	[tilespmem:$0x1BB00] =	vst v63  }
0x82: {  	_ =	swait.ge [sflag:s14], $0x2800  }
0x83: {  	s26 =	sld [smem:$0x7F4]  }
0x84: {  	[sflag:s14] =	ssyncset.done $0x0  }
0x85: {  	[sflag:s14] =	ssyncadd.s32 $0xFFFFD800  }
0x86: {  	[hbm4b:s26+s1] =	stream.linear.scatter [tilespmem:s1], [sflag:$0xD], $0x2800, $0x38;
	[tilespmem:$0x1BB00] =	vst v63  }
0x87: {  	_ =	swait.ge [sflag:s14], $0x2800  }
0x88: {  	s3 =	sld [smem:$0x7F2];
	_ =	sdelay $0x2  }
0x89: {  	s30 =	rddreg [dreg:$0x1e];
	s3 =	sadd.s32 $0x1, s3  }
0x8a: {  	p0 =	sne.s32 s3, s30  }
.Ltmp1:
0x8b: {  	_ = 	snop;
	(pc) =	sbr.rel @!p0 .LBB2_5-.Ltmp1, $3  }
0x8c: {  	_ =	sdelay $0x1  }
0x8d: {  	[sflag:s14] =	ssyncset.done $0x0  }
0x8e: {  	s26 =	simm.s32 $0x7900;
	[sflag:s14] =	ssyncadd.s32 $0xFFFFD800  }
.LBB2_1:
0x8f: {  	[smem:$0x7F2] =	sst s3  }
0x90: {  	s2 =	rddreg [dreg:$0x17]  }
0x91: {  	[tilespmem:s1], [sflag:$0xD] =	stream.linear.gather [hbm4b:s2+s1], $0x2800, $0x38;
	[tilespmem:$0x1BB00] =	vst v63  }
0x92: {  	_ =	swait.ge [sflag:s14], $0x2800  }
0x93: {  	[sflag:s14] =	ssyncset.done $0x0  }
0x94: {  	[sflag:s14] =	ssyncadd.s32 $0xFFFFD800  }
0x95: {  	[spmem:s5] =	stream.linear.scatter [tilespmem:s1], [sflag:$0xD], $0x2800, $0x38;
	[tilespmem:$0x1BB00] =	vst v63  }
0x96: {  	_ =	swait.ge [sflag:s14], $0x2800  }
0x97: {  	[sflag:s14] =	ssyncset.done $0x0  }
0x98: {  	[sflag:s14] =	ssyncadd.s32 $0xFFFFD800  }
0x99: {  	[spmem:s9] =	stream.linear.scatter [tilespmem:s1], [sflag:$0xD], $0x2800, $0x38;
	[tilespmem:$0x1BB00] =	vst v63  }
0x9a: {  	_ =	swait.ge [sflag:s14], $0x2800  }
0x9b: {  	[sflag:s14] =	ssyncset.done $0x0  }
0x9c: {  	[sflag:s14] =	ssyncadd.s32 $0xFFFFD800  }
0x9d: {  	[spmem:s10] =	stream.linear.scatter [tilespmem:s1], [sflag:$0xD], $0x2800, $0x38;
	[tilespmem:$0x1BB00] =	vst v63  }
0x9e: {  	_ =	swait.ge [sflag:s14], $0x2800  }
0x9f: {  	[sflag:s14] =	ssyncset.done $0x0  }
0xa0: {  	[sflag:s14] =	ssyncadd.s32 $0xFFFFD800  }
0xa1: {  	[spmem:s11] =	stream.linear.scatter [tilespmem:s1], [sflag:$0xD], $0x2800, $0x38;
	[tilespmem:$0x1BB00] =	vst v63  }
0xa2: {  	_ =	swait.ge [sflag:s14], $0x2800  }
0xa3: {  	[sflag:s14] =	ssyncset.done $0x0  }
0xa4: {  	[sflag:s14] =	ssyncadd.s32 $0xFFFFD800  }
0xa5: {  	[spmem:s12] =	stream.linear.scatter [tilespmem:s1], [sflag:$0xD], $0x2800, $0x38;
	[tilespmem:$0x1BB00] =	vst v63  }
0xa6: {  	_ =	swait.ge [sflag:s14], $0x2800  }
0xa7: {  	[sflag:s14] =	ssyncset.done $0x0  }
0xa8: {  	[sflag:s14] =	ssyncadd.s32 $0xFFFFD800  }
0xa9: {  	[spmem:s13] =	stream.linear.scatter [tilespmem:s1], [sflag:$0xD], $0x2800, $0x38;
	[tilespmem:$0x1BB00] =	vst v63  }
0xaa: {  	_ =	swait.ge [sflag:s14], $0x2800  }
0xab: {  	[sflag:s14] =	ssyncset.done $0x0  }
0xac: {  	[sflag:s14] =	ssyncadd.s32 $0xFFFFD800  }
0xad: {  	[spmem:s15] =	stream.linear.scatter [tilespmem:s1], [sflag:$0xD], $0x2800, $0x38;
	[tilespmem:$0x1BB00] =	vst v63  }
0xae: {  	_ =	swait.ge [sflag:s14], $0x2800  }
0xaf: {  	[sflag:s14] =	ssyncset.done $0x0  }
0xb0: {  	[sflag:s14] =	ssyncadd.s32 $0xFFFFD800  }
0xb1: {  	[spmem:s20] =	stream.linear.scatter [tilespmem:s1], [sflag:$0xD], $0x2800, $0x38;
	[tilespmem:$0x1BB00] =	vst v63  }
0xb2: {  	_ =	swait.ge [sflag:s14], $0x2800  }
0xb3: {  	[sflag:s14] =	ssyncset.done $0x0  }
0xb4: {  	[sflag:s14] =	ssyncadd.s32 $0xFFFFD800  }
0xb5: {  	[bflag:$0x0] =	sbarrier.arrive $0xFFFF  }
0xb6: {  	s5 =	simm.s32 $0x7800;
	s13 =	rddreg [dreg:$0x3]  }
0xb7: {  	[tilespmem:s5], [sflag:$0x7] =	stream.linear.gather [hbm4b:s13+s1], $0x50, $0x38;
	[tilespmem:$0x1BB00] =	vst v63  }
0xb8: {  	_ =	swait.ge [sflag:s17], $0x50  }
0xb9: {  	[sflag:s17] =	ssyncset.done $0x0  }
0xba: {  	s15 =	rddreg [dreg:$0x4];
	[sflag:s17] =	ssyncadd.s32 $0xFFFFFFB0  }
0xbb: {  	[tilespmem:s1], [sflag:$0x1] =	stream.linear.gather [hbm4b:s15+s1], $0x2800, $0x38;
	[tilespmem:$0x1BB00] =	vst v63  }
0xbc: {  	_ =	swait.ge [sflag:s18], $0x2800  }
0xbd: {  	[sflag:s18] =	ssyncset.done $0x0  }
0xbe: {  	[sflag:s18] =	ssyncadd.s32 $0xFFFFD800  }
0xbf: {  	[spmem:s24] =	stream.indirect.scatter.add.f32 [tilespmem:s1], [sflag:$0xD], $0x80, s5, s19, $0xb8;
	[tilespmem:$0x1BB00] =	vst v63  }
0xc0: {  	_ =	swait.ge [sflag:s14], $0x2800  }
0xc1: {  	[sflag:s14] =	ssyncset.done $0x0  }
0xc2: {  	s9 =	simm.s32 $0x7880;
	s20 =	rddreg [dreg:$0x5];
	[sflag:s14] =	ssyncadd.s32 $0xFFFFD800  }
0xc3: {  	[tilespmem:s9], [sflag:$0x8] =	stream.linear.gather [hbm4b:s20+s1], $0x50, $0x38;
	[tilespmem:$0x1BB00] =	vst v63  }
0xc4: {  	_ =	swait.ge [sflag:s22], $0x50  }
0xc5: {  	[sflag:s22] =	ssyncset.done $0x0  }
0xc6: {  	s21 =	rddreg [dreg:$0x6];
	[sflag:s22] =	ssyncadd.s32 $0xFFFFFFB0  }
0xc7: {  	[tilespmem:s23], [sflag:$0x2] =	stream.linear.gather [hbm4b:s21+s1], $0x2800, $0x38;
	[tilespmem:$0x1BB00] =	vst v63  }
0xc8: {  	_ =	swait.ge [sflag:s25], $0x2800  }
0xc9: {  	[sflag:s25] =	ssyncset.done $0x0  }
0xca: {  	[sflag:s25] =	ssyncadd.s32 $0xFFFFD800  }
0xcb: {  	[spmem:s24] =	stream.indirect.scatter.add.f32 [tilespmem:s23], [sflag:$0xD], $0x80, s9, s19, $0xb8;
	[tilespmem:$0x1BB00] =	vst v63  }
0xcc: {  	_ =	swait.ge [sflag:s14], $0x2800  }
0xcd: {  	[sflag:s14] =	ssyncset.done $0x0  }
0xce: {  	s3 =	rddreg [dreg:$0x7];
	[sflag:s14] =	ssyncadd.s32 $0xFFFFD800  }
0xcf: {  	[tilespmem:s26], [sflag:$0x9] =	stream.linear.gather [hbm4b:s3+s1], $0x50, $0x38;
	[tilespmem:$0x1BB00] =	vst v63  }
0xd0: {  	_ =	swait.ge [sflag:s28], $0x50  }
0xd1: {  	[sflag:s28] =	ssyncset.done $0x0  }
0xd2: {  	s10 =	rddreg [dreg:$0x8];
	[sflag:s28] =	ssyncadd.s32 $0xFFFFFFB0  }
0xd3: {  	[tilespmem:s29], [sflag:$0x3] =	stream.linear.gather [hbm4b:s10+s1], $0x2800, $0x38;
	[tilespmem:$0x1BB00] =	vst v63  }
0xd4: {  	_ =	swait.ge [sflag:s31], $0x2800  }
0xd5: {  	[sflag:s31] =	ssyncset.done $0x0  }
0xd6: {  	[sflag:s31] =	ssyncadd.s32 $0xFFFFD800  }
0xd7: {  	[spmem:s24] =	stream.indirect.scatter.add.f32 [tilespmem:s29], [sflag:$0xD], $0x80, s26, s19, $0xb8;
	[tilespmem:$0x1BB00] =	vst v63  }
0xd8: {  	_ =	swait.ge [sflag:s14], $0x2800  }
0xd9: {  	[sflag:s14] =	ssyncset.done $0x0  }
0xda: {  	s12 =	simm.s32 $0x7980;
	s11 =	rddreg [dreg:$0x9];
	[sflag:s14] =	ssyncadd.s32 $0xFFFFD800  }
0xdb: {  	[tilespmem:s12], [sflag:$0xA] =	stream.linear.gather [hbm4b:s11+s1], $0x50, $0x38;
	[tilespmem:$0x1BB00] =	vst v63  }
0xdc: {  	_ =	swait.ge [sflag:s0], $0x50  }
0xdd: {  	[sflag:s0] =	ssyncset.done $0x0  }
0xde: {  	s13 =	rddreg [dreg:$0xa];
	[sflag:s0] =	ssyncadd.s32 $0xFFFFFFB0  }
0xdf: {  	[tilespmem:s1], [sflag:$0x1] =	stream.linear.gather [hbm4b:s13+s1], $0x2800, $0x38;
	[tilespmem:$0x1BB00] =	vst v63  }
0xe0: {  	_ =	swait.ge [sflag:s18], $0x2800  }
0xe1: {  	[sflag:s18] =	ssyncset.done $0x0  }
0xe2: {  	[sflag:s18] =	ssyncadd.s32 $0xFFFFD800  }
0xe3: {  	[spmem:s24] =	stream.indirect.scatter.add.f32 [tilespmem:s1], [sflag:$0xD], $0x80, s12, s19, $0xb8;
	[tilespmem:$0x1BB00] =	vst v63  }
0xe4: {  	_ =	swait.ge [sflag:s14], $0x2800  }
0xe5: {  	[sflag:s14] =	ssyncset.done $0x0  }
0xe6: {  	s20 =	simm.s32 $0x7A00;
	s15 =	rddreg [dreg:$0xb];
	[sflag:s14] =	ssyncadd.s32 $0xFFFFD800  }
0xe7: {  	[tilespmem:s20], [sflag:$0xB] =	stream.linear.gather [hbm4b:s15+s1], $0x50, $0x38;
	[tilespmem:$0x1BB00] =	vst v63  }
0xe8: {  	_ =	swait.ge [sflag:s4], $0x50  }
0xe9: {  	[sflag:s4] =	ssyncset.done $0x0  }
0xea: {  	s21 =	rddreg [dreg:$0xc];
	[sflag:s4] =	ssyncadd.s32 $0xFFFFFFB0  }
0xeb: {  	[tilespmem:s23], [sflag:$0x2] =	stream.linear.gather [hbm4b:s21+s1], $0x2800, $0x38;
	[tilespmem:$0x1BB00] =	vst v63  }
0xec: {  	_ =	swait.ge [sflag:s25], $0x2800  }
0xed: {  	[sflag:s25] =	ssyncset.done $0x0  }
0xee: {  	[sflag:s25] =	ssyncadd.s32 $0xFFFFD800  }
0xef: {  	[spmem:s24] =	stream.indirect.scatter.add.f32 [tilespmem:s23], [sflag:$0xD], $0x80, s20, s19, $0xb8;
	[tilespmem:$0x1BB00] =	vst v63  }
0xf0: {  	_ =	swait.ge [sflag:s14], $0x2800  }
0xf1: {  	[sflag:s14] =	ssyncset.done $0x0;
	s3 =	rddreg [dreg:$0xd]  }
0xf2: {  	s10 =	simm.s32 $0x7A80;
	s11 =	rddreg [dreg:$0xe];
	[sflag:s14] =	ssyncadd.s32 $0xFFFFD800  }
0xf3: {  	[tilespmem:s10], [sflag:$0xC] =	stream.linear.gather [hbm4b:s3+s1], $0x50, $0x38;
	[tilespmem:$0x1BB00] =	vst v63  }
0xf4: {  	s12 =	sld [smem:$0x7F5]  }
0xf5: {  	[tilespmem:s5], [sflag:$0x7] =	stream.linear.gather [hbm4b:s11+s1], $0x50, $0x38;
	[tilespmem:$0x1BB00] =	vst v63  }
0xf6: {  	s13 =	sld [smem:$0x7F6]  }
0xf7: {  	[tilespmem:s9], [sflag:$0x8] =	stream.linear.gather [hbm4b:s12+s1], $0x50, $0x38;
	[tilespmem:$0x1BB00] =	vst v63  }
0xf8: {  	s15 =	simm.s32 $0xC  }
0xf9: {  	[tilespmem:s26], [sflag:$0x9] =	stream.linear.gather [hbm4b:s13+s1], $0x50, $0x38;
	[tilespmem:$0x1BB00] =	vst v63  }
0xfa: {  	_ =	swait.ge [sflag:s15], $0x50  }
0xfb: {  	[sflag:s15] =	ssyncset.done $0x0  }
0xfc: {  	s20 =	rddreg [dreg:$0xf];
	[sflag:s15] =	ssyncadd.s32 $0xFFFFFFB0  }
0xfd: {  	[tilespmem:s29], [sflag:$0x3] =	stream.linear.gather [hbm4b:s20+s1], $0x2800, $0x38;
	[tilespmem:$0x1BB00] =	vst v63  }
0xfe: {  	_ =	swait.ge [sflag:s17], $0x50  }
0xff: {  	s21 =	rddreg [dreg:$0x10]  }
0x100: {  	s10 =	rddreg [dreg:$0x16]  }
0x101: {  	s11 =	rddreg [dreg:$0x15]  }
0x102: {  	s2 =	rddreg [dreg:$0x14]  }
0x103: {  	s12 =	rddreg [dreg:$0x13]  }
0x104: {  	[sflag:s17] =	ssyncset.done $0x0;
	s13 =	rddreg [dreg:$0x12]  }
0x105: {  	s9 =	simm.s32 $0x0;
	s30 =	rddreg [dreg:$0x11];
	[sflag:s17] =	ssyncadd.s32 $0xFFFFFFB0  }
0x106: {  	[tilespmem:s1], [sflag:$0x1] =	stream.linear.gather [hbm4b:s21+s1], $0x2800, $0x38;
	[tilespmem:$0x1BB00] =	vst v63  }
.LBB2_2:
0x107: {  	_ =	swait.ge [sflag:s31], $0x2800  }
0x108: {  	[sflag:s31] =	ssyncset.done $0x0  }
0x109: {  	s3 =	simm.s32 $0x7A80;
	p0 =	seq.s32 s9, $0x0;
	[sflag:s31] =	ssyncadd.s32 $0xFFFFD800  }
0x10a: {  	[spmem:s24] =	stream.indirect.scatter.add.f32 [tilespmem:s29], [sflag:$0x6], $0x80, s3, s19, $0xb8;
	[tilespmem:$0x1BB00] =	vst v63  }
0x10b: {  	s21 =	simm.s32 $0x7980;
	s5 =	simm.s32 @!p0 $0x5  }
0x10c: {  	[tilespmem:s21], [sflag:$0xA] =	stream.linear.gather [hbm4b:s10+s1], $0x50, $0x38;
	[tilespmem:$0x1BB00] =	vst v63  }
0x10d: {  	_ =	swait.ge @!p0 [sflag:s5], $0x2800  }
0x10e: {  	[sflag:s5] =	ssyncset.done @!p0 $0x0  }
0x10f: {  	[sflag:s5] =	ssyncadd.s32 @!p0 $0xFFFFD800  }
0x110: {  	_ =	swait.ge [sflag:s22], $0x50  }
0x111: {  	s5 =	sadd.s32 s9, s16;
	[sflag:s22] =	ssyncset.done $0x0  }
0x112: {  	s15 =	sadd.s32 $0x2300, s5;
	[sflag:s22] =	ssyncadd.s32 $0xFFFFFFB0  }
0x113: {  	[tilespmem:s23], [sflag:$0x2] =	stream.linear.gather [hbm4b:s15+s1], $0x2800, $0x38;
	[tilespmem:$0x1BB00] =	vst v63  }
0x114: {  	_ =	swait.ge [sflag:s18], $0x2800  }
0x115: {  	[sflag:s18] =	ssyncset.done $0x0  }
0x116: {  	s3 =	simm.s32 $0x7800;
	[sflag:s18] =	ssyncadd.s32 $0xFFFFD800  }
0x117: {  	[spmem:s24] =	stream.indirect.scatter.add.f32 [tilespmem:s1], [sflag:$0x4], $0x80, s3, s19, $0xb8;
	[tilespmem:$0x1BB00] =	vst v63  }
0x118: {  	s3 =	simm.s32 $0x7A00  }
0x119: {  	[tilespmem:s3], [sflag:$0xB] =	stream.linear.gather [hbm4b:s12+s1], $0x50, $0x38;
	[tilespmem:$0x1BB00] =	vst v63  }
0x11a: {  	_ =	swait.ge [sflag:s7], $0x2800  }
0x11b: {  	[sflag:s7] =	ssyncset.done $0x0  }
0x11c: {  	[sflag:s7] =	ssyncadd.s32 $0xFFFFD800  }
0x11d: {  	_ =	swait.ge [sflag:s28], $0x50  }
0x11e: {  	[sflag:s28] =	ssyncset.done $0x0  }
0x11f: {  	s20 =	sadd.s32 $0x2800, s5;
	[sflag:s28] =	ssyncadd.s32 $0xFFFFFFB0  }
0x120: {  	[tilespmem:s29], [sflag:$0x3] =	stream.linear.gather [hbm4b:s20+s1], $0x2800, $0x38;
	[tilespmem:$0x1BB00] =	vst v63  }
0x121: {  	_ =	swait.ge [sflag:s25], $0x2800  }
0x122: {  	[sflag:s25] =	ssyncset.done $0x0  }
0x123: {  	p0 =	seq.s32 s9, $0x23A00;
	s20 =	simm.s32 $0x7880;
	[sflag:s25] =	ssyncadd.s32 $0xFFFFD800  }
0x124: {  	[spmem:s24] =	stream.indirect.scatter.add.f32 [tilespmem:s23], [sflag:$0x5], $0x80, s20, s19, $0xb8;
	[tilespmem:$0x1BB00] =	vst v63  }
0x125: {  	s15 =	simm.s32 @!p0 $0x0;
	s20 =	simm.s32 @!p0 $0x7A80  }
0x126: {  	[tilespmem:s20], [sflag:$0xC] =	stream.linear.gather @!p0 [hbm4b:s13+s15], $0x50, $0x38;
	[tilespmem:$0x1BB00] =	vst v63  }
0x127: {  	_ =	swait.ge [sflag:s6], $0x2800  }
0x128: {  	[sflag:s6] =	ssyncset.done $0x0  }
0x129: {  	[sflag:s6] =	ssyncadd.s32 $0xFFFFD800  }
0x12a: {  	_ =	swait.ge [sflag:s0], $0x50  }
0x12b: {  	[sflag:s0] =	ssyncset.done $0x0  }
0x12c: {  	s20 =	sadd.s32 $0x2D00, s5;
	[sflag:s0] =	ssyncadd.s32 $0xFFFFFFB0  }
0x12d: {  	[tilespmem:s1], [sflag:$0x1] =	stream.linear.gather [hbm4b:s20+s1], $0x2800, $0x38;
	[tilespmem:$0x1BB00] =	vst v63  }
0x12e: {  	_ =	swait.ge [sflag:s31], $0x2800  }
0x12f: {  	[sflag:s31] =	ssyncset.done $0x0  }
0x130: {  	[sflag:s31] =	ssyncadd.s32 $0xFFFFD800  }
0x131: {  	[spmem:s24] =	stream.indirect.scatter.add.f32 [tilespmem:s29], [sflag:$0x6], $0x80, s26, s19, $0xb8;
	[tilespmem:$0x1BB00] =	vst v63  }
0x132: {  	s20 =	simm.s32 @!p0 $0x7800  }
0x133: {  	[tilespmem:s20], [sflag:$0x7] =	stream.linear.gather @!p0 [hbm4b:s30+s15], $0x50, $0x38;
	[tilespmem:$0x1BB00] =	vst v63  }
0x134: {  	_ =	swait.ge [sflag:s8], $0x2800  }
0x135: {  	[sflag:s8] =	ssyncset.done $0x0  }
0x136: {  	[sflag:s8] =	ssyncadd.s32 $0xFFFFD800  }
0x137: {  	_ =	swait.ge [sflag:s4], $0x50  }
0x138: {  	[sflag:s4] =	ssyncset.done $0x0  }
0x139: {  	s26 =	sadd.s32 $0x3200, s5;
	[sflag:s4] =	ssyncadd.s32 $0xFFFFFFB0  }
0x13a: {  	[tilespmem:s23], [sflag:$0x2] =	stream.linear.gather [hbm4b:s26+s1], $0x2800, $0x38;
	[tilespmem:$0x1BB00] =	vst v63  }
0x13b: {  	_ =	swait.ge [sflag:s18], $0x2800  }
0x13c: {  	[sflag:s18] =	ssyncset.done $0x0  }
0x13d: {  	p1 =	sne.s32 s9, $0x23A00;
	[sflag:s18] =	ssyncadd.s32 $0xFFFFD800  }
0x13e: {  	[spmem:s24] =	stream.indirect.scatter.add.f32 [tilespmem:s1], [sflag:$0x4], $0x80, s21, s19, $0xb8;
	[tilespmem:$0x1BB00] =	vst v63  }
0x13f: {  	s15 =	simm.s32 @p1 $0x0;
	s20 =	simm.s32 @p1 $0x7880  }
0x140: {  	[tilespmem:s20], [sflag:$0x8] =	stream.linear.gather @p1 [hbm4b:s2+s15], $0x50, $0x38;
	[tilespmem:$0x1BB00] =	vst v63  }
0x141: {  	s20 =	simm.s32 @p1 $0x6  }
0x142: {  	_ =	swait.ge @p1 [sflag:s20], $0x2800  }
0x143: {  	[sflag:s20] =	ssyncset.done @p1 $0x0  }
0x144: {  	[sflag:s20] =	ssyncadd.s32 @p1 $0xFFFFD800;
	s20 =	simm.s32 @p1 $0xC  }
0x145: {  	_ =	swait.ge @p1 [sflag:s20], $0x50  }
0x146: {  	s26 =	sadd.s32 @p1 s9, s16;
	[sflag:s20] =	ssyncset.done @p1 $0x0  }
0x147: {  	[sflag:s20] =	ssyncadd.s32 @p1 $0xFFFFFFB0;
	s20 =	sadd.s32 @p1 $0x3700, s26;
	s26 =	simm.s32 @p1 $0x5000  }
0x148: {  	[tilespmem:s26], [sflag:$0x3] =	stream.linear.gather @p1 [hbm4b:s20+s15], $0x2800, $0x38;
	[tilespmem:$0x1BB00] =	vst v63  }
0x149: {  	s15 =	simm.s32 @!p1 $0x6  }
0x14a: {  	_ =	swait.ge @!p1 [sflag:s15], $0x2800  }
0x14b: {  	[sflag:s15] =	ssyncset.done @!p1 $0x0  }
.Ltmp2:
0x14c: {  	[sflag:s15] =	ssyncadd.s32 @!p1 $0xFFFFD800;
	(pc) =	sbr.rel @p0 .LBB2_4-.Ltmp2, $4  }
0x14d: {  	_ =	swait.ge [sflag:s25], $0x2800  }
0x14e: {  	[sflag:s25] =	ssyncset.done $0x0  }
0x14f: {  	s21 =	simm.s32 $0x7900;
	[sflag:s25] =	ssyncadd.s32 $0xFFFFD800  }
0x150: {  	[spmem:s24] =	stream.indirect.scatter.add.f32 [tilespmem:s23], [sflag:$0x5], $0x80, s3, s19, $0xb8;
	[tilespmem:$0x1BB00] =	vst v63  }
0x151: {  	[tilespmem:s21], [sflag:$0x9] =	stream.linear.gather [hbm4b:s11+s1], $0x50, $0x38;
	[tilespmem:$0x1BB00] =	vst v63  }
0x152: {  	_ =	swait.ge [sflag:s6], $0x2800  }
0x153: {  	s5 =	sadd.s32 $0x3C00, s5;
	s9 =	sadd.s32 $0x1E00, s9;
	[sflag:s6] =	ssyncset.done $0x0  }
.Ltmp3:
0x154: {  	s30 =	sadd.s32 $0x3C, s30;
	[sflag:s6] =	ssyncadd.s32 $0xFFFFD800;
	(pc) =	sbr.rel .LBB2_2-.Ltmp3, $4  }
0x155: {  	s13 =	sadd.s32 $0x3C, s13;
	s12 =	sadd.s32 $0x3C, s12;
	_ =	swait.ge [sflag:s17], $0x50  }
0x156: {  	s2 =	sadd.s32 $0x3C, s2;
	s11 =	sadd.s32 $0x3C, s11;
	[sflag:s17] =	ssyncset.done $0x0  }
0x157: {  	s10 =	sadd.s32 $0x3C, s10;
	s26 =	simm.s32 $0x7900;
	[sflag:s17] =	ssyncadd.s32 $0xFFFFFFB0  }
0x158: {  	[tilespmem:s1], [sflag:$0x1] =	stream.linear.gather [hbm4b:s5+s1], $0x2800, $0x38;
	[tilespmem:$0x1BB00] =	vst v63  }
.LBB2_5:
0x159: {  	_ =	sfence.sel $0x180000  }
0x15a: {  	[bflag:$0x0] =	sbarrier.arrive $0xFFFF  }
0x15b: {  	_ =	strace $0x9000004A  }
0x15c: {  	s0 =	stileid.u32;
	[bflag:$0x2] =	sbarrier.arrive $0xFFFF  }
0x15d: {  	p0 =	sne.s32 s0, $0x0;
	s0 =	rddreg [dreg:$0x2]  }
0x15e: {  	s0 =	sadd.s32 @!p0 $0x100000, s0  }
0x15f: {  	[sflag:s0] =	ssyncadd.tile.s32 @!p0 $0x1;
	_ =	shalt  }
.Lfunc_end2:
_tile_overlayer_lowered:
.L_overlay_start_2:
0x160: {  	(tag) =	ssettag $0x2  }
0x161: {  	s0 =	rddreg [dreg:$0x0];
	s2 =	stileid.u32  }
0x162: {  	s1 =	rddreg [dreg:$0x1];
	p0 =	sne.s32 s2, $0x0  }
0x163: {  	s3 =	rddreg [dreg:$0x2];
	[bflag:$0x3] =	sbarrier.arrive $0xFFFF;
	s2 =	simm.s32 @!p0 $0x1C0D  }
0x164: {  	[timem:s3], [sflag:s2] =	dma.local @!p0 [hbm:s0], s1  }
0x165: {  	s0 =	simm.s32 @!p0 $0xD  }
0x166: {  	_ =	swait.ge @!p0 [sflag:s0], s1  }
0x167: {  	s1 =	ssub.s32 @!p0 $0x0, s1;
	[sflag:s0] =	ssyncset.done @!p0 $0x0  }
0x168: {  	[sflag:s0] =	ssyncadd.s32 @!p0 s1  }
0x169: {  	[bflag:$0x3] =	sbarrier.arrive $0xFFFF  }
0x16a: {  	_ =	shalt  }

</sc_bundles>
